<compile_context>
chip_gen: v7x
topology: tpu7x:2x2x1
jax: 0.10.2.dev20260603
libtpu: 0.0.44.dev20260713+nightly
codegen_flags: <defaults>
</compile_context>

<pallas_src>
import functools

import jax
import jax.numpy as jnp
from jax import lax
from jax.experimental import pallas as pl
from jax.experimental.pallas import tpu as pltpu
from jax.experimental.pallas import tpu_sc as plsc

_M = 16384
_K = 16384
_SC_ROWS = 1024
_NW = 32
_RPW = _SC_ROWS // _NW
_CR = 4
_BM = 128


def _mv_block(a_ref, x_ref, o_ref):
    i = pl.program_id(0)
    r = jax.lax.dot_general(
        a_ref[...], x_ref[...],
        dimension_numbers=(((1,), (1,)), ((), ())),
        preferred_element_type=jnp.float32,
    )
    o_ref[pl.ds(i, 1), :] = r.reshape(1, _BM)


def _tc_part(A, x2):
    m_tc = _M - _SC_ROWS
    off = _SC_ROWS // _BM
    nb = m_tc // _BM
    out = pl.pallas_call(
        _mv_block,
        grid=(nb,),
        in_specs=[
            pl.BlockSpec((_BM, _K), lambda i: (i + off, 0)),
            pl.BlockSpec((1, _K), lambda i: (0, 0)),
        ],
        out_specs=pl.BlockSpec((nb, _BM), lambda i: (0, 0)),
        out_shape=jax.ShapeDtypeStruct((nb, _BM), jnp.float32),
    )(A, x2)
    return out.reshape(m_tc)


_sc_mesh = plsc.VectorSubcoreMesh(core_axis_name="c", subcore_axis_name="s")


@functools.partial(
    pl.kernel,
    mesh=_sc_mesh,
    out_type=jax.ShapeDtypeStruct((_SC_ROWS,), jnp.float32),
    scratch_types=[
        pltpu.VMEM((_K,), jnp.float32),
        pltpu.VMEM((_CR, _K), jnp.float32),
        pltpu.VMEM((_RPW,), jnp.float32),
    ],
)
def _sc_mv(a_hbm, x_hbm, o_hbm, x_v, a_v, out_v):
    wid = lax.axis_index("s") * 2 + lax.axis_index("c")
    base = wid * _RPW
    pltpu.sync_copy(x_hbm, x_v)
    lane = lax.iota(jnp.int32, 16)

    for g in range(_RPW // 16):
        out16 = jnp.zeros((16,), jnp.float32)
        for cc in range(16 // _CR):
            pltpu.sync_copy(
                a_hbm.at[pl.ds(base + g * 16 + cc * _CR, _CR)], a_v
            )

            def inner(c, accs):
                xc = x_v[pl.ds(c * 16, 16)]
                return tuple(
                    accs[j] + a_v[j, pl.ds(c * 16, 16)] * xc
                    for j in range(_CR)
                )

            zeros = tuple(jnp.zeros((16,), jnp.float32) for _ in range(_CR))
            accs = lax.fori_loop(0, _K // 16, inner, zeros)
            for j in range(_CR):
                v = accs[j]
                s = v[0]
                for t in range(1, 16):
                    s = s + v[t]
                out16 = jnp.where(
                    lane == cc * _CR + j,
                    jnp.zeros((16,), jnp.float32) + s,
                    out16,
                )
        out_v[pl.ds(g * 16, 16)] = out16
    pltpu.sync_copy(out_v, o_hbm.at[pl.ds(base, _RPW)])


def kernel(A, x):
    x2 = x.reshape(1, _K)
    sc_out = _sc_mv(A, x)
    tc_out = _tc_part(A, x2)
    return jnp.concatenate([sc_out, tc_out])

# --- scband reference (transcript-rebuilt; emitter-appended) ---
"""Pipeline reference for scband-sp-mv-7997229105541 (READ-ONLY COPY).

The authoritative reference and input builder live on the scoring server;
editing this copy changes nothing except your own understanding.
"""

import jax, jax.numpy as jnp
import numpy as np


def setup_inputs(seed: int = 0) -> dict:
    key = jax.random.key(seed)
    kA, kx = jax.random.split(key)
    A = jax.random.normal(kA, (16384, 16384), dtype=jnp.float32)
    x = jax.random.normal(kx, (16384,), dtype=jnp.float32)
    return {"A": A, "x": x}


def reference(A, x):
    # torch.mv(A, x): matrix-vector product, A [m, n], x [n] -> [m]
    return jnp.matmul(A, x)

if __name__ == "__main__":
    import jax
    _d = setup_inputs()
    print(jax.jit(kernel)(*tuple(_d.values())))

</pallas_src>

<mosaic_0001>
#map = affine_map<(d0, d1) -> (0, 0)>
#map1 = affine_map<(d0, d1) -> (0)>
module attributes {stable_mosaic.version = 14 : i64} {
  func.func @_sc_mv(%arg0: i32, %arg1: i32, %arg2: memref<16384x16384xf32, #tpu.memory_space<hbm>>, %arg3: memref<16384xf32, #tpu.memory_space<hbm>>, %arg4: memref<1024xf32, #tpu.memory_space<hbm>>, %arg5: memref<16384xf32, #tpu.memory_space<vmem>>, %arg6: memref<4x16384xf32, #tpu.memory_space<vmem>>, %arg7: memref<32xf32, #tpu.memory_space<vmem>>) attributes {dimension_semantics = [#tpu.dimension_semantics<core_parallel>, #tpu.dimension_semantics<subcore_parallel>], iteration_bounds = array<i64: 2, 16>, scalar_prefetch = 0 : i64, scratch_operands = 3 : i64, tpu.core_type = #tpu.core_type<sc_vector_subcore>, window_params = [{transform_indices = #map}, {transform_indices = #map1}, {transform_indices = #map1}]} {
    %mul3A = arith.constant 2 : i32
    %mul3A_0 = arith.muli %arg1, %mul3A : i32
    %add3A = arith.addi %mul3A_0, %arg0 : i32
    %mul3A_1 = arith.constant 32 : i32
    %mul3A_2 = arith.muli %add3A, %mul3A_1 : i32
    "tpu.region"() ({
      %run_scoped3A = tpu.sem_alloc : memref<!tpu.dma_semaphore, #tpu.memory_space<semaphore_mem>>
      tpu.enqueue_dma source(%arg3 : memref<16384xf32, #tpu.memory_space<hbm>>) target(%arg5 : memref<16384xf32, #tpu.memory_space<vmem>>) target_semaphore(%run_scoped3A : memref<!tpu.dma_semaphore, #tpu.memory_space<semaphore_mem>>)
      tpu.wait_dma2 semaphore(%run_scoped3A : memref<!tpu.dma_semaphore, #tpu.memory_space<semaphore_mem>>) src(%arg3 : memref<16384xf32, #tpu.memory_space<hbm>>) dst(%arg5 : memref<16384xf32, #tpu.memory_space<vmem>>)
      tpu.yield
    }) : () -> ()
    %iota3A = tpu.iota {dimensions = array<i32: 0>} : vector<16xi32>
    %broadcast_in_dim3A = arith.constant 0.000000e+00 : f32
    %broadcast_in_dim3A_3 = vector.broadcast %broadcast_in_dim3A : f32 to vector<16xf32>
    %add3A_4 = arith.constant 0 : i32
    %add3A_5 = arith.addi %mul3A_2, %add3A_4 : i32
    %add3A_6 = arith.constant 0 : i32
    %add3A_7 = arith.addi %add3A_5, %add3A_6 : i32
    "tpu.region"() ({
      %run_scoped3A = tpu.sem_alloc : memref<!tpu.dma_semaphore, #tpu.memory_space<semaphore_mem>>
      %dma_start3A = arith.constant 0 : i32
      %dma_start3A_1912 = tpu.memref_slice %arg2[%add3A_7, %dma_start3A] : memref<16384x16384xf32, #tpu.memory_space<hbm>> -> memref<4x16384xf32, #tpu.memory_space<hbm>>
      %dma_start3A_1913 = arith.constant 0 : i32
      %dma_start3A_1914 = tpu.memref_slice %arg2[%add3A_7, %dma_start3A_1913] : memref<16384x16384xf32, #tpu.memory_space<hbm>> -> memref<4x16384xf32, #tpu.memory_space<hbm>>
      tpu.enqueue_dma source(%dma_start3A_1914 : memref<4x16384xf32, #tpu.memory_space<hbm>>) target(%arg6 : memref<4x16384xf32, #tpu.memory_space<vmem>>) target_semaphore(%run_scoped3A : memref<!tpu.dma_semaphore, #tpu.memory_space<semaphore_mem>>)
      %dma_wait3A = arith.constant 0 : i32
      %dma_wait3A_1915 = tpu.memref_slice %arg2[%add3A_7, %dma_wait3A] : memref<16384x16384xf32, #tpu.memory_space<hbm>> -> memref<4x16384xf32, #tpu.memory_space<hbm>>
      %dma_wait3A_1916 = arith.constant 0 : i32
      %dma_wait3A_1917 = tpu.memref_slice %arg2[%add3A_7, %dma_wait3A_1916] : memref<16384x16384xf32, #tpu.memory_space<hbm>> -> memref<4x16384xf32, #tpu.memory_space<hbm>>
      tpu.wait_dma2 semaphore(%run_scoped3A : memref<!tpu.dma_semaphore, #tpu.memory_space<semaphore_mem>>) src(%dma_wait3A_1917 : memref<4x16384xf32, #tpu.memory_space<hbm>>) dst(%arg6 : memref<4x16384xf32, #tpu.memory_space<vmem>>)
      tpu.yield
    }) : () -> ()
    %broadcast_in_dim3A_8 = arith.constant 0.000000e+00 : f32
    %broadcast_in_dim3A_9 = vector.broadcast %broadcast_in_dim3A_8 : f32 to vector<16xf32>
    %broadcast_in_dim3A_10 = arith.constant 0.000000e+00 : f32
    %broadcast_in_dim3A_11 = vector.broadcast %broadcast_in_dim3A_10 : f32 to vector<16xf32>
    %broadcast_in_dim3A_12 = arith.constant 0.000000e+00 : f32
    %broadcast_in_dim3A_13 = vector.broadcast %broadcast_in_dim3A_12 : f32 to vector<16xf32>
    %broadcast_in_dim3A_14 = arith.constant 0.000000e+00 : f32
    %broadcast_in_dim3A_15 = vector.broadcast %broadcast_in_dim3A_14 : f32 to vector<16xf32>
    %scan3A = arith.constant 0 : i32
    %scan3A_16 = arith.constant 1024 : i32
    %scan3A_17 = arith.addi %scan3A, %scan3A_16 : i32
    %scan3A_18 = arith.constant 1 : i32
    %scan3A_19:4 = scf.for %scan3A_1912 = %scan3A to %scan3A_17 step %scan3A_18 iter_args(%scan3A_1913 = %broadcast_in_dim3A_9, %scan3A_1914 = %broadcast_in_dim3A_11, %scan3A_1915 = %broadcast_in_dim3A_13, %scan3A_1916 = %broadcast_in_dim3A_15) -> (vector<16xf32>, vector<16xf32>, vector<16xf32>, vector<16xf32>)  : i32 {
      %mul3A_1917 = arith.constant 16 : i32
      %mul3A_1918 = arith.muli %scan3A_1912, %mul3A_1917 : i32
      %get3A = arith.index_cast %mul3A_1918 : i32 to index
      %get3A_1919 = tpu.vector_load %arg5[%get3A] {strides = array<i32>} : memref<16384xf32, #tpu.memory_space<vmem>>, vector<16xf32>,
      %get3A_1920 = vector.shape_cast %get3A_1919 : vector<16xf32> to vector<16xf32>
      %mul3A_1921 = arith.constant 16 : i32
      %mul3A_1922 = arith.muli %scan3A_1912, %mul3A_1921 : i32
      %get3A_1923 = arith.constant 0 : i32
      %get3A_1924 = arith.index_cast %get3A_1923 : i32 to index
      %get3A_1925 = arith.index_cast %mul3A_1922 : i32 to index
      %get3A_1926 = tpu.vector_load %arg6[%get3A_1924, %get3A_1925] {strides = array<i32>} : memref<4x16384xf32, #tpu.memory_space<vmem>>, vector<1x16xf32>,
      %get3A_1927 = vector.shape_cast %get3A_1926 : vector<1x16xf32> to vector<16xf32>
      %mul3A_1928 = arith.mulf %get3A_1927, %get3A_1920 : vector<16xf32>
      %add3A_1929 = arith.addf %scan3A_1913, %mul3A_1928 : vector<16xf32>
      %mul3A_1930 = arith.constant 16 : i32
      %mul3A_1931 = arith.muli %scan3A_1912, %mul3A_1930 : i32
      %get3A_1932 = arith.constant 1 : i32
      %get3A_1933 = arith.index_cast %get3A_1932 : i32 to index
      %get3A_1934 = arith.index_cast %mul3A_1931 : i32 to index
      %get3A_1935 = tpu.vector_load %arg6[%get3A_1933, %get3A_1934] {strides = array<i32>} : memref<4x16384xf32, #tpu.memory_space<vmem>>, vector<1x16xf32>,
      %get3A_1936 = vector.shape_cast %get3A_1935 : vector<1x16xf32> to vector<16xf32>
      %mul3A_1937 = arith.mulf %get3A_1936, %get3A_1920 : vector<16xf32>
      %add3A_1938 = arith.addf %scan3A_1914, %mul3A_1937 : vector<16xf32>
      %mul3A_1939 = arith.constant 16 : i32
      %mul3A_1940 = arith.muli %scan3A_1912, %mul3A_1939 : i32
      %get3A_1941 = arith.constant 2 : i32
      %get3A_1942 = arith.index_cast %get3A_1941 : i32 to index
      %get3A_1943 = arith.index_cast %mul3A_1940 : i32 to index
      %get3A_1944 = tpu.vector_load %arg6[%get3A_1942, %get3A_1943] {strides = array<i32>} : memref<4x16384xf32, #tpu.memory_space<vmem>>, vector<1x16xf32>,
      %get3A_1945 = vector.shape_cast %get3A_1944 : vector<1x16xf32> to vector<16xf32>
      %mul3A_1946 = arith.mulf %get3A_1945, %get3A_1920 : vector<16xf32>
      %add3A_1947 = arith.addf %scan3A_1915, %mul3A_1946 : vector<16xf32>
      %mul3A_1948 = arith.constant 16 : i32
      %mul3A_1949 = arith.muli %scan3A_1912, %mul3A_1948 : i32
      %get3A_1950 = arith.constant 3 : i32
      %get3A_1951 = arith.index_cast %get3A_1950 : i32 to index
      %get3A_1952 = arith.index_cast %mul3A_1949 : i32 to index
      %get3A_1953 = tpu.vector_load %arg6[%get3A_1951, %get3A_1952] {strides = array<i32>} : memref<4x16384xf32, #tpu.memory_space<vmem>>, vector<1x16xf32>,
      %get3A_1954 = vector.shape_cast %get3A_1953 : vector<1x16xf32> to vector<16xf32>
      %mul3A_1955 = arith.mulf %get3A_1954, %get3A_1920 : vector<16xf32>
      %add3A_1956 = arith.addf %scan3A_1916, %mul3A_1955 : vector<16xf32>
      scf.yield %add3A_1929, %add3A_1938, %add3A_1947, %add3A_1956 : vector<16xf32>, vector<16xf32>, vector<16xf32>, vector<16xf32>
    }
    %scan3A_20 = arith.constant 1024 : i32
    %slice3A = vector.extract_strided_slice %scan3A_19#0 {offsets = [0], sizes = [1], strides = [1]} : vector<16xf32> to vector<1xf32>
    %squeeze3A = vector.extract %slice3A[0] : f32 from vector<1xf32>
    %slice3A_21 = vector.extract_strided_slice %scan3A_19#0 {offsets = [1], sizes = [1], strides = [1]} : vector<16xf32> to vector<1xf32>
    %squeeze3A_22 = vector.extract %slice3A_21[0] : f32 from vector<1xf32>
    %add3A_23 = arith.addf %squeeze3A, %squeeze3A_22 : f32
    %slice3A_24 = vector.extract_strided_slice %scan3A_19#0 {offsets = [2], sizes = [1], strides = [1]} : vector<16xf32> to vector<1xf32>
    %squeeze3A_25 = vector.extract %slice3A_24[0] : f32 from vector<1xf32>
    %add3A_26 = arith.addf %add3A_23, %squeeze3A_25 : f32
    %slice3A_27 = vector.extract_strided_slice %scan3A_19#0 {offsets = [3], sizes = [1], strides = [1]} : vector<16xf32> to vector<1xf32>
    %squeeze3A_28 = vector.extract %slice3A_27[0] : f32 from vector<1xf32>
    %add3A_29 = arith.addf %add3A_26, %squeeze3A_28 : f32
    %slice3A_30 = vector.extract_strided_slice %scan3A_19#0 {offsets = [4], sizes = [1], strides = [1]} : vector<16xf32> to vector<1xf32>
    %squeeze3A_31 = vector.extract %slice3A_30[0] : f32 from vector<1xf32>
    %add3A_32 = arith.addf %add3A_29, %squeeze3A_31 : f32
    %slice3A_33 = vector.extract_strided_slice %scan3A_19#0 {offsets = [5], sizes = [1], strides = [1]} : vector<16xf32> to vector<1xf32>
    %squeeze3A_34 = vector.extract %slice3A_33[0] : f32 from vector<1xf32>
    %add3A_35 = arith.addf %add3A_32, %squeeze3A_34 : f32
    %slice3A_36 = vector.extract_strided_slice %scan3A_19#0 {offsets = [6], sizes = [1], strides = [1]} : vector<16xf32> to vector<1xf32>
    %squeeze3A_37 = vector.extract %slice3A_36[0] : f32 from vector<1xf32>
    %add3A_38 = arith.addf %add3A_35, %squeeze3A_37 : f32
    %slice3A_39 = vector.extract_strided_slice %scan3A_19#0 {offsets = [7], sizes = [1], strides = [1]} : vector<16xf32> to vector<1xf32>
    %squeeze3A_40 = vector.extract %slice3A_39[0] : f32 from vector<1xf32>
    %add3A_41 = arith.addf %add3A_38, %squeeze3A_40 : f32
    %slice3A_42 = vector.extract_strided_slice %scan3A_19#0 {offsets = [8], sizes = [1], strides = [1]} : vector<16xf32> to vector<1xf32>
    %squeeze3A_43 = vector.extract %slice3A_42[0] : f32 from vector<1xf32>
    %add3A_44 = arith.addf %add3A_41, %squeeze3A_43 : f32
    %slice3A_45 = vector.extract_strided_slice %scan3A_19#0 {offsets = [9], sizes = [1], strides = [1]} : vector<16xf32> to vector<1xf32>
    %squeeze3A_46 = vector.extract %slice3A_45[0] : f32 from vector<1xf32>
    %add3A_47 = arith.addf %add3A_44, %squeeze3A_46 : f32
    %slice3A_48 = vector.extract_strided_slice %scan3A_19#0 {offsets = [10], sizes = [1], strides = [1]} : vector<16xf32> to vector<1xf32>
    %squeeze3A_49 = vector.extract %slice3A_48[0] : f32 from vector<1xf32>
    %add3A_50 = arith.addf %add3A_47, %squeeze3A_49 : f32
    %slice3A_51 = vector.extract_strided_slice %scan3A_19#0 {offsets = [11], sizes = [1], strides = [1]} : vector<16xf32> to vector<1xf32>
    %squeeze3A_52 = vector.extract %slice3A_51[0] : f32 from vector<1xf32>
    %add3A_53 = arith.addf %add3A_50, %squeeze3A_52 : f32
    %slice3A_54 = vector.extract_strided_slice %scan3A_19#0 {offsets = [12], sizes = [1], strides = [1]} : vector<16xf32> to vector<1xf32>
    %squeeze3A_55 = vector.extract %slice3A_54[0] : f32 from vector<1xf32>
    %add3A_56 = arith.addf %add3A_53, %squeeze3A_55 : f32
    %slice3A_57 = vector.extract_strided_slice %scan3A_19#0 {offsets = [13], sizes = [1], strides = [1]} : vector<16xf32> to vector<1xf32>
    %squeeze3A_58 = vector.extract %slice3A_57[0] : f32 from vector<1xf32>
    %add3A_59 = arith.addf %add3A_56, %squeeze3A_58 : f32
    %slice3A_60 = vector.extract_strided_slice %scan3A_19#0 {offsets = [14], sizes = [1], strides = [1]} : vector<16xf32> to vector<1xf32>
    %squeeze3A_61 = vector.extract %slice3A_60[0] : f32 from vector<1xf32>
    %add3A_62 = arith.addf %add3A_59, %squeeze3A_61 : f32
    %slice3A_63 = vector.extract_strided_slice %scan3A_19#0 {offsets = [15], sizes = [1], strides = [1]} : vector<16xf32> to vector<1xf32>
    %squeeze3A_64 = vector.extract %slice3A_63[0] : f32 from vector<1xf32>
    %add3A_65 = arith.addf %add3A_62, %squeeze3A_64 : f32
    %eq3A = arith.constant 0 : i32
    %eq3A_66 = vector.broadcast %eq3A : i32 to vector<16xi32>
    %eq3A_67 = arith.cmpi eq, %iota3A, %eq3A_66 : vector<16xi32>
    %broadcast_in_dim3A_68 = arith.constant 0.000000e+00 : f32
    %broadcast_in_dim3A_69 = vector.broadcast %broadcast_in_dim3A_68 : f32 to vector<16xf32>
    %add3A_70 = vector.broadcast %add3A_65 : f32 to vector<16xf32>
    %add3A_71 = arith.addf %broadcast_in_dim3A_69, %add3A_70 : vector<16xf32>
    %select_n3A = arith.select %eq3A_67, %add3A_71, %broadcast_in_dim3A_3 : vector<16xi1>, vector<16xf32>
    %slice3A_72 = vector.extract_strided_slice %scan3A_19#1 {offsets = [0], sizes = [1], strides = [1]} : vector<16xf32> to vector<1xf32>
    %squeeze3A_73 = vector.extract %slice3A_72[0] : f32 from vector<1xf32>
    %slice3A_74 = vector.extract_strided_slice %scan3A_19#1 {offsets = [1], sizes = [1], strides = [1]} : vector<16xf32> to vector<1xf32>
    %squeeze3A_75 = vector.extract %slice3A_74[0] : f32 from vector<1xf32>
    %add3A_76 = arith.addf %squeeze3A_73, %squeeze3A_75 : f32
    %slice3A_77 = vector.extract_strided_slice %scan3A_19#1 {offsets = [2], sizes = [1], strides = [1]} : vector<16xf32> to vector<1xf32>
    %squeeze3A_78 = vector.extract %slice3A_77[0] : f32 from vector<1xf32>
    %add3A_79 = arith.addf %add3A_76, %squeeze3A_78 : f32
    %slice3A_80 = vector.extract_strided_slice %scan3A_19#1 {offsets = [3], sizes = [1], strides = [1]} : vector<16xf32> to vector<1xf32>
    %squeeze3A_81 = vector.extract %slice3A_80[0] : f32 from vector<1xf32>
    %add3A_82 = arith.addf %add3A_79, %squeeze3A_81 : f32
    %slice3A_83 = vector.extract_strided_slice %scan3A_19#1 {offsets = [4], sizes = [1], strides = [1]} : vector<16xf32> to vector<1xf32>
    %squeeze3A_84 = vector.extract %slice3A_83[0] : f32 from vector<1xf32>
    %add3A_85 = arith.addf %add3A_82, %squeeze3A_84 : f32
    %slice3A_86 = vector.extract_strided_slice %scan3A_19#1 {offsets = [5], sizes = [1], strides = [1]} : vector<16xf32> to vector<1xf32>
    %squeeze3A_87 = vector.extract %slice3A_86[0] : f32 from vector<1xf32>
    %add3A_88 = arith.addf %add3A_85, %squeeze3A_87 : f32
    %slice3A_89 = vector.extract_strided_slice %scan3A_19#1 {offsets = [6], sizes = [1], strides = [1]} : vector<16xf32> to vector<1xf32>
    %squeeze3A_90 = vector.extract %slice3A_89[0] : f32 from vector<1xf32>
    %add3A_91 = arith.addf %add3A_88, %squeeze3A_90 : f32
    %slice3A_92 = vector.extract_strided_slice %scan3A_19#1 {offsets = [7], sizes = [1], strides = [1]} : vector<16xf32> to vector<1xf32>
    %squeeze3A_93 = vector.extract %slice3A_92[0] : f32 from vector<1xf32>
    %add3A_94 = arith.addf %add3A_91, %squeeze3A_93 : f32
    %slice3A_95 = vector.extract_strided_slice %scan3A_19#1 {offsets = [8], sizes = [1], strides = [1]} : vector<16xf32> to vector<1xf32>
    %squeeze3A_96 = vector.extract %slice3A_95[0] : f32 from vector<1xf32>
    %add3A_97 = arith.addf %add3A_94, %squeeze3A_96 : f32
    %slice3A_98 = vector.extract_strided_slice %scan3A_19#1 {offsets = [9], sizes = [1], strides = [1]} : vector<16xf32> to vector<1xf32>
    %squeeze3A_99 = vector.extract %slice3A_98[0] : f32 from vector<1xf32>
    %add3A_100 = arith.addf %add3A_97, %squeeze3A_99 : f32
    %slice3A_101 = vector.extract_strided_slice %scan3A_19#1 {offsets = [10], sizes = [1], strides = [1]} : vector<16xf32> to vector<1xf32>
    %squeeze3A_102 = vector.extract %slice3A_101[0] : f32 from vector<1xf32>
    %add3A_103 = arith.addf %add3A_100, %squeeze3A_102 : f32
    %slice3A_104 = vector.extract_strided_slice %scan3A_19#1 {offsets = [11], sizes = [1], strides = [1]} : vector<16xf32> to vector<1xf32>
    %squeeze3A_105 = vector.extract %slice3A_104[0] : f32 from vector<1xf32>
    %add3A_106 = arith.addf %add3A_103, %squeeze3A_105 : f32
    %slice3A_107 = vector.extract_strided_slice %scan3A_19#1 {offsets = [12], sizes = [1], strides = [1]} : vector<16xf32> to vector<1xf32>
    %squeeze3A_108 = vector.extract %slice3A_107[0] : f32 from vector<1xf32>
    %add3A_109 = arith.addf %add3A_106, %squeeze3A_108 : f32
    %slice3A_110 = vector.extract_strided_slice %scan3A_19#1 {offsets = [13], sizes = [1], strides = [1]} : vector<16xf32> to vector<1xf32>
    %squeeze3A_111 = vector.extract %slice3A_110[0] : f32 from vector<1xf32>
    %add3A_112 = arith.addf %add3A_109, %squeeze3A_111 : f32
    %slice3A_113 = vector.extract_strided_slice %scan3A_19#1 {offsets = [14], sizes = [1], strides = [1]} : vector<16xf32> to vector<1xf32>
    %squeeze3A_114 = vector.extract %slice3A_113[0] : f32 from vector<1xf32>
    %add3A_115 = arith.addf %add3A_112, %squeeze3A_114 : f32
    %slice3A_116 = vector.extract_strided_slice %scan3A_19#1 {offsets = [15], sizes = [1], strides = [1]} : vector<16xf32> to vector<1xf32>
    %squeeze3A_117 = vector.extract %slice3A_116[0] : f32 from vector<1xf32>
    %add3A_118 = arith.addf %add3A_115, %squeeze3A_117 : f32
    %eq3A_119 = arith.constant 1 : i32
    %eq3A_120 = vector.broadcast %eq3A_119 : i32 to vector<16xi32>
    %eq3A_121 = arith.cmpi eq, %iota3A, %eq3A_120 : vector<16xi32>
    %broadcast_in_dim3A_122 = arith.constant 0.000000e+00 : f32
    %broadcast_in_dim3A_123 = vector.broadcast %broadcast_in_dim3A_122 : f32 to vector<16xf32>
    %add3A_124 = vector.broadcast %add3A_118 : f32 to vector<16xf32>
    %add3A_125 = arith.addf %broadcast_in_dim3A_123, %add3A_124 : vector<16xf32>
    %select_n3A_126 = arith.select %eq3A_121, %add3A_125, %select_n3A : vector<16xi1>, vector<16xf32>
    %slice3A_127 = vector.extract_strided_slice %scan3A_19#2 {offsets = [0], sizes = [1], strides = [1]} : vector<16xf32> to vector<1xf32>
    %squeeze3A_128 = vector.extract %slice3A_127[0] : f32 from vector<1xf32>
    %slice3A_129 = vector.extract_strided_slice %scan3A_19#2 {offsets = [1], sizes = [1], strides = [1]} : vector<16xf32> to vector<1xf32>
    %squeeze3A_130 = vector.extract %slice3A_129[0] : f32 from vector<1xf32>
    %add3A_131 = arith.addf %squeeze3A_128, %squeeze3A_130 : f32
    %slice3A_132 = vector.extract_strided_slice %scan3A_19#2 {offsets = [2], sizes = [1], strides = [1]} : vector<16xf32> to vector<1xf32>
    %squeeze3A_133 = vector.extract %slice3A_132[0] : f32 from vector<1xf32>
    %add3A_134 = arith.addf %add3A_131, %squeeze3A_133 : f32
    %slice3A_135 = vector.extract_strided_slice %scan3A_19#2 {offsets = [3], sizes = [1], strides = [1]} : vector<16xf32> to vector<1xf32>
    %squeeze3A_136 = vector.extract %slice3A_135[0] : f32 from vector<1xf32>
    %add3A_137 = arith.addf %add3A_134, %squeeze3A_136 : f32
    %slice3A_138 = vector.extract_strided_slice %scan3A_19#2 {offsets = [4], sizes = [1], strides = [1]} : vector<16xf32> to vector<1xf32>
    %squeeze3A_139 = vector.extract %slice3A_138[0] : f32 from vector<1xf32>
    %add3A_140 = arith.addf %add3A_137, %squeeze3A_139 : f32
    %slice3A_141 = vector.extract_strided_slice %scan3A_19#2 {offsets = [5], sizes = [1], strides = [1]} : vector<16xf32> to vector<1xf32>
    %squeeze3A_142 = vector.extract %slice3A_141[0] : f32 from vector<1xf32>
    %add3A_143 = arith.addf %add3A_140, %squeeze3A_142 : f32
    %slice3A_144 = vector.extract_strided_slice %scan3A_19#2 {offsets = [6], sizes = [1], strides = [1]} : vector<16xf32> to vector<1xf32>
    %squeeze3A_145 = vector.extract %slice3A_144[0] : f32 from vector<1xf32>
    %add3A_146 = arith.addf %add3A_143, %squeeze3A_145 : f32
    %slice3A_147 = vector.extract_strided_slice %scan3A_19#2 {offsets = [7], sizes = [1], strides = [1]} : vector<16xf32> to vector<1xf32>
    %squeeze3A_148 = vector.extract %slice3A_147[0] : f32 from vector<1xf32>
    %add3A_149 = arith.addf %add3A_146, %squeeze3A_148 : f32
    %slice3A_150 = vector.extract_strided_slice %scan3A_19#2 {offsets = [8], sizes = [1], strides = [1]} : vector<16xf32> to vector<1xf32>
    %squeeze3A_151 = vector.extract %slice3A_150[0] : f32 from vector<1xf32>
    %add3A_152 = arith.addf %add3A_149, %squeeze3A_151 : f32
    %slice3A_153 = vector.extract_strided_slice %scan3A_19#2 {offsets = [9], sizes = [1], strides = [1]} : vector<16xf32> to vector<1xf32>
    %squeeze3A_154 = vector.extract %slice3A_153[0] : f32 from vector<1xf32>
    %add3A_155 = arith.addf %add3A_152, %squeeze3A_154 : f32
    %slice3A_156 = vector.extract_strided_slice %scan3A_19#2 {offsets = [10], sizes = [1], strides = [1]} : vector<16xf32> to vector<1xf32>
    %squeeze3A_157 = vector.extract %slice3A_156[0] : f32 from vector<1xf32>
    %add3A_158 = arith.addf %add3A_155, %squeeze3A_157 : f32
    %slice3A_159 = vector.extract_strided_slice %scan3A_19#2 {offsets = [11], sizes = [1], strides = [1]} : vector<16xf32> to vector<1xf32>
    %squeeze3A_160 = vector.extract %slice3A_159[0] : f32 from vector<1xf32>
    %add3A_161 = arith.addf %add3A_158, %squeeze3A_160 : f32
    %slice3A_162 = vector.extract_strided_slice %scan3A_19#2 {offsets = [12], sizes = [1], strides = [1]} : vector<16xf32> to vector<1xf32>
    %squeeze3A_163 = vector.extract %slice3A_162[0] : f32 from vector<1xf32>
    %add3A_164 = arith.addf %add3A_161, %squeeze3A_163 : f32
    %slice3A_165 = vector.extract_strided_slice %scan3A_19#2 {offsets = [13], sizes = [1], strides = [1]} : vector<16xf32> to vector<1xf32>
    %squeeze3A_166 = vector.extract %slice3A_165[0] : f32 from vector<1xf32>
    %add3A_167 = arith.addf %add3A_164, %squeeze3A_166 : f32
    %slice3A_168 = vector.extract_strided_slice %scan3A_19#2 {offsets = [14], sizes = [1], strides = [1]} : vector<16xf32> to vector<1xf32>
    %squeeze3A_169 = vector.extract %slice3A_168[0] : f32 from vector<1xf32>
    %add3A_170 = arith.addf %add3A_167, %squeeze3A_169 : f32
    %slice3A_171 = vector.extract_strided_slice %scan3A_19#2 {offsets = [15], sizes = [1], strides = [1]} : vector<16xf32> to vector<1xf32>
    %squeeze3A_172 = vector.extract %slice3A_171[0] : f32 from vector<1xf32>
    %add3A_173 = arith.addf %add3A_170, %squeeze3A_172 : f32
    %eq3A_174 = arith.constant 2 : i32
    %eq3A_175 = vector.broadcast %eq3A_174 : i32 to vector<16xi32>
    %eq3A_176 = arith.cmpi eq, %iota3A, %eq3A_175 : vector<16xi32>
    %broadcast_in_dim3A_177 = arith.constant 0.000000e+00 : f32
    %broadcast_in_dim3A_178 = vector.broadcast %broadcast_in_dim3A_177 : f32 to vector<16xf32>
    %add3A_179 = vector.broadcast %add3A_173 : f32 to vector<16xf32>
    %add3A_180 = arith.addf %broadcast_in_dim3A_178, %add3A_179 : vector<16xf32>
    %select_n3A_181 = arith.select %eq3A_176, %add3A_180, %select_n3A_126 : vector<16xi1>, vector<16xf32>
    %slice3A_182 = vector.extract_strided_slice %scan3A_19#3 {offsets = [0], sizes = [1], strides = [1]} : vector<16xf32> to vector<1xf32>
    %squeeze3A_183 = vector.extract %slice3A_182[0] : f32 from vector<1xf32>
    %slice3A_184 = vector.extract_strided_slice %scan3A_19#3 {offsets = [1], sizes = [1], strides = [1]} : vector<16xf32> to vector<1xf32>
    %squeeze3A_185 = vector.extract %slice3A_184[0] : f32 from vector<1xf32>
    %add3A_186 = arith.addf %squeeze3A_183, %squeeze3A_185 : f32
    %slice3A_187 = vector.extract_strided_slice %scan3A_19#3 {offsets = [2], sizes = [1], strides = [1]} : vector<16xf32> to vector<1xf32>
    %squeeze3A_188 = vector.extract %slice3A_187[0] : f32 from vector<1xf32>
    %add3A_189 = arith.addf %add3A_186, %squeeze3A_188 : f32
    %slice3A_190 = vector.extract_strided_slice %scan3A_19#3 {offsets = [3], sizes = [1], strides = [1]} : vector<16xf32> to vector<1xf32>
    %squeeze3A_191 = vector.extract %slice3A_190[0] : f32 from vector<1xf32>
    %add3A_192 = arith.addf %add3A_189, %squeeze3A_191 : f32
    %slice3A_193 = vector.extract_strided_slice %scan3A_19#3 {offsets = [4], sizes = [1], strides = [1]} : vector<16xf32> to vector<1xf32>
    %squeeze3A_194 = vector.extract %slice3A_193[0] : f32 from vector<1xf32>
    %add3A_195 = arith.addf %add3A_192, %squeeze3A_194 : f32
    %slice3A_196 = vector.extract_strided_slice %scan3A_19#3 {offsets = [5], sizes = [1], strides = [1]} : vector<16xf32> to vector<1xf32>
    %squeeze3A_197 = vector.extract %slice3A_196[0] : f32 from vector<1xf32>
    %add3A_198 = arith.addf %add3A_195, %squeeze3A_197 : f32
    %slice3A_199 = vector.extract_strided_slice %scan3A_19#3 {offsets = [6], sizes = [1], strides = [1]} : vector<16xf32> to vector<1xf32>
    %squeeze3A_200 = vector.extract %slice3A_199[0] : f32 from vector<1xf32>
    %add3A_201 = arith.addf %add3A_198, %squeeze3A_200 : f32
    %slice3A_202 = vector.extract_strided_slice %scan3A_19#3 {offsets = [7], sizes = [1], strides = [1]} : vector<16xf32> to vector<1xf32>
    %squeeze3A_203 = vector.extract %slice3A_202[0] : f32 from vector<1xf32>
    %add3A_204 = arith.addf %add3A_201, %squeeze3A_203 : f32
    %slice3A_205 = vector.extract_strided_slice %scan3A_19#3 {offsets = [8], sizes = [1], strides = [1]} : vector<16xf32> to vector<1xf32>
    %squeeze3A_206 = vector.extract %slice3A_205[0] : f32 from vector<1xf32>
    %add3A_207 = arith.addf %add3A_204, %squeeze3A_206 : f32
    %slice3A_208 = vector.extract_strided_slice %scan3A_19#3 {offsets = [9], sizes = [1], strides = [1]} : vector<16xf32> to vector<1xf32>
    %squeeze3A_209 = vector.extract %slice3A_208[0] : f32 from vector<1xf32>
    %add3A_210 = arith.addf %add3A_207, %squeeze3A_209 : f32
    %slice3A_211 = vector.extract_strided_slice %scan3A_19#3 {offsets = [10], sizes = [1], strides = [1]} : vector<16xf32> to vector<1xf32>
    %squeeze3A_212 = vector.extract %slice3A_211[0] : f32 from vector<1xf32>
    %add3A_213 = arith.addf %add3A_210, %squeeze3A_212 : f32
    %slice3A_214 = vector.extract_strided_slice %scan3A_19#3 {offsets = [11], sizes = [1], strides = [1]} : vector<16xf32> to vector<1xf32>
    %squeeze3A_215 = vector.extract %slice3A_214[0] : f32 from vector<1xf32>
    %add3A_216 = arith.addf %add3A_213, %squeeze3A_215 : f32
    %slice3A_217 = vector.extract_strided_slice %scan3A_19#3 {offsets = [12], sizes = [1], strides = [1]} : vector<16xf32> to vector<1xf32>
    %squeeze3A_218 = vector.extract %slice3A_217[0] : f32 from vector<1xf32>
    %add3A_219 = arith.addf %add3A_216, %squeeze3A_218 : f32
    %slice3A_220 = vector.extract_strided_slice %scan3A_19#3 {offsets = [13], sizes = [1], strides = [1]} : vector<16xf32> to vector<1xf32>
    %squeeze3A_221 = vector.extract %slice3A_220[0] : f32 from vector<1xf32>
    %add3A_222 = arith.addf %add3A_219, %squeeze3A_221 : f32
    %slice3A_223 = vector.extract_strided_slice %scan3A_19#3 {offsets = [14], sizes = [1], strides = [1]} : vector<16xf32> to vector<1xf32>
    %squeeze3A_224 = vector.extract %slice3A_223[0] : f32 from vector<1xf32>
    %add3A_225 = arith.addf %add3A_222, %squeeze3A_224 : f32
    %slice3A_226 = vector.extract_strided_slice %scan3A_19#3 {offsets = [15], sizes = [1], strides = [1]} : vector<16xf32> to vector<1xf32>
    %squeeze3A_227 = vector.extract %slice3A_226[0] : f32 from vector<1xf32>
    %add3A_228 = arith.addf %add3A_225, %squeeze3A_227 : f32
    %eq3A_229 = arith.constant 3 : i32
    %eq3A_230 = vector.broadcast %eq3A_229 : i32 to vector<16xi32>
    %eq3A_231 = arith.cmpi eq, %iota3A, %eq3A_230 : vector<16xi32>
    %broadcast_in_dim3A_232 = arith.constant 0.000000e+00 : f32
    %broadcast_in_dim3A_233 = vector.broadcast %broadcast_in_dim3A_232 : f32 to vector<16xf32>
    %add3A_234 = vector.broadcast %add3A_228 : f32 to vector<16xf32>
    %add3A_235 = arith.addf %broadcast_in_dim3A_233, %add3A_234 : vector<16xf32>
    %select_n3A_236 = arith.select %eq3A_231, %add3A_235, %select_n3A_181 : vector<16xi1>, vector<16xf32>
    %add3A_237 = arith.constant 0 : i32
    %add3A_238 = arith.addi %mul3A_2, %add3A_237 : i32
    %add3A_239 = arith.constant 4 : i32
    %add3A_240 = arith.addi %add3A_238, %add3A_239 : i32
    "tpu.region"() ({
      %run_scoped3A = tpu.sem_alloc : memref<!tpu.dma_semaphore, #tpu.memory_space<semaphore_mem>>
      %dma_start3A = arith.constant 0 : i32
      %dma_start3A_1912 = tpu.memref_slice %arg2[%add3A_240, %dma_start3A] : memref<16384x16384xf32, #tpu.memory_space<hbm>> -> memref<4x16384xf32, #tpu.memory_space<hbm>>
      %dma_start3A_1913 = arith.constant 0 : i32
      %dma_start3A_1914 = tpu.memref_slice %arg2[%add3A_240, %dma_start3A_1913] : memref<16384x16384xf32, #tpu.memory_space<hbm>> -> memref<4x16384xf32, #tpu.memory_space<hbm>>
      tpu.enqueue_dma source(%dma_start3A_1914 : memref<4x16384xf32, #tpu.memory_space<hbm>>) target(%arg6 : memref<4x16384xf32, #tpu.memory_space<vmem>>) target_semaphore(%run_scoped3A : memref<!tpu.dma_semaphore, #tpu.memory_space<semaphore_mem>>)
      %dma_wait3A = arith.constant 0 : i32
      %dma_wait3A_1915 = tpu.memref_slice %arg2[%add3A_240, %dma_wait3A] : memref<16384x16384xf32, #tpu.memory_space<hbm>> -> memref<4x16384xf32, #tpu.memory_space<hbm>>
      %dma_wait3A_1916 = arith.constant 0 : i32
      %dma_wait3A_1917 = tpu.memref_slice %arg2[%add3A_240, %dma_wait3A_1916] : memref<16384x16384xf32, #tpu.memory_space<hbm>> -> memref<4x16384xf32, #tpu.memory_space<hbm>>
      tpu.wait_dma2 semaphore(%run_scoped3A : memref<!tpu.dma_semaphore, #tpu.memory_space<semaphore_mem>>) src(%dma_wait3A_1917 : memref<4x16384xf32, #tpu.memory_space<hbm>>) dst(%arg6 : memref<4x16384xf32, #tpu.memory_space<vmem>>)
      tpu.yield
    }) : () -> ()
    %broadcast_in_dim3A_241 = arith.constant 0.000000e+00 : f32
    %broadcast_in_dim3A_242 = vector.broadcast %broadcast_in_dim3A_241 : f32 to vector<16xf32>
    %broadcast_in_dim3A_243 = arith.constant 0.000000e+00 : f32
    %broadcast_in_dim3A_244 = vector.broadcast %broadcast_in_dim3A_243 : f32 to vector<16xf32>
    %broadcast_in_dim3A_245 = arith.constant 0.000000e+00 : f32
    %broadcast_in_dim3A_246 = vector.broadcast %broadcast_in_dim3A_245 : f32 to vector<16xf32>
    %broadcast_in_dim3A_247 = arith.constant 0.000000e+00 : f32
    %broadcast_in_dim3A_248 = vector.broadcast %broadcast_in_dim3A_247 : f32 to vector<16xf32>
    %scan3A_249 = arith.constant 0 : i32
    %scan3A_250 = arith.constant 1024 : i32
    %scan3A_251 = arith.addi %scan3A_249, %scan3A_250 : i32
    %scan3A_252 = arith.constant 1 : i32
    %scan3A_253:4 = scf.for %scan3A_1912 = %scan3A_249 to %scan3A_251 step %scan3A_252 iter_args(%scan3A_1913 = %broadcast_in_dim3A_242, %scan3A_1914 = %broadcast_in_dim3A_244, %scan3A_1915 = %broadcast_in_dim3A_246, %scan3A_1916 = %broadcast_in_dim3A_248) -> (vector<16xf32>, vector<16xf32>, vector<16xf32>, vector<16xf32>)  : i32 {
      %mul3A_1917 = arith.constant 16 : i32
      %mul3A_1918 = arith.muli %scan3A_1912, %mul3A_1917 : i32
      %get3A = arith.index_cast %mul3A_1918 : i32 to index
      %get3A_1919 = tpu.vector_load %arg5[%get3A] {strides = array<i32>} : memref<16384xf32, #tpu.memory_space<vmem>>, vector<16xf32>,
      %get3A_1920 = vector.shape_cast %get3A_1919 : vector<16xf32> to vector<16xf32>
      %mul3A_1921 = arith.constant 16 : i32
      %mul3A_1922 = arith.muli %scan3A_1912, %mul3A_1921 : i32
      %get3A_1923 = arith.constant 0 : i32
      %get3A_1924 = arith.index_cast %get3A_1923 : i32 to index
      %get3A_1925 = arith.index_cast %mul3A_1922 : i32 to index
      %get3A_1926 = tpu.vector_load %arg6[%get3A_1924, %get3A_1925] {strides = array<i32>} : memref<4x16384xf32, #tpu.memory_space<vmem>>, vector<1x16xf32>,
      %get3A_1927 = vector.shape_cast %get3A_1926 : vector<1x16xf32> to vector<16xf32>
      %mul3A_1928 = arith.mulf %get3A_1927, %get3A_1920 : vector<16xf32>
      %add3A_1929 = arith.addf %scan3A_1913, %mul3A_1928 : vector<16xf32>
      %mul3A_1930 = arith.constant 16 : i32
      %mul3A_1931 = arith.muli %scan3A_1912, %mul3A_1930 : i32
      %get3A_1932 = arith.constant 1 : i32
      %get3A_1933 = arith.index_cast %get3A_1932 : i32 to index
      %get3A_1934 = arith.index_cast %mul3A_1931 : i32 to index
      %get3A_1935 = tpu.vector_load %arg6[%get3A_1933, %get3A_1934] {strides = array<i32>} : memref<4x16384xf32, #tpu.memory_space<vmem>>, vector<1x16xf32>,
      %get3A_1936 = vector.shape_cast %get3A_1935 : vector<1x16xf32> to vector<16xf32>
      %mul3A_1937 = arith.mulf %get3A_1936, %get3A_1920 : vector<16xf32>
      %add3A_1938 = arith.addf %scan3A_1914, %mul3A_1937 : vector<16xf32>
      %mul3A_1939 = arith.constant 16 : i32
      %mul3A_1940 = arith.muli %scan3A_1912, %mul3A_1939 : i32
      %get3A_1941 = arith.constant 2 : i32
      %get3A_1942 = arith.index_cast %get3A_1941 : i32 to index
      %get3A_1943 = arith.index_cast %mul3A_1940 : i32 to index
      %get3A_1944 = tpu.vector_load %arg6[%get3A_1942, %get3A_1943] {strides = array<i32>} : memref<4x16384xf32, #tpu.memory_space<vmem>>, vector<1x16xf32>,
      %get3A_1945 = vector.shape_cast %get3A_1944 : vector<1x16xf32> to vector<16xf32>
      %mul3A_1946 = arith.mulf %get3A_1945, %get3A_1920 : vector<16xf32>
      %add3A_1947 = arith.addf %scan3A_1915, %mul3A_1946 : vector<16xf32>
      %mul3A_1948 = arith.constant 16 : i32
      %mul3A_1949 = arith.muli %scan3A_1912, %mul3A_1948 : i32
      %get3A_1950 = arith.constant 3 : i32
      %get3A_1951 = arith.index_cast %get3A_1950 : i32 to index
      %get3A_1952 = arith.index_cast %mul3A_1949 : i32 to index
      %get3A_1953 = tpu.vector_load %arg6[%get3A_1951, %get3A_1952] {strides = array<i32>} : memref<4x16384xf32, #tpu.memory_space<vmem>>, vector<1x16xf32>,
      %get3A_1954 = vector.shape_cast %get3A_1953 : vector<1x16xf32> to vector<16xf32>
      %mul3A_1955 = arith.mulf %get3A_1954, %get3A_1920 : vector<16xf32>
      %add3A_1956 = arith.addf %scan3A_1916, %mul3A_1955 : vector<16xf32>
      scf.yield %add3A_1929, %add3A_1938, %add3A_1947, %add3A_1956 : vector<16xf32>, vector<16xf32>, vector<16xf32>, vector<16xf32>
    }
    %scan3A_254 = arith.constant 1024 : i32
    %slice3A_255 = vector.extract_strided_slice %scan3A_253#0 {offsets = [0], sizes = [1], strides = [1]} : vector<16xf32> to vector<1xf32>
    %squeeze3A_256 = vector.extract %slice3A_255[0] : f32 from vector<1xf32>
    %slice3A_257 = vector.extract_strided_slice %scan3A_253#0 {offsets = [1], sizes = [1], strides = [1]} : vector<16xf32> to vector<1xf32>
    %squeeze3A_258 = vector.extract %slice3A_257[0] : f32 from vector<1xf32>
    %add3A_259 = arith.addf %squeeze3A_256, %squeeze3A_258 : f32
    %slice3A_260 = vector.extract_strided_slice %scan3A_253#0 {offsets = [2], sizes = [1], strides = [1]} : vector<16xf32> to vector<1xf32>
    %squeeze3A_261 = vector.extract %slice3A_260[0] : f32 from vector<1xf32>
    %add3A_262 = arith.addf %add3A_259, %squeeze3A_261 : f32
    %slice3A_263 = vector.extract_strided_slice %scan3A_253#0 {offsets = [3], sizes = [1], strides = [1]} : vector<16xf32> to vector<1xf32>
    %squeeze3A_264 = vector.extract %slice3A_263[0] : f32 from vector<1xf32>
    %add3A_265 = arith.addf %add3A_262, %squeeze3A_264 : f32
    %slice3A_266 = vector.extract_strided_slice %scan3A_253#0 {offsets = [4], sizes = [1], strides = [1]} : vector<16xf32> to vector<1xf32>
    %squeeze3A_267 = vector.extract %slice3A_266[0] : f32 from vector<1xf32>
    %add3A_268 = arith.addf %add3A_265, %squeeze3A_267 : f32
    %slice3A_269 = vector.extract_strided_slice %scan3A_253#0 {offsets = [5], sizes = [1], strides = [1]} : vector<16xf32> to vector<1xf32>
    %squeeze3A_270 = vector.extract %slice3A_269[0] : f32 from vector<1xf32>
    %add3A_271 = arith.addf %add3A_268, %squeeze3A_270 : f32
    %slice3A_272 = vector.extract_strided_slice %scan3A_253#0 {offsets = [6], sizes = [1], strides = [1]} : vector<16xf32> to vector<1xf32>
    %squeeze3A_273 = vector.extract %slice3A_272[0] : f32 from vector<1xf32>
    %add3A_274 = arith.addf %add3A_271, %squeeze3A_273 : f32
    %slice3A_275 = vector.extract_strided_slice %scan3A_253#0 {offsets = [7], sizes = [1], strides = [1]} : vector<16xf32> to vector<1xf32>
    %squeeze3A_276 = vector.extract %slice3A_275[0] : f32 from vector<1xf32>
    %add3A_277 = arith.addf %add3A_274, %squeeze3A_276 : f32
    %slice3A_278 = vector.extract_strided_slice %scan3A_253#0 {offsets = [8], sizes = [1], strides = [1]} : vector<16xf32> to vector<1xf32>
    %squeeze3A_279 = vector.extract %slice3A_278[0] : f32 from vector<1xf32>
    %add3A_280 = arith.addf %add3A_277, %squeeze3A_279 : f32
    %slice3A_281 = vector.extract_strided_slice %scan3A_253#0 {offsets = [9], sizes = [1], strides = [1]} : vector<16xf32> to vector<1xf32>
    %squeeze3A_282 = vector.extract %slice3A_281[0] : f32 from vector<1xf32>
    %add3A_283 = arith.addf %add3A_280, %squeeze3A_282 : f32
    %slice3A_284 = vector.extract_strided_slice %scan3A_253#0 {offsets = [10], sizes = [1], strides = [1]} : vector<16xf32> to vector<1xf32>
    %squeeze3A_285 = vector.extract %slice3A_284[0] : f32 from vector<1xf32>
    %add3A_286 = arith.addf %add3A_283, %squeeze3A_285 : f32
    %slice3A_287 = vector.extract_strided_slice %scan3A_253#0 {offsets = [11], sizes = [1], strides = [1]} : vector<16xf32> to vector<1xf32>
    %squeeze3A_288 = vector.extract %slice3A_287[0] : f32 from vector<1xf32>
    %add3A_289 = arith.addf %add3A_286, %squeeze3A_288 : f32
    %slice3A_290 = vector.extract_strided_slice %scan3A_253#0 {offsets = [12], sizes = [1], strides = [1]} : vector<16xf32> to vector<1xf32>
    %squeeze3A_291 = vector.extract %slice3A_290[0] : f32 from vector<1xf32>
    %add3A_292 = arith.addf %add3A_289, %squeeze3A_291 : f32
    %slice3A_293 = vector.extract_strided_slice %scan3A_253#0 {offsets = [13], sizes = [1], strides = [1]} : vector<16xf32> to vector<1xf32>
    %squeeze3A_294 = vector.extract %slice3A_293[0] : f32 from vector<1xf32>
    %add3A_295 = arith.addf %add3A_292, %squeeze3A_294 : f32
    %slice3A_296 = vector.extract_strided_slice %scan3A_253#0 {offsets = [14], sizes = [1], strides = [1]} : vector<16xf32> to vector<1xf32>
    %squeeze3A_297 = vector.extract %slice3A_296[0] : f32 from vector<1xf32>
    %add3A_298 = arith.addf %add3A_295, %squeeze3A_297 : f32
    %slice3A_299 = vector.extract_strided_slice %scan3A_253#0 {offsets = [15], sizes = [1], strides = [1]} : vector<16xf32> to vector<1xf32>
    %squeeze3A_300 = vector.extract %slice3A_299[0] : f32 from vector<1xf32>
    %add3A_301 = arith.addf %add3A_298, %squeeze3A_300 : f32
    %eq3A_302 = arith.constant 4 : i32
    %eq3A_303 = vector.broadcast %eq3A_302 : i32 to vector<16xi32>
    %eq3A_304 = arith.cmpi eq, %iota3A, %eq3A_303 : vector<16xi32>
    %broadcast_in_dim3A_305 = arith.constant 0.000000e+00 : f32
    %broadcast_in_dim3A_306 = vector.broadcast %broadcast_in_dim3A_305 : f32 to vector<16xf32>
    %add3A_307 = vector.broadcast %add3A_301 : f32 to vector<16xf32>
    %add3A_308 = arith.addf %broadcast_in_dim3A_306, %add3A_307 : vector<16xf32>
    %select_n3A_309 = arith.select %eq3A_304, %add3A_308, %select_n3A_236 : vector<16xi1>, vector<16xf32>
    %slice3A_310 = vector.extract_strided_slice %scan3A_253#1 {offsets = [0], sizes = [1], strides = [1]} : vector<16xf32> to vector<1xf32>
    %squeeze3A_311 = vector.extract %slice3A_310[0] : f32 from vector<1xf32>
    %slice3A_312 = vector.extract_strided_slice %scan3A_253#1 {offsets = [1], sizes = [1], strides = [1]} : vector<16xf32> to vector<1xf32>
    %squeeze3A_313 = vector.extract %slice3A_312[0] : f32 from vector<1xf32>
    %add3A_314 = arith.addf %squeeze3A_311, %squeeze3A_313 : f32
    %slice3A_315 = vector.extract_strided_slice %scan3A_253#1 {offsets = [2], sizes = [1], strides = [1]} : vector<16xf32> to vector<1xf32>
    %squeeze3A_316 = vector.extract %slice3A_315[0] : f32 from vector<1xf32>
    %add3A_317 = arith.addf %add3A_314, %squeeze3A_316 : f32
    %slice3A_318 = vector.extract_strided_slice %scan3A_253#1 {offsets = [3], sizes = [1], strides = [1]} : vector<16xf32> to vector<1xf32>
    %squeeze3A_319 = vector.extract %slice3A_318[0] : f32 from vector<1xf32>
    %add3A_320 = arith.addf %add3A_317, %squeeze3A_319 : f32
    %slice3A_321 = vector.extract_strided_slice %scan3A_253#1 {offsets = [4], sizes = [1], strides = [1]} : vector<16xf32> to vector<1xf32>
    %squeeze3A_322 = vector.extract %slice3A_321[0] : f32 from vector<1xf32>
    %add3A_323 = arith.addf %add3A_320, %squeeze3A_322 : f32
    %slice3A_324 = vector.extract_strided_slice %scan3A_253#1 {offsets = [5], sizes = [1], strides = [1]} : vector<16xf32> to vector<1xf32>
    %squeeze3A_325 = vector.extract %slice3A_324[0] : f32 from vector<1xf32>
    %add3A_326 = arith.addf %add3A_323, %squeeze3A_325 : f32
    %slice3A_327 = vector.extract_strided_slice %scan3A_253#1 {offsets = [6], sizes = [1], strides = [1]} : vector<16xf32> to vector<1xf32>
    %squeeze3A_328 = vector.extract %slice3A_327[0] : f32 from vector<1xf32>
    %add3A_329 = arith.addf %add3A_326, %squeeze3A_328 : f32
    %slice3A_330 = vector.extract_strided_slice %scan3A_253#1 {offsets = [7], sizes = [1], strides = [1]} : vector<16xf32> to vector<1xf32>
    %squeeze3A_331 = vector.extract %slice3A_330[0] : f32 from vector<1xf32>
    %add3A_332 = arith.addf %add3A_329, %squeeze3A_331 : f32
    %slice3A_333 = vector.extract_strided_slice %scan3A_253#1 {offsets = [8], sizes = [1], strides = [1]} : vector<16xf32> to vector<1xf32>
    %squeeze3A_334 = vector.extract %slice3A_333[0] : f32 from vector<1xf32>
    %add3A_335 = arith.addf %add3A_332, %squeeze3A_334 : f32
    %slice3A_336 = vector.extract_strided_slice %scan3A_253#1 {offsets = [9], sizes = [1], strides = [1]} : vector<16xf32> to vector<1xf32>
    %squeeze3A_337 = vector.extract %slice3A_336[0] : f32 from vector<1xf32>
    %add3A_338 = arith.addf %add3A_335, %squeeze3A_337 : f32
    %slice3A_339 = vector.extract_strided_slice %scan3A_253#1 {offsets = [10], sizes = [1], strides = [1]} : vector<16xf32> to vector<1xf32>
    %squeeze3A_340 = vector.extract %slice3A_339[0] : f32 from vector<1xf32>
    %add3A_341 = arith.addf %add3A_338, %squeeze3A_340 : f32
    %slice3A_342 = vector.extract_strided_slice %scan3A_253#1 {offsets = [11], sizes = [1], strides = [1]} : vector<16xf32> to vector<1xf32>
    %squeeze3A_343 = vector.extract %slice3A_342[0] : f32 from vector<1xf32>
    %add3A_344 = arith.addf %add3A_341, %squeeze3A_343 : f32
    %slice3A_345 = vector.extract_strided_slice %scan3A_253#1 {offsets = [12], sizes = [1], strides = [1]} : vector<16xf32> to vector<1xf32>
    %squeeze3A_346 = vector.extract %slice3A_345[0] : f32 from vector<1xf32>
    %add3A_347 = arith.addf %add3A_344, %squeeze3A_346 : f32
    %slice3A_348 = vector.extract_strided_slice %scan3A_253#1 {offsets = [13], sizes = [1], strides = [1]} : vector<16xf32> to vector<1xf32>
    %squeeze3A_349 = vector.extract %slice3A_348[0] : f32 from vector<1xf32>
    %add3A_350 = arith.addf %add3A_347, %squeeze3A_349 : f32
    %slice3A_351 = vector.extract_strided_slice %scan3A_253#1 {offsets = [14], sizes = [1], strides = [1]} : vector<16xf32> to vector<1xf32>
    %squeeze3A_352 = vector.extract %slice3A_351[0] : f32 from vector<1xf32>
    %add3A_353 = arith.addf %add3A_350, %squeeze3A_352 : f32
    %slice3A_354 = vector.extract_strided_slice %scan3A_253#1 {offsets = [15], sizes = [1], strides = [1]} : vector<16xf32> to vector<1xf32>
    %squeeze3A_355 = vector.extract %slice3A_354[0] : f32 from vector<1xf32>
    %add3A_356 = arith.addf %add3A_353, %squeeze3A_355 : f32
    %eq3A_357 = arith.constant 5 : i32
    %eq3A_358 = vector.broadcast %eq3A_357 : i32 to vector<16xi32>
    %eq3A_359 = arith.cmpi eq, %iota3A, %eq3A_358 : vector<16xi32>
    %broadcast_in_dim3A_360 = arith.constant 0.000000e+00 : f32
    %broadcast_in_dim3A_361 = vector.broadcast %broadcast_in_dim3A_360 : f32 to vector<16xf32>
    %add3A_362 = vector.broadcast %add3A_356 : f32 to vector<16xf32>
    %add3A_363 = arith.addf %broadcast_in_dim3A_361, %add3A_362 : vector<16xf32>
    %select_n3A_364 = arith.select %eq3A_359, %add3A_363, %select_n3A_309 : vector<16xi1>, vector<16xf32>
    %slice3A_365 = vector.extract_strided_slice %scan3A_253#2 {offsets = [0], sizes = [1], strides = [1]} : vector<16xf32> to vector<1xf32>
    %squeeze3A_366 = vector.extract %slice3A_365[0] : f32 from vector<1xf32>
    %slice3A_367 = vector.extract_strided_slice %scan3A_253#2 {offsets = [1], sizes = [1], strides = [1]} : vector<16xf32> to vector<1xf32>
    %squeeze3A_368 = vector.extract %slice3A_367[0] : f32 from vector<1xf32>
    %add3A_369 = arith.addf %squeeze3A_366, %squeeze3A_368 : f32
    %slice3A_370 = vector.extract_strided_slice %scan3A_253#2 {offsets = [2], sizes = [1], strides = [1]} : vector<16xf32> to vector<1xf32>
    %squeeze3A_371 = vector.extract %slice3A_370[0] : f32 from vector<1xf32>
    %add3A_372 = arith.addf %add3A_369, %squeeze3A_371 : f32
    %slice3A_373 = vector.extract_strided_slice %scan3A_253#2 {offsets = [3], sizes = [1], strides = [1]} : vector<16xf32> to vector<1xf32>
    %squeeze3A_374 = vector.extract %slice3A_373[0] : f32 from vector<1xf32>
    %add3A_375 = arith.addf %add3A_372, %squeeze3A_374 : f32
    %slice3A_376 = vector.extract_strided_slice %scan3A_253#2 {offsets = [4], sizes = [1], strides = [1]} : vector<16xf32> to vector<1xf32>
    %squeeze3A_377 = vector.extract %slice3A_376[0] : f32 from vector<1xf32>
    %add3A_378 = arith.addf %add3A_375, %squeeze3A_377 : f32
    %slice3A_379 = vector.extract_strided_slice %scan3A_253#2 {offsets = [5], sizes = [1], strides = [1]} : vector<16xf32> to vector<1xf32>
    %squeeze3A_380 = vector.extract %slice3A_379[0] : f32 from vector<1xf32>
    %add3A_381 = arith.addf %add3A_378, %squeeze3A_380 : f32
    %slice3A_382 = vector.extract_strided_slice %scan3A_253#2 {offsets = [6], sizes = [1], strides = [1]} : vector<16xf32> to vector<1xf32>
    %squeeze3A_383 = vector.extract %slice3A_382[0] : f32 from vector<1xf32>
    %add3A_384 = arith.addf %add3A_381, %squeeze3A_383 : f32
    %slice3A_385 = vector.extract_strided_slice %scan3A_253#2 {offsets = [7], sizes = [1], strides = [1]} : vector<16xf32> to vector<1xf32>
    %squeeze3A_386 = vector.extract %slice3A_385[0] : f32 from vector<1xf32>
    %add3A_387 = arith.addf %add3A_384, %squeeze3A_386 : f32
    %slice3A_388 = vector.extract_strided_slice %scan3A_253#2 {offsets = [8], sizes = [1], strides = [1]} : vector<16xf32> to vector<1xf32>
    %squeeze3A_389 = vector.extract %slice3A_388[0] : f32 from vector<1xf32>
    %add3A_390 = arith.addf %add3A_387, %squeeze3A_389 : f32
    %slice3A_391 = vector.extract_strided_slice %scan3A_253#2 {offsets = [9], sizes = [1], strides = [1]} : vector<16xf32> to vector<1xf32>
    %squeeze3A_392 = vector.extract %slice3A_391[0] : f32 from vector<1xf32>
    %add3A_393 = arith.addf %add3A_390, %squeeze3A_392 : f32
    %slice3A_394 = vector.extract_strided_slice %scan3A_253#2 {offsets = [10], sizes = [1], strides = [1]} : vector<16xf32> to vector<1xf32>
    %squeeze3A_395 = vector.extract %slice3A_394[0] : f32 from vector<1xf32>
    %add3A_396 = arith.addf %add3A_393, %squeeze3A_395 : f32
    %slice3A_397 = vector.extract_strided_slice %scan3A_253#2 {offsets = [11], sizes = [1], strides = [1]} : vector<16xf32> to vector<1xf32>
    %squeeze3A_398 = vector.extract %slice3A_397[0] : f32 from vector<1xf32>
    %add3A_399 = arith.addf %add3A_396, %squeeze3A_398 : f32
    %slice3A_400 = vector.extract_strided_slice %scan3A_253#2 {offsets = [12], sizes = [1], strides = [1]} : vector<16xf32> to vector<1xf32>
    %squeeze3A_401 = vector.extract %slice3A_400[0] : f32 from vector<1xf32>
    %add3A_402 = arith.addf %add3A_399, %squeeze3A_401 : f32
    %slice3A_403 = vector.extract_strided_slice %scan3A_253#2 {offsets = [13], sizes = [1], strides = [1]} : vector<16xf32> to vector<1xf32>
    %squeeze3A_404 = vector.extract %slice3A_403[0] : f32 from vector<1xf32>
    %add3A_405 = arith.addf %add3A_402, %squeeze3A_404 : f32
    %slice3A_406 = vector.extract_strided_slice %scan3A_253#2 {offsets = [14], sizes = [1], strides = [1]} : vector<16xf32> to vector<1xf32>
    %squeeze3A_407 = vector.extract %slice3A_406[0] : f32 from vector<1xf32>
    %add3A_408 = arith.addf %add3A_405, %squeeze3A_407 : f32
    %slice3A_409 = vector.extract_strided_slice %scan3A_253#2 {offsets = [15], sizes = [1], strides = [1]} : vector<16xf32> to vector<1xf32>
    %squeeze3A_410 = vector.extract %slice3A_409[0] : f32 from vector<1xf32>
    %add3A_411 = arith.addf %add3A_408, %squeeze3A_410 : f32
    %eq3A_412 = arith.constant 6 : i32
    %eq3A_413 = vector.broadcast %eq3A_412 : i32 to vector<16xi32>
    %eq3A_414 = arith.cmpi eq, %iota3A, %eq3A_413 : vector<16xi32>
    %broadcast_in_dim3A_415 = arith.constant 0.000000e+00 : f32
    %broadcast_in_dim3A_416 = vector.broadcast %broadcast_in_dim3A_415 : f32 to vector<16xf32>
    %add3A_417 = vector.broadcast %add3A_411 : f32 to vector<16xf32>
    %add3A_418 = arith.addf %broadcast_in_dim3A_416, %add3A_417 : vector<16xf32>
    %select_n3A_419 = arith.select %eq3A_414, %add3A_418, %select_n3A_364 : vector<16xi1>, vector<16xf32>
    %slice3A_420 = vector.extract_strided_slice %scan3A_253#3 {offsets = [0], sizes = [1], strides = [1]} : vector<16xf32> to vector<1xf32>
    %squeeze3A_421 = vector.extract %slice3A_420[0] : f32 from vector<1xf32>
    %slice3A_422 = vector.extract_strided_slice %scan3A_253#3 {offsets = [1], sizes = [1], strides = [1]} : vector<16xf32> to vector<1xf32>
    %squeeze3A_423 = vector.extract %slice3A_422[0] : f32 from vector<1xf32>
    %add3A_424 = arith.addf %squeeze3A_421, %squeeze3A_423 : f32
    %slice3A_425 = vector.extract_strided_slice %scan3A_253#3 {offsets = [2], sizes = [1], strides = [1]} : vector<16xf32> to vector<1xf32>
    %squeeze3A_426 = vector.extract %slice3A_425[0] : f32 from vector<1xf32>
    %add3A_427 = arith.addf %add3A_424, %squeeze3A_426 : f32
    %slice3A_428 = vector.extract_strided_slice %scan3A_253#3 {offsets = [3], sizes = [1], strides = [1]} : vector<16xf32> to vector<1xf32>
    %squeeze3A_429 = vector.extract %slice3A_428[0] : f32 from vector<1xf32>
    %add3A_430 = arith.addf %add3A_427, %squeeze3A_429 : f32
    %slice3A_431 = vector.extract_strided_slice %scan3A_253#3 {offsets = [4], sizes = [1], strides = [1]} : vector<16xf32> to vector<1xf32>
    %squeeze3A_432 = vector.extract %slice3A_431[0] : f32 from vector<1xf32>
    %add3A_433 = arith.addf %add3A_430, %squeeze3A_432 : f32
    %slice3A_434 = vector.extract_strided_slice %scan3A_253#3 {offsets = [5], sizes = [1], strides = [1]} : vector<16xf32> to vector<1xf32>
    %squeeze3A_435 = vector.extract %slice3A_434[0] : f32 from vector<1xf32>
    %add3A_436 = arith.addf %add3A_433, %squeeze3A_435 : f32
    %slice3A_437 = vector.extract_strided_slice %scan3A_253#3 {offsets = [6], sizes = [1], strides = [1]} : vector<16xf32> to vector<1xf32>
    %squeeze3A_438 = vector.extract %slice3A_437[0] : f32 from vector<1xf32>
    %add3A_439 = arith.addf %add3A_436, %squeeze3A_438 : f32
    %slice3A_440 = vector.extract_strided_slice %scan3A_253#3 {offsets = [7], sizes = [1], strides = [1]} : vector<16xf32> to vector<1xf32>
    %squeeze3A_441 = vector.extract %slice3A_440[0] : f32 from vector<1xf32>
    %add3A_442 = arith.addf %add3A_439, %squeeze3A_441 : f32
    %slice3A_443 = vector.extract_strided_slice %scan3A_253#3 {offsets = [8], sizes = [1], strides = [1]} : vector<16xf32> to vector<1xf32>
    %squeeze3A_444 = vector.extract %slice3A_443[0] : f32 from vector<1xf32>
    %add3A_445 = arith.addf %add3A_442, %squeeze3A_444 : f32
    %slice3A_446 = vector.extract_strided_slice %scan3A_253#3 {offsets = [9], sizes = [1], strides = [1]} : vector<16xf32> to vector<1xf32>
    %squeeze3A_447 = vector.extract %slice3A_446[0] : f32 from vector<1xf32>
    %add3A_448 = arith.addf %add3A_445, %squeeze3A_447 : f32
    %slice3A_449 = vector.extract_strided_slice %scan3A_253#3 {offsets = [10], sizes = [1], strides = [1]} : vector<16xf32> to vector<1xf32>
    %squeeze3A_450 = vector.extract %slice3A_449[0] : f32 from vector<1xf32>
    %add3A_451 = arith.addf %add3A_448, %squeeze3A_450 : f32
    %slice3A_452 = vector.extract_strided_slice %scan3A_253#3 {offsets = [11], sizes = [1], strides = [1]} : vector<16xf32> to vector<1xf32>
    %squeeze3A_453 = vector.extract %slice3A_452[0] : f32 from vector<1xf32>
    %add3A_454 = arith.addf %add3A_451, %squeeze3A_453 : f32
    %slice3A_455 = vector.extract_strided_slice %scan3A_253#3 {offsets = [12], sizes = [1], strides = [1]} : vector<16xf32> to vector<1xf32>
    %squeeze3A_456 = vector.extract %slice3A_455[0] : f32 from vector<1xf32>
    %add3A_457 = arith.addf %add3A_454, %squeeze3A_456 : f32
    %slice3A_458 = vector.extract_strided_slice %scan3A_253#3 {offsets = [13], sizes = [1], strides = [1]} : vector<16xf32> to vector<1xf32>
    %squeeze3A_459 = vector.extract %slice3A_458[0] : f32 from vector<1xf32>
    %add3A_460 = arith.addf %add3A_457, %squeeze3A_459 : f32
    %slice3A_461 = vector.extract_strided_slice %scan3A_253#3 {offsets = [14], sizes = [1], strides = [1]} : vector<16xf32> to vector<1xf32>
    %squeeze3A_462 = vector.extract %slice3A_461[0] : f32 from vector<1xf32>
    %add3A_463 = arith.addf %add3A_460, %squeeze3A_462 : f32
    %slice3A_464 = vector.extract_strided_slice %scan3A_253#3 {offsets = [15], sizes = [1], strides = [1]} : vector<16xf32> to vector<1xf32>
    %squeeze3A_465 = vector.extract %slice3A_464[0] : f32 from vector<1xf32>
    %add3A_466 = arith.addf %add3A_463, %squeeze3A_465 : f32
    %eq3A_467 = arith.constant 7 : i32
    %eq3A_468 = vector.broadcast %eq3A_467 : i32 to vector<16xi32>
    %eq3A_469 = arith.cmpi eq, %iota3A, %eq3A_468 : vector<16xi32>
    %broadcast_in_dim3A_470 = arith.constant 0.000000e+00 : f32
    %broadcast_in_dim3A_471 = vector.broadcast %broadcast_in_dim3A_470 : f32 to vector<16xf32>
    %add3A_472 = vector.broadcast %add3A_466 : f32 to vector<16xf32>
    %add3A_473 = arith.addf %broadcast_in_dim3A_471, %add3A_472 : vector<16xf32>
    %select_n3A_474 = arith.select %eq3A_469, %add3A_473, %select_n3A_419 : vector<16xi1>, vector<16xf32>
    %add3A_475 = arith.constant 0 : i32
    %add3A_476 = arith.addi %mul3A_2, %add3A_475 : i32
    %add3A_477 = arith.constant 8 : i32
    %add3A_478 = arith.addi %add3A_476, %add3A_477 : i32
    "tpu.region"() ({
      %run_scoped3A = tpu.sem_alloc : memref<!tpu.dma_semaphore, #tpu.memory_space<semaphore_mem>>
      %dma_start3A = arith.constant 0 : i32
      %dma_start3A_1912 = tpu.memref_slice %arg2[%add3A_478, %dma_start3A] : memref<16384x16384xf32, #tpu.memory_space<hbm>> -> memref<4x16384xf32, #tpu.memory_space<hbm>>
      %dma_start3A_1913 = arith.constant 0 : i32
      %dma_start3A_1914 = tpu.memref_slice %arg2[%add3A_478, %dma_start3A_1913] : memref<16384x16384xf32, #tpu.memory_space<hbm>> -> memref<4x16384xf32, #tpu.memory_space<hbm>>
      tpu.enqueue_dma source(%dma_start3A_1914 : memref<4x16384xf32, #tpu.memory_space<hbm>>) target(%arg6 : memref<4x16384xf32, #tpu.memory_space<vmem>>) target_semaphore(%run_scoped3A : memref<!tpu.dma_semaphore, #tpu.memory_space<semaphore_mem>>)
      %dma_wait3A = arith.constant 0 : i32
      %dma_wait3A_1915 = tpu.memref_slice %arg2[%add3A_478, %dma_wait3A] : memref<16384x16384xf32, #tpu.memory_space<hbm>> -> memref<4x16384xf32, #tpu.memory_space<hbm>>
      %dma_wait3A_1916 = arith.constant 0 : i32
      %dma_wait3A_1917 = tpu.memref_slice %arg2[%add3A_478, %dma_wait3A_1916] : memref<16384x16384xf32, #tpu.memory_space<hbm>> -> memref<4x16384xf32, #tpu.memory_space<hbm>>
      tpu.wait_dma2 semaphore(%run_scoped3A : memref<!tpu.dma_semaphore, #tpu.memory_space<semaphore_mem>>) src(%dma_wait3A_1917 : memref<4x16384xf32, #tpu.memory_space<hbm>>) dst(%arg6 : memref<4x16384xf32, #tpu.memory_space<vmem>>)
      tpu.yield
    }) : () -> ()
    %broadcast_in_dim3A_479 = arith.constant 0.000000e+00 : f32
    %broadcast_in_dim3A_480 = vector.broadcast %broadcast_in_dim3A_479 : f32 to vector<16xf32>
    %broadcast_in_dim3A_481 = arith.constant 0.000000e+00 : f32
    %broadcast_in_dim3A_482 = vector.broadcast %broadcast_in_dim3A_481 : f32 to vector<16xf32>
    %broadcast_in_dim3A_483 = arith.constant 0.000000e+00 : f32
    %broadcast_in_dim3A_484 = vector.broadcast %broadcast_in_dim3A_483 : f32 to vector<16xf32>
    %broadcast_in_dim3A_485 = arith.constant 0.000000e+00 : f32
    %broadcast_in_dim3A_486 = vector.broadcast %broadcast_in_dim3A_485 : f32 to vector<16xf32>
    %scan3A_487 = arith.constant 0 : i32
    %scan3A_488 = arith.constant 1024 : i32
    %scan3A_489 = arith.addi %scan3A_487, %scan3A_488 : i32
    %scan3A_490 = arith.constant 1 : i32
    %scan3A_491:4 = scf.for %scan3A_1912 = %scan3A_487 to %scan3A_489 step %scan3A_490 iter_args(%scan3A_1913 = %broadcast_in_dim3A_480, %scan3A_1914 = %broadcast_in_dim3A_482, %scan3A_1915 = %broadcast_in_dim3A_484, %scan3A_1916 = %broadcast_in_dim3A_486) -> (vector<16xf32>, vector<16xf32>, vector<16xf32>, vector<16xf32>)  : i32 {
      %mul3A_1917 = arith.constant 16 : i32
      %mul3A_1918 = arith.muli %scan3A_1912, %mul3A_1917 : i32
      %get3A = arith.index_cast %mul3A_1918 : i32 to index
      %get3A_1919 = tpu.vector_load %arg5[%get3A] {strides = array<i32>} : memref<16384xf32, #tpu.memory_space<vmem>>, vector<16xf32>,
      %get3A_1920 = vector.shape_cast %get3A_1919 : vector<16xf32> to vector<16xf32>
      %mul3A_1921 = arith.constant 16 : i32
      %mul3A_1922 = arith.muli %scan3A_1912, %mul3A_1921 : i32
      %get3A_1923 = arith.constant 0 : i32
      %get3A_1924 = arith.index_cast %get3A_1923 : i32 to index
      %get3A_1925 = arith.index_cast %mul3A_1922 : i32 to index
      %get3A_1926 = tpu.vector_load %arg6[%get3A_1924, %get3A_1925] {strides = array<i32>} : memref<4x16384xf32, #tpu.memory_space<vmem>>, vector<1x16xf32>,
      %get3A_1927 = vector.shape_cast %get3A_1926 : vector<1x16xf32> to vector<16xf32>
      %mul3A_1928 = arith.mulf %get3A_1927, %get3A_1920 : vector<16xf32>
      %add3A_1929 = arith.addf %scan3A_1913, %mul3A_1928 : vector<16xf32>
      %mul3A_1930 = arith.constant 16 : i32
      %mul3A_1931 = arith.muli %scan3A_1912, %mul3A_1930 : i32
      %get3A_1932 = arith.constant 1 : i32
      %get3A_1933 = arith.index_cast %get3A_1932 : i32 to index
      %get3A_1934 = arith.index_cast %mul3A_1931 : i32 to index
      %get3A_1935 = tpu.vector_load %arg6[%get3A_1933, %get3A_1934] {strides = array<i32>} : memref<4x16384xf32, #tpu.memory_space<vmem>>, vector<1x16xf32>,
      %get3A_1936 = vector.shape_cast %get3A_1935 : vector<1x16xf32> to vector<16xf32>
      %mul3A_1937 = arith.mulf %get3A_1936, %get3A_1920 : vector<16xf32>
      %add3A_1938 = arith.addf %scan3A_1914, %mul3A_1937 : vector<16xf32>
      %mul3A_1939 = arith.constant 16 : i32
      %mul3A_1940 = arith.muli %scan3A_1912, %mul3A_1939 : i32
      %get3A_1941 = arith.constant 2 : i32
      %get3A_1942 = arith.index_cast %get3A_1941 : i32 to index
      %get3A_1943 = arith.index_cast %mul3A_1940 : i32 to index
      %get3A_1944 = tpu.vector_load %arg6[%get3A_1942, %get3A_1943] {strides = array<i32>} : memref<4x16384xf32, #tpu.memory_space<vmem>>, vector<1x16xf32>,
      %get3A_1945 = vector.shape_cast %get3A_1944 : vector<1x16xf32> to vector<16xf32>
      %mul3A_1946 = arith.mulf %get3A_1945, %get3A_1920 : vector<16xf32>
      %add3A_1947 = arith.addf %scan3A_1915, %mul3A_1946 : vector<16xf32>
      %mul3A_1948 = arith.constant 16 : i32
      %mul3A_1949 = arith.muli %scan3A_1912, %mul3A_1948 : i32
      %get3A_1950 = arith.constant 3 : i32
      %get3A_1951 = arith.index_cast %get3A_1950 : i32 to index
      %get3A_1952 = arith.index_cast %mul3A_1949 : i32 to index
      %get3A_1953 = tpu.vector_load %arg6[%get3A_1951, %get3A_1952] {strides = array<i32>} : memref<4x16384xf32, #tpu.memory_space<vmem>>, vector<1x16xf32>,
      %get3A_1954 = vector.shape_cast %get3A_1953 : vector<1x16xf32> to vector<16xf32>
      %mul3A_1955 = arith.mulf %get3A_1954, %get3A_1920 : vector<16xf32>
      %add3A_1956 = arith.addf %scan3A_1916, %mul3A_1955 : vector<16xf32>
      scf.yield %add3A_1929, %add3A_1938, %add3A_1947, %add3A_1956 : vector<16xf32>, vector<16xf32>, vector<16xf32>, vector<16xf32>
    }
    %scan3A_492 = arith.constant 1024 : i32
    %slice3A_493 = vector.extract_strided_slice %scan3A_491#0 {offsets = [0], sizes = [1], strides = [1]} : vector<16xf32> to vector<1xf32>
    %squeeze3A_494 = vector.extract %slice3A_493[0] : f32 from vector<1xf32>
    %slice3A_495 = vector.extract_strided_slice %scan3A_491#0 {offsets = [1], sizes = [1], strides = [1]} : vector<16xf32> to vector<1xf32>
    %squeeze3A_496 = vector.extract %slice3A_495[0] : f32 from vector<1xf32>
    %add3A_497 = arith.addf %squeeze3A_494, %squeeze3A_496 : f32
    %slice3A_498 = vector.extract_strided_slice %scan3A_491#0 {offsets = [2], sizes = [1], strides = [1]} : vector<16xf32> to vector<1xf32>
    %squeeze3A_499 = vector.extract %slice3A_498[0] : f32 from vector<1xf32>
    %add3A_500 = arith.addf %add3A_497, %squeeze3A_499 : f32
    %slice3A_501 = vector.extract_strided_slice %scan3A_491#0 {offsets = [3], sizes = [1], strides = [1]} : vector<16xf32> to vector<1xf32>
    %squeeze3A_502 = vector.extract %slice3A_501[0] : f32 from vector<1xf32>
    %add3A_503 = arith.addf %add3A_500, %squeeze3A_502 : f32
    %slice3A_504 = vector.extract_strided_slice %scan3A_491#0 {offsets = [4], sizes = [1], strides = [1]} : vector<16xf32> to vector<1xf32>
    %squeeze3A_505 = vector.extract %slice3A_504[0] : f32 from vector<1xf32>
    %add3A_506 = arith.addf %add3A_503, %squeeze3A_505 : f32
    %slice3A_507 = vector.extract_strided_slice %scan3A_491#0 {offsets = [5], sizes = [1], strides = [1]} : vector<16xf32> to vector<1xf32>
    %squeeze3A_508 = vector.extract %slice3A_507[0] : f32 from vector<1xf32>
    %add3A_509 = arith.addf %add3A_506, %squeeze3A_508 : f32
    %slice3A_510 = vector.extract_strided_slice %scan3A_491#0 {offsets = [6], sizes = [1], strides = [1]} : vector<16xf32> to vector<1xf32>
    %squeeze3A_511 = vector.extract %slice3A_510[0] : f32 from vector<1xf32>
    %add3A_512 = arith.addf %add3A_509, %squeeze3A_511 : f32
    %slice3A_513 = vector.extract_strided_slice %scan3A_491#0 {offsets = [7], sizes = [1], strides = [1]} : vector<16xf32> to vector<1xf32>
    %squeeze3A_514 = vector.extract %slice3A_513[0] : f32 from vector<1xf32>
    %add3A_515 = arith.addf %add3A_512, %squeeze3A_514 : f32
    %slice3A_516 = vector.extract_strided_slice %scan3A_491#0 {offsets = [8], sizes = [1], strides = [1]} : vector<16xf32> to vector<1xf32>
    %squeeze3A_517 = vector.extract %slice3A_516[0] : f32 from vector<1xf32>
    %add3A_518 = arith.addf %add3A_515, %squeeze3A_517 : f32
    %slice3A_519 = vector.extract_strided_slice %scan3A_491#0 {offsets = [9], sizes = [1], strides = [1]} : vector<16xf32> to vector<1xf32>
    %squeeze3A_520 = vector.extract %slice3A_519[0] : f32 from vector<1xf32>
    %add3A_521 = arith.addf %add3A_518, %squeeze3A_520 : f32
    %slice3A_522 = vector.extract_strided_slice %scan3A_491#0 {offsets = [10], sizes = [1], strides = [1]} : vector<16xf32> to vector<1xf32>
    %squeeze3A_523 = vector.extract %slice3A_522[0] : f32 from vector<1xf32>
    %add3A_524 = arith.addf %add3A_521, %squeeze3A_523 : f32
    %slice3A_525 = vector.extract_strided_slice %scan3A_491#0 {offsets = [11], sizes = [1], strides = [1]} : vector<16xf32> to vector<1xf32>
    %squeeze3A_526 = vector.extract %slice3A_525[0] : f32 from vector<1xf32>
    %add3A_527 = arith.addf %add3A_524, %squeeze3A_526 : f32
    %slice3A_528 = vector.extract_strided_slice %scan3A_491#0 {offsets = [12], sizes = [1], strides = [1]} : vector<16xf32> to vector<1xf32>
    %squeeze3A_529 = vector.extract %slice3A_528[0] : f32 from vector<1xf32>
    %add3A_530 = arith.addf %add3A_527, %squeeze3A_529 : f32
    %slice3A_531 = vector.extract_strided_slice %scan3A_491#0 {offsets = [13], sizes = [1], strides = [1]} : vector<16xf32> to vector<1xf32>
    %squeeze3A_532 = vector.extract %slice3A_531[0] : f32 from vector<1xf32>
    %add3A_533 = arith.addf %add3A_530, %squeeze3A_532 : f32
    %slice3A_534 = vector.extract_strided_slice %scan3A_491#0 {offsets = [14], sizes = [1], strides = [1]} : vector<16xf32> to vector<1xf32>
    %squeeze3A_535 = vector.extract %slice3A_534[0] : f32 from vector<1xf32>
    %add3A_536 = arith.addf %add3A_533, %squeeze3A_535 : f32
    %slice3A_537 = vector.extract_strided_slice %scan3A_491#0 {offsets = [15], sizes = [1], strides = [1]} : vector<16xf32> to vector<1xf32>
    %squeeze3A_538 = vector.extract %slice3A_537[0] : f32 from vector<1xf32>
    %add3A_539 = arith.addf %add3A_536, %squeeze3A_538 : f32
    %eq3A_540 = arith.constant 8 : i32
    %eq3A_541 = vector.broadcast %eq3A_540 : i32 to vector<16xi32>
    %eq3A_542 = arith.cmpi eq, %iota3A, %eq3A_541 : vector<16xi32>
    %broadcast_in_dim3A_543 = arith.constant 0.000000e+00 : f32
    %broadcast_in_dim3A_544 = vector.broadcast %broadcast_in_dim3A_543 : f32 to vector<16xf32>
    %add3A_545 = vector.broadcast %add3A_539 : f32 to vector<16xf32>
    %add3A_546 = arith.addf %broadcast_in_dim3A_544, %add3A_545 : vector<16xf32>
    %select_n3A_547 = arith.select %eq3A_542, %add3A_546, %select_n3A_474 : vector<16xi1>, vector<16xf32>
    %slice3A_548 = vector.extract_strided_slice %scan3A_491#1 {offsets = [0], sizes = [1], strides = [1]} : vector<16xf32> to vector<1xf32>
    %squeeze3A_549 = vector.extract %slice3A_548[0] : f32 from vector<1xf32>
    %slice3A_550 = vector.extract_strided_slice %scan3A_491#1 {offsets = [1], sizes = [1], strides = [1]} : vector<16xf32> to vector<1xf32>
    %squeeze3A_551 = vector.extract %slice3A_550[0] : f32 from vector<1xf32>
    %add3A_552 = arith.addf %squeeze3A_549, %squeeze3A_551 : f32
    %slice3A_553 = vector.extract_strided_slice %scan3A_491#1 {offsets = [2], sizes = [1], strides = [1]} : vector<16xf32> to vector<1xf32>
    %squeeze3A_554 = vector.extract %slice3A_553[0] : f32 from vector<1xf32>
    %add3A_555 = arith.addf %add3A_552, %squeeze3A_554 : f32
    %slice3A_556 = vector.extract_strided_slice %scan3A_491#1 {offsets = [3], sizes = [1], strides = [1]} : vector<16xf32> to vector<1xf32>
    %squeeze3A_557 = vector.extract %slice3A_556[0] : f32 from vector<1xf32>
    %add3A_558 = arith.addf %add3A_555, %squeeze3A_557 : f32
    %slice3A_559 = vector.extract_strided_slice %scan3A_491#1 {offsets = [4], sizes = [1], strides = [1]} : vector<16xf32> to vector<1xf32>
    %squeeze3A_560 = vector.extract %slice3A_559[0] : f32 from vector<1xf32>
    %add3A_561 = arith.addf %add3A_558, %squeeze3A_560 : f32
    %slice3A_562 = vector.extract_strided_slice %scan3A_491#1 {offsets = [5], sizes = [1], strides = [1]} : vector<16xf32> to vector<1xf32>
    %squeeze3A_563 = vector.extract %slice3A_562[0] : f32 from vector<1xf32>
    %add3A_564 = arith.addf %add3A_561, %squeeze3A_563 : f32
    %slice3A_565 = vector.extract_strided_slice %scan3A_491#1 {offsets = [6], sizes = [1], strides = [1]} : vector<16xf32> to vector<1xf32>
    %squeeze3A_566 = vector.extract %slice3A_565[0] : f32 from vector<1xf32>
    %add3A_567 = arith.addf %add3A_564, %squeeze3A_566 : f32
    %slice3A_568 = vector.extract_strided_slice %scan3A_491#1 {offsets = [7], sizes = [1], strides = [1]} : vector<16xf32> to vector<1xf32>
    %squeeze3A_569 = vector.extract %slice3A_568[0] : f32 from vector<1xf32>
    %add3A_570 = arith.addf %add3A_567, %squeeze3A_569 : f32
    %slice3A_571 = vector.extract_strided_slice %scan3A_491#1 {offsets = [8], sizes = [1], strides = [1]} : vector<16xf32> to vector<1xf32>
    %squeeze3A_572 = vector.extract %slice3A_571[0] : f32 from vector<1xf32>
    %add3A_573 = arith.addf %add3A_570, %squeeze3A_572 : f32
    %slice3A_574 = vector.extract_strided_slice %scan3A_491#1 {offsets = [9], sizes = [1], strides = [1]} : vector<16xf32> to vector<1xf32>
    %squeeze3A_575 = vector.extract %slice3A_574[0] : f32 from vector<1xf32>
    %add3A_576 = arith.addf %add3A_573, %squeeze3A_575 : f32
    %slice3A_577 = vector.extract_strided_slice %scan3A_491#1 {offsets = [10], sizes = [1], strides = [1]} : vector<16xf32> to vector<1xf32>
    %squeeze3A_578 = vector.extract %slice3A_577[0] : f32 from vector<1xf32>
    %add3A_579 = arith.addf %add3A_576, %squeeze3A_578 : f32
    %slice3A_580 = vector.extract_strided_slice %scan3A_491#1 {offsets = [11], sizes = [1], strides = [1]} : vector<16xf32> to vector<1xf32>
    %squeeze3A_581 = vector.extract %slice3A_580[0] : f32 from vector<1xf32>
    %add3A_582 = arith.addf %add3A_579, %squeeze3A_581 : f32
    %slice3A_583 = vector.extract_strided_slice %scan3A_491#1 {offsets = [12], sizes = [1], strides = [1]} : vector<16xf32> to vector<1xf32>
    %squeeze3A_584 = vector.extract %slice3A_583[0] : f32 from vector<1xf32>
    %add3A_585 = arith.addf %add3A_582, %squeeze3A_584 : f32
    %slice3A_586 = vector.extract_strided_slice %scan3A_491#1 {offsets = [13], sizes = [1], strides = [1]} : vector<16xf32> to vector<1xf32>
    %squeeze3A_587 = vector.extract %slice3A_586[0] : f32 from vector<1xf32>
    %add3A_588 = arith.addf %add3A_585, %squeeze3A_587 : f32
    %slice3A_589 = vector.extract_strided_slice %scan3A_491#1 {offsets = [14], sizes = [1], strides = [1]} : vector<16xf32> to vector<1xf32>
    %squeeze3A_590 = vector.extract %slice3A_589[0] : f32 from vector<1xf32>
    %add3A_591 = arith.addf %add3A_588, %squeeze3A_590 : f32
    %slice3A_592 = vector.extract_strided_slice %scan3A_491#1 {offsets = [15], sizes = [1], strides = [1]} : vector<16xf32> to vector<1xf32>
    %squeeze3A_593 = vector.extract %slice3A_592[0] : f32 from vector<1xf32>
    %add3A_594 = arith.addf %add3A_591, %squeeze3A_593 : f32
    %eq3A_595 = arith.constant 9 : i32
    %eq3A_596 = vector.broadcast %eq3A_595 : i32 to vector<16xi32>
    %eq3A_597 = arith.cmpi eq, %iota3A, %eq3A_596 : vector<16xi32>
    %broadcast_in_dim3A_598 = arith.constant 0.000000e+00 : f32
    %broadcast_in_dim3A_599 = vector.broadcast %broadcast_in_dim3A_598 : f32 to vector<16xf32>
    %add3A_600 = vector.broadcast %add3A_594 : f32 to vector<16xf32>
    %add3A_601 = arith.addf %broadcast_in_dim3A_599, %add3A_600 : vector<16xf32>
    %select_n3A_602 = arith.select %eq3A_597, %add3A_601, %select_n3A_547 : vector<16xi1>, vector<16xf32>
    %slice3A_603 = vector.extract_strided_slice %scan3A_491#2 {offsets = [0], sizes = [1], strides = [1]} : vector<16xf32> to vector<1xf32>
    %squeeze3A_604 = vector.extract %slice3A_603[0] : f32 from vector<1xf32>
    %slice3A_605 = vector.extract_strided_slice %scan3A_491#2 {offsets = [1], sizes = [1], strides = [1]} : vector<16xf32> to vector<1xf32>
    %squeeze3A_606 = vector.extract %slice3A_605[0] : f32 from vector<1xf32>
    %add3A_607 = arith.addf %squeeze3A_604, %squeeze3A_606 : f32
    %slice3A_608 = vector.extract_strided_slice %scan3A_491#2 {offsets = [2], sizes = [1], strides = [1]} : vector<16xf32> to vector<1xf32>
    %squeeze3A_609 = vector.extract %slice3A_608[0] : f32 from vector<1xf32>
    %add3A_610 = arith.addf %add3A_607, %squeeze3A_609 : f32
    %slice3A_611 = vector.extract_strided_slice %scan3A_491#2 {offsets = [3], sizes = [1], strides = [1]} : vector<16xf32> to vector<1xf32>
    %squeeze3A_612 = vector.extract %slice3A_611[0] : f32 from vector<1xf32>
    %add3A_613 = arith.addf %add3A_610, %squeeze3A_612 : f32
    %slice3A_614 = vector.extract_strided_slice %scan3A_491#2 {offsets = [4], sizes = [1], strides = [1]} : vector<16xf32> to vector<1xf32>
    %squeeze3A_615 = vector.extract %slice3A_614[0] : f32 from vector<1xf32>
    %add3A_616 = arith.addf %add3A_613, %squeeze3A_615 : f32
    %slice3A_617 = vector.extract_strided_slice %scan3A_491#2 {offsets = [5], sizes = [1], strides = [1]} : vector<16xf32> to vector<1xf32>
    %squeeze3A_618 = vector.extract %slice3A_617[0] : f32 from vector<1xf32>
    %add3A_619 = arith.addf %add3A_616, %squeeze3A_618 : f32
    %slice3A_620 = vector.extract_strided_slice %scan3A_491#2 {offsets = [6], sizes = [1], strides = [1]} : vector<16xf32> to vector<1xf32>
    %squeeze3A_621 = vector.extract %slice3A_620[0] : f32 from vector<1xf32>
    %add3A_622 = arith.addf %add3A_619, %squeeze3A_621 : f32
    %slice3A_623 = vector.extract_strided_slice %scan3A_491#2 {offsets = [7], sizes = [1], strides = [1]} : vector<16xf32> to vector<1xf32>
    %squeeze3A_624 = vector.extract %slice3A_623[0] : f32 from vector<1xf32>
    %add3A_625 = arith.addf %add3A_622, %squeeze3A_624 : f32
    %slice3A_626 = vector.extract_strided_slice %scan3A_491#2 {offsets = [8], sizes = [1], strides = [1]} : vector<16xf32> to vector<1xf32>
    %squeeze3A_627 = vector.extract %slice3A_626[0] : f32 from vector<1xf32>
    %add3A_628 = arith.addf %add3A_625, %squeeze3A_627 : f32
    %slice3A_629 = vector.extract_strided_slice %scan3A_491#2 {offsets = [9], sizes = [1], strides = [1]} : vector<16xf32> to vector<1xf32>
    %squeeze3A_630 = vector.extract %slice3A_629[0] : f32 from vector<1xf32>
    %add3A_631 = arith.addf %add3A_628, %squeeze3A_630 : f32
    %slice3A_632 = vector.extract_strided_slice %scan3A_491#2 {offsets = [10], sizes = [1], strides = [1]} : vector<16xf32> to vector<1xf32>
    %squeeze3A_633 = vector.extract %slice3A_632[0] : f32 from vector<1xf32>
    %add3A_634 = arith.addf %add3A_631, %squeeze3A_633 : f32
    %slice3A_635 = vector.extract_strided_slice %scan3A_491#2 {offsets = [11], sizes = [1], strides = [1]} : vector<16xf32> to vector<1xf32>
    %squeeze3A_636 = vector.extract %slice3A_635[0] : f32 from vector<1xf32>
    %add3A_637 = arith.addf %add3A_634, %squeeze3A_636 : f32
    %slice3A_638 = vector.extract_strided_slice %scan3A_491#2 {offsets = [12], sizes = [1], strides = [1]} : vector<16xf32> to vector<1xf32>
    %squeeze3A_639 = vector.extract %slice3A_638[0] : f32 from vector<1xf32>
    %add3A_640 = arith.addf %add3A_637, %squeeze3A_639 : f32
    %slice3A_641 = vector.extract_strided_slice %scan3A_491#2 {offsets = [13], sizes = [1], strides = [1]} : vector<16xf32> to vector<1xf32>
    %squeeze3A_642 = vector.extract %slice3A_641[0] : f32 from vector<1xf32>
    %add3A_643 = arith.addf %add3A_640, %squeeze3A_642 : f32
    %slice3A_644 = vector.extract_strided_slice %scan3A_491#2 {offsets = [14], sizes = [1], strides = [1]} : vector<16xf32> to vector<1xf32>
    %squeeze3A_645 = vector.extract %slice3A_644[0] : f32 from vector<1xf32>
    %add3A_646 = arith.addf %add3A_643, %squeeze3A_645 : f32
    %slice3A_647 = vector.extract_strided_slice %scan3A_491#2 {offsets = [15], sizes = [1], strides = [1]} : vector<16xf32> to vector<1xf32>
    %squeeze3A_648 = vector.extract %slice3A_647[0] : f32 from vector<1xf32>
    %add3A_649 = arith.addf %add3A_646, %squeeze3A_648 : f32
    %eq3A_650 = arith.constant 10 : i32
    %eq3A_651 = vector.broadcast %eq3A_650 : i32 to vector<16xi32>
    %eq3A_652 = arith.cmpi eq, %iota3A, %eq3A_651 : vector<16xi32>
    %broadcast_in_dim3A_653 = arith.constant 0.000000e+00 : f32
    %broadcast_in_dim3A_654 = vector.broadcast %broadcast_in_dim3A_653 : f32 to vector<16xf32>
    %add3A_655 = vector.broadcast %add3A_649 : f32 to vector<16xf32>
    %add3A_656 = arith.addf %broadcast_in_dim3A_654, %add3A_655 : vector<16xf32>
    %select_n3A_657 = arith.select %eq3A_652, %add3A_656, %select_n3A_602 : vector<16xi1>, vector<16xf32>
    %slice3A_658 = vector.extract_strided_slice %scan3A_491#3 {offsets = [0], sizes = [1], strides = [1]} : vector<16xf32> to vector<1xf32>
    %squeeze3A_659 = vector.extract %slice3A_658[0] : f32 from vector<1xf32>
    %slice3A_660 = vector.extract_strided_slice %scan3A_491#3 {offsets = [1], sizes = [1], strides = [1]} : vector<16xf32> to vector<1xf32>
    %squeeze3A_661 = vector.extract %slice3A_660[0] : f32 from vector<1xf32>
    %add3A_662 = arith.addf %squeeze3A_659, %squeeze3A_661 : f32
    %slice3A_663 = vector.extract_strided_slice %scan3A_491#3 {offsets = [2], sizes = [1], strides = [1]} : vector<16xf32> to vector<1xf32>
    %squeeze3A_664 = vector.extract %slice3A_663[0] : f32 from vector<1xf32>
    %add3A_665 = arith.addf %add3A_662, %squeeze3A_664 : f32
    %slice3A_666 = vector.extract_strided_slice %scan3A_491#3 {offsets = [3], sizes = [1], strides = [1]} : vector<16xf32> to vector<1xf32>
    %squeeze3A_667 = vector.extract %slice3A_666[0] : f32 from vector<1xf32>
    %add3A_668 = arith.addf %add3A_665, %squeeze3A_667 : f32
    %slice3A_669 = vector.extract_strided_slice %scan3A_491#3 {offsets = [4], sizes = [1], strides = [1]} : vector<16xf32> to vector<1xf32>
    %squeeze3A_670 = vector.extract %slice3A_669[0] : f32 from vector<1xf32>
    %add3A_671 = arith.addf %add3A_668, %squeeze3A_670 : f32
    %slice3A_672 = vector.extract_strided_slice %scan3A_491#3 {offsets = [5], sizes = [1], strides = [1]} : vector<16xf32> to vector<1xf32>
    %squeeze3A_673 = vector.extract %slice3A_672[0] : f32 from vector<1xf32>
    %add3A_674 = arith.addf %add3A_671, %squeeze3A_673 : f32
    %slice3A_675 = vector.extract_strided_slice %scan3A_491#3 {offsets = [6], sizes = [1], strides = [1]} : vector<16xf32> to vector<1xf32>
    %squeeze3A_676 = vector.extract %slice3A_675[0] : f32 from vector<1xf32>
    %add3A_677 = arith.addf %add3A_674, %squeeze3A_676 : f32
    %slice3A_678 = vector.extract_strided_slice %scan3A_491#3 {offsets = [7], sizes = [1], strides = [1]} : vector<16xf32> to vector<1xf32>
    %squeeze3A_679 = vector.extract %slice3A_678[0] : f32 from vector<1xf32>
    %add3A_680 = arith.addf %add3A_677, %squeeze3A_679 : f32
    %slice3A_681 = vector.extract_strided_slice %scan3A_491#3 {offsets = [8], sizes = [1], strides = [1]} : vector<16xf32> to vector<1xf32>
    %squeeze3A_682 = vector.extract %slice3A_681[0] : f32 from vector<1xf32>
    %add3A_683 = arith.addf %add3A_680, %squeeze3A_682 : f32
    %slice3A_684 = vector.extract_strided_slice %scan3A_491#3 {offsets = [9], sizes = [1], strides = [1]} : vector<16xf32> to vector<1xf32>
    %squeeze3A_685 = vector.extract %slice3A_684[0] : f32 from vector<1xf32>
    %add3A_686 = arith.addf %add3A_683, %squeeze3A_685 : f32
    %slice3A_687 = vector.extract_strided_slice %scan3A_491#3 {offsets = [10], sizes = [1], strides = [1]} : vector<16xf32> to vector<1xf32>
    %squeeze3A_688 = vector.extract %slice3A_687[0] : f32 from vector<1xf32>
    %add3A_689 = arith.addf %add3A_686, %squeeze3A_688 : f32
    %slice3A_690 = vector.extract_strided_slice %scan3A_491#3 {offsets = [11], sizes = [1], strides = [1]} : vector<16xf32> to vector<1xf32>
    %squeeze3A_691 = vector.extract %slice3A_690[0] : f32 from vector<1xf32>
    %add3A_692 = arith.addf %add3A_689, %squeeze3A_691 : f32
    %slice3A_693 = vector.extract_strided_slice %scan3A_491#3 {offsets = [12], sizes = [1], strides = [1]} : vector<16xf32> to vector<1xf32>
    %squeeze3A_694 = vector.extract %slice3A_693[0] : f32 from vector<1xf32>
    %add3A_695 = arith.addf %add3A_692, %squeeze3A_694 : f32
    %slice3A_696 = vector.extract_strided_slice %scan3A_491#3 {offsets = [13], sizes = [1], strides = [1]} : vector<16xf32> to vector<1xf32>
    %squeeze3A_697 = vector.extract %slice3A_696[0] : f32 from vector<1xf32>
    %add3A_698 = arith.addf %add3A_695, %squeeze3A_697 : f32
    %slice3A_699 = vector.extract_strided_slice %scan3A_491#3 {offsets = [14], sizes = [1], strides = [1]} : vector<16xf32> to vector<1xf32>
    %squeeze3A_700 = vector.extract %slice3A_699[0] : f32 from vector<1xf32>
    %add3A_701 = arith.addf %add3A_698, %squeeze3A_700 : f32
    %slice3A_702 = vector.extract_strided_slice %scan3A_491#3 {offsets = [15], sizes = [1], strides = [1]} : vector<16xf32> to vector<1xf32>
    %squeeze3A_703 = vector.extract %slice3A_702[0] : f32 from vector<1xf32>
    %add3A_704 = arith.addf %add3A_701, %squeeze3A_703 : f32
    %eq3A_705 = arith.constant 11 : i32
    %eq3A_706 = vector.broadcast %eq3A_705 : i32 to vector<16xi32>
    %eq3A_707 = arith.cmpi eq, %iota3A, %eq3A_706 : vector<16xi32>
    %broadcast_in_dim3A_708 = arith.constant 0.000000e+00 : f32
    %broadcast_in_dim3A_709 = vector.broadcast %broadcast_in_dim3A_708 : f32 to vector<16xf32>
    %add3A_710 = vector.broadcast %add3A_704 : f32 to vector<16xf32>
    %add3A_711 = arith.addf %broadcast_in_dim3A_709, %add3A_710 : vector<16xf32>
    %select_n3A_712 = arith.select %eq3A_707, %add3A_711, %select_n3A_657 : vector<16xi1>, vector<16xf32>
    %add3A_713 = arith.constant 0 : i32
    %add3A_714 = arith.addi %mul3A_2, %add3A_713 : i32
    %add3A_715 = arith.constant 12 : i32
    %add3A_716 = arith.addi %add3A_714, %add3A_715 : i32
    "tpu.region"() ({
      %run_scoped3A = tpu.sem_alloc : memref<!tpu.dma_semaphore, #tpu.memory_space<semaphore_mem>>
      %dma_start3A = arith.constant 0 : i32
      %dma_start3A_1912 = tpu.memref_slice %arg2[%add3A_716, %dma_start3A] : memref<16384x16384xf32, #tpu.memory_space<hbm>> -> memref<4x16384xf32, #tpu.memory_space<hbm>>
      %dma_start3A_1913 = arith.constant 0 : i32
      %dma_start3A_1914 = tpu.memref_slice %arg2[%add3A_716, %dma_start3A_1913] : memref<16384x16384xf32, #tpu.memory_space<hbm>> -> memref<4x16384xf32, #tpu.memory_space<hbm>>
      tpu.enqueue_dma source(%dma_start3A_1914 : memref<4x16384xf32, #tpu.memory_space<hbm>>) target(%arg6 : memref<4x16384xf32, #tpu.memory_space<vmem>>) target_semaphore(%run_scoped3A : memref<!tpu.dma_semaphore, #tpu.memory_space<semaphore_mem>>)
      %dma_wait3A = arith.constant 0 : i32
      %dma_wait3A_1915 = tpu.memref_slice %arg2[%add3A_716, %dma_wait3A] : memref<16384x16384xf32, #tpu.memory_space<hbm>> -> memref<4x16384xf32, #tpu.memory_space<hbm>>
      %dma_wait3A_1916 = arith.constant 0 : i32
      %dma_wait3A_1917 = tpu.memref_slice %arg2[%add3A_716, %dma_wait3A_1916] : memref<16384x16384xf32, #tpu.memory_space<hbm>> -> memref<4x16384xf32, #tpu.memory_space<hbm>>
      tpu.wait_dma2 semaphore(%run_scoped3A : memref<!tpu.dma_semaphore, #tpu.memory_space<semaphore_mem>>) src(%dma_wait3A_1917 : memref<4x16384xf32, #tpu.memory_space<hbm>>) dst(%arg6 : memref<4x16384xf32, #tpu.memory_space<vmem>>)
      tpu.yield
    }) : () -> ()
    %broadcast_in_dim3A_717 = arith.constant 0.000000e+00 : f32
    %broadcast_in_dim3A_718 = vector.broadcast %broadcast_in_dim3A_717 : f32 to vector<16xf32>
    %broadcast_in_dim3A_719 = arith.constant 0.000000e+00 : f32
    %broadcast_in_dim3A_720 = vector.broadcast %broadcast_in_dim3A_719 : f32 to vector<16xf32>
    %broadcast_in_dim3A_721 = arith.constant 0.000000e+00 : f32
    %broadcast_in_dim3A_722 = vector.broadcast %broadcast_in_dim3A_721 : f32 to vector<16xf32>
    %broadcast_in_dim3A_723 = arith.constant 0.000000e+00 : f32
    %broadcast_in_dim3A_724 = vector.broadcast %broadcast_in_dim3A_723 : f32 to vector<16xf32>
    %scan3A_725 = arith.constant 0 : i32
    %scan3A_726 = arith.constant 1024 : i32
    %scan3A_727 = arith.addi %scan3A_725, %scan3A_726 : i32
    %scan3A_728 = arith.constant 1 : i32
    %scan3A_729:4 = scf.for %scan3A_1912 = %scan3A_725 to %scan3A_727 step %scan3A_728 iter_args(%scan3A_1913 = %broadcast_in_dim3A_718, %scan3A_1914 = %broadcast_in_dim3A_720, %scan3A_1915 = %broadcast_in_dim3A_722, %scan3A_1916 = %broadcast_in_dim3A_724) -> (vector<16xf32>, vector<16xf32>, vector<16xf32>, vector<16xf32>)  : i32 {
      %mul3A_1917 = arith.constant 16 : i32
      %mul3A_1918 = arith.muli %scan3A_1912, %mul3A_1917 : i32
      %get3A = arith.index_cast %mul3A_1918 : i32 to index
      %get3A_1919 = tpu.vector_load %arg5[%get3A] {strides = array<i32>} : memref<16384xf32, #tpu.memory_space<vmem>>, vector<16xf32>,
      %get3A_1920 = vector.shape_cast %get3A_1919 : vector<16xf32> to vector<16xf32>
      %mul3A_1921 = arith.constant 16 : i32
      %mul3A_1922 = arith.muli %scan3A_1912, %mul3A_1921 : i32
      %get3A_1923 = arith.constant 0 : i32
      %get3A_1924 = arith.index_cast %get3A_1923 : i32 to index
      %get3A_1925 = arith.index_cast %mul3A_1922 : i32 to index
      %get3A_1926 = tpu.vector_load %arg6[%get3A_1924, %get3A_1925] {strides = array<i32>} : memref<4x16384xf32, #tpu.memory_space<vmem>>, vector<1x16xf32>,
      %get3A_1927 = vector.shape_cast %get3A_1926 : vector<1x16xf32> to vector<16xf32>
      %mul3A_1928 = arith.mulf %get3A_1927, %get3A_1920 : vector<16xf32>
      %add3A_1929 = arith.addf %scan3A_1913, %mul3A_1928 : vector<16xf32>
      %mul3A_1930 = arith.constant 16 : i32
      %mul3A_1931 = arith.muli %scan3A_1912, %mul3A_1930 : i32
      %get3A_1932 = arith.constant 1 : i32
      %get3A_1933 = arith.index_cast %get3A_1932 : i32 to index
      %get3A_1934 = arith.index_cast %mul3A_1931 : i32 to index
      %get3A_1935 = tpu.vector_load %arg6[%get3A_1933, %get3A_1934] {strides = array<i32>} : memref<4x16384xf32, #tpu.memory_space<vmem>>, vector<1x16xf32>,
      %get3A_1936 = vector.shape_cast %get3A_1935 : vector<1x16xf32> to vector<16xf32>
      %mul3A_1937 = arith.mulf %get3A_1936, %get3A_1920 : vector<16xf32>
      %add3A_1938 = arith.addf %scan3A_1914, %mul3A_1937 : vector<16xf32>
      %mul3A_1939 = arith.constant 16 : i32
      %mul3A_1940 = arith.muli %scan3A_1912, %mul3A_1939 : i32
      %get3A_1941 = arith.constant 2 : i32
      %get3A_1942 = arith.index_cast %get3A_1941 : i32 to index
      %get3A_1943 = arith.index_cast %mul3A_1940 : i32 to index
      %get3A_1944 = tpu.vector_load %arg6[%get3A_1942, %get3A_1943] {strides = array<i32>} : memref<4x16384xf32, #tpu.memory_space<vmem>>, vector<1x16xf32>,
      %get3A_1945 = vector.shape_cast %get3A_1944 : vector<1x16xf32> to vector<16xf32>
      %mul3A_1946 = arith.mulf %get3A_1945, %get3A_1920 : vector<16xf32>
      %add3A_1947 = arith.addf %scan3A_1915, %mul3A_1946 : vector<16xf32>
      %mul3A_1948 = arith.constant 16 : i32
      %mul3A_1949 = arith.muli %scan3A_1912, %mul3A_1948 : i32
      %get3A_1950 = arith.constant 3 : i32
      %get3A_1951 = arith.index_cast %get3A_1950 : i32 to index
      %get3A_1952 = arith.index_cast %mul3A_1949 : i32 to index
      %get3A_1953 = tpu.vector_load %arg6[%get3A_1951, %get3A_1952] {strides = array<i32>} : memref<4x16384xf32, #tpu.memory_space<vmem>>, vector<1x16xf32>,
      %get3A_1954 = vector.shape_cast %get3A_1953 : vector<1x16xf32> to vector<16xf32>
      %mul3A_1955 = arith.mulf %get3A_1954, %get3A_1920 : vector<16xf32>
      %add3A_1956 = arith.addf %scan3A_1916, %mul3A_1955 : vector<16xf32>
      scf.yield %add3A_1929, %add3A_1938, %add3A_1947, %add3A_1956 : vector<16xf32>, vector<16xf32>, vector<16xf32>, vector<16xf32>
    }
    %scan3A_730 = arith.constant 1024 : i32
    %slice3A_731 = vector.extract_strided_slice %scan3A_729#0 {offsets = [0], sizes = [1], strides = [1]} : vector<16xf32> to vector<1xf32>
    %squeeze3A_732 = vector.extract %slice3A_731[0] : f32 from vector<1xf32>
    %slice3A_733 = vector.extract_strided_slice %scan3A_729#0 {offsets = [1], sizes = [1], strides = [1]} : vector<16xf32> to vector<1xf32>
    %squeeze3A_734 = vector.extract %slice3A_733[0] : f32 from vector<1xf32>
    %add3A_735 = arith.addf %squeeze3A_732, %squeeze3A_734 : f32
    %slice3A_736 = vector.extract_strided_slice %scan3A_729#0 {offsets = [2], sizes = [1], strides = [1]} : vector<16xf32> to vector<1xf32>
    %squeeze3A_737 = vector.extract %slice3A_736[0] : f32 from vector<1xf32>
    %add3A_738 = arith.addf %add3A_735, %squeeze3A_737 : f32
    %slice3A_739 = vector.extract_strided_slice %scan3A_729#0 {offsets = [3], sizes = [1], strides = [1]} : vector<16xf32> to vector<1xf32>
    %squeeze3A_740 = vector.extract %slice3A_739[0] : f32 from vector<1xf32>
    %add3A_741 = arith.addf %add3A_738, %squeeze3A_740 : f32
    %slice3A_742 = vector.extract_strided_slice %scan3A_729#0 {offsets = [4], sizes = [1], strides = [1]} : vector<16xf32> to vector<1xf32>
    %squeeze3A_743 = vector.extract %slice3A_742[0] : f32 from vector<1xf32>
    %add3A_744 = arith.addf %add3A_741, %squeeze3A_743 : f32
    %slice3A_745 = vector.extract_strided_slice %scan3A_729#0 {offsets = [5], sizes = [1], strides = [1]} : vector<16xf32> to vector<1xf32>
    %squeeze3A_746 = vector.extract %slice3A_745[0] : f32 from vector<1xf32>
    %add3A_747 = arith.addf %add3A_744, %squeeze3A_746 : f32
    %slice3A_748 = vector.extract_strided_slice %scan3A_729#0 {offsets = [6], sizes = [1], strides = [1]} : vector<16xf32> to vector<1xf32>
    %squeeze3A_749 = vector.extract %slice3A_748[0] : f32 from vector<1xf32>
    %add3A_750 = arith.addf %add3A_747, %squeeze3A_749 : f32
    %slice3A_751 = vector.extract_strided_slice %scan3A_729#0 {offsets = [7], sizes = [1], strides = [1]} : vector<16xf32> to vector<1xf32>
    %squeeze3A_752 = vector.extract %slice3A_751[0] : f32 from vector<1xf32>
    %add3A_753 = arith.addf %add3A_750, %squeeze3A_752 : f32
    %slice3A_754 = vector.extract_strided_slice %scan3A_729#0 {offsets = [8], sizes = [1], strides = [1]} : vector<16xf32> to vector<1xf32>
    %squeeze3A_755 = vector.extract %slice3A_754[0] : f32 from vector<1xf32>
    %add3A_756 = arith.addf %add3A_753, %squeeze3A_755 : f32
    %slice3A_757 = vector.extract_strided_slice %scan3A_729#0 {offsets = [9], sizes = [1], strides = [1]} : vector<16xf32> to vector<1xf32>
    %squeeze3A_758 = vector.extract %slice3A_757[0] : f32 from vector<1xf32>
    %add3A_759 = arith.addf %add3A_756, %squeeze3A_758 : f32
    %slice3A_760 = vector.extract_strided_slice %scan3A_729#0 {offsets = [10], sizes = [1], strides = [1]} : vector<16xf32> to vector<1xf32>
    %squeeze3A_761 = vector.extract %slice3A_760[0] : f32 from vector<1xf32>
    %add3A_762 = arith.addf %add3A_759, %squeeze3A_761 : f32
    %slice3A_763 = vector.extract_strided_slice %scan3A_729#0 {offsets = [11], sizes = [1], strides = [1]} : vector<16xf32> to vector<1xf32>
    %squeeze3A_764 = vector.extract %slice3A_763[0] : f32 from vector<1xf32>
    %add3A_765 = arith.addf %add3A_762, %squeeze3A_764 : f32
    %slice3A_766 = vector.extract_strided_slice %scan3A_729#0 {offsets = [12], sizes = [1], strides = [1]} : vector<16xf32> to vector<1xf32>
    %squeeze3A_767 = vector.extract %slice3A_766[0] : f32 from vector<1xf32>
    %add3A_768 = arith.addf %add3A_765, %squeeze3A_767 : f32
    %slice3A_769 = vector.extract_strided_slice %scan3A_729#0 {offsets = [13], sizes = [1], strides = [1]} : vector<16xf32> to vector<1xf32>
    %squeeze3A_770 = vector.extract %slice3A_769[0] : f32 from vector<1xf32>
    %add3A_771 = arith.addf %add3A_768, %squeeze3A_770 : f32
    %slice3A_772 = vector.extract_strided_slice %scan3A_729#0 {offsets = [14], sizes = [1], strides = [1]} : vector<16xf32> to vector<1xf32>
    %squeeze3A_773 = vector.extract %slice3A_772[0] : f32 from vector<1xf32>
    %add3A_774 = arith.addf %add3A_771, %squeeze3A_773 : f32
    %slice3A_775 = vector.extract_strided_slice %scan3A_729#0 {offsets = [15], sizes = [1], strides = [1]} : vector<16xf32> to vector<1xf32>
    %squeeze3A_776 = vector.extract %slice3A_775[0] : f32 from vector<1xf32>
    %add3A_777 = arith.addf %add3A_774, %squeeze3A_776 : f32
    %eq3A_778 = arith.constant 12 : i32
    %eq3A_779 = vector.broadcast %eq3A_778 : i32 to vector<16xi32>
    %eq3A_780 = arith.cmpi eq, %iota3A, %eq3A_779 : vector<16xi32>
    %broadcast_in_dim3A_781 = arith.constant 0.000000e+00 : f32
    %broadcast_in_dim3A_782 = vector.broadcast %broadcast_in_dim3A_781 : f32 to vector<16xf32>
    %add3A_783 = vector.broadcast %add3A_777 : f32 to vector<16xf32>
    %add3A_784 = arith.addf %broadcast_in_dim3A_782, %add3A_783 : vector<16xf32>
    %select_n3A_785 = arith.select %eq3A_780, %add3A_784, %select_n3A_712 : vector<16xi1>, vector<16xf32>
    %slice3A_786 = vector.extract_strided_slice %scan3A_729#1 {offsets = [0], sizes = [1], strides = [1]} : vector<16xf32> to vector<1xf32>
    %squeeze3A_787 = vector.extract %slice3A_786[0] : f32 from vector<1xf32>
    %slice3A_788 = vector.extract_strided_slice %scan3A_729#1 {offsets = [1], sizes = [1], strides = [1]} : vector<16xf32> to vector<1xf32>
    %squeeze3A_789 = vector.extract %slice3A_788[0] : f32 from vector<1xf32>
    %add3A_790 = arith.addf %squeeze3A_787, %squeeze3A_789 : f32
    %slice3A_791 = vector.extract_strided_slice %scan3A_729#1 {offsets = [2], sizes = [1], strides = [1]} : vector<16xf32> to vector<1xf32>
    %squeeze3A_792 = vector.extract %slice3A_791[0] : f32 from vector<1xf32>
    %add3A_793 = arith.addf %add3A_790, %squeeze3A_792 : f32
    %slice3A_794 = vector.extract_strided_slice %scan3A_729#1 {offsets = [3], sizes = [1], strides = [1]} : vector<16xf32> to vector<1xf32>
    %squeeze3A_795 = vector.extract %slice3A_794[0] : f32 from vector<1xf32>
    %add3A_796 = arith.addf %add3A_793, %squeeze3A_795 : f32
    %slice3A_797 = vector.extract_strided_slice %scan3A_729#1 {offsets = [4], sizes = [1], strides = [1]} : vector<16xf32> to vector<1xf32>
    %squeeze3A_798 = vector.extract %slice3A_797[0] : f32 from vector<1xf32>
    %add3A_799 = arith.addf %add3A_796, %squeeze3A_798 : f32
    %slice3A_800 = vector.extract_strided_slice %scan3A_729#1 {offsets = [5], sizes = [1], strides = [1]} : vector<16xf32> to vector<1xf32>
    %squeeze3A_801 = vector.extract %slice3A_800[0] : f32 from vector<1xf32>
    %add3A_802 = arith.addf %add3A_799, %squeeze3A_801 : f32
    %slice3A_803 = vector.extract_strided_slice %scan3A_729#1 {offsets = [6], sizes = [1], strides = [1]} : vector<16xf32> to vector<1xf32>
    %squeeze3A_804 = vector.extract %slice3A_803[0] : f32 from vector<1xf32>
    %add3A_805 = arith.addf %add3A_802, %squeeze3A_804 : f32
    %slice3A_806 = vector.extract_strided_slice %scan3A_729#1 {offsets = [7], sizes = [1], strides = [1]} : vector<16xf32> to vector<1xf32>
    %squeeze3A_807 = vector.extract %slice3A_806[0] : f32 from vector<1xf32>
    %add3A_808 = arith.addf %add3A_805, %squeeze3A_807 : f32
    %slice3A_809 = vector.extract_strided_slice %scan3A_729#1 {offsets = [8], sizes = [1], strides = [1]} : vector<16xf32> to vector<1xf32>
    %squeeze3A_810 = vector.extract %slice3A_809[0] : f32 from vector<1xf32>
    %add3A_811 = arith.addf %add3A_808, %squeeze3A_810 : f32
    %slice3A_812 = vector.extract_strided_slice %scan3A_729#1 {offsets = [9], sizes = [1], strides = [1]} : vector<16xf32> to vector<1xf32>
    %squeeze3A_813 = vector.extract %slice3A_812[0] : f32 from vector<1xf32>
    %add3A_814 = arith.addf %add3A_811, %squeeze3A_813 : f32
    %slice3A_815 = vector.extract_strided_slice %scan3A_729#1 {offsets = [10], sizes = [1], strides = [1]} : vector<16xf32> to vector<1xf32>
    %squeeze3A_816 = vector.extract %slice3A_815[0] : f32 from vector<1xf32>
    %add3A_817 = arith.addf %add3A_814, %squeeze3A_816 : f32
    %slice3A_818 = vector.extract_strided_slice %scan3A_729#1 {offsets = [11], sizes = [1], strides = [1]} : vector<16xf32> to vector<1xf32>
    %squeeze3A_819 = vector.extract %slice3A_818[0] : f32 from vector<1xf32>
    %add3A_820 = arith.addf %add3A_817, %squeeze3A_819 : f32
    %slice3A_821 = vector.extract_strided_slice %scan3A_729#1 {offsets = [12], sizes = [1], strides = [1]} : vector<16xf32> to vector<1xf32>
    %squeeze3A_822 = vector.extract %slice3A_821[0] : f32 from vector<1xf32>
    %add3A_823 = arith.addf %add3A_820, %squeeze3A_822 : f32
    %slice3A_824 = vector.extract_strided_slice %scan3A_729#1 {offsets = [13], sizes = [1], strides = [1]} : vector<16xf32> to vector<1xf32>
    %squeeze3A_825 = vector.extract %slice3A_824[0] : f32 from vector<1xf32>
    %add3A_826 = arith.addf %add3A_823, %squeeze3A_825 : f32
    %slice3A_827 = vector.extract_strided_slice %scan3A_729#1 {offsets = [14], sizes = [1], strides = [1]} : vector<16xf32> to vector<1xf32>
    %squeeze3A_828 = vector.extract %slice3A_827[0] : f32 from vector<1xf32>
    %add3A_829 = arith.addf %add3A_826, %squeeze3A_828 : f32
    %slice3A_830 = vector.extract_strided_slice %scan3A_729#1 {offsets = [15], sizes = [1], strides = [1]} : vector<16xf32> to vector<1xf32>
    %squeeze3A_831 = vector.extract %slice3A_830[0] : f32 from vector<1xf32>
    %add3A_832 = arith.addf %add3A_829, %squeeze3A_831 : f32
    %eq3A_833 = arith.constant 13 : i32
    %eq3A_834 = vector.broadcast %eq3A_833 : i32 to vector<16xi32>
    %eq3A_835 = arith.cmpi eq, %iota3A, %eq3A_834 : vector<16xi32>
    %broadcast_in_dim3A_836 = arith.constant 0.000000e+00 : f32
    %broadcast_in_dim3A_837 = vector.broadcast %broadcast_in_dim3A_836 : f32 to vector<16xf32>
    %add3A_838 = vector.broadcast %add3A_832 : f32 to vector<16xf32>
    %add3A_839 = arith.addf %broadcast_in_dim3A_837, %add3A_838 : vector<16xf32>
    %select_n3A_840 = arith.select %eq3A_835, %add3A_839, %select_n3A_785 : vector<16xi1>, vector<16xf32>
    %slice3A_841 = vector.extract_strided_slice %scan3A_729#2 {offsets = [0], sizes = [1], strides = [1]} : vector<16xf32> to vector<1xf32>
    %squeeze3A_842 = vector.extract %slice3A_841[0] : f32 from vector<1xf32>
    %slice3A_843 = vector.extract_strided_slice %scan3A_729#2 {offsets = [1], sizes = [1], strides = [1]} : vector<16xf32> to vector<1xf32>
    %squeeze3A_844 = vector.extract %slice3A_843[0] : f32 from vector<1xf32>
    %add3A_845 = arith.addf %squeeze3A_842, %squeeze3A_844 : f32
    %slice3A_846 = vector.extract_strided_slice %scan3A_729#2 {offsets = [2], sizes = [1], strides = [1]} : vector<16xf32> to vector<1xf32>
    %squeeze3A_847 = vector.extract %slice3A_846[0] : f32 from vector<1xf32>
    %add3A_848 = arith.addf %add3A_845, %squeeze3A_847 : f32
    %slice3A_849 = vector.extract_strided_slice %scan3A_729#2 {offsets = [3], sizes = [1], strides = [1]} : vector<16xf32> to vector<1xf32>
    %squeeze3A_850 = vector.extract %slice3A_849[0] : f32 from vector<1xf32>
    %add3A_851 = arith.addf %add3A_848, %squeeze3A_850 : f32
    %slice3A_852 = vector.extract_strided_slice %scan3A_729#2 {offsets = [4], sizes = [1], strides = [1]} : vector<16xf32> to vector<1xf32>
    %squeeze3A_853 = vector.extract %slice3A_852[0] : f32 from vector<1xf32>
    %add3A_854 = arith.addf %add3A_851, %squeeze3A_853 : f32
    %slice3A_855 = vector.extract_strided_slice %scan3A_729#2 {offsets = [5], sizes = [1], strides = [1]} : vector<16xf32> to vector<1xf32>
    %squeeze3A_856 = vector.extract %slice3A_855[0] : f32 from vector<1xf32>
    %add3A_857 = arith.addf %add3A_854, %squeeze3A_856 : f32
    %slice3A_858 = vector.extract_strided_slice %scan3A_729#2 {offsets = [6], sizes = [1], strides = [1]} : vector<16xf32> to vector<1xf32>
    %squeeze3A_859 = vector.extract %slice3A_858[0] : f32 from vector<1xf32>
    %add3A_860 = arith.addf %add3A_857, %squeeze3A_859 : f32
    %slice3A_861 = vector.extract_strided_slice %scan3A_729#2 {offsets = [7], sizes = [1], strides = [1]} : vector<16xf32> to vector<1xf32>
    %squeeze3A_862 = vector.extract %slice3A_861[0] : f32 from vector<1xf32>
    %add3A_863 = arith.addf %add3A_860, %squeeze3A_862 : f32
    %slice3A_864 = vector.extract_strided_slice %scan3A_729#2 {offsets = [8], sizes = [1], strides = [1]} : vector<16xf32> to vector<1xf32>
    %squeeze3A_865 = vector.extract %slice3A_864[0] : f32 from vector<1xf32>
    %add3A_866 = arith.addf %add3A_863, %squeeze3A_865 : f32
    %slice3A_867 = vector.extract_strided_slice %scan3A_729#2 {offsets = [9], sizes = [1], strides = [1]} : vector<16xf32> to vector<1xf32>
    %squeeze3A_868 = vector.extract %slice3A_867[0] : f32 from vector<1xf32>
    %add3A_869 = arith.addf %add3A_866, %squeeze3A_868 : f32
    %slice3A_870 = vector.extract_strided_slice %scan3A_729#2 {offsets = [10], sizes = [1], strides = [1]} : vector<16xf32> to vector<1xf32>
    %squeeze3A_871 = vector.extract %slice3A_870[0] : f32 from vector<1xf32>
    %add3A_872 = arith.addf %add3A_869, %squeeze3A_871 : f32
    %slice3A_873 = vector.extract_strided_slice %scan3A_729#2 {offsets = [11], sizes = [1], strides = [1]} : vector<16xf32> to vector<1xf32>
    %squeeze3A_874 = vector.extract %slice3A_873[0] : f32 from vector<1xf32>
    %add3A_875 = arith.addf %add3A_872, %squeeze3A_874 : f32
    %slice3A_876 = vector.extract_strided_slice %scan3A_729#2 {offsets = [12], sizes = [1], strides = [1]} : vector<16xf32> to vector<1xf32>
    %squeeze3A_877 = vector.extract %slice3A_876[0] : f32 from vector<1xf32>
    %add3A_878 = arith.addf %add3A_875, %squeeze3A_877 : f32
    %slice3A_879 = vector.extract_strided_slice %scan3A_729#2 {offsets = [13], sizes = [1], strides = [1]} : vector<16xf32> to vector<1xf32>
    %squeeze3A_880 = vector.extract %slice3A_879[0] : f32 from vector<1xf32>
    %add3A_881 = arith.addf %add3A_878, %squeeze3A_880 : f32
    %slice3A_882 = vector.extract_strided_slice %scan3A_729#2 {offsets = [14], sizes = [1], strides = [1]} : vector<16xf32> to vector<1xf32>
    %squeeze3A_883 = vector.extract %slice3A_882[0] : f32 from vector<1xf32>
    %add3A_884 = arith.addf %add3A_881, %squeeze3A_883 : f32
    %slice3A_885 = vector.extract_strided_slice %scan3A_729#2 {offsets = [15], sizes = [1], strides = [1]} : vector<16xf32> to vector<1xf32>
    %squeeze3A_886 = vector.extract %slice3A_885[0] : f32 from vector<1xf32>
    %add3A_887 = arith.addf %add3A_884, %squeeze3A_886 : f32
    %eq3A_888 = arith.constant 14 : i32
    %eq3A_889 = vector.broadcast %eq3A_888 : i32 to vector<16xi32>
    %eq3A_890 = arith.cmpi eq, %iota3A, %eq3A_889 : vector<16xi32>
    %broadcast_in_dim3A_891 = arith.constant 0.000000e+00 : f32
    %broadcast_in_dim3A_892 = vector.broadcast %broadcast_in_dim3A_891 : f32 to vector<16xf32>
    %add3A_893 = vector.broadcast %add3A_887 : f32 to vector<16xf32>
    %add3A_894 = arith.addf %broadcast_in_dim3A_892, %add3A_893 : vector<16xf32>
    %select_n3A_895 = arith.select %eq3A_890, %add3A_894, %select_n3A_840 : vector<16xi1>, vector<16xf32>
    %slice3A_896 = vector.extract_strided_slice %scan3A_729#3 {offsets = [0], sizes = [1], strides = [1]} : vector<16xf32> to vector<1xf32>
    %squeeze3A_897 = vector.extract %slice3A_896[0] : f32 from vector<1xf32>
    %slice3A_898 = vector.extract_strided_slice %scan3A_729#3 {offsets = [1], sizes = [1], strides = [1]} : vector<16xf32> to vector<1xf32>
    %squeeze3A_899 = vector.extract %slice3A_898[0] : f32 from vector<1xf32>
    %add3A_900 = arith.addf %squeeze3A_897, %squeeze3A_899 : f32
    %slice3A_901 = vector.extract_strided_slice %scan3A_729#3 {offsets = [2], sizes = [1], strides = [1]} : vector<16xf32> to vector<1xf32>
    %squeeze3A_902 = vector.extract %slice3A_901[0] : f32 from vector<1xf32>
    %add3A_903 = arith.addf %add3A_900, %squeeze3A_902 : f32
    %slice3A_904 = vector.extract_strided_slice %scan3A_729#3 {offsets = [3], sizes = [1], strides = [1]} : vector<16xf32> to vector<1xf32>
    %squeeze3A_905 = vector.extract %slice3A_904[0] : f32 from vector<1xf32>
    %add3A_906 = arith.addf %add3A_903, %squeeze3A_905 : f32
    %slice3A_907 = vector.extract_strided_slice %scan3A_729#3 {offsets = [4], sizes = [1], strides = [1]} : vector<16xf32> to vector<1xf32>
    %squeeze3A_908 = vector.extract %slice3A_907[0] : f32 from vector<1xf32>
    %add3A_909 = arith.addf %add3A_906, %squeeze3A_908 : f32
    %slice3A_910 = vector.extract_strided_slice %scan3A_729#3 {offsets = [5], sizes = [1], strides = [1]} : vector<16xf32> to vector<1xf32>
    %squeeze3A_911 = vector.extract %slice3A_910[0] : f32 from vector<1xf32>
    %add3A_912 = arith.addf %add3A_909, %squeeze3A_911 : f32
    %slice3A_913 = vector.extract_strided_slice %scan3A_729#3 {offsets = [6], sizes = [1], strides = [1]} : vector<16xf32> to vector<1xf32>
    %squeeze3A_914 = vector.extract %slice3A_913[0] : f32 from vector<1xf32>
    %add3A_915 = arith.addf %add3A_912, %squeeze3A_914 : f32
    %slice3A_916 = vector.extract_strided_slice %scan3A_729#3 {offsets = [7], sizes = [1], strides = [1]} : vector<16xf32> to vector<1xf32>
    %squeeze3A_917 = vector.extract %slice3A_916[0] : f32 from vector<1xf32>
    %add3A_918 = arith.addf %add3A_915, %squeeze3A_917 : f32
    %slice3A_919 = vector.extract_strided_slice %scan3A_729#3 {offsets = [8], sizes = [1], strides = [1]} : vector<16xf32> to vector<1xf32>
    %squeeze3A_920 = vector.extract %slice3A_919[0] : f32 from vector<1xf32>
    %add3A_921 = arith.addf %add3A_918, %squeeze3A_920 : f32
    %slice3A_922 = vector.extract_strided_slice %scan3A_729#3 {offsets = [9], sizes = [1], strides = [1]} : vector<16xf32> to vector<1xf32>
    %squeeze3A_923 = vector.extract %slice3A_922[0] : f32 from vector<1xf32>
    %add3A_924 = arith.addf %add3A_921, %squeeze3A_923 : f32
    %slice3A_925 = vector.extract_strided_slice %scan3A_729#3 {offsets = [10], sizes = [1], strides = [1]} : vector<16xf32> to vector<1xf32>
    %squeeze3A_926 = vector.extract %slice3A_925[0] : f32 from vector<1xf32>
    %add3A_927 = arith.addf %add3A_924, %squeeze3A_926 : f32
    %slice3A_928 = vector.extract_strided_slice %scan3A_729#3 {offsets = [11], sizes = [1], strides = [1]} : vector<16xf32> to vector<1xf32>
    %squeeze3A_929 = vector.extract %slice3A_928[0] : f32 from vector<1xf32>
    %add3A_930 = arith.addf %add3A_927, %squeeze3A_929 : f32
    %slice3A_931 = vector.extract_strided_slice %scan3A_729#3 {offsets = [12], sizes = [1], strides = [1]} : vector<16xf32> to vector<1xf32>
    %squeeze3A_932 = vector.extract %slice3A_931[0] : f32 from vector<1xf32>
    %add3A_933 = arith.addf %add3A_930, %squeeze3A_932 : f32
    %slice3A_934 = vector.extract_strided_slice %scan3A_729#3 {offsets = [13], sizes = [1], strides = [1]} : vector<16xf32> to vector<1xf32>
    %squeeze3A_935 = vector.extract %slice3A_934[0] : f32 from vector<1xf32>
    %add3A_936 = arith.addf %add3A_933, %squeeze3A_935 : f32
    %slice3A_937 = vector.extract_strided_slice %scan3A_729#3 {offsets = [14], sizes = [1], strides = [1]} : vector<16xf32> to vector<1xf32>
    %squeeze3A_938 = vector.extract %slice3A_937[0] : f32 from vector<1xf32>
    %add3A_939 = arith.addf %add3A_936, %squeeze3A_938 : f32
    %slice3A_940 = vector.extract_strided_slice %scan3A_729#3 {offsets = [15], sizes = [1], strides = [1]} : vector<16xf32> to vector<1xf32>
    %squeeze3A_941 = vector.extract %slice3A_940[0] : f32 from vector<1xf32>
    %add3A_942 = arith.addf %add3A_939, %squeeze3A_941 : f32
    %eq3A_943 = arith.constant 15 : i32
    %eq3A_944 = vector.broadcast %eq3A_943 : i32 to vector<16xi32>
    %eq3A_945 = arith.cmpi eq, %iota3A, %eq3A_944 : vector<16xi32>
    %broadcast_in_dim3A_946 = arith.constant 0.000000e+00 : f32
    %broadcast_in_dim3A_947 = vector.broadcast %broadcast_in_dim3A_946 : f32 to vector<16xf32>
    %add3A_948 = vector.broadcast %add3A_942 : f32 to vector<16xf32>
    %add3A_949 = arith.addf %broadcast_in_dim3A_947, %add3A_948 : vector<16xf32>
    %select_n3A_950 = arith.select %eq3A_945, %add3A_949, %select_n3A_895 : vector<16xi1>, vector<16xf32>
    %swap3A = arith.constant 0 : index
    %swap3A_951 = tpu.vector_load %arg7[%swap3A] {strides = array<i32>} : memref<32xf32, #tpu.memory_space<vmem>>, vector<16xf32>,
    %swap3A_952 = vector.shape_cast %swap3A_951 : vector<16xf32> to vector<16xf32>
    %swap3A_953 = vector.shape_cast %select_n3A_950 : vector<16xf32> to vector<16xf32>
    tpu.vector_store %arg7[%swap3A], %swap3A_953 {strides = array<i32>} : memref<32xf32, #tpu.memory_space<vmem>>, vector<16xf32>,
    %broadcast_in_dim3A_954 = arith.constant 0.000000e+00 : f32
    %broadcast_in_dim3A_955 = vector.broadcast %broadcast_in_dim3A_954 : f32 to vector<16xf32>
    %add3A_956 = arith.constant 16 : i32
    %add3A_957 = arith.addi %mul3A_2, %add3A_956 : i32
    %add3A_958 = arith.constant 0 : i32
    %add3A_959 = arith.addi %add3A_957, %add3A_958 : i32
    "tpu.region"() ({
      %run_scoped3A = tpu.sem_alloc : memref<!tpu.dma_semaphore, #tpu.memory_space<semaphore_mem>>
      %dma_start3A = arith.constant 0 : i32
      %dma_start3A_1912 = tpu.memref_slice %arg2[%add3A_959, %dma_start3A] : memref<16384x16384xf32, #tpu.memory_space<hbm>> -> memref<4x16384xf32, #tpu.memory_space<hbm>>
      %dma_start3A_1913 = arith.constant 0 : i32
      %dma_start3A_1914 = tpu.memref_slice %arg2[%add3A_959, %dma_start3A_1913] : memref<16384x16384xf32, #tpu.memory_space<hbm>> -> memref<4x16384xf32, #tpu.memory_space<hbm>>
      tpu.enqueue_dma source(%dma_start3A_1914 : memref<4x16384xf32, #tpu.memory_space<hbm>>) target(%arg6 : memref<4x16384xf32, #tpu.memory_space<vmem>>) target_semaphore(%run_scoped3A : memref<!tpu.dma_semaphore, #tpu.memory_space<semaphore_mem>>)
      %dma_wait3A = arith.constant 0 : i32
      %dma_wait3A_1915 = tpu.memref_slice %arg2[%add3A_959, %dma_wait3A] : memref<16384x16384xf32, #tpu.memory_space<hbm>> -> memref<4x16384xf32, #tpu.memory_space<hbm>>
      %dma_wait3A_1916 = arith.constant 0 : i32
      %dma_wait3A_1917 = tpu.memref_slice %arg2[%add3A_959, %dma_wait3A_1916] : memref<16384x16384xf32, #tpu.memory_space<hbm>> -> memref<4x16384xf32, #tpu.memory_space<hbm>>
      tpu.wait_dma2 semaphore(%run_scoped3A : memref<!tpu.dma_semaphore, #tpu.memory_space<semaphore_mem>>) src(%dma_wait3A_1917 : memref<4x16384xf32, #tpu.memory_space<hbm>>) dst(%arg6 : memref<4x16384xf32, #tpu.memory_space<vmem>>)
      tpu.yield
    }) : () -> ()
    %broadcast_in_dim3A_960 = arith.constant 0.000000e+00 : f32
    %broadcast_in_dim3A_961 = vector.broadcast %broadcast_in_dim3A_960 : f32 to vector<16xf32>
    %broadcast_in_dim3A_962 = arith.constant 0.000000e+00 : f32
    %broadcast_in_dim3A_963 = vector.broadcast %broadcast_in_dim3A_962 : f32 to vector<16xf32>
    %broadcast_in_dim3A_964 = arith.constant 0.000000e+00 : f32
    %broadcast_in_dim3A_965 = vector.broadcast %broadcast_in_dim3A_964 : f32 to vector<16xf32>
    %broadcast_in_dim3A_966 = arith.constant 0.000000e+00 : f32
    %broadcast_in_dim3A_967 = vector.broadcast %broadcast_in_dim3A_966 : f32 to vector<16xf32>
    %scan3A_968 = arith.constant 0 : i32
    %scan3A_969 = arith.constant 1024 : i32
    %scan3A_970 = arith.addi %scan3A_968, %scan3A_969 : i32
    %scan3A_971 = arith.constant 1 : i32
    %scan3A_972:4 = scf.for %scan3A_1912 = %scan3A_968 to %scan3A_970 step %scan3A_971 iter_args(%scan3A_1913 = %broadcast_in_dim3A_961, %scan3A_1914 = %broadcast_in_dim3A_963, %scan3A_1915 = %broadcast_in_dim3A_965, %scan3A_1916 = %broadcast_in_dim3A_967) -> (vector<16xf32>, vector<16xf32>, vector<16xf32>, vector<16xf32>)  : i32 {
      %mul3A_1917 = arith.constant 16 : i32
      %mul3A_1918 = arith.muli %scan3A_1912, %mul3A_1917 : i32
      %get3A = arith.index_cast %mul3A_1918 : i32 to index
      %get3A_1919 = tpu.vector_load %arg5[%get3A] {strides = array<i32>} : memref<16384xf32, #tpu.memory_space<vmem>>, vector<16xf32>,
      %get3A_1920 = vector.shape_cast %get3A_1919 : vector<16xf32> to vector<16xf32>
      %mul3A_1921 = arith.constant 16 : i32
      %mul3A_1922 = arith.muli %scan3A_1912, %mul3A_1921 : i32
      %get3A_1923 = arith.constant 0 : i32
      %get3A_1924 = arith.index_cast %get3A_1923 : i32 to index
      %get3A_1925 = arith.index_cast %mul3A_1922 : i32 to index
      %get3A_1926 = tpu.vector_load %arg6[%get3A_1924, %get3A_1925] {strides = array<i32>} : memref<4x16384xf32, #tpu.memory_space<vmem>>, vector<1x16xf32>,
      %get3A_1927 = vector.shape_cast %get3A_1926 : vector<1x16xf32> to vector<16xf32>
      %mul3A_1928 = arith.mulf %get3A_1927, %get3A_1920 : vector<16xf32>
      %add3A_1929 = arith.addf %scan3A_1913, %mul3A_1928 : vector<16xf32>
      %mul3A_1930 = arith.constant 16 : i32
      %mul3A_1931 = arith.muli %scan3A_1912, %mul3A_1930 : i32
      %get3A_1932 = arith.constant 1 : i32
      %get3A_1933 = arith.index_cast %get3A_1932 : i32 to index
      %get3A_1934 = arith.index_cast %mul3A_1931 : i32 to index
      %get3A_1935 = tpu.vector_load %arg6[%get3A_1933, %get3A_1934] {strides = array<i32>} : memref<4x16384xf32, #tpu.memory_space<vmem>>, vector<1x16xf32>,
      %get3A_1936 = vector.shape_cast %get3A_1935 : vector<1x16xf32> to vector<16xf32>
      %mul3A_1937 = arith.mulf %get3A_1936, %get3A_1920 : vector<16xf32>
      %add3A_1938 = arith.addf %scan3A_1914, %mul3A_1937 : vector<16xf32>
      %mul3A_1939 = arith.constant 16 : i32
      %mul3A_1940 = arith.muli %scan3A_1912, %mul3A_1939 : i32
      %get3A_1941 = arith.constant 2 : i32
      %get3A_1942 = arith.index_cast %get3A_1941 : i32 to index
      %get3A_1943 = arith.index_cast %mul3A_1940 : i32 to index
      %get3A_1944 = tpu.vector_load %arg6[%get3A_1942, %get3A_1943] {strides = array<i32>} : memref<4x16384xf32, #tpu.memory_space<vmem>>, vector<1x16xf32>,
      %get3A_1945 = vector.shape_cast %get3A_1944 : vector<1x16xf32> to vector<16xf32>
      %mul3A_1946 = arith.mulf %get3A_1945, %get3A_1920 : vector<16xf32>
      %add3A_1947 = arith.addf %scan3A_1915, %mul3A_1946 : vector<16xf32>
      %mul3A_1948 = arith.constant 16 : i32
      %mul3A_1949 = arith.muli %scan3A_1912, %mul3A_1948 : i32
      %get3A_1950 = arith.constant 3 : i32
      %get3A_1951 = arith.index_cast %get3A_1950 : i32 to index
      %get3A_1952 = arith.index_cast %mul3A_1949 : i32 to index
      %get3A_1953 = tpu.vector_load %arg6[%get3A_1951, %get3A_1952] {strides = array<i32>} : memref<4x16384xf32, #tpu.memory_space<vmem>>, vector<1x16xf32>,
      %get3A_1954 = vector.shape_cast %get3A_1953 : vector<1x16xf32> to vector<16xf32>
      %mul3A_1955 = arith.mulf %get3A_1954, %get3A_1920 : vector<16xf32>
      %add3A_1956 = arith.addf %scan3A_1916, %mul3A_1955 : vector<16xf32>
      scf.yield %add3A_1929, %add3A_1938, %add3A_1947, %add3A_1956 : vector<16xf32>, vector<16xf32>, vector<16xf32>, vector<16xf32>
    }
    %scan3A_973 = arith.constant 1024 : i32
    %slice3A_974 = vector.extract_strided_slice %scan3A_972#0 {offsets = [0], sizes = [1], strides = [1]} : vector<16xf32> to vector<1xf32>
    %squeeze3A_975 = vector.extract %slice3A_974[0] : f32 from vector<1xf32>
    %slice3A_976 = vector.extract_strided_slice %scan3A_972#0 {offsets = [1], sizes = [1], strides = [1]} : vector<16xf32> to vector<1xf32>
    %squeeze3A_977 = vector.extract %slice3A_976[0] : f32 from vector<1xf32>
    %add3A_978 = arith.addf %squeeze3A_975, %squeeze3A_977 : f32
    %slice3A_979 = vector.extract_strided_slice %scan3A_972#0 {offsets = [2], sizes = [1], strides = [1]} : vector<16xf32> to vector<1xf32>
    %squeeze3A_980 = vector.extract %slice3A_979[0] : f32 from vector<1xf32>
    %add3A_981 = arith.addf %add3A_978, %squeeze3A_980 : f32
    %slice3A_982 = vector.extract_strided_slice %scan3A_972#0 {offsets = [3], sizes = [1], strides = [1]} : vector<16xf32> to vector<1xf32>
    %squeeze3A_983 = vector.extract %slice3A_982[0] : f32 from vector<1xf32>
    %add3A_984 = arith.addf %add3A_981, %squeeze3A_983 : f32
    %slice3A_985 = vector.extract_strided_slice %scan3A_972#0 {offsets = [4], sizes = [1], strides = [1]} : vector<16xf32> to vector<1xf32>
    %squeeze3A_986 = vector.extract %slice3A_985[0] : f32 from vector<1xf32>
    %add3A_987 = arith.addf %add3A_984, %squeeze3A_986 : f32
    %slice3A_988 = vector.extract_strided_slice %scan3A_972#0 {offsets = [5], sizes = [1], strides = [1]} : vector<16xf32> to vector<1xf32>
    %squeeze3A_989 = vector.extract %slice3A_988[0] : f32 from vector<1xf32>
    %add3A_990 = arith.addf %add3A_987, %squeeze3A_989 : f32
    %slice3A_991 = vector.extract_strided_slice %scan3A_972#0 {offsets = [6], sizes = [1], strides = [1]} : vector<16xf32> to vector<1xf32>
    %squeeze3A_992 = vector.extract %slice3A_991[0] : f32 from vector<1xf32>
    %add3A_993 = arith.addf %add3A_990, %squeeze3A_992 : f32
    %slice3A_994 = vector.extract_strided_slice %scan3A_972#0 {offsets = [7], sizes = [1], strides = [1]} : vector<16xf32> to vector<1xf32>
    %squeeze3A_995 = vector.extract %slice3A_994[0] : f32 from vector<1xf32>
    %add3A_996 = arith.addf %add3A_993, %squeeze3A_995 : f32
    %slice3A_997 = vector.extract_strided_slice %scan3A_972#0 {offsets = [8], sizes = [1], strides = [1]} : vector<16xf32> to vector<1xf32>
    %squeeze3A_998 = vector.extract %slice3A_997[0] : f32 from vector<1xf32>
    %add3A_999 = arith.addf %add3A_996, %squeeze3A_998 : f32
    %slice3A_1000 = vector.extract_strided_slice %scan3A_972#0 {offsets = [9], sizes = [1], strides = [1]} : vector<16xf32> to vector<1xf32>
    %squeeze3A_1001 = vector.extract %slice3A_1000[0] : f32 from vector<1xf32>
    %add3A_1002 = arith.addf %add3A_999, %squeeze3A_1001 : f32
    %slice3A_1003 = vector.extract_strided_slice %scan3A_972#0 {offsets = [10], sizes = [1], strides = [1]} : vector<16xf32> to vector<1xf32>
    %squeeze3A_1004 = vector.extract %slice3A_1003[0] : f32 from vector<1xf32>
    %add3A_1005 = arith.addf %add3A_1002, %squeeze3A_1004 : f32
    %slice3A_1006 = vector.extract_strided_slice %scan3A_972#0 {offsets = [11], sizes = [1], strides = [1]} : vector<16xf32> to vector<1xf32>
    %squeeze3A_1007 = vector.extract %slice3A_1006[0] : f32 from vector<1xf32>
    %add3A_1008 = arith.addf %add3A_1005, %squeeze3A_1007 : f32
    %slice3A_1009 = vector.extract_strided_slice %scan3A_972#0 {offsets = [12], sizes = [1], strides = [1]} : vector<16xf32> to vector<1xf32>
    %squeeze3A_1010 = vector.extract %slice3A_1009[0] : f32 from vector<1xf32>
    %add3A_1011 = arith.addf %add3A_1008, %squeeze3A_1010 : f32
    %slice3A_1012 = vector.extract_strided_slice %scan3A_972#0 {offsets = [13], sizes = [1], strides = [1]} : vector<16xf32> to vector<1xf32>
    %squeeze3A_1013 = vector.extract %slice3A_1012[0] : f32 from vector<1xf32>
    %add3A_1014 = arith.addf %add3A_1011, %squeeze3A_1013 : f32
    %slice3A_1015 = vector.extract_strided_slice %scan3A_972#0 {offsets = [14], sizes = [1], strides = [1]} : vector<16xf32> to vector<1xf32>
    %squeeze3A_1016 = vector.extract %slice3A_1015[0] : f32 from vector<1xf32>
    %add3A_1017 = arith.addf %add3A_1014, %squeeze3A_1016 : f32
    %slice3A_1018 = vector.extract_strided_slice %scan3A_972#0 {offsets = [15], sizes = [1], strides = [1]} : vector<16xf32> to vector<1xf32>
    %squeeze3A_1019 = vector.extract %slice3A_1018[0] : f32 from vector<1xf32>
    %add3A_1020 = arith.addf %add3A_1017, %squeeze3A_1019 : f32
    %eq3A_1021 = arith.constant 0 : i32
    %eq3A_1022 = vector.broadcast %eq3A_1021 : i32 to vector<16xi32>
    %eq3A_1023 = arith.cmpi eq, %iota3A, %eq3A_1022 : vector<16xi32>
    %broadcast_in_dim3A_1024 = arith.constant 0.000000e+00 : f32
    %broadcast_in_dim3A_1025 = vector.broadcast %broadcast_in_dim3A_1024 : f32 to vector<16xf32>
    %add3A_1026 = vector.broadcast %add3A_1020 : f32 to vector<16xf32>
    %add3A_1027 = arith.addf %broadcast_in_dim3A_1025, %add3A_1026 : vector<16xf32>
    %select_n3A_1028 = arith.select %eq3A_1023, %add3A_1027, %broadcast_in_dim3A_955 : vector<16xi1>, vector<16xf32>
    %slice3A_1029 = vector.extract_strided_slice %scan3A_972#1 {offsets = [0], sizes = [1], strides = [1]} : vector<16xf32> to vector<1xf32>
    %squeeze3A_1030 = vector.extract %slice3A_1029[0] : f32 from vector<1xf32>
    %slice3A_1031 = vector.extract_strided_slice %scan3A_972#1 {offsets = [1], sizes = [1], strides = [1]} : vector<16xf32> to vector<1xf32>
    %squeeze3A_1032 = vector.extract %slice3A_1031[0] : f32 from vector<1xf32>
    %add3A_1033 = arith.addf %squeeze3A_1030, %squeeze3A_1032 : f32
    %slice3A_1034 = vector.extract_strided_slice %scan3A_972#1 {offsets = [2], sizes = [1], strides = [1]} : vector<16xf32> to vector<1xf32>
    %squeeze3A_1035 = vector.extract %slice3A_1034[0] : f32 from vector<1xf32>
    %add3A_1036 = arith.addf %add3A_1033, %squeeze3A_1035 : f32
    %slice3A_1037 = vector.extract_strided_slice %scan3A_972#1 {offsets = [3], sizes = [1], strides = [1]} : vector<16xf32> to vector<1xf32>
    %squeeze3A_1038 = vector.extract %slice3A_1037[0] : f32 from vector<1xf32>
    %add3A_1039 = arith.addf %add3A_1036, %squeeze3A_1038 : f32
    %slice3A_1040 = vector.extract_strided_slice %scan3A_972#1 {offsets = [4], sizes = [1], strides = [1]} : vector<16xf32> to vector<1xf32>
    %squeeze3A_1041 = vector.extract %slice3A_1040[0] : f32 from vector<1xf32>
    %add3A_1042 = arith.addf %add3A_1039, %squeeze3A_1041 : f32
    %slice3A_1043 = vector.extract_strided_slice %scan3A_972#1 {offsets = [5], sizes = [1], strides = [1]} : vector<16xf32> to vector<1xf32>
    %squeeze3A_1044 = vector.extract %slice3A_1043[0] : f32 from vector<1xf32>
    %add3A_1045 = arith.addf %add3A_1042, %squeeze3A_1044 : f32
    %slice3A_1046 = vector.extract_strided_slice %scan3A_972#1 {offsets = [6], sizes = [1], strides = [1]} : vector<16xf32> to vector<1xf32>
    %squeeze3A_1047 = vector.extract %slice3A_1046[0] : f32 from vector<1xf32>
    %add3A_1048 = arith.addf %add3A_1045, %squeeze3A_1047 : f32
    %slice3A_1049 = vector.extract_strided_slice %scan3A_972#1 {offsets = [7], sizes = [1], strides = [1]} : vector<16xf32> to vector<1xf32>
    %squeeze3A_1050 = vector.extract %slice3A_1049[0] : f32 from vector<1xf32>
    %add3A_1051 = arith.addf %add3A_1048, %squeeze3A_1050 : f32
    %slice3A_1052 = vector.extract_strided_slice %scan3A_972#1 {offsets = [8], sizes = [1], strides = [1]} : vector<16xf32> to vector<1xf32>
    %squeeze3A_1053 = vector.extract %slice3A_1052[0] : f32 from vector<1xf32>
    %add3A_1054 = arith.addf %add3A_1051, %squeeze3A_1053 : f32
    %slice3A_1055 = vector.extract_strided_slice %scan3A_972#1 {offsets = [9], sizes = [1], strides = [1]} : vector<16xf32> to vector<1xf32>
    %squeeze3A_1056 = vector.extract %slice3A_1055[0] : f32 from vector<1xf32>
    %add3A_1057 = arith.addf %add3A_1054, %squeeze3A_1056 : f32
    %slice3A_1058 = vector.extract_strided_slice %scan3A_972#1 {offsets = [10], sizes = [1], strides = [1]} : vector<16xf32> to vector<1xf32>
    %squeeze3A_1059 = vector.extract %slice3A_1058[0] : f32 from vector<1xf32>
    %add3A_1060 = arith.addf %add3A_1057, %squeeze3A_1059 : f32
    %slice3A_1061 = vector.extract_strided_slice %scan3A_972#1 {offsets = [11], sizes = [1], strides = [1]} : vector<16xf32> to vector<1xf32>
    %squeeze3A_1062 = vector.extract %slice3A_1061[0] : f32 from vector<1xf32>
    %add3A_1063 = arith.addf %add3A_1060, %squeeze3A_1062 : f32
    %slice3A_1064 = vector.extract_strided_slice %scan3A_972#1 {offsets = [12], sizes = [1], strides = [1]} : vector<16xf32> to vector<1xf32>
    %squeeze3A_1065 = vector.extract %slice3A_1064[0] : f32 from vector<1xf32>
    %add3A_1066 = arith.addf %add3A_1063, %squeeze3A_1065 : f32
    %slice3A_1067 = vector.extract_strided_slice %scan3A_972#1 {offsets = [13], sizes = [1], strides = [1]} : vector<16xf32> to vector<1xf32>
    %squeeze3A_1068 = vector.extract %slice3A_1067[0] : f32 from vector<1xf32>
    %add3A_1069 = arith.addf %add3A_1066, %squeeze3A_1068 : f32
    %slice3A_1070 = vector.extract_strided_slice %scan3A_972#1 {offsets = [14], sizes = [1], strides = [1]} : vector<16xf32> to vector<1xf32>
    %squeeze3A_1071 = vector.extract %slice3A_1070[0] : f32 from vector<1xf32>
    %add3A_1072 = arith.addf %add3A_1069, %squeeze3A_1071 : f32
    %slice3A_1073 = vector.extract_strided_slice %scan3A_972#1 {offsets = [15], sizes = [1], strides = [1]} : vector<16xf32> to vector<1xf32>
    %squeeze3A_1074 = vector.extract %slice3A_1073[0] : f32 from vector<1xf32>
    %add3A_1075 = arith.addf %add3A_1072, %squeeze3A_1074 : f32
    %eq3A_1076 = arith.constant 1 : i32
    %eq3A_1077 = vector.broadcast %eq3A_1076 : i32 to vector<16xi32>
    %eq3A_1078 = arith.cmpi eq, %iota3A, %eq3A_1077 : vector<16xi32>
    %broadcast_in_dim3A_1079 = arith.constant 0.000000e+00 : f32
    %broadcast_in_dim3A_1080 = vector.broadcast %broadcast_in_dim3A_1079 : f32 to vector<16xf32>
    %add3A_1081 = vector.broadcast %add3A_1075 : f32 to vector<16xf32>
    %add3A_1082 = arith.addf %broadcast_in_dim3A_1080, %add3A_1081 : vector<16xf32>
    %select_n3A_1083 = arith.select %eq3A_1078, %add3A_1082, %select_n3A_1028 : vector<16xi1>, vector<16xf32>
    %slice3A_1084 = vector.extract_strided_slice %scan3A_972#2 {offsets = [0], sizes = [1], strides = [1]} : vector<16xf32> to vector<1xf32>
    %squeeze3A_1085 = vector.extract %slice3A_1084[0] : f32 from vector<1xf32>
    %slice3A_1086 = vector.extract_strided_slice %scan3A_972#2 {offsets = [1], sizes = [1], strides = [1]} : vector<16xf32> to vector<1xf32>
    %squeeze3A_1087 = vector.extract %slice3A_1086[0] : f32 from vector<1xf32>
    %add3A_1088 = arith.addf %squeeze3A_1085, %squeeze3A_1087 : f32
    %slice3A_1089 = vector.extract_strided_slice %scan3A_972#2 {offsets = [2], sizes = [1], strides = [1]} : vector<16xf32> to vector<1xf32>
    %squeeze3A_1090 = vector.extract %slice3A_1089[0] : f32 from vector<1xf32>
    %add3A_1091 = arith.addf %add3A_1088, %squeeze3A_1090 : f32
    %slice3A_1092 = vector.extract_strided_slice %scan3A_972#2 {offsets = [3], sizes = [1], strides = [1]} : vector<16xf32> to vector<1xf32>
    %squeeze3A_1093 = vector.extract %slice3A_1092[0] : f32 from vector<1xf32>
    %add3A_1094 = arith.addf %add3A_1091, %squeeze3A_1093 : f32
    %slice3A_1095 = vector.extract_strided_slice %scan3A_972#2 {offsets = [4], sizes = [1], strides = [1]} : vector<16xf32> to vector<1xf32>
    %squeeze3A_1096 = vector.extract %slice3A_1095[0] : f32 from vector<1xf32>
    %add3A_1097 = arith.addf %add3A_1094, %squeeze3A_1096 : f32
    %slice3A_1098 = vector.extract_strided_slice %scan3A_972#2 {offsets = [5], sizes = [1], strides = [1]} : vector<16xf32> to vector<1xf32>
    %squeeze3A_1099 = vector.extract %slice3A_1098[0] : f32 from vector<1xf32>
    %add3A_1100 = arith.addf %add3A_1097, %squeeze3A_1099 : f32
    %slice3A_1101 = vector.extract_strided_slice %scan3A_972#2 {offsets = [6], sizes = [1], strides = [1]} : vector<16xf32> to vector<1xf32>
    %squeeze3A_1102 = vector.extract %slice3A_1101[0] : f32 from vector<1xf32>
    %add3A_1103 = arith.addf %add3A_1100, %squeeze3A_1102 : f32
    %slice3A_1104 = vector.extract_strided_slice %scan3A_972#2 {offsets = [7], sizes = [1], strides = [1]} : vector<16xf32> to vector<1xf32>
    %squeeze3A_1105 = vector.extract %slice3A_1104[0] : f32 from vector<1xf32>
    %add3A_1106 = arith.addf %add3A_1103, %squeeze3A_1105 : f32
    %slice3A_1107 = vector.extract_strided_slice %scan3A_972#2 {offsets = [8], sizes = [1], strides = [1]} : vector<16xf32> to vector<1xf32>
    %squeeze3A_1108 = vector.extract %slice3A_1107[0] : f32 from vector<1xf32>
    %add3A_1109 = arith.addf %add3A_1106, %squeeze3A_1108 : f32
    %slice3A_1110 = vector.extract_strided_slice %scan3A_972#2 {offsets = [9], sizes = [1], strides = [1]} : vector<16xf32> to vector<1xf32>
    %squeeze3A_1111 = vector.extract %slice3A_1110[0] : f32 from vector<1xf32>
    %add3A_1112 = arith.addf %add3A_1109, %squeeze3A_1111 : f32
    %slice3A_1113 = vector.extract_strided_slice %scan3A_972#2 {offsets = [10], sizes = [1], strides = [1]} : vector<16xf32> to vector<1xf32>
    %squeeze3A_1114 = vector.extract %slice3A_1113[0] : f32 from vector<1xf32>
    %add3A_1115 = arith.addf %add3A_1112, %squeeze3A_1114 : f32
    %slice3A_1116 = vector.extract_strided_slice %scan3A_972#2 {offsets = [11], sizes = [1], strides = [1]} : vector<16xf32> to vector<1xf32>
    %squeeze3A_1117 = vector.extract %slice3A_1116[0] : f32 from vector<1xf32>
    %add3A_1118 = arith.addf %add3A_1115, %squeeze3A_1117 : f32
    %slice3A_1119 = vector.extract_strided_slice %scan3A_972#2 {offsets = [12], sizes = [1], strides = [1]} : vector<16xf32> to vector<1xf32>
    %squeeze3A_1120 = vector.extract %slice3A_1119[0] : f32 from vector<1xf32>
    %add3A_1121 = arith.addf %add3A_1118, %squeeze3A_1120 : f32
    %slice3A_1122 = vector.extract_strided_slice %scan3A_972#2 {offsets = [13], sizes = [1], strides = [1]} : vector<16xf32> to vector<1xf32>
    %squeeze3A_1123 = vector.extract %slice3A_1122[0] : f32 from vector<1xf32>
    %add3A_1124 = arith.addf %add3A_1121, %squeeze3A_1123 : f32
    %slice3A_1125 = vector.extract_strided_slice %scan3A_972#2 {offsets = [14], sizes = [1], strides = [1]} : vector<16xf32> to vector<1xf32>
    %squeeze3A_1126 = vector.extract %slice3A_1125[0] : f32 from vector<1xf32>
    %add3A_1127 = arith.addf %add3A_1124, %squeeze3A_1126 : f32
    %slice3A_1128 = vector.extract_strided_slice %scan3A_972#2 {offsets = [15], sizes = [1], strides = [1]} : vector<16xf32> to vector<1xf32>
    %squeeze3A_1129 = vector.extract %slice3A_1128[0] : f32 from vector<1xf32>
    %add3A_1130 = arith.addf %add3A_1127, %squeeze3A_1129 : f32
    %eq3A_1131 = arith.constant 2 : i32
    %eq3A_1132 = vector.broadcast %eq3A_1131 : i32 to vector<16xi32>
    %eq3A_1133 = arith.cmpi eq, %iota3A, %eq3A_1132 : vector<16xi32>
    %broadcast_in_dim3A_1134 = arith.constant 0.000000e+00 : f32
    %broadcast_in_dim3A_1135 = vector.broadcast %broadcast_in_dim3A_1134 : f32 to vector<16xf32>
    %add3A_1136 = vector.broadcast %add3A_1130 : f32 to vector<16xf32>
    %add3A_1137 = arith.addf %broadcast_in_dim3A_1135, %add3A_1136 : vector<16xf32>
    %select_n3A_1138 = arith.select %eq3A_1133, %add3A_1137, %select_n3A_1083 : vector<16xi1>, vector<16xf32>
    %slice3A_1139 = vector.extract_strided_slice %scan3A_972#3 {offsets = [0], sizes = [1], strides = [1]} : vector<16xf32> to vector<1xf32>
    %squeeze3A_1140 = vector.extract %slice3A_1139[0] : f32 from vector<1xf32>
    %slice3A_1141 = vector.extract_strided_slice %scan3A_972#3 {offsets = [1], sizes = [1], strides = [1]} : vector<16xf32> to vector<1xf32>
    %squeeze3A_1142 = vector.extract %slice3A_1141[0] : f32 from vector<1xf32>
    %add3A_1143 = arith.addf %squeeze3A_1140, %squeeze3A_1142 : f32
    %slice3A_1144 = vector.extract_strided_slice %scan3A_972#3 {offsets = [2], sizes = [1], strides = [1]} : vector<16xf32> to vector<1xf32>
    %squeeze3A_1145 = vector.extract %slice3A_1144[0] : f32 from vector<1xf32>
    %add3A_1146 = arith.addf %add3A_1143, %squeeze3A_1145 : f32
    %slice3A_1147 = vector.extract_strided_slice %scan3A_972#3 {offsets = [3], sizes = [1], strides = [1]} : vector<16xf32> to vector<1xf32>
    %squeeze3A_1148 = vector.extract %slice3A_1147[0] : f32 from vector<1xf32>
    %add3A_1149 = arith.addf %add3A_1146, %squeeze3A_1148 : f32
    %slice3A_1150 = vector.extract_strided_slice %scan3A_972#3 {offsets = [4], sizes = [1], strides = [1]} : vector<16xf32> to vector<1xf32>
    %squeeze3A_1151 = vector.extract %slice3A_1150[0] : f32 from vector<1xf32>
    %add3A_1152 = arith.addf %add3A_1149, %squeeze3A_1151 : f32
    %slice3A_1153 = vector.extract_strided_slice %scan3A_972#3 {offsets = [5], sizes = [1], strides = [1]} : vector<16xf32> to vector<1xf32>
    %squeeze3A_1154 = vector.extract %slice3A_1153[0] : f32 from vector<1xf32>
    %add3A_1155 = arith.addf %add3A_1152, %squeeze3A_1154 : f32
    %slice3A_1156 = vector.extract_strided_slice %scan3A_972#3 {offsets = [6], sizes = [1], strides = [1]} : vector<16xf32> to vector<1xf32>
    %squeeze3A_1157 = vector.extract %slice3A_1156[0] : f32 from vector<1xf32>
    %add3A_1158 = arith.addf %add3A_1155, %squeeze3A_1157 : f32
    %slice3A_1159 = vector.extract_strided_slice %scan3A_972#3 {offsets = [7], sizes = [1], strides = [1]} : vector<16xf32> to vector<1xf32>
    %squeeze3A_1160 = vector.extract %slice3A_1159[0] : f32 from vector<1xf32>
    %add3A_1161 = arith.addf %add3A_1158, %squeeze3A_1160 : f32
    %slice3A_1162 = vector.extract_strided_slice %scan3A_972#3 {offsets = [8], sizes = [1], strides = [1]} : vector<16xf32> to vector<1xf32>
    %squeeze3A_1163 = vector.extract %slice3A_1162[0] : f32 from vector<1xf32>
    %add3A_1164 = arith.addf %add3A_1161, %squeeze3A_1163 : f32
    %slice3A_1165 = vector.extract_strided_slice %scan3A_972#3 {offsets = [9], sizes = [1], strides = [1]} : vector<16xf32> to vector<1xf32>
    %squeeze3A_1166 = vector.extract %slice3A_1165[0] : f32 from vector<1xf32>
    %add3A_1167 = arith.addf %add3A_1164, %squeeze3A_1166 : f32
    %slice3A_1168 = vector.extract_strided_slice %scan3A_972#3 {offsets = [10], sizes = [1], strides = [1]} : vector<16xf32> to vector<1xf32>
    %squeeze3A_1169 = vector.extract %slice3A_1168[0] : f32 from vector<1xf32>
    %add3A_1170 = arith.addf %add3A_1167, %squeeze3A_1169 : f32
    %slice3A_1171 = vector.extract_strided_slice %scan3A_972#3 {offsets = [11], sizes = [1], strides = [1]} : vector<16xf32> to vector<1xf32>
    %squeeze3A_1172 = vector.extract %slice3A_1171[0] : f32 from vector<1xf32>
    %add3A_1173 = arith.addf %add3A_1170, %squeeze3A_1172 : f32
    %slice3A_1174 = vector.extract_strided_slice %scan3A_972#3 {offsets = [12], sizes = [1], strides = [1]} : vector<16xf32> to vector<1xf32>
    %squeeze3A_1175 = vector.extract %slice3A_1174[0] : f32 from vector<1xf32>
    %add3A_1176 = arith.addf %add3A_1173, %squeeze3A_1175 : f32
    %slice3A_1177 = vector.extract_strided_slice %scan3A_972#3 {offsets = [13], sizes = [1], strides = [1]} : vector<16xf32> to vector<1xf32>
    %squeeze3A_1178 = vector.extract %slice3A_1177[0] : f32 from vector<1xf32>
    %add3A_1179 = arith.addf %add3A_1176, %squeeze3A_1178 : f32
    %slice3A_1180 = vector.extract_strided_slice %scan3A_972#3 {offsets = [14], sizes = [1], strides = [1]} : vector<16xf32> to vector<1xf32>
    %squeeze3A_1181 = vector.extract %slice3A_1180[0] : f32 from vector<1xf32>
    %add3A_1182 = arith.addf %add3A_1179, %squeeze3A_1181 : f32
    %slice3A_1183 = vector.extract_strided_slice %scan3A_972#3 {offsets = [15], sizes = [1], strides = [1]} : vector<16xf32> to vector<1xf32>
    %squeeze3A_1184 = vector.extract %slice3A_1183[0] : f32 from vector<1xf32>
    %add3A_1185 = arith.addf %add3A_1182, %squeeze3A_1184 : f32
    %eq3A_1186 = arith.constant 3 : i32
    %eq3A_1187 = vector.broadcast %eq3A_1186 : i32 to vector<16xi32>
    %eq3A_1188 = arith.cmpi eq, %iota3A, %eq3A_1187 : vector<16xi32>
    %broadcast_in_dim3A_1189 = arith.constant 0.000000e+00 : f32
    %broadcast_in_dim3A_1190 = vector.broadcast %broadcast_in_dim3A_1189 : f32 to vector<16xf32>
    %add3A_1191 = vector.broadcast %add3A_1185 : f32 to vector<16xf32>
    %add3A_1192 = arith.addf %broadcast_in_dim3A_1190, %add3A_1191 : vector<16xf32>
    %select_n3A_1193 = arith.select %eq3A_1188, %add3A_1192, %select_n3A_1138 : vector<16xi1>, vector<16xf32>
    %add3A_1194 = arith.constant 16 : i32
    %add3A_1195 = arith.addi %mul3A_2, %add3A_1194 : i32
    %add3A_1196 = arith.constant 4 : i32
    %add3A_1197 = arith.addi %add3A_1195, %add3A_1196 : i32
    "tpu.region"() ({
      %run_scoped3A = tpu.sem_alloc : memref<!tpu.dma_semaphore, #tpu.memory_space<semaphore_mem>>
      %dma_start3A = arith.constant 0 : i32
      %dma_start3A_1912 = tpu.memref_slice %arg2[%add3A_1197, %dma_start3A] : memref<16384x16384xf32, #tpu.memory_space<hbm>> -> memref<4x16384xf32, #tpu.memory_space<hbm>>
      %dma_start3A_1913 = arith.constant 0 : i32
      %dma_start3A_1914 = tpu.memref_slice %arg2[%add3A_1197, %dma_start3A_1913] : memref<16384x16384xf32, #tpu.memory_space<hbm>> -> memref<4x16384xf32, #tpu.memory_space<hbm>>
      tpu.enqueue_dma source(%dma_start3A_1914 : memref<4x16384xf32, #tpu.memory_space<hbm>>) target(%arg6 : memref<4x16384xf32, #tpu.memory_space<vmem>>) target_semaphore(%run_scoped3A : memref<!tpu.dma_semaphore, #tpu.memory_space<semaphore_mem>>)
      %dma_wait3A = arith.constant 0 : i32
      %dma_wait3A_1915 = tpu.memref_slice %arg2[%add3A_1197, %dma_wait3A] : memref<16384x16384xf32, #tpu.memory_space<hbm>> -> memref<4x16384xf32, #tpu.memory_space<hbm>>
      %dma_wait3A_1916 = arith.constant 0 : i32
      %dma_wait3A_1917 = tpu.memref_slice %arg2[%add3A_1197, %dma_wait3A_1916] : memref<16384x16384xf32, #tpu.memory_space<hbm>> -> memref<4x16384xf32, #tpu.memory_space<hbm>>
      tpu.wait_dma2 semaphore(%run_scoped3A : memref<!tpu.dma_semaphore, #tpu.memory_space<semaphore_mem>>) src(%dma_wait3A_1917 : memref<4x16384xf32, #tpu.memory_space<hbm>>) dst(%arg6 : memref<4x16384xf32, #tpu.memory_space<vmem>>)
      tpu.yield
    }) : () -> ()
    %broadcast_in_dim3A_1198 = arith.constant 0.000000e+00 : f32
    %broadcast_in_dim3A_1199 = vector.broadcast %broadcast_in_dim3A_1198 : f32 to vector<16xf32>
    %broadcast_in_dim3A_1200 = arith.constant 0.000000e+00 : f32
    %broadcast_in_dim3A_1201 = vector.broadcast %broadcast_in_dim3A_1200 : f32 to vector<16xf32>
    %broadcast_in_dim3A_1202 = arith.constant 0.000000e+00 : f32
    %broadcast_in_dim3A_1203 = vector.broadcast %broadcast_in_dim3A_1202 : f32 to vector<16xf32>
    %broadcast_in_dim3A_1204 = arith.constant 0.000000e+00 : f32
    %broadcast_in_dim3A_1205 = vector.broadcast %broadcast_in_dim3A_1204 : f32 to vector<16xf32>
    %scan3A_1206 = arith.constant 0 : i32
    %scan3A_1207 = arith.constant 1024 : i32
    %scan3A_1208 = arith.addi %scan3A_1206, %scan3A_1207 : i32
    %scan3A_1209 = arith.constant 1 : i32
    %scan3A_1210:4 = scf.for %scan3A_1912 = %scan3A_1206 to %scan3A_1208 step %scan3A_1209 iter_args(%scan3A_1913 = %broadcast_in_dim3A_1199, %scan3A_1914 = %broadcast_in_dim3A_1201, %scan3A_1915 = %broadcast_in_dim3A_1203, %scan3A_1916 = %broadcast_in_dim3A_1205) -> (vector<16xf32>, vector<16xf32>, vector<16xf32>, vector<16xf32>)  : i32 {
      %mul3A_1917 = arith.constant 16 : i32
      %mul3A_1918 = arith.muli %scan3A_1912, %mul3A_1917 : i32
      %get3A = arith.index_cast %mul3A_1918 : i32 to index
      %get3A_1919 = tpu.vector_load %arg5[%get3A] {strides = array<i32>} : memref<16384xf32, #tpu.memory_space<vmem>>, vector<16xf32>,
      %get3A_1920 = vector.shape_cast %get3A_1919 : vector<16xf32> to vector<16xf32>
      %mul3A_1921 = arith.constant 16 : i32
      %mul3A_1922 = arith.muli %scan3A_1912, %mul3A_1921 : i32
      %get3A_1923 = arith.constant 0 : i32
      %get3A_1924 = arith.index_cast %get3A_1923 : i32 to index
      %get3A_1925 = arith.index_cast %mul3A_1922 : i32 to index
      %get3A_1926 = tpu.vector_load %arg6[%get3A_1924, %get3A_1925] {strides = array<i32>} : memref<4x16384xf32, #tpu.memory_space<vmem>>, vector<1x16xf32>,
      %get3A_1927 = vector.shape_cast %get3A_1926 : vector<1x16xf32> to vector<16xf32>
      %mul3A_1928 = arith.mulf %get3A_1927, %get3A_1920 : vector<16xf32>
      %add3A_1929 = arith.addf %scan3A_1913, %mul3A_1928 : vector<16xf32>
      %mul3A_1930 = arith.constant 16 : i32
      %mul3A_1931 = arith.muli %scan3A_1912, %mul3A_1930 : i32
      %get3A_1932 = arith.constant 1 : i32
      %get3A_1933 = arith.index_cast %get3A_1932 : i32 to index
      %get3A_1934 = arith.index_cast %mul3A_1931 : i32 to index
      %get3A_1935 = tpu.vector_load %arg6[%get3A_1933, %get3A_1934] {strides = array<i32>} : memref<4x16384xf32, #tpu.memory_space<vmem>>, vector<1x16xf32>,
      %get3A_1936 = vector.shape_cast %get3A_1935 : vector<1x16xf32> to vector<16xf32>
      %mul3A_1937 = arith.mulf %get3A_1936, %get3A_1920 : vector<16xf32>
      %add3A_1938 = arith.addf %scan3A_1914, %mul3A_1937 : vector<16xf32>
      %mul3A_1939 = arith.constant 16 : i32
      %mul3A_1940 = arith.muli %scan3A_1912, %mul3A_1939 : i32
      %get3A_1941 = arith.constant 2 : i32
      %get3A_1942 = arith.index_cast %get3A_1941 : i32 to index
      %get3A_1943 = arith.index_cast %mul3A_1940 : i32 to index
      %get3A_1944 = tpu.vector_load %arg6[%get3A_1942, %get3A_1943] {strides = array<i32>} : memref<4x16384xf32, #tpu.memory_space<vmem>>, vector<1x16xf32>,
      %get3A_1945 = vector.shape_cast %get3A_1944 : vector<1x16xf32> to vector<16xf32>
      %mul3A_1946 = arith.mulf %get3A_1945, %get3A_1920 : vector<16xf32>
      %add3A_1947 = arith.addf %scan3A_1915, %mul3A_1946 : vector<16xf32>
      %mul3A_1948 = arith.constant 16 : i32
      %mul3A_1949 = arith.muli %scan3A_1912, %mul3A_1948 : i32
      %get3A_1950 = arith.constant 3 : i32
      %get3A_1951 = arith.index_cast %get3A_1950 : i32 to index
      %get3A_1952 = arith.index_cast %mul3A_1949 : i32 to index
      %get3A_1953 = tpu.vector_load %arg6[%get3A_1951, %get3A_1952] {strides = array<i32>} : memref<4x16384xf32, #tpu.memory_space<vmem>>, vector<1x16xf32>,
      %get3A_1954 = vector.shape_cast %get3A_1953 : vector<1x16xf32> to vector<16xf32>
      %mul3A_1955 = arith.mulf %get3A_1954, %get3A_1920 : vector<16xf32>
      %add3A_1956 = arith.addf %scan3A_1916, %mul3A_1955 : vector<16xf32>
      scf.yield %add3A_1929, %add3A_1938, %add3A_1947, %add3A_1956 : vector<16xf32>, vector<16xf32>, vector<16xf32>, vector<16xf32>
    }
    %scan3A_1211 = arith.constant 1024 : i32
    %slice3A_1212 = vector.extract_strided_slice %scan3A_1210#0 {offsets = [0], sizes = [1], strides = [1]} : vector<16xf32> to vector<1xf32>
    %squeeze3A_1213 = vector.extract %slice3A_1212[0] : f32 from vector<1xf32>
    %slice3A_1214 = vector.extract_strided_slice %scan3A_1210#0 {offsets = [1], sizes = [1], strides = [1]} : vector<16xf32> to vector<1xf32>
    %squeeze3A_1215 = vector.extract %slice3A_1214[0] : f32 from vector<1xf32>
    %add3A_1216 = arith.addf %squeeze3A_1213, %squeeze3A_1215 : f32
    %slice3A_1217 = vector.extract_strided_slice %scan3A_1210#0 {offsets = [2], sizes = [1], strides = [1]} : vector<16xf32> to vector<1xf32>
    %squeeze3A_1218 = vector.extract %slice3A_1217[0] : f32 from vector<1xf32>
    %add3A_1219 = arith.addf %add3A_1216, %squeeze3A_1218 : f32
    %slice3A_1220 = vector.extract_strided_slice %scan3A_1210#0 {offsets = [3], sizes = [1], strides = [1]} : vector<16xf32> to vector<1xf32>
    %squeeze3A_1221 = vector.extract %slice3A_1220[0] : f32 from vector<1xf32>
    %add3A_1222 = arith.addf %add3A_1219, %squeeze3A_1221 : f32
    %slice3A_1223 = vector.extract_strided_slice %scan3A_1210#0 {offsets = [4], sizes = [1], strides = [1]} : vector<16xf32> to vector<1xf32>
    %squeeze3A_1224 = vector.extract %slice3A_1223[0] : f32 from vector<1xf32>
    %add3A_1225 = arith.addf %add3A_1222, %squeeze3A_1224 : f32
    %slice3A_1226 = vector.extract_strided_slice %scan3A_1210#0 {offsets = [5], sizes = [1], strides = [1]} : vector<16xf32> to vector<1xf32>
    %squeeze3A_1227 = vector.extract %slice3A_1226[0] : f32 from vector<1xf32>
    %add3A_1228 = arith.addf %add3A_1225, %squeeze3A_1227 : f32
    %slice3A_1229 = vector.extract_strided_slice %scan3A_1210#0 {offsets = [6], sizes = [1], strides = [1]} : vector<16xf32> to vector<1xf32>
    %squeeze3A_1230 = vector.extract %slice3A_1229[0] : f32 from vector<1xf32>
    %add3A_1231 = arith.addf %add3A_1228, %squeeze3A_1230 : f32
    %slice3A_1232 = vector.extract_strided_slice %scan3A_1210#0 {offsets = [7], sizes = [1], strides = [1]} : vector<16xf32> to vector<1xf32>
    %squeeze3A_1233 = vector.extract %slice3A_1232[0] : f32 from vector<1xf32>
    %add3A_1234 = arith.addf %add3A_1231, %squeeze3A_1233 : f32
    %slice3A_1235 = vector.extract_strided_slice %scan3A_1210#0 {offsets = [8], sizes = [1], strides = [1]} : vector<16xf32> to vector<1xf32>
    %squeeze3A_1236 = vector.extract %slice3A_1235[0] : f32 from vector<1xf32>
    %add3A_1237 = arith.addf %add3A_1234, %squeeze3A_1236 : f32
    %slice3A_1238 = vector.extract_strided_slice %scan3A_1210#0 {offsets = [9], sizes = [1], strides = [1]} : vector<16xf32> to vector<1xf32>
    %squeeze3A_1239 = vector.extract %slice3A_1238[0] : f32 from vector<1xf32>
    %add3A_1240 = arith.addf %add3A_1237, %squeeze3A_1239 : f32
    %slice3A_1241 = vector.extract_strided_slice %scan3A_1210#0 {offsets = [10], sizes = [1], strides = [1]} : vector<16xf32> to vector<1xf32>
    %squeeze3A_1242 = vector.extract %slice3A_1241[0] : f32 from vector<1xf32>
    %add3A_1243 = arith.addf %add3A_1240, %squeeze3A_1242 : f32
    %slice3A_1244 = vector.extract_strided_slice %scan3A_1210#0 {offsets = [11], sizes = [1], strides = [1]} : vector<16xf32> to vector<1xf32>
    %squeeze3A_1245 = vector.extract %slice3A_1244[0] : f32 from vector<1xf32>
    %add3A_1246 = arith.addf %add3A_1243, %squeeze3A_1245 : f32
    %slice3A_1247 = vector.extract_strided_slice %scan3A_1210#0 {offsets = [12], sizes = [1], strides = [1]} : vector<16xf32> to vector<1xf32>
    %squeeze3A_1248 = vector.extract %slice3A_1247[0] : f32 from vector<1xf32>
    %add3A_1249 = arith.addf %add3A_1246, %squeeze3A_1248 : f32
    %slice3A_1250 = vector.extract_strided_slice %scan3A_1210#0 {offsets = [13], sizes = [1], strides = [1]} : vector<16xf32> to vector<1xf32>
    %squeeze3A_1251 = vector.extract %slice3A_1250[0] : f32 from vector<1xf32>
    %add3A_1252 = arith.addf %add3A_1249, %squeeze3A_1251 : f32
    %slice3A_1253 = vector.extract_strided_slice %scan3A_1210#0 {offsets = [14], sizes = [1], strides = [1]} : vector<16xf32> to vector<1xf32>
    %squeeze3A_1254 = vector.extract %slice3A_1253[0] : f32 from vector<1xf32>
    %add3A_1255 = arith.addf %add3A_1252, %squeeze3A_1254 : f32
    %slice3A_1256 = vector.extract_strided_slice %scan3A_1210#0 {offsets = [15], sizes = [1], strides = [1]} : vector<16xf32> to vector<1xf32>
    %squeeze3A_1257 = vector.extract %slice3A_1256[0] : f32 from vector<1xf32>
    %add3A_1258 = arith.addf %add3A_1255, %squeeze3A_1257 : f32
    %eq3A_1259 = arith.constant 4 : i32
    %eq3A_1260 = vector.broadcast %eq3A_1259 : i32 to vector<16xi32>
    %eq3A_1261 = arith.cmpi eq, %iota3A, %eq3A_1260 : vector<16xi32>
    %broadcast_in_dim3A_1262 = arith.constant 0.000000e+00 : f32
    %broadcast_in_dim3A_1263 = vector.broadcast %broadcast_in_dim3A_1262 : f32 to vector<16xf32>
    %add3A_1264 = vector.broadcast %add3A_1258 : f32 to vector<16xf32>
    %add3A_1265 = arith.addf %broadcast_in_dim3A_1263, %add3A_1264 : vector<16xf32>
    %select_n3A_1266 = arith.select %eq3A_1261, %add3A_1265, %select_n3A_1193 : vector<16xi1>, vector<16xf32>
    %slice3A_1267 = vector.extract_strided_slice %scan3A_1210#1 {offsets = [0], sizes = [1], strides = [1]} : vector<16xf32> to vector<1xf32>
    %squeeze3A_1268 = vector.extract %slice3A_1267[0] : f32 from vector<1xf32>
    %slice3A_1269 = vector.extract_strided_slice %scan3A_1210#1 {offsets = [1], sizes = [1], strides = [1]} : vector<16xf32> to vector<1xf32>
    %squeeze3A_1270 = vector.extract %slice3A_1269[0] : f32 from vector<1xf32>
    %add3A_1271 = arith.addf %squeeze3A_1268, %squeeze3A_1270 : f32
    %slice3A_1272 = vector.extract_strided_slice %scan3A_1210#1 {offsets = [2], sizes = [1], strides = [1]} : vector<16xf32> to vector<1xf32>
    %squeeze3A_1273 = vector.extract %slice3A_1272[0] : f32 from vector<1xf32>
    %add3A_1274 = arith.addf %add3A_1271, %squeeze3A_1273 : f32
    %slice3A_1275 = vector.extract_strided_slice %scan3A_1210#1 {offsets = [3], sizes = [1], strides = [1]} : vector<16xf32> to vector<1xf32>
    %squeeze3A_1276 = vector.extract %slice3A_1275[0] : f32 from vector<1xf32>
    %add3A_1277 = arith.addf %add3A_1274, %squeeze3A_1276 : f32
    %slice3A_1278 = vector.extract_strided_slice %scan3A_1210#1 {offsets = [4], sizes = [1], strides = [1]} : vector<16xf32> to vector<1xf32>
    %squeeze3A_1279 = vector.extract %slice3A_1278[0] : f32 from vector<1xf32>
    %add3A_1280 = arith.addf %add3A_1277, %squeeze3A_1279 : f32
    %slice3A_1281 = vector.extract_strided_slice %scan3A_1210#1 {offsets = [5], sizes = [1], strides = [1]} : vector<16xf32> to vector<1xf32>
    %squeeze3A_1282 = vector.extract %slice3A_1281[0] : f32 from vector<1xf32>
    %add3A_1283 = arith.addf %add3A_1280, %squeeze3A_1282 : f32
    %slice3A_1284 = vector.extract_strided_slice %scan3A_1210#1 {offsets = [6], sizes = [1], strides = [1]} : vector<16xf32> to vector<1xf32>
    %squeeze3A_1285 = vector.extract %slice3A_1284[0] : f32 from vector<1xf32>
    %add3A_1286 = arith.addf %add3A_1283, %squeeze3A_1285 : f32
    %slice3A_1287 = vector.extract_strided_slice %scan3A_1210#1 {offsets = [7], sizes = [1], strides = [1]} : vector<16xf32> to vector<1xf32>
    %squeeze3A_1288 = vector.extract %slice3A_1287[0] : f32 from vector<1xf32>
    %add3A_1289 = arith.addf %add3A_1286, %squeeze3A_1288 : f32
    %slice3A_1290 = vector.extract_strided_slice %scan3A_1210#1 {offsets = [8], sizes = [1], strides = [1]} : vector<16xf32> to vector<1xf32>
    %squeeze3A_1291 = vector.extract %slice3A_1290[0] : f32 from vector<1xf32>
    %add3A_1292 = arith.addf %add3A_1289, %squeeze3A_1291 : f32
    %slice3A_1293 = vector.extract_strided_slice %scan3A_1210#1 {offsets = [9], sizes = [1], strides = [1]} : vector<16xf32> to vector<1xf32>
    %squeeze3A_1294 = vector.extract %slice3A_1293[0] : f32 from vector<1xf32>
    %add3A_1295 = arith.addf %add3A_1292, %squeeze3A_1294 : f32
    %slice3A_1296 = vector.extract_strided_slice %scan3A_1210#1 {offsets = [10], sizes = [1], strides = [1]} : vector<16xf32> to vector<1xf32>
    %squeeze3A_1297 = vector.extract %slice3A_1296[0] : f32 from vector<1xf32>
    %add3A_1298 = arith.addf %add3A_1295, %squeeze3A_1297 : f32
    %slice3A_1299 = vector.extract_strided_slice %scan3A_1210#1 {offsets = [11], sizes = [1], strides = [1]} : vector<16xf32> to vector<1xf32>
    %squeeze3A_1300 = vector.extract %slice3A_1299[0] : f32 from vector<1xf32>
    %add3A_1301 = arith.addf %add3A_1298, %squeeze3A_1300 : f32
    %slice3A_1302 = vector.extract_strided_slice %scan3A_1210#1 {offsets = [12], sizes = [1], strides = [1]} : vector<16xf32> to vector<1xf32>
    %squeeze3A_1303 = vector.extract %slice3A_1302[0] : f32 from vector<1xf32>
    %add3A_1304 = arith.addf %add3A_1301, %squeeze3A_1303 : f32
    %slice3A_1305 = vector.extract_strided_slice %scan3A_1210#1 {offsets = [13], sizes = [1], strides = [1]} : vector<16xf32> to vector<1xf32>
    %squeeze3A_1306 = vector.extract %slice3A_1305[0] : f32 from vector<1xf32>
    %add3A_1307 = arith.addf %add3A_1304, %squeeze3A_1306 : f32
    %slice3A_1308 = vector.extract_strided_slice %scan3A_1210#1 {offsets = [14], sizes = [1], strides = [1]} : vector<16xf32> to vector<1xf32>
    %squeeze3A_1309 = vector.extract %slice3A_1308[0] : f32 from vector<1xf32>
    %add3A_1310 = arith.addf %add3A_1307, %squeeze3A_1309 : f32
    %slice3A_1311 = vector.extract_strided_slice %scan3A_1210#1 {offsets = [15], sizes = [1], strides = [1]} : vector<16xf32> to vector<1xf32>
    %squeeze3A_1312 = vector.extract %slice3A_1311[0] : f32 from vector<1xf32>
    %add3A_1313 = arith.addf %add3A_1310, %squeeze3A_1312 : f32
    %eq3A_1314 = arith.constant 5 : i32
    %eq3A_1315 = vector.broadcast %eq3A_1314 : i32 to vector<16xi32>
    %eq3A_1316 = arith.cmpi eq, %iota3A, %eq3A_1315 : vector<16xi32>
    %broadcast_in_dim3A_1317 = arith.constant 0.000000e+00 : f32
    %broadcast_in_dim3A_1318 = vector.broadcast %broadcast_in_dim3A_1317 : f32 to vector<16xf32>
    %add3A_1319 = vector.broadcast %add3A_1313 : f32 to vector<16xf32>
    %add3A_1320 = arith.addf %broadcast_in_dim3A_1318, %add3A_1319 : vector<16xf32>
    %select_n3A_1321 = arith.select %eq3A_1316, %add3A_1320, %select_n3A_1266 : vector<16xi1>, vector<16xf32>
    %slice3A_1322 = vector.extract_strided_slice %scan3A_1210#2 {offsets = [0], sizes = [1], strides = [1]} : vector<16xf32> to vector<1xf32>
    %squeeze3A_1323 = vector.extract %slice3A_1322[0] : f32 from vector<1xf32>
    %slice3A_1324 = vector.extract_strided_slice %scan3A_1210#2 {offsets = [1], sizes = [1], strides = [1]} : vector<16xf32> to vector<1xf32>
    %squeeze3A_1325 = vector.extract %slice3A_1324[0] : f32 from vector<1xf32>
    %add3A_1326 = arith.addf %squeeze3A_1323, %squeeze3A_1325 : f32
    %slice3A_1327 = vector.extract_strided_slice %scan3A_1210#2 {offsets = [2], sizes = [1], strides = [1]} : vector<16xf32> to vector<1xf32>
    %squeeze3A_1328 = vector.extract %slice3A_1327[0] : f32 from vector<1xf32>
    %add3A_1329 = arith.addf %add3A_1326, %squeeze3A_1328 : f32
    %slice3A_1330 = vector.extract_strided_slice %scan3A_1210#2 {offsets = [3], sizes = [1], strides = [1]} : vector<16xf32> to vector<1xf32>
    %squeeze3A_1331 = vector.extract %slice3A_1330[0] : f32 from vector<1xf32>
    %add3A_1332 = arith.addf %add3A_1329, %squeeze3A_1331 : f32
    %slice3A_1333 = vector.extract_strided_slice %scan3A_1210#2 {offsets = [4], sizes = [1], strides = [1]} : vector<16xf32> to vector<1xf32>
    %squeeze3A_1334 = vector.extract %slice3A_1333[0] : f32 from vector<1xf32>
    %add3A_1335 = arith.addf %add3A_1332, %squeeze3A_1334 : f32
    %slice3A_1336 = vector.extract_strided_slice %scan3A_1210#2 {offsets = [5], sizes = [1], strides = [1]} : vector<16xf32> to vector<1xf32>
    %squeeze3A_1337 = vector.extract %slice3A_1336[0] : f32 from vector<1xf32>
    %add3A_1338 = arith.addf %add3A_1335, %squeeze3A_1337 : f32
    %slice3A_1339 = vector.extract_strided_slice %scan3A_1210#2 {offsets = [6], sizes = [1], strides = [1]} : vector<16xf32> to vector<1xf32>
    %squeeze3A_1340 = vector.extract %slice3A_1339[0] : f32 from vector<1xf32>
    %add3A_1341 = arith.addf %add3A_1338, %squeeze3A_1340 : f32
    %slice3A_1342 = vector.extract_strided_slice %scan3A_1210#2 {offsets = [7], sizes = [1], strides = [1]} : vector<16xf32> to vector<1xf32>
    %squeeze3A_1343 = vector.extract %slice3A_1342[0] : f32 from vector<1xf32>
    %add3A_1344 = arith.addf %add3A_1341, %squeeze3A_1343 : f32
    %slice3A_1345 = vector.extract_strided_slice %scan3A_1210#2 {offsets = [8], sizes = [1], strides = [1]} : vector<16xf32> to vector<1xf32>
    %squeeze3A_1346 = vector.extract %slice3A_1345[0] : f32 from vector<1xf32>
    %add3A_1347 = arith.addf %add3A_1344, %squeeze3A_1346 : f32
    %slice3A_1348 = vector.extract_strided_slice %scan3A_1210#2 {offsets = [9], sizes = [1], strides = [1]} : vector<16xf32> to vector<1xf32>
    %squeeze3A_1349 = vector.extract %slice3A_1348[0] : f32 from vector<1xf32>
    %add3A_1350 = arith.addf %add3A_1347, %squeeze3A_1349 : f32
    %slice3A_1351 = vector.extract_strided_slice %scan3A_1210#2 {offsets = [10], sizes = [1], strides = [1]} : vector<16xf32> to vector<1xf32>
    %squeeze3A_1352 = vector.extract %slice3A_1351[0] : f32 from vector<1xf32>
    %add3A_1353 = arith.addf %add3A_1350, %squeeze3A_1352 : f32
    %slice3A_1354 = vector.extract_strided_slice %scan3A_1210#2 {offsets = [11], sizes = [1], strides = [1]} : vector<16xf32> to vector<1xf32>
    %squeeze3A_1355 = vector.extract %slice3A_1354[0] : f32 from vector<1xf32>
    %add3A_1356 = arith.addf %add3A_1353, %squeeze3A_1355 : f32
    %slice3A_1357 = vector.extract_strided_slice %scan3A_1210#2 {offsets = [12], sizes = [1], strides = [1]} : vector<16xf32> to vector<1xf32>
    %squeeze3A_1358 = vector.extract %slice3A_1357[0] : f32 from vector<1xf32>
    %add3A_1359 = arith.addf %add3A_1356, %squeeze3A_1358 : f32
    %slice3A_1360 = vector.extract_strided_slice %scan3A_1210#2 {offsets = [13], sizes = [1], strides = [1]} : vector<16xf32> to vector<1xf32>
    %squeeze3A_1361 = vector.extract %slice3A_1360[0] : f32 from vector<1xf32>
    %add3A_1362 = arith.addf %add3A_1359, %squeeze3A_1361 : f32
    %slice3A_1363 = vector.extract_strided_slice %scan3A_1210#2 {offsets = [14], sizes = [1], strides = [1]} : vector<16xf32> to vector<1xf32>
    %squeeze3A_1364 = vector.extract %slice3A_1363[0] : f32 from vector<1xf32>
    %add3A_1365 = arith.addf %add3A_1362, %squeeze3A_1364 : f32
    %slice3A_1366 = vector.extract_strided_slice %scan3A_1210#2 {offsets = [15], sizes = [1], strides = [1]} : vector<16xf32> to vector<1xf32>
    %squeeze3A_1367 = vector.extract %slice3A_1366[0] : f32 from vector<1xf32>
    %add3A_1368 = arith.addf %add3A_1365, %squeeze3A_1367 : f32
    %eq3A_1369 = arith.constant 6 : i32
    %eq3A_1370 = vector.broadcast %eq3A_1369 : i32 to vector<16xi32>
    %eq3A_1371 = arith.cmpi eq, %iota3A, %eq3A_1370 : vector<16xi32>
    %broadcast_in_dim3A_1372 = arith.constant 0.000000e+00 : f32
    %broadcast_in_dim3A_1373 = vector.broadcast %broadcast_in_dim3A_1372 : f32 to vector<16xf32>
    %add3A_1374 = vector.broadcast %add3A_1368 : f32 to vector<16xf32>
    %add3A_1375 = arith.addf %broadcast_in_dim3A_1373, %add3A_1374 : vector<16xf32>
    %select_n3A_1376 = arith.select %eq3A_1371, %add3A_1375, %select_n3A_1321 : vector<16xi1>, vector<16xf32>
    %slice3A_1377 = vector.extract_strided_slice %scan3A_1210#3 {offsets = [0], sizes = [1], strides = [1]} : vector<16xf32> to vector<1xf32>
    %squeeze3A_1378 = vector.extract %slice3A_1377[0] : f32 from vector<1xf32>
    %slice3A_1379 = vector.extract_strided_slice %scan3A_1210#3 {offsets = [1], sizes = [1], strides = [1]} : vector<16xf32> to vector<1xf32>
    %squeeze3A_1380 = vector.extract %slice3A_1379[0] : f32 from vector<1xf32>
    %add3A_1381 = arith.addf %squeeze3A_1378, %squeeze3A_1380 : f32
    %slice3A_1382 = vector.extract_strided_slice %scan3A_1210#3 {offsets = [2], sizes = [1], strides = [1]} : vector<16xf32> to vector<1xf32>
    %squeeze3A_1383 = vector.extract %slice3A_1382[0] : f32 from vector<1xf32>
    %add3A_1384 = arith.addf %add3A_1381, %squeeze3A_1383 : f32
    %slice3A_1385 = vector.extract_strided_slice %scan3A_1210#3 {offsets = [3], sizes = [1], strides = [1]} : vector<16xf32> to vector<1xf32>
    %squeeze3A_1386 = vector.extract %slice3A_1385[0] : f32 from vector<1xf32>
    %add3A_1387 = arith.addf %add3A_1384, %squeeze3A_1386 : f32
    %slice3A_1388 = vector.extract_strided_slice %scan3A_1210#3 {offsets = [4], sizes = [1], strides = [1]} : vector<16xf32> to vector<1xf32>
    %squeeze3A_1389 = vector.extract %slice3A_1388[0] : f32 from vector<1xf32>
    %add3A_1390 = arith.addf %add3A_1387, %squeeze3A_1389 : f32
    %slice3A_1391 = vector.extract_strided_slice %scan3A_1210#3 {offsets = [5], sizes = [1], strides = [1]} : vector<16xf32> to vector<1xf32>
    %squeeze3A_1392 = vector.extract %slice3A_1391[0] : f32 from vector<1xf32>
    %add3A_1393 = arith.addf %add3A_1390, %squeeze3A_1392 : f32
    %slice3A_1394 = vector.extract_strided_slice %scan3A_1210#3 {offsets = [6], sizes = [1], strides = [1]} : vector<16xf32> to vector<1xf32>
    %squeeze3A_1395 = vector.extract %slice3A_1394[0] : f32 from vector<1xf32>
    %add3A_1396 = arith.addf %add3A_1393, %squeeze3A_1395 : f32
    %slice3A_1397 = vector.extract_strided_slice %scan3A_1210#3 {offsets = [7], sizes = [1], strides = [1]} : vector<16xf32> to vector<1xf32>
    %squeeze3A_1398 = vector.extract %slice3A_1397[0] : f32 from vector<1xf32>
    %add3A_1399 = arith.addf %add3A_1396, %squeeze3A_1398 : f32
    %slice3A_1400 = vector.extract_strided_slice %scan3A_1210#3 {offsets = [8], sizes = [1], strides = [1]} : vector<16xf32> to vector<1xf32>
    %squeeze3A_1401 = vector.extract %slice3A_1400[0] : f32 from vector<1xf32>
    %add3A_1402 = arith.addf %add3A_1399, %squeeze3A_1401 : f32
    %slice3A_1403 = vector.extract_strided_slice %scan3A_1210#3 {offsets = [9], sizes = [1], strides = [1]} : vector<16xf32> to vector<1xf32>
    %squeeze3A_1404 = vector.extract %slice3A_1403[0] : f32 from vector<1xf32>
    %add3A_1405 = arith.addf %add3A_1402, %squeeze3A_1404 : f32
    %slice3A_1406 = vector.extract_strided_slice %scan3A_1210#3 {offsets = [10], sizes = [1], strides = [1]} : vector<16xf32> to vector<1xf32>
    %squeeze3A_1407 = vector.extract %slice3A_1406[0] : f32 from vector<1xf32>
    %add3A_1408 = arith.addf %add3A_1405, %squeeze3A_1407 : f32
    %slice3A_1409 = vector.extract_strided_slice %scan3A_1210#3 {offsets = [11], sizes = [1], strides = [1]} : vector<16xf32> to vector<1xf32>
    %squeeze3A_1410 = vector.extract %slice3A_1409[0] : f32 from vector<1xf32>
    %add3A_1411 = arith.addf %add3A_1408, %squeeze3A_1410 : f32
    %slice3A_1412 = vector.extract_strided_slice %scan3A_1210#3 {offsets = [12], sizes = [1], strides = [1]} : vector<16xf32> to vector<1xf32>
    %squeeze3A_1413 = vector.extract %slice3A_1412[0] : f32 from vector<1xf32>
    %add3A_1414 = arith.addf %add3A_1411, %squeeze3A_1413 : f32
    %slice3A_1415 = vector.extract_strided_slice %scan3A_1210#3 {offsets = [13], sizes = [1], strides = [1]} : vector<16xf32> to vector<1xf32>
    %squeeze3A_1416 = vector.extract %slice3A_1415[0] : f32 from vector<1xf32>
    %add3A_1417 = arith.addf %add3A_1414, %squeeze3A_1416 : f32
    %slice3A_1418 = vector.extract_strided_slice %scan3A_1210#3 {offsets = [14], sizes = [1], strides = [1]} : vector<16xf32> to vector<1xf32>
    %squeeze3A_1419 = vector.extract %slice3A_1418[0] : f32 from vector<1xf32>
    %add3A_1420 = arith.addf %add3A_1417, %squeeze3A_1419 : f32
    %slice3A_1421 = vector.extract_strided_slice %scan3A_1210#3 {offsets = [15], sizes = [1], strides = [1]} : vector<16xf32> to vector<1xf32>
    %squeeze3A_1422 = vector.extract %slice3A_1421[0] : f32 from vector<1xf32>
    %add3A_1423 = arith.addf %add3A_1420, %squeeze3A_1422 : f32
    %eq3A_1424 = arith.constant 7 : i32
    %eq3A_1425 = vector.broadcast %eq3A_1424 : i32 to vector<16xi32>
    %eq3A_1426 = arith.cmpi eq, %iota3A, %eq3A_1425 : vector<16xi32>
    %broadcast_in_dim3A_1427 = arith.constant 0.000000e+00 : f32
    %broadcast_in_dim3A_1428 = vector.broadcast %broadcast_in_dim3A_1427 : f32 to vector<16xf32>
    %add3A_1429 = vector.broadcast %add3A_1423 : f32 to vector<16xf32>
    %add3A_1430 = arith.addf %broadcast_in_dim3A_1428, %add3A_1429 : vector<16xf32>
    %select_n3A_1431 = arith.select %eq3A_1426, %add3A_1430, %select_n3A_1376 : vector<16xi1>, vector<16xf32>
    %add3A_1432 = arith.constant 16 : i32
    %add3A_1433 = arith.addi %mul3A_2, %add3A_1432 : i32
    %add3A_1434 = arith.constant 8 : i32
    %add3A_1435 = arith.addi %add3A_1433, %add3A_1434 : i32
    "tpu.region"() ({
      %run_scoped3A = tpu.sem_alloc : memref<!tpu.dma_semaphore, #tpu.memory_space<semaphore_mem>>
      %dma_start3A = arith.constant 0 : i32
      %dma_start3A_1912 = tpu.memref_slice %arg2[%add3A_1435, %dma_start3A] : memref<16384x16384xf32, #tpu.memory_space<hbm>> -> memref<4x16384xf32, #tpu.memory_space<hbm>>
      %dma_start3A_1913 = arith.constant 0 : i32
      %dma_start3A_1914 = tpu.memref_slice %arg2[%add3A_1435, %dma_start3A_1913] : memref<16384x16384xf32, #tpu.memory_space<hbm>> -> memref<4x16384xf32, #tpu.memory_space<hbm>>
      tpu.enqueue_dma source(%dma_start3A_1914 : memref<4x16384xf32, #tpu.memory_space<hbm>>) target(%arg6 : memref<4x16384xf32, #tpu.memory_space<vmem>>) target_semaphore(%run_scoped3A : memref<!tpu.dma_semaphore, #tpu.memory_space<semaphore_mem>>)
      %dma_wait3A = arith.constant 0 : i32
      %dma_wait3A_1915 = tpu.memref_slice %arg2[%add3A_1435, %dma_wait3A] : memref<16384x16384xf32, #tpu.memory_space<hbm>> -> memref<4x16384xf32, #tpu.memory_space<hbm>>
      %dma_wait3A_1916 = arith.constant 0 : i32
      %dma_wait3A_1917 = tpu.memref_slice %arg2[%add3A_1435, %dma_wait3A_1916] : memref<16384x16384xf32, #tpu.memory_space<hbm>> -> memref<4x16384xf32, #tpu.memory_space<hbm>>
      tpu.wait_dma2 semaphore(%run_scoped3A : memref<!tpu.dma_semaphore, #tpu.memory_space<semaphore_mem>>) src(%dma_wait3A_1917 : memref<4x16384xf32, #tpu.memory_space<hbm>>) dst(%arg6 : memref<4x16384xf32, #tpu.memory_space<vmem>>)
      tpu.yield
    }) : () -> ()
    %broadcast_in_dim3A_1436 = arith.constant 0.000000e+00 : f32
    %broadcast_in_dim3A_1437 = vector.broadcast %broadcast_in_dim3A_1436 : f32 to vector<16xf32>
    %broadcast_in_dim3A_1438 = arith.constant 0.000000e+00 : f32
    %broadcast_in_dim3A_1439 = vector.broadcast %broadcast_in_dim3A_1438 : f32 to vector<16xf32>
    %broadcast_in_dim3A_1440 = arith.constant 0.000000e+00 : f32
    %broadcast_in_dim3A_1441 = vector.broadcast %broadcast_in_dim3A_1440 : f32 to vector<16xf32>
    %broadcast_in_dim3A_1442 = arith.constant 0.000000e+00 : f32
    %broadcast_in_dim3A_1443 = vector.broadcast %broadcast_in_dim3A_1442 : f32 to vector<16xf32>
    %scan3A_1444 = arith.constant 0 : i32
    %scan3A_1445 = arith.constant 1024 : i32
    %scan3A_1446 = arith.addi %scan3A_1444, %scan3A_1445 : i32
    %scan3A_1447 = arith.constant 1 : i32
    %scan3A_1448:4 = scf.for %scan3A_1912 = %scan3A_1444 to %scan3A_1446 step %scan3A_1447 iter_args(%scan3A_1913 = %broadcast_in_dim3A_1437, %scan3A_1914 = %broadcast_in_dim3A_1439, %scan3A_1915 = %broadcast_in_dim3A_1441, %scan3A_1916 = %broadcast_in_dim3A_1443) -> (vector<16xf32>, vector<16xf32>, vector<16xf32>, vector<16xf32>)  : i32 {
      %mul3A_1917 = arith.constant 16 : i32
      %mul3A_1918 = arith.muli %scan3A_1912, %mul3A_1917 : i32
      %get3A = arith.index_cast %mul3A_1918 : i32 to index
      %get3A_1919 = tpu.vector_load %arg5[%get3A] {strides = array<i32>} : memref<16384xf32, #tpu.memory_space<vmem>>, vector<16xf32>,
      %get3A_1920 = vector.shape_cast %get3A_1919 : vector<16xf32> to vector<16xf32>
      %mul3A_1921 = arith.constant 16 : i32
      %mul3A_1922 = arith.muli %scan3A_1912, %mul3A_1921 : i32
      %get3A_1923 = arith.constant 0 : i32
      %get3A_1924 = arith.index_cast %get3A_1923 : i32 to index
      %get3A_1925 = arith.index_cast %mul3A_1922 : i32 to index
      %get3A_1926 = tpu.vector_load %arg6[%get3A_1924, %get3A_1925] {strides = array<i32>} : memref<4x16384xf32, #tpu.memory_space<vmem>>, vector<1x16xf32>,
      %get3A_1927 = vector.shape_cast %get3A_1926 : vector<1x16xf32> to vector<16xf32>
      %mul3A_1928 = arith.mulf %get3A_1927, %get3A_1920 : vector<16xf32>
      %add3A_1929 = arith.addf %scan3A_1913, %mul3A_1928 : vector<16xf32>
      %mul3A_1930 = arith.constant 16 : i32
      %mul3A_1931 = arith.muli %scan3A_1912, %mul3A_1930 : i32
      %get3A_1932 = arith.constant 1 : i32
      %get3A_1933 = arith.index_cast %get3A_1932 : i32 to index
      %get3A_1934 = arith.index_cast %mul3A_1931 : i32 to index
      %get3A_1935 = tpu.vector_load %arg6[%get3A_1933, %get3A_1934] {strides = array<i32>} : memref<4x16384xf32, #tpu.memory_space<vmem>>, vector<1x16xf32>,
      %get3A_1936 = vector.shape_cast %get3A_1935 : vector<1x16xf32> to vector<16xf32>
      %mul3A_1937 = arith.mulf %get3A_1936, %get3A_1920 : vector<16xf32>
      %add3A_1938 = arith.addf %scan3A_1914, %mul3A_1937 : vector<16xf32>
      %mul3A_1939 = arith.constant 16 : i32
      %mul3A_1940 = arith.muli %scan3A_1912, %mul3A_1939 : i32
      %get3A_1941 = arith.constant 2 : i32
      %get3A_1942 = arith.index_cast %get3A_1941 : i32 to index
      %get3A_1943 = arith.index_cast %mul3A_1940 : i32 to index
      %get3A_1944 = tpu.vector_load %arg6[%get3A_1942, %get3A_1943] {strides = array<i32>} : memref<4x16384xf32, #tpu.memory_space<vmem>>, vector<1x16xf32>,
      %get3A_1945 = vector.shape_cast %get3A_1944 : vector<1x16xf32> to vector<16xf32>
      %mul3A_1946 = arith.mulf %get3A_1945, %get3A_1920 : vector<16xf32>
      %add3A_1947 = arith.addf %scan3A_1915, %mul3A_1946 : vector<16xf32>
      %mul3A_1948 = arith.constant 16 : i32
      %mul3A_1949 = arith.muli %scan3A_1912, %mul3A_1948 : i32
      %get3A_1950 = arith.constant 3 : i32
      %get3A_1951 = arith.index_cast %get3A_1950 : i32 to index
      %get3A_1952 = arith.index_cast %mul3A_1949 : i32 to index
      %get3A_1953 = tpu.vector_load %arg6[%get3A_1951, %get3A_1952] {strides = array<i32>} : memref<4x16384xf32, #tpu.memory_space<vmem>>, vector<1x16xf32>,
      %get3A_1954 = vector.shape_cast %get3A_1953 : vector<1x16xf32> to vector<16xf32>
      %mul3A_1955 = arith.mulf %get3A_1954, %get3A_1920 : vector<16xf32>
      %add3A_1956 = arith.addf %scan3A_1916, %mul3A_1955 : vector<16xf32>
      scf.yield %add3A_1929, %add3A_1938, %add3A_1947, %add3A_1956 : vector<16xf32>, vector<16xf32>, vector<16xf32>, vector<16xf32>
    }
    %scan3A_1449 = arith.constant 1024 : i32
    %slice3A_1450 = vector.extract_strided_slice %scan3A_1448#0 {offsets = [0], sizes = [1], strides = [1]} : vector<16xf32> to vector<1xf32>
    %squeeze3A_1451 = vector.extract %slice3A_1450[0] : f32 from vector<1xf32>
    %slice3A_1452 = vector.extract_strided_slice %scan3A_1448#0 {offsets = [1], sizes = [1], strides = [1]} : vector<16xf32> to vector<1xf32>
    %squeeze3A_1453 = vector.extract %slice3A_1452[0] : f32 from vector<1xf32>
    %add3A_1454 = arith.addf %squeeze3A_1451, %squeeze3A_1453 : f32
    %slice3A_1455 = vector.extract_strided_slice %scan3A_1448#0 {offsets = [2], sizes = [1], strides = [1]} : vector<16xf32> to vector<1xf32>
    %squeeze3A_1456 = vector.extract %slice3A_1455[0] : f32 from vector<1xf32>
    %add3A_1457 = arith.addf %add3A_1454, %squeeze3A_1456 : f32
    %slice3A_1458 = vector.extract_strided_slice %scan3A_1448#0 {offsets = [3], sizes = [1], strides = [1]} : vector<16xf32> to vector<1xf32>
    %squeeze3A_1459 = vector.extract %slice3A_1458[0] : f32 from vector<1xf32>
    %add3A_1460 = arith.addf %add3A_1457, %squeeze3A_1459 : f32
    %slice3A_1461 = vector.extract_strided_slice %scan3A_1448#0 {offsets = [4], sizes = [1], strides = [1]} : vector<16xf32> to vector<1xf32>
    %squeeze3A_1462 = vector.extract %slice3A_1461[0] : f32 from vector<1xf32>
    %add3A_1463 = arith.addf %add3A_1460, %squeeze3A_1462 : f32
    %slice3A_1464 = vector.extract_strided_slice %scan3A_1448#0 {offsets = [5], sizes = [1], strides = [1]} : vector<16xf32> to vector<1xf32>
    %squeeze3A_1465 = vector.extract %slice3A_1464[0] : f32 from vector<1xf32>
    %add3A_1466 = arith.addf %add3A_1463, %squeeze3A_1465 : f32
    %slice3A_1467 = vector.extract_strided_slice %scan3A_1448#0 {offsets = [6], sizes = [1], strides = [1]} : vector<16xf32> to vector<1xf32>
    %squeeze3A_1468 = vector.extract %slice3A_1467[0] : f32 from vector<1xf32>
    %add3A_1469 = arith.addf %add3A_1466, %squeeze3A_1468 : f32
    %slice3A_1470 = vector.extract_strided_slice %scan3A_1448#0 {offsets = [7], sizes = [1], strides = [1]} : vector<16xf32> to vector<1xf32>
    %squeeze3A_1471 = vector.extract %slice3A_1470[0] : f32 from vector<1xf32>
    %add3A_1472 = arith.addf %add3A_1469, %squeeze3A_1471 : f32
    %slice3A_1473 = vector.extract_strided_slice %scan3A_1448#0 {offsets = [8], sizes = [1], strides = [1]} : vector<16xf32> to vector<1xf32>
    %squeeze3A_1474 = vector.extract %slice3A_1473[0] : f32 from vector<1xf32>
    %add3A_1475 = arith.addf %add3A_1472, %squeeze3A_1474 : f32
    %slice3A_1476 = vector.extract_strided_slice %scan3A_1448#0 {offsets = [9], sizes = [1], strides = [1]} : vector<16xf32> to vector<1xf32>
    %squeeze3A_1477 = vector.extract %slice3A_1476[0] : f32 from vector<1xf32>
    %add3A_1478 = arith.addf %add3A_1475, %squeeze3A_1477 : f32
    %slice3A_1479 = vector.extract_strided_slice %scan3A_1448#0 {offsets = [10], sizes = [1], strides = [1]} : vector<16xf32> to vector<1xf32>
    %squeeze3A_1480 = vector.extract %slice3A_1479[0] : f32 from vector<1xf32>
    %add3A_1481 = arith.addf %add3A_1478, %squeeze3A_1480 : f32
    %slice3A_1482 = vector.extract_strided_slice %scan3A_1448#0 {offsets = [11], sizes = [1], strides = [1]} : vector<16xf32> to vector<1xf32>
    %squeeze3A_1483 = vector.extract %slice3A_1482[0] : f32 from vector<1xf32>
    %add3A_1484 = arith.addf %add3A_1481, %squeeze3A_1483 : f32
    %slice3A_1485 = vector.extract_strided_slice %scan3A_1448#0 {offsets = [12], sizes = [1], strides = [1]} : vector<16xf32> to vector<1xf32>
    %squeeze3A_1486 = vector.extract %slice3A_1485[0] : f32 from vector<1xf32>
    %add3A_1487 = arith.addf %add3A_1484, %squeeze3A_1486 : f32
    %slice3A_1488 = vector.extract_strided_slice %scan3A_1448#0 {offsets = [13], sizes = [1], strides = [1]} : vector<16xf32> to vector<1xf32>
    %squeeze3A_1489 = vector.extract %slice3A_1488[0] : f32 from vector<1xf32>
    %add3A_1490 = arith.addf %add3A_1487, %squeeze3A_1489 : f32
    %slice3A_1491 = vector.extract_strided_slice %scan3A_1448#0 {offsets = [14], sizes = [1], strides = [1]} : vector<16xf32> to vector<1xf32>
    %squeeze3A_1492 = vector.extract %slice3A_1491[0] : f32 from vector<1xf32>
    %add3A_1493 = arith.addf %add3A_1490, %squeeze3A_1492 : f32
    %slice3A_1494 = vector.extract_strided_slice %scan3A_1448#0 {offsets = [15], sizes = [1], strides = [1]} : vector<16xf32> to vector<1xf32>
    %squeeze3A_1495 = vector.extract %slice3A_1494[0] : f32 from vector<1xf32>
    %add3A_1496 = arith.addf %add3A_1493, %squeeze3A_1495 : f32
    %eq3A_1497 = arith.constant 8 : i32
    %eq3A_1498 = vector.broadcast %eq3A_1497 : i32 to vector<16xi32>
    %eq3A_1499 = arith.cmpi eq, %iota3A, %eq3A_1498 : vector<16xi32>
    %broadcast_in_dim3A_1500 = arith.constant 0.000000e+00 : f32
    %broadcast_in_dim3A_1501 = vector.broadcast %broadcast_in_dim3A_1500 : f32 to vector<16xf32>
    %add3A_1502 = vector.broadcast %add3A_1496 : f32 to vector<16xf32>
    %add3A_1503 = arith.addf %broadcast_in_dim3A_1501, %add3A_1502 : vector<16xf32>
    %select_n3A_1504 = arith.select %eq3A_1499, %add3A_1503, %select_n3A_1431 : vector<16xi1>, vector<16xf32>
    %slice3A_1505 = vector.extract_strided_slice %scan3A_1448#1 {offsets = [0], sizes = [1], strides = [1]} : vector<16xf32> to vector<1xf32>
    %squeeze3A_1506 = vector.extract %slice3A_1505[0] : f32 from vector<1xf32>
    %slice3A_1507 = vector.extract_strided_slice %scan3A_1448#1 {offsets = [1], sizes = [1], strides = [1]} : vector<16xf32> to vector<1xf32>
    %squeeze3A_1508 = vector.extract %slice3A_1507[0] : f32 from vector<1xf32>
    %add3A_1509 = arith.addf %squeeze3A_1506, %squeeze3A_1508 : f32
    %slice3A_1510 = vector.extract_strided_slice %scan3A_1448#1 {offsets = [2], sizes = [1], strides = [1]} : vector<16xf32> to vector<1xf32>
    %squeeze3A_1511 = vector.extract %slice3A_1510[0] : f32 from vector<1xf32>
    %add3A_1512 = arith.addf %add3A_1509, %squeeze3A_1511 : f32
    %slice3A_1513 = vector.extract_strided_slice %scan3A_1448#1 {offsets = [3], sizes = [1], strides = [1]} : vector<16xf32> to vector<1xf32>
    %squeeze3A_1514 = vector.extract %slice3A_1513[0] : f32 from vector<1xf32>
    %add3A_1515 = arith.addf %add3A_1512, %squeeze3A_1514 : f32
    %slice3A_1516 = vector.extract_strided_slice %scan3A_1448#1 {offsets = [4], sizes = [1], strides = [1]} : vector<16xf32> to vector<1xf32>
    %squeeze3A_1517 = vector.extract %slice3A_1516[0] : f32 from vector<1xf32>
    %add3A_1518 = arith.addf %add3A_1515, %squeeze3A_1517 : f32
    %slice3A_1519 = vector.extract_strided_slice %scan3A_1448#1 {offsets = [5], sizes = [1], strides = [1]} : vector<16xf32> to vector<1xf32>
    %squeeze3A_1520 = vector.extract %slice3A_1519[0] : f32 from vector<1xf32>
    %add3A_1521 = arith.addf %add3A_1518, %squeeze3A_1520 : f32
    %slice3A_1522 = vector.extract_strided_slice %scan3A_1448#1 {offsets = [6], sizes = [1], strides = [1]} : vector<16xf32> to vector<1xf32>
    %squeeze3A_1523 = vector.extract %slice3A_1522[0] : f32 from vector<1xf32>
    %add3A_1524 = arith.addf %add3A_1521, %squeeze3A_1523 : f32
    %slice3A_1525 = vector.extract_strided_slice %scan3A_1448#1 {offsets = [7], sizes = [1], strides = [1]} : vector<16xf32> to vector<1xf32>
    %squeeze3A_1526 = vector.extract %slice3A_1525[0] : f32 from vector<1xf32>
    %add3A_1527 = arith.addf %add3A_1524, %squeeze3A_1526 : f32
    %slice3A_1528 = vector.extract_strided_slice %scan3A_1448#1 {offsets = [8], sizes = [1], strides = [1]} : vector<16xf32> to vector<1xf32>
    %squeeze3A_1529 = vector.extract %slice3A_1528[0] : f32 from vector<1xf32>
    %add3A_1530 = arith.addf %add3A_1527, %squeeze3A_1529 : f32
    %slice3A_1531 = vector.extract_strided_slice %scan3A_1448#1 {offsets = [9], sizes = [1], strides = [1]} : vector<16xf32> to vector<1xf32>
    %squeeze3A_1532 = vector.extract %slice3A_1531[0] : f32 from vector<1xf32>
    %add3A_1533 = arith.addf %add3A_1530, %squeeze3A_1532 : f32
    %slice3A_1534 = vector.extract_strided_slice %scan3A_1448#1 {offsets = [10], sizes = [1], strides = [1]} : vector<16xf32> to vector<1xf32>
    %squeeze3A_1535 = vector.extract %slice3A_1534[0] : f32 from vector<1xf32>
    %add3A_1536 = arith.addf %add3A_1533, %squeeze3A_1535 : f32
    %slice3A_1537 = vector.extract_strided_slice %scan3A_1448#1 {offsets = [11], sizes = [1], strides = [1]} : vector<16xf32> to vector<1xf32>
    %squeeze3A_1538 = vector.extract %slice3A_1537[0] : f32 from vector<1xf32>
    %add3A_1539 = arith.addf %add3A_1536, %squeeze3A_1538 : f32
    %slice3A_1540 = vector.extract_strided_slice %scan3A_1448#1 {offsets = [12], sizes = [1], strides = [1]} : vector<16xf32> to vector<1xf32>
    %squeeze3A_1541 = vector.extract %slice3A_1540[0] : f32 from vector<1xf32>
    %add3A_1542 = arith.addf %add3A_1539, %squeeze3A_1541 : f32
    %slice3A_1543 = vector.extract_strided_slice %scan3A_1448#1 {offsets = [13], sizes = [1], strides = [1]} : vector<16xf32> to vector<1xf32>
    %squeeze3A_1544 = vector.extract %slice3A_1543[0] : f32 from vector<1xf32>
    %add3A_1545 = arith.addf %add3A_1542, %squeeze3A_1544 : f32
    %slice3A_1546 = vector.extract_strided_slice %scan3A_1448#1 {offsets = [14], sizes = [1], strides = [1]} : vector<16xf32> to vector<1xf32>
    %squeeze3A_1547 = vector.extract %slice3A_1546[0] : f32 from vector<1xf32>
    %add3A_1548 = arith.addf %add3A_1545, %squeeze3A_1547 : f32
    %slice3A_1549 = vector.extract_strided_slice %scan3A_1448#1 {offsets = [15], sizes = [1], strides = [1]} : vector<16xf32> to vector<1xf32>
    %squeeze3A_1550 = vector.extract %slice3A_1549[0] : f32 from vector<1xf32>
    %add3A_1551 = arith.addf %add3A_1548, %squeeze3A_1550 : f32
    %eq3A_1552 = arith.constant 9 : i32
    %eq3A_1553 = vector.broadcast %eq3A_1552 : i32 to vector<16xi32>
    %eq3A_1554 = arith.cmpi eq, %iota3A, %eq3A_1553 : vector<16xi32>
    %broadcast_in_dim3A_1555 = arith.constant 0.000000e+00 : f32
    %broadcast_in_dim3A_1556 = vector.broadcast %broadcast_in_dim3A_1555 : f32 to vector<16xf32>
    %add3A_1557 = vector.broadcast %add3A_1551 : f32 to vector<16xf32>
    %add3A_1558 = arith.addf %broadcast_in_dim3A_1556, %add3A_1557 : vector<16xf32>
    %select_n3A_1559 = arith.select %eq3A_1554, %add3A_1558, %select_n3A_1504 : vector<16xi1>, vector<16xf32>
    %slice3A_1560 = vector.extract_strided_slice %scan3A_1448#2 {offsets = [0], sizes = [1], strides = [1]} : vector<16xf32> to vector<1xf32>
    %squeeze3A_1561 = vector.extract %slice3A_1560[0] : f32 from vector<1xf32>
    %slice3A_1562 = vector.extract_strided_slice %scan3A_1448#2 {offsets = [1], sizes = [1], strides = [1]} : vector<16xf32> to vector<1xf32>
    %squeeze3A_1563 = vector.extract %slice3A_1562[0] : f32 from vector<1xf32>
    %add3A_1564 = arith.addf %squeeze3A_1561, %squeeze3A_1563 : f32
    %slice3A_1565 = vector.extract_strided_slice %scan3A_1448#2 {offsets = [2], sizes = [1], strides = [1]} : vector<16xf32> to vector<1xf32>
    %squeeze3A_1566 = vector.extract %slice3A_1565[0] : f32 from vector<1xf32>
    %add3A_1567 = arith.addf %add3A_1564, %squeeze3A_1566 : f32
    %slice3A_1568 = vector.extract_strided_slice %scan3A_1448#2 {offsets = [3], sizes = [1], strides = [1]} : vector<16xf32> to vector<1xf32>
    %squeeze3A_1569 = vector.extract %slice3A_1568[0] : f32 from vector<1xf32>
    %add3A_1570 = arith.addf %add3A_1567, %squeeze3A_1569 : f32
    %slice3A_1571 = vector.extract_strided_slice %scan3A_1448#2 {offsets = [4], sizes = [1], strides = [1]} : vector<16xf32> to vector<1xf32>
    %squeeze3A_1572 = vector.extract %slice3A_1571[0] : f32 from vector<1xf32>
    %add3A_1573 = arith.addf %add3A_1570, %squeeze3A_1572 : f32
    %slice3A_1574 = vector.extract_strided_slice %scan3A_1448#2 {offsets = [5], sizes = [1], strides = [1]} : vector<16xf32> to vector<1xf32>
    %squeeze3A_1575 = vector.extract %slice3A_1574[0] : f32 from vector<1xf32>
    %add3A_1576 = arith.addf %add3A_1573, %squeeze3A_1575 : f32
    %slice3A_1577 = vector.extract_strided_slice %scan3A_1448#2 {offsets = [6], sizes = [1], strides = [1]} : vector<16xf32> to vector<1xf32>
    %squeeze3A_1578 = vector.extract %slice3A_1577[0] : f32 from vector<1xf32>
    %add3A_1579 = arith.addf %add3A_1576, %squeeze3A_1578 : f32
    %slice3A_1580 = vector.extract_strided_slice %scan3A_1448#2 {offsets = [7], sizes = [1], strides = [1]} : vector<16xf32> to vector<1xf32>
    %squeeze3A_1581 = vector.extract %slice3A_1580[0] : f32 from vector<1xf32>
    %add3A_1582 = arith.addf %add3A_1579, %squeeze3A_1581 : f32
    %slice3A_1583 = vector.extract_strided_slice %scan3A_1448#2 {offsets = [8], sizes = [1], strides = [1]} : vector<16xf32> to vector<1xf32>
    %squeeze3A_1584 = vector.extract %slice3A_1583[0] : f32 from vector<1xf32>
    %add3A_1585 = arith.addf %add3A_1582, %squeeze3A_1584 : f32
    %slice3A_1586 = vector.extract_strided_slice %scan3A_1448#2 {offsets = [9], sizes = [1], strides = [1]} : vector<16xf32> to vector<1xf32>
    %squeeze3A_1587 = vector.extract %slice3A_1586[0] : f32 from vector<1xf32>
    %add3A_1588 = arith.addf %add3A_1585, %squeeze3A_1587 : f32
    %slice3A_1589 = vector.extract_strided_slice %scan3A_1448#2 {offsets = [10], sizes = [1], strides = [1]} : vector<16xf32> to vector<1xf32>
    %squeeze3A_1590 = vector.extract %slice3A_1589[0] : f32 from vector<1xf32>
    %add3A_1591 = arith.addf %add3A_1588, %squeeze3A_1590 : f32
    %slice3A_1592 = vector.extract_strided_slice %scan3A_1448#2 {offsets = [11], sizes = [1], strides = [1]} : vector<16xf32> to vector<1xf32>
    %squeeze3A_1593 = vector.extract %slice3A_1592[0] : f32 from vector<1xf32>
    %add3A_1594 = arith.addf %add3A_1591, %squeeze3A_1593 : f32
    %slice3A_1595 = vector.extract_strided_slice %scan3A_1448#2 {offsets = [12], sizes = [1], strides = [1]} : vector<16xf32> to vector<1xf32>
    %squeeze3A_1596 = vector.extract %slice3A_1595[0] : f32 from vector<1xf32>
    %add3A_1597 = arith.addf %add3A_1594, %squeeze3A_1596 : f32
    %slice3A_1598 = vector.extract_strided_slice %scan3A_1448#2 {offsets = [13], sizes = [1], strides = [1]} : vector<16xf32> to vector<1xf32>
    %squeeze3A_1599 = vector.extract %slice3A_1598[0] : f32 from vector<1xf32>
    %add3A_1600 = arith.addf %add3A_1597, %squeeze3A_1599 : f32
    %slice3A_1601 = vector.extract_strided_slice %scan3A_1448#2 {offsets = [14], sizes = [1], strides = [1]} : vector<16xf32> to vector<1xf32>
    %squeeze3A_1602 = vector.extract %slice3A_1601[0] : f32 from vector<1xf32>
    %add3A_1603 = arith.addf %add3A_1600, %squeeze3A_1602 : f32
    %slice3A_1604 = vector.extract_strided_slice %scan3A_1448#2 {offsets = [15], sizes = [1], strides = [1]} : vector<16xf32> to vector<1xf32>
    %squeeze3A_1605 = vector.extract %slice3A_1604[0] : f32 from vector<1xf32>
    %add3A_1606 = arith.addf %add3A_1603, %squeeze3A_1605 : f32
    %eq3A_1607 = arith.constant 10 : i32
    %eq3A_1608 = vector.broadcast %eq3A_1607 : i32 to vector<16xi32>
    %eq3A_1609 = arith.cmpi eq, %iota3A, %eq3A_1608 : vector<16xi32>
    %broadcast_in_dim3A_1610 = arith.constant 0.000000e+00 : f32
    %broadcast_in_dim3A_1611 = vector.broadcast %broadcast_in_dim3A_1610 : f32 to vector<16xf32>
    %add3A_1612 = vector.broadcast %add3A_1606 : f32 to vector<16xf32>
    %add3A_1613 = arith.addf %broadcast_in_dim3A_1611, %add3A_1612 : vector<16xf32>
    %select_n3A_1614 = arith.select %eq3A_1609, %add3A_1613, %select_n3A_1559 : vector<16xi1>, vector<16xf32>
    %slice3A_1615 = vector.extract_strided_slice %scan3A_1448#3 {offsets = [0], sizes = [1], strides = [1]} : vector<16xf32> to vector<1xf32>
    %squeeze3A_1616 = vector.extract %slice3A_1615[0] : f32 from vector<1xf32>
    %slice3A_1617 = vector.extract_strided_slice %scan3A_1448#3 {offsets = [1], sizes = [1], strides = [1]} : vector<16xf32> to vector<1xf32>
    %squeeze3A_1618 = vector.extract %slice3A_1617[0] : f32 from vector<1xf32>
    %add3A_1619 = arith.addf %squeeze3A_1616, %squeeze3A_1618 : f32
    %slice3A_1620 = vector.extract_strided_slice %scan3A_1448#3 {offsets = [2], sizes = [1], strides = [1]} : vector<16xf32> to vector<1xf32>
    %squeeze3A_1621 = vector.extract %slice3A_1620[0] : f32 from vector<1xf32>
    %add3A_1622 = arith.addf %add3A_1619, %squeeze3A_1621 : f32
    %slice3A_1623 = vector.extract_strided_slice %scan3A_1448#3 {offsets = [3], sizes = [1], strides = [1]} : vector<16xf32> to vector<1xf32>
    %squeeze3A_1624 = vector.extract %slice3A_1623[0] : f32 from vector<1xf32>
    %add3A_1625 = arith.addf %add3A_1622, %squeeze3A_1624 : f32
    %slice3A_1626 = vector.extract_strided_slice %scan3A_1448#3 {offsets = [4], sizes = [1], strides = [1]} : vector<16xf32> to vector<1xf32>
    %squeeze3A_1627 = vector.extract %slice3A_1626[0] : f32 from vector<1xf32>
    %add3A_1628 = arith.addf %add3A_1625, %squeeze3A_1627 : f32
    %slice3A_1629 = vector.extract_strided_slice %scan3A_1448#3 {offsets = [5], sizes = [1], strides = [1]} : vector<16xf32> to vector<1xf32>
    %squeeze3A_1630 = vector.extract %slice3A_1629[0] : f32 from vector<1xf32>
    %add3A_1631 = arith.addf %add3A_1628, %squeeze3A_1630 : f32
    %slice3A_1632 = vector.extract_strided_slice %scan3A_1448#3 {offsets = [6], sizes = [1], strides = [1]} : vector<16xf32> to vector<1xf32>
    %squeeze3A_1633 = vector.extract %slice3A_1632[0] : f32 from vector<1xf32>
    %add3A_1634 = arith.addf %add3A_1631, %squeeze3A_1633 : f32
    %slice3A_1635 = vector.extract_strided_slice %scan3A_1448#3 {offsets = [7], sizes = [1], strides = [1]} : vector<16xf32> to vector<1xf32>
    %squeeze3A_1636 = vector.extract %slice3A_1635[0] : f32 from vector<1xf32>
    %add3A_1637 = arith.addf %add3A_1634, %squeeze3A_1636 : f32
    %slice3A_1638 = vector.extract_strided_slice %scan3A_1448#3 {offsets = [8], sizes = [1], strides = [1]} : vector<16xf32> to vector<1xf32>
    %squeeze3A_1639 = vector.extract %slice3A_1638[0] : f32 from vector<1xf32>
    %add3A_1640 = arith.addf %add3A_1637, %squeeze3A_1639 : f32
    %slice3A_1641 = vector.extract_strided_slice %scan3A_1448#3 {offsets = [9], sizes = [1], strides = [1]} : vector<16xf32> to vector<1xf32>
    %squeeze3A_1642 = vector.extract %slice3A_1641[0] : f32 from vector<1xf32>
    %add3A_1643 = arith.addf %add3A_1640, %squeeze3A_1642 : f32
    %slice3A_1644 = vector.extract_strided_slice %scan3A_1448#3 {offsets = [10], sizes = [1], strides = [1]} : vector<16xf32> to vector<1xf32>
    %squeeze3A_1645 = vector.extract %slice3A_1644[0] : f32 from vector<1xf32>
    %add3A_1646 = arith.addf %add3A_1643, %squeeze3A_1645 : f32
    %slice3A_1647 = vector.extract_strided_slice %scan3A_1448#3 {offsets = [11], sizes = [1], strides = [1]} : vector<16xf32> to vector<1xf32>
    %squeeze3A_1648 = vector.extract %slice3A_1647[0] : f32 from vector<1xf32>
    %add3A_1649 = arith.addf %add3A_1646, %squeeze3A_1648 : f32
    %slice3A_1650 = vector.extract_strided_slice %scan3A_1448#3 {offsets = [12], sizes = [1], strides = [1]} : vector<16xf32> to vector<1xf32>
    %squeeze3A_1651 = vector.extract %slice3A_1650[0] : f32 from vector<1xf32>
    %add3A_1652 = arith.addf %add3A_1649, %squeeze3A_1651 : f32
    %slice3A_1653 = vector.extract_strided_slice %scan3A_1448#3 {offsets = [13], sizes = [1], strides = [1]} : vector<16xf32> to vector<1xf32>
    %squeeze3A_1654 = vector.extract %slice3A_1653[0] : f32 from vector<1xf32>
    %add3A_1655 = arith.addf %add3A_1652, %squeeze3A_1654 : f32
    %slice3A_1656 = vector.extract_strided_slice %scan3A_1448#3 {offsets = [14], sizes = [1], strides = [1]} : vector<16xf32> to vector<1xf32>
    %squeeze3A_1657 = vector.extract %slice3A_1656[0] : f32 from vector<1xf32>
    %add3A_1658 = arith.addf %add3A_1655, %squeeze3A_1657 : f32
    %slice3A_1659 = vector.extract_strided_slice %scan3A_1448#3 {offsets = [15], sizes = [1], strides = [1]} : vector<16xf32> to vector<1xf32>
    %squeeze3A_1660 = vector.extract %slice3A_1659[0] : f32 from vector<1xf32>
    %add3A_1661 = arith.addf %add3A_1658, %squeeze3A_1660 : f32
    %eq3A_1662 = arith.constant 11 : i32
    %eq3A_1663 = vector.broadcast %eq3A_1662 : i32 to vector<16xi32>
    %eq3A_1664 = arith.cmpi eq, %iota3A, %eq3A_1663 : vector<16xi32>
    %broadcast_in_dim3A_1665 = arith.constant 0.000000e+00 : f32
    %broadcast_in_dim3A_1666 = vector.broadcast %broadcast_in_dim3A_1665 : f32 to vector<16xf32>
    %add3A_1667 = vector.broadcast %add3A_1661 : f32 to vector<16xf32>
    %add3A_1668 = arith.addf %broadcast_in_dim3A_1666, %add3A_1667 : vector<16xf32>
    %select_n3A_1669 = arith.select %eq3A_1664, %add3A_1668, %select_n3A_1614 : vector<16xi1>, vector<16xf32>
    %add3A_1670 = arith.constant 16 : i32
    %add3A_1671 = arith.addi %mul3A_2, %add3A_1670 : i32
    %add3A_1672 = arith.constant 12 : i32
    %add3A_1673 = arith.addi %add3A_1671, %add3A_1672 : i32
    "tpu.region"() ({
      %run_scoped3A = tpu.sem_alloc : memref<!tpu.dma_semaphore, #tpu.memory_space<semaphore_mem>>
      %dma_start3A = arith.constant 0 : i32
      %dma_start3A_1912 = tpu.memref_slice %arg2[%add3A_1673, %dma_start3A] : memref<16384x16384xf32, #tpu.memory_space<hbm>> -> memref<4x16384xf32, #tpu.memory_space<hbm>>
      %dma_start3A_1913 = arith.constant 0 : i32
      %dma_start3A_1914 = tpu.memref_slice %arg2[%add3A_1673, %dma_start3A_1913] : memref<16384x16384xf32, #tpu.memory_space<hbm>> -> memref<4x16384xf32, #tpu.memory_space<hbm>>
      tpu.enqueue_dma source(%dma_start3A_1914 : memref<4x16384xf32, #tpu.memory_space<hbm>>) target(%arg6 : memref<4x16384xf32, #tpu.memory_space<vmem>>) target_semaphore(%run_scoped3A : memref<!tpu.dma_semaphore, #tpu.memory_space<semaphore_mem>>)
      %dma_wait3A = arith.constant 0 : i32
      %dma_wait3A_1915 = tpu.memref_slice %arg2[%add3A_1673, %dma_wait3A] : memref<16384x16384xf32, #tpu.memory_space<hbm>> -> memref<4x16384xf32, #tpu.memory_space<hbm>>
      %dma_wait3A_1916 = arith.constant 0 : i32
      %dma_wait3A_1917 = tpu.memref_slice %arg2[%add3A_1673, %dma_wait3A_1916] : memref<16384x16384xf32, #tpu.memory_space<hbm>> -> memref<4x16384xf32, #tpu.memory_space<hbm>>
      tpu.wait_dma2 semaphore(%run_scoped3A : memref<!tpu.dma_semaphore, #tpu.memory_space<semaphore_mem>>) src(%dma_wait3A_1917 : memref<4x16384xf32, #tpu.memory_space<hbm>>) dst(%arg6 : memref<4x16384xf32, #tpu.memory_space<vmem>>)
      tpu.yield
    }) : () -> ()
    %broadcast_in_dim3A_1674 = arith.constant 0.000000e+00 : f32
    %broadcast_in_dim3A_1675 = vector.broadcast %broadcast_in_dim3A_1674 : f32 to vector<16xf32>
    %broadcast_in_dim3A_1676 = arith.constant 0.000000e+00 : f32
    %broadcast_in_dim3A_1677 = vector.broadcast %broadcast_in_dim3A_1676 : f32 to vector<16xf32>
    %broadcast_in_dim3A_1678 = arith.constant 0.000000e+00 : f32
    %broadcast_in_dim3A_1679 = vector.broadcast %broadcast_in_dim3A_1678 : f32 to vector<16xf32>
    %broadcast_in_dim3A_1680 = arith.constant 0.000000e+00 : f32
    %broadcast_in_dim3A_1681 = vector.broadcast %broadcast_in_dim3A_1680 : f32 to vector<16xf32>
    %scan3A_1682 = arith.constant 0 : i32
    %scan3A_1683 = arith.constant 1024 : i32
    %scan3A_1684 = arith.addi %scan3A_1682, %scan3A_1683 : i32
    %scan3A_1685 = arith.constant 1 : i32
    %scan3A_1686:4 = scf.for %scan3A_1912 = %scan3A_1682 to %scan3A_1684 step %scan3A_1685 iter_args(%scan3A_1913 = %broadcast_in_dim3A_1675, %scan3A_1914 = %broadcast_in_dim3A_1677, %scan3A_1915 = %broadcast_in_dim3A_1679, %scan3A_1916 = %broadcast_in_dim3A_1681) -> (vector<16xf32>, vector<16xf32>, vector<16xf32>, vector<16xf32>)  : i32 {
      %mul3A_1917 = arith.constant 16 : i32
      %mul3A_1918 = arith.muli %scan3A_1912, %mul3A_1917 : i32
      %get3A = arith.index_cast %mul3A_1918 : i32 to index
      %get3A_1919 = tpu.vector_load %arg5[%get3A] {strides = array<i32>} : memref<16384xf32, #tpu.memory_space<vmem>>, vector<16xf32>,
      %get3A_1920 = vector.shape_cast %get3A_1919 : vector<16xf32> to vector<16xf32>
      %mul3A_1921 = arith.constant 16 : i32
      %mul3A_1922 = arith.muli %scan3A_1912, %mul3A_1921 : i32
      %get3A_1923 = arith.constant 0 : i32
      %get3A_1924 = arith.index_cast %get3A_1923 : i32 to index
      %get3A_1925 = arith.index_cast %mul3A_1922 : i32 to index
      %get3A_1926 = tpu.vector_load %arg6[%get3A_1924, %get3A_1925] {strides = array<i32>} : memref<4x16384xf32, #tpu.memory_space<vmem>>, vector<1x16xf32>,
      %get3A_1927 = vector.shape_cast %get3A_1926 : vector<1x16xf32> to vector<16xf32>
      %mul3A_1928 = arith.mulf %get3A_1927, %get3A_1920 : vector<16xf32>
      %add3A_1929 = arith.addf %scan3A_1913, %mul3A_1928 : vector<16xf32>
      %mul3A_1930 = arith.constant 16 : i32
      %mul3A_1931 = arith.muli %scan3A_1912, %mul3A_1930 : i32
      %get3A_1932 = arith.constant 1 : i32
      %get3A_1933 = arith.index_cast %get3A_1932 : i32 to index
      %get3A_1934 = arith.index_cast %mul3A_1931 : i32 to index
      %get3A_1935 = tpu.vector_load %arg6[%get3A_1933, %get3A_1934] {strides = array<i32>} : memref<4x16384xf32, #tpu.memory_space<vmem>>, vector<1x16xf32>,
      %get3A_1936 = vector.shape_cast %get3A_1935 : vector<1x16xf32> to vector<16xf32>
      %mul3A_1937 = arith.mulf %get3A_1936, %get3A_1920 : vector<16xf32>
      %add3A_1938 = arith.addf %scan3A_1914, %mul3A_1937 : vector<16xf32>
      %mul3A_1939 = arith.constant 16 : i32
      %mul3A_1940 = arith.muli %scan3A_1912, %mul3A_1939 : i32
      %get3A_1941 = arith.constant 2 : i32
      %get3A_1942 = arith.index_cast %get3A_1941 : i32 to index
      %get3A_1943 = arith.index_cast %mul3A_1940 : i32 to index
      %get3A_1944 = tpu.vector_load %arg6[%get3A_1942, %get3A_1943] {strides = array<i32>} : memref<4x16384xf32, #tpu.memory_space<vmem>>, vector<1x16xf32>,
      %get3A_1945 = vector.shape_cast %get3A_1944 : vector<1x16xf32> to vector<16xf32>
      %mul3A_1946 = arith.mulf %get3A_1945, %get3A_1920 : vector<16xf32>
      %add3A_1947 = arith.addf %scan3A_1915, %mul3A_1946 : vector<16xf32>
      %mul3A_1948 = arith.constant 16 : i32
      %mul3A_1949 = arith.muli %scan3A_1912, %mul3A_1948 : i32
      %get3A_1950 = arith.constant 3 : i32
      %get3A_1951 = arith.index_cast %get3A_1950 : i32 to index
      %get3A_1952 = arith.index_cast %mul3A_1949 : i32 to index
      %get3A_1953 = tpu.vector_load %arg6[%get3A_1951, %get3A_1952] {strides = array<i32>} : memref<4x16384xf32, #tpu.memory_space<vmem>>, vector<1x16xf32>,
      %get3A_1954 = vector.shape_cast %get3A_1953 : vector<1x16xf32> to vector<16xf32>
      %mul3A_1955 = arith.mulf %get3A_1954, %get3A_1920 : vector<16xf32>
      %add3A_1956 = arith.addf %scan3A_1916, %mul3A_1955 : vector<16xf32>
      scf.yield %add3A_1929, %add3A_1938, %add3A_1947, %add3A_1956 : vector<16xf32>, vector<16xf32>, vector<16xf32>, vector<16xf32>
    }
    %scan3A_1687 = arith.constant 1024 : i32
    %slice3A_1688 = vector.extract_strided_slice %scan3A_1686#0 {offsets = [0], sizes = [1], strides = [1]} : vector<16xf32> to vector<1xf32>
    %squeeze3A_1689 = vector.extract %slice3A_1688[0] : f32 from vector<1xf32>
    %slice3A_1690 = vector.extract_strided_slice %scan3A_1686#0 {offsets = [1], sizes = [1], strides = [1]} : vector<16xf32> to vector<1xf32>
    %squeeze3A_1691 = vector.extract %slice3A_1690[0] : f32 from vector<1xf32>
    %add3A_1692 = arith.addf %squeeze3A_1689, %squeeze3A_1691 : f32
    %slice3A_1693 = vector.extract_strided_slice %scan3A_1686#0 {offsets = [2], sizes = [1], strides = [1]} : vector<16xf32> to vector<1xf32>
    %squeeze3A_1694 = vector.extract %slice3A_1693[0] : f32 from vector<1xf32>
    %add3A_1695 = arith.addf %add3A_1692, %squeeze3A_1694 : f32
    %slice3A_1696 = vector.extract_strided_slice %scan3A_1686#0 {offsets = [3], sizes = [1], strides = [1]} : vector<16xf32> to vector<1xf32>
    %squeeze3A_1697 = vector.extract %slice3A_1696[0] : f32 from vector<1xf32>
    %add3A_1698 = arith.addf %add3A_1695, %squeeze3A_1697 : f32
    %slice3A_1699 = vector.extract_strided_slice %scan3A_1686#0 {offsets = [4], sizes = [1], strides = [1]} : vector<16xf32> to vector<1xf32>
    %squeeze3A_1700 = vector.extract %slice3A_1699[0] : f32 from vector<1xf32>
    %add3A_1701 = arith.addf %add3A_1698, %squeeze3A_1700 : f32
    %slice3A_1702 = vector.extract_strided_slice %scan3A_1686#0 {offsets = [5], sizes = [1], strides = [1]} : vector<16xf32> to vector<1xf32>
    %squeeze3A_1703 = vector.extract %slice3A_1702[0] : f32 from vector<1xf32>
    %add3A_1704 = arith.addf %add3A_1701, %squeeze3A_1703 : f32
    %slice3A_1705 = vector.extract_strided_slice %scan3A_1686#0 {offsets = [6], sizes = [1], strides = [1]} : vector<16xf32> to vector<1xf32>
    %squeeze3A_1706 = vector.extract %slice3A_1705[0] : f32 from vector<1xf32>
    %add3A_1707 = arith.addf %add3A_1704, %squeeze3A_1706 : f32
    %slice3A_1708 = vector.extract_strided_slice %scan3A_1686#0 {offsets = [7], sizes = [1], strides = [1]} : vector<16xf32> to vector<1xf32>
    %squeeze3A_1709 = vector.extract %slice3A_1708[0] : f32 from vector<1xf32>
    %add3A_1710 = arith.addf %add3A_1707, %squeeze3A_1709 : f32
    %slice3A_1711 = vector.extract_strided_slice %scan3A_1686#0 {offsets = [8], sizes = [1], strides = [1]} : vector<16xf32> to vector<1xf32>
    %squeeze3A_1712 = vector.extract %slice3A_1711[0] : f32 from vector<1xf32>
    %add3A_1713 = arith.addf %add3A_1710, %squeeze3A_1712 : f32
    %slice3A_1714 = vector.extract_strided_slice %scan3A_1686#0 {offsets = [9], sizes = [1], strides = [1]} : vector<16xf32> to vector<1xf32>
    %squeeze3A_1715 = vector.extract %slice3A_1714[0] : f32 from vector<1xf32>
    %add3A_1716 = arith.addf %add3A_1713, %squeeze3A_1715 : f32
    %slice3A_1717 = vector.extract_strided_slice %scan3A_1686#0 {offsets = [10], sizes = [1], strides = [1]} : vector<16xf32> to vector<1xf32>
    %squeeze3A_1718 = vector.extract %slice3A_1717[0] : f32 from vector<1xf32>
    %add3A_1719 = arith.addf %add3A_1716, %squeeze3A_1718 : f32
    %slice3A_1720 = vector.extract_strided_slice %scan3A_1686#0 {offsets = [11], sizes = [1], strides = [1]} : vector<16xf32> to vector<1xf32>
    %squeeze3A_1721 = vector.extract %slice3A_1720[0] : f32 from vector<1xf32>
    %add3A_1722 = arith.addf %add3A_1719, %squeeze3A_1721 : f32
    %slice3A_1723 = vector.extract_strided_slice %scan3A_1686#0 {offsets = [12], sizes = [1], strides = [1]} : vector<16xf32> to vector<1xf32>
    %squeeze3A_1724 = vector.extract %slice3A_1723[0] : f32 from vector<1xf32>
    %add3A_1725 = arith.addf %add3A_1722, %squeeze3A_1724 : f32
    %slice3A_1726 = vector.extract_strided_slice %scan3A_1686#0 {offsets = [13], sizes = [1], strides = [1]} : vector<16xf32> to vector<1xf32>
    %squeeze3A_1727 = vector.extract %slice3A_1726[0] : f32 from vector<1xf32>
    %add3A_1728 = arith.addf %add3A_1725, %squeeze3A_1727 : f32
    %slice3A_1729 = vector.extract_strided_slice %scan3A_1686#0 {offsets = [14], sizes = [1], strides = [1]} : vector<16xf32> to vector<1xf32>
    %squeeze3A_1730 = vector.extract %slice3A_1729[0] : f32 from vector<1xf32>
    %add3A_1731 = arith.addf %add3A_1728, %squeeze3A_1730 : f32
    %slice3A_1732 = vector.extract_strided_slice %scan3A_1686#0 {offsets = [15], sizes = [1], strides = [1]} : vector<16xf32> to vector<1xf32>
    %squeeze3A_1733 = vector.extract %slice3A_1732[0] : f32 from vector<1xf32>
    %add3A_1734 = arith.addf %add3A_1731, %squeeze3A_1733 : f32
    %eq3A_1735 = arith.constant 12 : i32
    %eq3A_1736 = vector.broadcast %eq3A_1735 : i32 to vector<16xi32>
    %eq3A_1737 = arith.cmpi eq, %iota3A, %eq3A_1736 : vector<16xi32>
    %broadcast_in_dim3A_1738 = arith.constant 0.000000e+00 : f32
    %broadcast_in_dim3A_1739 = vector.broadcast %broadcast_in_dim3A_1738 : f32 to vector<16xf32>
    %add3A_1740 = vector.broadcast %add3A_1734 : f32 to vector<16xf32>
    %add3A_1741 = arith.addf %broadcast_in_dim3A_1739, %add3A_1740 : vector<16xf32>
    %select_n3A_1742 = arith.select %eq3A_1737, %add3A_1741, %select_n3A_1669 : vector<16xi1>, vector<16xf32>
    %slice3A_1743 = vector.extract_strided_slice %scan3A_1686#1 {offsets = [0], sizes = [1], strides = [1]} : vector<16xf32> to vector<1xf32>
    %squeeze3A_1744 = vector.extract %slice3A_1743[0] : f32 from vector<1xf32>
    %slice3A_1745 = vector.extract_strided_slice %scan3A_1686#1 {offsets = [1], sizes = [1], strides = [1]} : vector<16xf32> to vector<1xf32>
    %squeeze3A_1746 = vector.extract %slice3A_1745[0] : f32 from vector<1xf32>
    %add3A_1747 = arith.addf %squeeze3A_1744, %squeeze3A_1746 : f32
    %slice3A_1748 = vector.extract_strided_slice %scan3A_1686#1 {offsets = [2], sizes = [1], strides = [1]} : vector<16xf32> to vector<1xf32>
    %squeeze3A_1749 = vector.extract %slice3A_1748[0] : f32 from vector<1xf32>
    %add3A_1750 = arith.addf %add3A_1747, %squeeze3A_1749 : f32
    %slice3A_1751 = vector.extract_strided_slice %scan3A_1686#1 {offsets = [3], sizes = [1], strides = [1]} : vector<16xf32> to vector<1xf32>
    %squeeze3A_1752 = vector.extract %slice3A_1751[0] : f32 from vector<1xf32>
    %add3A_1753 = arith.addf %add3A_1750, %squeeze3A_1752 : f32
    %slice3A_1754 = vector.extract_strided_slice %scan3A_1686#1 {offsets = [4], sizes = [1], strides = [1]} : vector<16xf32> to vector<1xf32>
    %squeeze3A_1755 = vector.extract %slice3A_1754[0] : f32 from vector<1xf32>
    %add3A_1756 = arith.addf %add3A_1753, %squeeze3A_1755 : f32
    %slice3A_1757 = vector.extract_strided_slice %scan3A_1686#1 {offsets = [5], sizes = [1], strides = [1]} : vector<16xf32> to vector<1xf32>
    %squeeze3A_1758 = vector.extract %slice3A_1757[0] : f32 from vector<1xf32>
    %add3A_1759 = arith.addf %add3A_1756, %squeeze3A_1758 : f32
    %slice3A_1760 = vector.extract_strided_slice %scan3A_1686#1 {offsets = [6], sizes = [1], strides = [1]} : vector<16xf32> to vector<1xf32>
    %squeeze3A_1761 = vector.extract %slice3A_1760[0] : f32 from vector<1xf32>
    %add3A_1762 = arith.addf %add3A_1759, %squeeze3A_1761 : f32
    %slice3A_1763 = vector.extract_strided_slice %scan3A_1686#1 {offsets = [7], sizes = [1], strides = [1]} : vector<16xf32> to vector<1xf32>
    %squeeze3A_1764 = vector.extract %slice3A_1763[0] : f32 from vector<1xf32>
    %add3A_1765 = arith.addf %add3A_1762, %squeeze3A_1764 : f32
    %slice3A_1766 = vector.extract_strided_slice %scan3A_1686#1 {offsets = [8], sizes = [1], strides = [1]} : vector<16xf32> to vector<1xf32>
    %squeeze3A_1767 = vector.extract %slice3A_1766[0] : f32 from vector<1xf32>
    %add3A_1768 = arith.addf %add3A_1765, %squeeze3A_1767 : f32
    %slice3A_1769 = vector.extract_strided_slice %scan3A_1686#1 {offsets = [9], sizes = [1], strides = [1]} : vector<16xf32> to vector<1xf32>
    %squeeze3A_1770 = vector.extract %slice3A_1769[0] : f32 from vector<1xf32>
    %add3A_1771 = arith.addf %add3A_1768, %squeeze3A_1770 : f32
    %slice3A_1772 = vector.extract_strided_slice %scan3A_1686#1 {offsets = [10], sizes = [1], strides = [1]} : vector<16xf32> to vector<1xf32>
    %squeeze3A_1773 = vector.extract %slice3A_1772[0] : f32 from vector<1xf32>
    %add3A_1774 = arith.addf %add3A_1771, %squeeze3A_1773 : f32
    %slice3A_1775 = vector.extract_strided_slice %scan3A_1686#1 {offsets = [11], sizes = [1], strides = [1]} : vector<16xf32> to vector<1xf32>
    %squeeze3A_1776 = vector.extract %slice3A_1775[0] : f32 from vector<1xf32>
    %add3A_1777 = arith.addf %add3A_1774, %squeeze3A_1776 : f32
    %slice3A_1778 = vector.extract_strided_slice %scan3A_1686#1 {offsets = [12], sizes = [1], strides = [1]} : vector<16xf32> to vector<1xf32>
    %squeeze3A_1779 = vector.extract %slice3A_1778[0] : f32 from vector<1xf32>
    %add3A_1780 = arith.addf %add3A_1777, %squeeze3A_1779 : f32
    %slice3A_1781 = vector.extract_strided_slice %scan3A_1686#1 {offsets = [13], sizes = [1], strides = [1]} : vector<16xf32> to vector<1xf32>
    %squeeze3A_1782 = vector.extract %slice3A_1781[0] : f32 from vector<1xf32>
    %add3A_1783 = arith.addf %add3A_1780, %squeeze3A_1782 : f32
    %slice3A_1784 = vector.extract_strided_slice %scan3A_1686#1 {offsets = [14], sizes = [1], strides = [1]} : vector<16xf32> to vector<1xf32>
    %squeeze3A_1785 = vector.extract %slice3A_1784[0] : f32 from vector<1xf32>
    %add3A_1786 = arith.addf %add3A_1783, %squeeze3A_1785 : f32
    %slice3A_1787 = vector.extract_strided_slice %scan3A_1686#1 {offsets = [15], sizes = [1], strides = [1]} : vector<16xf32> to vector<1xf32>
    %squeeze3A_1788 = vector.extract %slice3A_1787[0] : f32 from vector<1xf32>
    %add3A_1789 = arith.addf %add3A_1786, %squeeze3A_1788 : f32
    %eq3A_1790 = arith.constant 13 : i32
    %eq3A_1791 = vector.broadcast %eq3A_1790 : i32 to vector<16xi32>
    %eq3A_1792 = arith.cmpi eq, %iota3A, %eq3A_1791 : vector<16xi32>
    %broadcast_in_dim3A_1793 = arith.constant 0.000000e+00 : f32
    %broadcast_in_dim3A_1794 = vector.broadcast %broadcast_in_dim3A_1793 : f32 to vector<16xf32>
    %add3A_1795 = vector.broadcast %add3A_1789 : f32 to vector<16xf32>
    %add3A_1796 = arith.addf %broadcast_in_dim3A_1794, %add3A_1795 : vector<16xf32>
    %select_n3A_1797 = arith.select %eq3A_1792, %add3A_1796, %select_n3A_1742 : vector<16xi1>, vector<16xf32>
    %slice3A_1798 = vector.extract_strided_slice %scan3A_1686#2 {offsets = [0], sizes = [1], strides = [1]} : vector<16xf32> to vector<1xf32>
    %squeeze3A_1799 = vector.extract %slice3A_1798[0] : f32 from vector<1xf32>
    %slice3A_1800 = vector.extract_strided_slice %scan3A_1686#2 {offsets = [1], sizes = [1], strides = [1]} : vector<16xf32> to vector<1xf32>
    %squeeze3A_1801 = vector.extract %slice3A_1800[0] : f32 from vector<1xf32>
    %add3A_1802 = arith.addf %squeeze3A_1799, %squeeze3A_1801 : f32
    %slice3A_1803 = vector.extract_strided_slice %scan3A_1686#2 {offsets = [2], sizes = [1], strides = [1]} : vector<16xf32> to vector<1xf32>
    %squeeze3A_1804 = vector.extract %slice3A_1803[0] : f32 from vector<1xf32>
    %add3A_1805 = arith.addf %add3A_1802, %squeeze3A_1804 : f32
    %slice3A_1806 = vector.extract_strided_slice %scan3A_1686#2 {offsets = [3], sizes = [1], strides = [1]} : vector<16xf32> to vector<1xf32>
    %squeeze3A_1807 = vector.extract %slice3A_1806[0] : f32 from vector<1xf32>
    %add3A_1808 = arith.addf %add3A_1805, %squeeze3A_1807 : f32
    %slice3A_1809 = vector.extract_strided_slice %scan3A_1686#2 {offsets = [4], sizes = [1], strides = [1]} : vector<16xf32> to vector<1xf32>
    %squeeze3A_1810 = vector.extract %slice3A_1809[0] : f32 from vector<1xf32>
    %add3A_1811 = arith.addf %add3A_1808, %squeeze3A_1810 : f32
    %slice3A_1812 = vector.extract_strided_slice %scan3A_1686#2 {offsets = [5], sizes = [1], strides = [1]} : vector<16xf32> to vector<1xf32>
    %squeeze3A_1813 = vector.extract %slice3A_1812[0] : f32 from vector<1xf32>
    %add3A_1814 = arith.addf %add3A_1811, %squeeze3A_1813 : f32
    %slice3A_1815 = vector.extract_strided_slice %scan3A_1686#2 {offsets = [6], sizes = [1], strides = [1]} : vector<16xf32> to vector<1xf32>
    %squeeze3A_1816 = vector.extract %slice3A_1815[0] : f32 from vector<1xf32>
    %add3A_1817 = arith.addf %add3A_1814, %squeeze3A_1816 : f32
    %slice3A_1818 = vector.extract_strided_slice %scan3A_1686#2 {offsets = [7], sizes = [1], strides = [1]} : vector<16xf32> to vector<1xf32>
    %squeeze3A_1819 = vector.extract %slice3A_1818[0] : f32 from vector<1xf32>
    %add3A_1820 = arith.addf %add3A_1817, %squeeze3A_1819 : f32
    %slice3A_1821 = vector.extract_strided_slice %scan3A_1686#2 {offsets = [8], sizes = [1], strides = [1]} : vector<16xf32> to vector<1xf32>
    %squeeze3A_1822 = vector.extract %slice3A_1821[0] : f32 from vector<1xf32>
    %add3A_1823 = arith.addf %add3A_1820, %squeeze3A_1822 : f32
    %slice3A_1824 = vector.extract_strided_slice %scan3A_1686#2 {offsets = [9], sizes = [1], strides = [1]} : vector<16xf32> to vector<1xf32>
    %squeeze3A_1825 = vector.extract %slice3A_1824[0] : f32 from vector<1xf32>
    %add3A_1826 = arith.addf %add3A_1823, %squeeze3A_1825 : f32
    %slice3A_1827 = vector.extract_strided_slice %scan3A_1686#2 {offsets = [10], sizes = [1], strides = [1]} : vector<16xf32> to vector<1xf32>
    %squeeze3A_1828 = vector.extract %slice3A_1827[0] : f32 from vector<1xf32>
    %add3A_1829 = arith.addf %add3A_1826, %squeeze3A_1828 : f32
    %slice3A_1830 = vector.extract_strided_slice %scan3A_1686#2 {offsets = [11], sizes = [1], strides = [1]} : vector<16xf32> to vector<1xf32>
    %squeeze3A_1831 = vector.extract %slice3A_1830[0] : f32 from vector<1xf32>
    %add3A_1832 = arith.addf %add3A_1829, %squeeze3A_1831 : f32
    %slice3A_1833 = vector.extract_strided_slice %scan3A_1686#2 {offsets = [12], sizes = [1], strides = [1]} : vector<16xf32> to vector<1xf32>
    %squeeze3A_1834 = vector.extract %slice3A_1833[0] : f32 from vector<1xf32>
    %add3A_1835 = arith.addf %add3A_1832, %squeeze3A_1834 : f32
    %slice3A_1836 = vector.extract_strided_slice %scan3A_1686#2 {offsets = [13], sizes = [1], strides = [1]} : vector<16xf32> to vector<1xf32>
    %squeeze3A_1837 = vector.extract %slice3A_1836[0] : f32 from vector<1xf32>
    %add3A_1838 = arith.addf %add3A_1835, %squeeze3A_1837 : f32
    %slice3A_1839 = vector.extract_strided_slice %scan3A_1686#2 {offsets = [14], sizes = [1], strides = [1]} : vector<16xf32> to vector<1xf32>
    %squeeze3A_1840 = vector.extract %slice3A_1839[0] : f32 from vector<1xf32>
    %add3A_1841 = arith.addf %add3A_1838, %squeeze3A_1840 : f32
    %slice3A_1842 = vector.extract_strided_slice %scan3A_1686#2 {offsets = [15], sizes = [1], strides = [1]} : vector<16xf32> to vector<1xf32>
    %squeeze3A_1843 = vector.extract %slice3A_1842[0] : f32 from vector<1xf32>
    %add3A_1844 = arith.addf %add3A_1841, %squeeze3A_1843 : f32
    %eq3A_1845 = arith.constant 14 : i32
    %eq3A_1846 = vector.broadcast %eq3A_1845 : i32 to vector<16xi32>
    %eq3A_1847 = arith.cmpi eq, %iota3A, %eq3A_1846 : vector<16xi32>
    %broadcast_in_dim3A_1848 = arith.constant 0.000000e+00 : f32
    %broadcast_in_dim3A_1849 = vector.broadcast %broadcast_in_dim3A_1848 : f32 to vector<16xf32>
    %add3A_1850 = vector.broadcast %add3A_1844 : f32 to vector<16xf32>
    %add3A_1851 = arith.addf %broadcast_in_dim3A_1849, %add3A_1850 : vector<16xf32>
    %select_n3A_1852 = arith.select %eq3A_1847, %add3A_1851, %select_n3A_1797 : vector<16xi1>, vector<16xf32>
    %slice3A_1853 = vector.extract_strided_slice %scan3A_1686#3 {offsets = [0], sizes = [1], strides = [1]} : vector<16xf32> to vector<1xf32>
    %squeeze3A_1854 = vector.extract %slice3A_1853[0] : f32 from vector<1xf32>
    %slice3A_1855 = vector.extract_strided_slice %scan3A_1686#3 {offsets = [1], sizes = [1], strides = [1]} : vector<16xf32> to vector<1xf32>
    %squeeze3A_1856 = vector.extract %slice3A_1855[0] : f32 from vector<1xf32>
    %add3A_1857 = arith.addf %squeeze3A_1854, %squeeze3A_1856 : f32
    %slice3A_1858 = vector.extract_strided_slice %scan3A_1686#3 {offsets = [2], sizes = [1], strides = [1]} : vector<16xf32> to vector<1xf32>
    %squeeze3A_1859 = vector.extract %slice3A_1858[0] : f32 from vector<1xf32>
    %add3A_1860 = arith.addf %add3A_1857, %squeeze3A_1859 : f32
    %slice3A_1861 = vector.extract_strided_slice %scan3A_1686#3 {offsets = [3], sizes = [1], strides = [1]} : vector<16xf32> to vector<1xf32>
    %squeeze3A_1862 = vector.extract %slice3A_1861[0] : f32 from vector<1xf32>
    %add3A_1863 = arith.addf %add3A_1860, %squeeze3A_1862 : f32
    %slice3A_1864 = vector.extract_strided_slice %scan3A_1686#3 {offsets = [4], sizes = [1], strides = [1]} : vector<16xf32> to vector<1xf32>
    %squeeze3A_1865 = vector.extract %slice3A_1864[0] : f32 from vector<1xf32>
    %add3A_1866 = arith.addf %add3A_1863, %squeeze3A_1865 : f32
    %slice3A_1867 = vector.extract_strided_slice %scan3A_1686#3 {offsets = [5], sizes = [1], strides = [1]} : vector<16xf32> to vector<1xf32>
    %squeeze3A_1868 = vector.extract %slice3A_1867[0] : f32 from vector<1xf32>
    %add3A_1869 = arith.addf %add3A_1866, %squeeze3A_1868 : f32
    %slice3A_1870 = vector.extract_strided_slice %scan3A_1686#3 {offsets = [6], sizes = [1], strides = [1]} : vector<16xf32> to vector<1xf32>
    %squeeze3A_1871 = vector.extract %slice3A_1870[0] : f32 from vector<1xf32>
    %add3A_1872 = arith.addf %add3A_1869, %squeeze3A_1871 : f32
    %slice3A_1873 = vector.extract_strided_slice %scan3A_1686#3 {offsets = [7], sizes = [1], strides = [1]} : vector<16xf32> to vector<1xf32>
    %squeeze3A_1874 = vector.extract %slice3A_1873[0] : f32 from vector<1xf32>
    %add3A_1875 = arith.addf %add3A_1872, %squeeze3A_1874 : f32
    %slice3A_1876 = vector.extract_strided_slice %scan3A_1686#3 {offsets = [8], sizes = [1], strides = [1]} : vector<16xf32> to vector<1xf32>
    %squeeze3A_1877 = vector.extract %slice3A_1876[0] : f32 from vector<1xf32>
    %add3A_1878 = arith.addf %add3A_1875, %squeeze3A_1877 : f32
    %slice3A_1879 = vector.extract_strided_slice %scan3A_1686#3 {offsets = [9], sizes = [1], strides = [1]} : vector<16xf32> to vector<1xf32>
    %squeeze3A_1880 = vector.extract %slice3A_1879[0] : f32 from vector<1xf32>
    %add3A_1881 = arith.addf %add3A_1878, %squeeze3A_1880 : f32
    %slice3A_1882 = vector.extract_strided_slice %scan3A_1686#3 {offsets = [10], sizes = [1], strides = [1]} : vector<16xf32> to vector<1xf32>
    %squeeze3A_1883 = vector.extract %slice3A_1882[0] : f32 from vector<1xf32>
    %add3A_1884 = arith.addf %add3A_1881, %squeeze3A_1883 : f32
    %slice3A_1885 = vector.extract_strided_slice %scan3A_1686#3 {offsets = [11], sizes = [1], strides = [1]} : vector<16xf32> to vector<1xf32>
    %squeeze3A_1886 = vector.extract %slice3A_1885[0] : f32 from vector<1xf32>
    %add3A_1887 = arith.addf %add3A_1884, %squeeze3A_1886 : f32
    %slice3A_1888 = vector.extract_strided_slice %scan3A_1686#3 {offsets = [12], sizes = [1], strides = [1]} : vector<16xf32> to vector<1xf32>
    %squeeze3A_1889 = vector.extract %slice3A_1888[0] : f32 from vector<1xf32>
    %add3A_1890 = arith.addf %add3A_1887, %squeeze3A_1889 : f32
    %slice3A_1891 = vector.extract_strided_slice %scan3A_1686#3 {offsets = [13], sizes = [1], strides = [1]} : vector<16xf32> to vector<1xf32>
    %squeeze3A_1892 = vector.extract %slice3A_1891[0] : f32 from vector<1xf32>
    %add3A_1893 = arith.addf %add3A_1890, %squeeze3A_1892 : f32
    %slice3A_1894 = vector.extract_strided_slice %scan3A_1686#3 {offsets = [14], sizes = [1], strides = [1]} : vector<16xf32> to vector<1xf32>
    %squeeze3A_1895 = vector.extract %slice3A_1894[0] : f32 from vector<1xf32>
    %add3A_1896 = arith.addf %add3A_1893, %squeeze3A_1895 : f32
    %slice3A_1897 = vector.extract_strided_slice %scan3A_1686#3 {offsets = [15], sizes = [1], strides = [1]} : vector<16xf32> to vector<1xf32>
    %squeeze3A_1898 = vector.extract %slice3A_1897[0] : f32 from vector<1xf32>
    %add3A_1899 = arith.addf %add3A_1896, %squeeze3A_1898 : f32
    %eq3A_1900 = arith.constant 15 : i32
    %eq3A_1901 = vector.broadcast %eq3A_1900 : i32 to vector<16xi32>
    %eq3A_1902 = arith.cmpi eq, %iota3A, %eq3A_1901 : vector<16xi32>
    %broadcast_in_dim3A_1903 = arith.constant 0.000000e+00 : f32
    %broadcast_in_dim3A_1904 = vector.broadcast %broadcast_in_dim3A_1903 : f32 to vector<16xf32>
    %add3A_1905 = vector.broadcast %add3A_1899 : f32 to vector<16xf32>
    %add3A_1906 = arith.addf %broadcast_in_dim3A_1904, %add3A_1905 : vector<16xf32>
    %select_n3A_1907 = arith.select %eq3A_1902, %add3A_1906, %select_n3A_1852 : vector<16xi1>, vector<16xf32>
    %swap3A_1908 = arith.constant 16 : index
    %swap3A_1909 = tpu.vector_load %arg7[%swap3A_1908] {strides = array<i32>} : memref<32xf32, #tpu.memory_space<vmem>>, vector<16xf32>,
    %swap3A_1910 = vector.shape_cast %swap3A_1909 : vector<16xf32> to vector<16xf32>
    %swap3A_1911 = vector.shape_cast %select_n3A_1907 : vector<16xf32> to vector<16xf32>
    tpu.vector_store %arg7[%swap3A_1908], %swap3A_1911 {strides = array<i32>} : memref<32xf32, #tpu.memory_space<vmem>>, vector<16xf32>,
    "tpu.region"() ({
      %run_scoped3A = tpu.sem_alloc : memref<!tpu.dma_semaphore, #tpu.memory_space<semaphore_mem>>
      %dma_start3A = tpu.memref_slice %arg4[%mul3A_2] : memref<1024xf32, #tpu.memory_space<hbm>> -> memref<32xf32, #tpu.memory_space<hbm>>
      %dma_start3A_1912 = tpu.memref_slice %arg4[%mul3A_2] : memref<1024xf32, #tpu.memory_space<hbm>> -> memref<32xf32, #tpu.memory_space<hbm>>
      tpu.enqueue_dma source(%arg7 : memref<32xf32, #tpu.memory_space<vmem>>) target(%dma_start3A_1912 : memref<32xf32, #tpu.memory_space<hbm>>) target_semaphore(%run_scoped3A : memref<!tpu.dma_semaphore, #tpu.memory_space<semaphore_mem>>)
      %dma_wait3A = tpu.memref_slice %arg4[%mul3A_2] : memref<1024xf32, #tpu.memory_space<hbm>> -> memref<32xf32, #tpu.memory_space<hbm>>
      %dma_wait3A_1913 = tpu.memref_slice %arg4[%mul3A_2] : memref<1024xf32, #tpu.memory_space<hbm>> -> memref<32xf32, #tpu.memory_space<hbm>>
      tpu.wait_dma2 semaphore(%run_scoped3A : memref<!tpu.dma_semaphore, #tpu.memory_space<semaphore_mem>>) src(%arg7 : memref<32xf32, #tpu.memory_space<vmem>>) dst(%dma_wait3A_1913 : memref<32xf32, #tpu.memory_space<hbm>>)
      tpu.yield
    }) : () -> ()
    return
  }
}

module attributes {stable_mosaic.version = 14 : i64} {
  func.func @_mv_block(%arg0: i32, %arg1: memref<128x16384xf32, #tpu.memory_space<vmem>>, %arg2: memref<1x16384xf32, #tpu.memory_space<vmem>>, %arg3: memref<120x128xf32, #tpu.memory_space<vmem>>) attributes {dimension_semantics = [#tpu.dimension_semantics<arbitrary>], iteration_bounds = array<i64: 120>, scalar_prefetch = 0 : i64, scratch_operands = 0 : i64, tpu.core_type = #tpu.core_type<tc>, window_params = [{transform_indices = @transform_0, window_bounds = array<i64: 128, 16384>}, {pipeline_mode = #tpu.pipeline_mode<synchronous>, transform_indices = @transform_1, window_bounds = array<i64: 1, 16384>}, {pipeline_mode = #tpu.pipeline_mode<synchronous>, transform_indices = @transform_2, window_bounds = array<i64: 120, 128>}]} {
    %get3A = arith.constant 0 : index
    %get3A_0 = arith.constant 0 : index
    %get3A_1 = vector.load %arg1[%get3A, %get3A_0] : memref<128x16384xf32, #tpu.memory_space<vmem>>, vector<128x16384xf32>
    %get3A_2 = arith.constant 0 : index
    %get3A_3 = arith.constant 0 : index
    %get3A_4 = vector.load %arg2[%get3A_2, %get3A_3] : memref<1x16384xf32, #tpu.memory_space<vmem>>, vector<1x16384xf32>
    %dot_general3A = arith.constant dense<0.000000e+00> : vector<128x1xf32>
    %dot_general3A_5 = tpu.matmul %get3A_1, %get3A_4, %dot_general3A {dimension_numbers = #tpu.dot_dimension_numbers<[1], [1], [0], [0], [0, 0, 1, 0], [], []>, transpose_lhs_hint = false} : vector<128x16384xf32>, vector<1x16384xf32>, vector<128x1xf32> -> vector<128x1xf32>
    %reshape3A = vector.shape_cast %dot_general3A_5 : vector<128x1xf32> to vector<1x128xf32>
    %swap3A = arith.index_cast %arg0 : i32 to index
    %swap3A_6 = arith.constant 0 : index
    %swap3A_7 = vector.load %arg3[%swap3A, %swap3A_6] : memref<120x128xf32, #tpu.memory_space<vmem>>, vector<1x128xf32>
    tpu.vector_store %arg3[%swap3A, %swap3A_6], %reshape3A {strides = array<i32>} : memref<120x128xf32, #tpu.memory_space<vmem>>, vector<1x128xf32>,
    return
  }
  func.func @transform_0(%arg0: i32) -> (i32, i32) {
    %add3A = arith.constant 8 : i32
    %add3A_0 = arith.addi %arg0, %add3A : i32
    %c0_i32 = arith.constant 0 : i32
    %c0_i32_1 = arith.constant 0 : i32
    return %add3A_0, %c0_i32 : i32, i32
  }
  func.func @transform_1(%arg0: i32) -> (i32, i32) {
    %c0_i32 = arith.constant 0 : i32
    %c0_i32_0 = arith.constant 0 : i32
    %c0_i32_1 = arith.constant 0 : i32
    return %c0_i32, %c0_i32_0 : i32, i32
  }
  func.func @transform_2(%arg0: i32) -> (i32, i32) {
    %c0_i32 = arith.constant 0 : i32
    %c0_i32_0 = arith.constant 0 : i32
    %c0_i32_1 = arith.constant 0 : i32
    return %c0_i32, %c0_i32_0 : i32, i32
  }
}

</mosaic_0001>

<sc_bundles>
// kernel: kernel.4.cloned.1.call-start
scs
__scs_entry_jumppad:
0x0: {  	(pc) =	sbr.rel $0x88, $3  }
0x1: {  	(tag) =	ssettag $0x0;
	lr =	simm.s32 $0x1  }
0x2: {  	[smem:$0x3F9F] =	sst lr;
	_ =	strace $0xD0000000  }
0x3: {  	_ = 	snop  }
0x4: {  	_ = 	snop  }
0x5: {  	_ = 	snop  }
0x6: {  	_ = 	snop  }
0x7: {  	_ = 	snop  }
__scs_overlays_trampoline_lowered:
0x8: {  	[smem:$0x3FAE] =	sst s0  }
0x9: {  	[smem:$0x3FAF] =	sst s1  }
0xa: {  	[smem:$0x3FB0] =	sst s2  }
0xb: {  	[smem:$0x3FB1] =	sst s3  }
0xc: {  	[smem:$0x3FB2] =	sst s4  }
0xd: {  	[smem:$0x3FB3] =	sst s5  }
0xe: {  	[smem:$0x3FB4] =	sst s6  }
0xf: {  	[smem:$0x3FB5] =	sst s7  }
0x10: {  	[smem:$0x3FB6] =	sst s8  }
0x11: {  	[smem:$0x3FB7] =	sst s9;
	s0 =	simm.s32 @!p0 $0x0  }
0x12: {  	s1 =	sld [smem:$0x3F9D];
	s0 =	simm.s32 @p0 $0x1  }
0x13: {  	[smem:$0x3FB8] =	sst s0;
	s0 =	simm.s32 @!p1 $0x0  }
0x14: {  	s2 =	sld [smem:$0x3F9C];
	s0 =	simm.s32 @p1 $0x1  }
0x15: {  	[smem:$0x3FB9] =	sst s0;
	s0 =	simm.s32 @!p2 $0x0  }
0x16: {  	s3 =	sld [smem:$0x3FDB];
	s0 =	simm.s32 @p2 $0x1  }
0x17: {  	s4 =	simm.s32 $0x1BF5;
	[smem:$0x3FBB] =	sst s0  }
0x18: {  	s0 =	sld [smem:$0x3F9E];
	_ =	swait.ge [sflag:s4], $0x0  }
0x19: {  	s7 =	sld [smem:$0x3F9F]  }
0x1a: {  	s8 =	sadd.s32 $0xFFFFE003, lr  }
0x1b: {  	s9 =	sadd.s32 $0xFFFFFEF7, lr;
	s5 =	simm.s32 $0xFFFFFFFF;
	p2 =	slt.u32 s8, $0xFFFFF086  }
0x1c: {  	p1 =	slt.u32 s9, $0xF7A;
	s5 =	simm.s32 @!p2 $0x0  }
0x1d: {  	s5 =	simm.s32 @p1 $0x1;
	p0 =	seq.s32 s7, s2  }
0x1e: {  	s7 =	smul.u32 @!p0 $0xF7A, s2;
	p2 =	seq.s32 @!p0 s5, $0x0  }
0x1f: {  	s9 =	smul.u32 $0xF7A, s1;
	s8 =	simm.s32 @!p0 $0x1BF5;
	p2 =	por !p2, p0  }
0x20: {  	[sflag:s8] =	ssyncset.s32 @!p0 $0xFFFFF086;
	s6 =	sadd.s32 @!p0 s3, s7;
	s7 =	simm.s32 @!p0 $0x108  }
0x21: {  	s3 =	sadd.s32 s3, s9;
	s6 =	sadd.s32 @!p0 $0x88, s6;
	s7 =	simm.s32 @p2 $0x1082  }
0x22: {  	[simem:s7], [sflag:s8] =	dma.local @!p0 [hbm:s6], $0xF7A  }
0x23: {  	s9 =	sor.u32 $0xD0000000, s2;
	s6 =	simm.s32 $0x108;
	_ =	swait.ge @!p0 [sflag:s8], $0x0  }
0x24: {  	s3 =	sadd.s32 $0x88, s3;
	s6 =	simm.s32 @!p1 $0x1082;
	[sflag:s4] =	ssyncset.s32 $0xFFFFF086  }
0x25: {  	[simem:s6], [sflag:s4] =	dma.local [hbm:s3], $0xF7A  }
0x26: {  	[smem:$0x3F9F] =	sst s1;
	(tag) =	ssettag s2;
	_ =	strace s9  }
0x27: {  	s1 =	sld [smem:$0x3FAF]  }
0x28: {  	s2 =	sld [smem:$0x3FB0]  }
0x29: {  	s4 =	sld [smem:$0x3FB2]  }
0x2a: {  	p0 =	seq.s32 s5, $0x0;
	s5 =	sld [smem:$0x3FB3]  }
0x2b: {  	s6 =	sld [smem:$0x3FB4]  }
0x2c: {  	s7 =	sld [smem:$0x3FB5]  }
0x2d: {  	s3 =	simm.s32 $0x108;
	s8 =	sld [smem:$0x3FB6]  }
0x2e: {  	s3 =	simm.s32 @!p0 $0x1082;
	s9 =	sld [smem:$0x3FB7]  }
0x2f: {  	lr =	sadd.s32 s0, s3;
	s0 =	sld [smem:$0x3FAE]  }
0x30: {  	s3 =	sld [smem:$0x3FB1]  }
0x31: {  	[smem:$0x3FBA] =	sst s10  }
0x32: {  	s10 =	sld [smem:$0x3FB8];
	_ =	sdelay $0x3  }
0x33: {  	p0 =	seq.s32 s10, $0x1;
	s10 =	sld [smem:$0x3FBA];
	_ =	sdelay $0x3  }
0x34: {  	[smem:$0x3FBA] =	sst s10  }
0x35: {  	s10 =	sld [smem:$0x3FB9];
	_ =	sdelay $0x3  }
0x36: {  	p1 =	seq.s32 s10, $0x1;
	s10 =	sld [smem:$0x3FBA];
	_ =	sdelay $0x3  }
0x37: {  	[smem:$0x3FBA] =	sst s10  }
0x38: {  	s10 =	sld [smem:$0x3FBB]  }
0x39: {  	_ = 	snop;
	(pc) =	sbr.ind lr, $3  }
0x3a: {  	_ = 	snop  }
0x3b: {  	_ = 	snop  }
0x3c: {  	p2 =	seq.s32 s10, $0x1;
	s10 =	sld [smem:$0x3FBA]  }
0x3d: {  	_ =	shalt  }
0x3e: {  	_ =	shalt  }
0x3f: {  	_ =	shalt  }
0x40: {  	_ =	shalt  }
0x41: {  	_ =	shalt  }
0x42: {  	_ =	shalt  }
0x43: {  	_ =	shalt  }
0x44: {  	_ =	shalt  }
0x45: {  	_ =	shalt  }
0x46: {  	_ =	shalt  }
0x47: {  	_ =	shalt  }
0x48: {  	_ =	shalt  }
0x49: {  	_ =	shalt  }
0x4a: {  	_ =	shalt  }
0x4b: {  	_ =	shalt  }
0x4c: {  	_ =	shalt  }
0x4d: {  	_ =	shalt  }
0x4e: {  	_ =	shalt  }
0x4f: {  	_ =	shalt  }
0x50: {  	_ =	shalt  }
0x51: {  	_ =	shalt  }
0x52: {  	_ =	shalt  }
0x53: {  	_ =	shalt  }
0x54: {  	_ =	shalt  }
0x55: {  	_ =	shalt  }
0x56: {  	_ =	shalt  }
0x57: {  	_ =	shalt  }
0x58: {  	_ =	shalt  }
0x59: {  	_ =	shalt  }
0x5a: {  	_ =	shalt  }
0x5b: {  	_ =	shalt  }
0x5c: {  	_ =	shalt  }
0x5d: {  	_ =	shalt  }
0x5e: {  	_ =	shalt  }
0x5f: {  	_ =	shalt  }
0x60: {  	_ =	shalt  }
0x61: {  	_ =	shalt  }
0x62: {  	_ =	shalt  }
0x63: {  	_ =	shalt  }
0x64: {  	_ =	shalt  }
0x65: {  	_ =	shalt  }
0x66: {  	_ =	shalt  }
0x67: {  	_ =	shalt  }
0x68: {  	_ =	shalt  }
0x69: {  	_ =	shalt  }
0x6a: {  	_ =	shalt  }
0x6b: {  	_ =	shalt  }
0x6c: {  	_ =	shalt  }
0x6d: {  	_ =	shalt  }
0x6e: {  	_ =	shalt  }
0x6f: {  	_ =	shalt  }
0x70: {  	_ =	shalt  }
0x71: {  	_ =	shalt  }
0x72: {  	_ =	shalt  }
0x73: {  	_ =	shalt  }
0x74: {  	_ =	shalt  }
0x75: {  	_ =	shalt  }
0x76: {  	_ =	shalt  }
0x77: {  	_ =	shalt  }
0x78: {  	_ =	shalt  }
0x79: {  	_ =	shalt  }
0x7a: {  	_ =	shalt  }
0x7b: {  	_ =	shalt  }
0x7c: {  	_ =	shalt  }
0x7d: {  	_ =	shalt  }
0x7e: {  	_ =	shalt  }
0x7f: {  	_ =	shalt  }
0x80: {  	_ =	shalt  }
0x81: {  	_ =	shalt  }
0x82: {  	_ =	shalt  }
0x83: {  	_ =	shalt  }
0x84: {  	_ =	shalt  }
0x85: {  	_ =	shalt  }
0x86: {  	_ =	shalt  }
0x87: {  	_ =	shalt  }
.Lfunc_end0:
.L_simem_size_0:
called_computation_lowered:
.L_overlay_start_0:
0x88: {  	s2 =	sld [smem:$0x3FD9]  }
0x89: {  	s3 =	sld [smem:$0x3FFE];
	_ =	sdelay $0x1  }
0x8a: {  	s1 =	srdreg.scid  }
0x8b: {  	s0 =	sand.u32 $0x1, s1  }
0x8c: {  	s17 =	sshll.u32 s0, $0xA;
	s2 =	sadd.s32 s3, s2  }
0x8d: {  	s2 =	sadd.s32 s2, s17  }
0x8e: {  	[smem:$0x3FC6] =	sst s2  }
0x8f: {  	_ = 	snop  }
0x90: {  	s2 =	sld [smem:$0x3FC9]  }
0x91: {  	s18 =	sld [smem:$0x3FC8];
	(tm) =	ssettm $0x1  }
0x92: {  	s4 =	sld [smem:$0x3FFB];
	_ =	sdelay $0x3  }
0x93: {  	_ =	strace s4  }
0x94: {  	s4 =	sld [smem:$0x3FFC];
	_ =	sdelay $0x3  }
0x95: {  	_ =	strace s4  }
0x96: {  	s4 =	sld [smem:$0x3FFD];
	_ =	sdelay $0x3  }
0x97: {  	_ =	strace s4  }
0x98: {  	_ =	strace $0x8FFFFFFF  }
0x99: {  	s19 =	sld [smem:$0x3FDB];
	_ =	sdelay $0x1  }
0x9a: {  	s5 =	simm.s32 $_scs_section_size  }
0x9b: {  	s6 =	simm.s32 $_size__tile_overlayer_lowered;
	s7 =	simm.s32 $_tile_overlayer_lowered  }
0x9c: {  	s22 =	simm.s32 $0x1BFF;
	s21 =	sshll.u32 s7, $0x1;
	s4 =	sadd.s32 s5, s19  }
0x9d: {  	s8 =	simm.s32 $0x0;
	s20 =	sshll.u32 s6, $0x1;
	s6 =	sadd.s32 s21, s4  }
0x9e: {  	[timem:s8], [sflag:s22] =	dma.local [hbm:s6], s20  }
0x9f: {  	_ =	swait.ge [sflag:s22], s20  }
0xa0: {  	s5 =	ssub.s32 $0x0, s20;
	[sflag:s22] =	ssyncset.done $0x0  }
0xa1: {  	[sflag:s22] =	ssyncadd.s32 s5;
	_ =	sdelay $0x1  }
0xa2: {  	s23 =	simm.s32 $0x1B8B  }
0xa3: {  	_ =	swait.ge [sflag:s23], $0x1  }
0xa4: {  	[sflag:s23] =	ssyncset.done $0x0  }
0xa5: {  	s25 =	simm.s32 $0x1B8E;
	s24 =	sld [smem:$0x3FFE];
	[sflag:s23] =	ssyncadd.s32 $0xFFFFFFFF  }
0xa6: {  	s26 =	simm.s32 $execute0_lowered;
	[smem:$0x3FD2] =	sst s25  }
0xa7: {  	s6 =	sshll.u32 s26, $0x1;
	_ =	strace $0x80000046;
	[dreg:$0x1] =	wrdreg $0xFFFFFFFF  }
0xa8: {  	s28 =	simm.s32 $_size_execute0_lowered;
	s4 =	sadd.s32 s4, s6;
	[dreg:$0x0] =	wrdreg $0x0  }
0xa9: {  	s6 =	sshll.u32 s28, $0x1;
	[dreg:$0x2] =	wrdreg s4  }
0xaa: {  	[dreg:$0x3] =	wrdreg s6  }
0xab: {  	[dreg:$0x4] =	wrdreg $0xC0  }
0xac: {  	_ =	task [dreg:s8], $0x5FFFF  }
0xad: {  	[dreg:$0x1] =	wrdreg $0xFFFFFFFF  }
0xae: {  	[dreg:$0x0] =	wrdreg $0x60  }
0xaf: {  	[dreg:$0x2] =	wrdreg s2  }
0xb0: {  	[dreg:$0x3] =	wrdreg s18  }
0xb1: {  	[dreg:$0x4] =	wrdreg s24  }
0xb2: {  	[dreg:$0x5] =	wrdreg $0x9  }
0xb3: {  	_ =	task.clear_ibuf [dreg:s8], $0x6FFFF;
	_ =	strace $0x90000046  }
0xb4: {  	s29 =	simm.s32 $0x9;
	_ =	strace $0x80000048  }
0xb5: {  	_ =	swait.ge [sflag:s29], $0x1  }
0xb6: {  	[sflag:s29] =	ssyncadd.s32 $0xFFFFFFFF  }
0xb7: {  	_ =	strace $0x90000048  }
0xb8: {  	_ =	sfence  }
0xb9: {  	s30 =	sld [smem:$0x0];
	_ =	sdelay $0x2  }
0xba: {  	s31 =	sshll.u32 s1, $0xD;
	s1 =	sshrl.u32 s1, $0x2  }
0xbb: {  	s3 =	sand.u32 $0x4000, s31;
	s1 =	sadd.s32 s1, s30  }
0xbc: {  	s0 =	sor.u32 s3, s0;
	s1 =	sshll.u32 s1, $0x11  }
0xbd: {  	s0 =	sor.u32 s1, s0  }
0xbe: {  	s0 =	sadd.s32 $0x8F2B, s0  }
0xbf: {  	[sflag:s0] =	ssyncadd.remote.s32 $0x1  }
0xc0: {  	_ =	sfence.sel $0xFFFF  }
0xc1: {  	[dreg:$0x0] =	wrdreg $0xFFFFFFFF;
	(pc) =	sbr.abs _section_cstart, $3  }
0xc2: {  	[dreg:$0x1] =	wrdreg $0xFFFFFFFF  }
0xc3: {  	_ =	task.clear_ibuf [dreg:s8], $0x2FFFF;
	_ =	strace $0x9FFFFFFF  }
0xc4: {  	(tm) =	ssettm $0x7FFFFFFF  }
0xc5: {  	_ =	shalt  }
tec
execute0_lowered:
.L_overlay_start_1:
0x0: {  	(tag) =	ssettag $0x1  }
0x1: {  	s2 =	srdreg.scid  }
0x2: {  	s0 =	rddreg [dreg:$0x0];
	s3 =	stileid.u32;
	s2 =	sand.u32 $0x1, s2  }
0x3: {  	s1 =	rddreg [dreg:$0x2];
	s3 =	sshll.u32 s3, $0x6;
	s4 =	sshll.u32 s2, $0x5  }
0x4: {  	s6 =	simm.s32 $0x0;
	s2 =	ssub.s32 $0x2, s2;
	s3 =	sor.u32 s4, s3  }
0x5: {  	s5 =	sshrl.u32 s2, $0x1;
	s4 =	sshrl.u32 s3, $0x3;
	s3 =	sshll.u32 s3, $0xB  }
0x6: {  	[smem:$0x7FF] =	sst s6;
	s2 =	ssub.s32 s2, s5;
	s0 =	sadd.s32 s0, s3  }
0x7: {  	_ =	strace $0x80000047;
	s31 =	smax.u32 s2, $0x1;
	[dreg:$0x4] =	wrdreg s0  }
0x8: {  	s3 =	sadd.s32 $0x40, s0;
	[dreg:$0xd] =	wrdreg s31  }
0x9: {  	s24 =	sadd.s32 $0x4000, s0;
	[dreg:$0x5] =	wrdreg s3  }
0xa: {  	s25 =	sadd.s32 $0x4040, s0;
	[dreg:$0x6] =	wrdreg s24  }
0xb: {  	s26 =	sadd.s32 $0x8000, s0;
	[dreg:$0x7] =	wrdreg s25  }
0xc: {  	vm0 =	vcmask $0x300;
	vm1 =	vcmask $0x704;
	vm2 =	vcmask $0xB08;
	s7 =	simm.s32 $0x200;
	s28 =	sadd.s32 $0x8040, s0;
	[dreg:$0x8] =	wrdreg s26  }
0xd: {  	vm3 =	vcmask $0xF0C;
	vm4 =	vcmask $0x1310;
	vm5 =	vcmask $0x1714;
	s8 =	simm.s32 $0x400;
	s29 =	sadd.s32 $0xC000, s0;
	[dreg:$0x9] =	wrdreg s28  }
0xe: {  	vm6 =	vcmask $0x1B18;
	vm7 =	vcmask $0x1F1C;
	vm8 =	vcmask $0x2320;
	s1 =	sadd.s32 s4, s1;
	s0 =	sadd.s32 $0xC040, s0;
	[dreg:$0xa] =	wrdreg s29  }
0xf: {  	vm9 =	vcmask $0x2724;
	vm10 =	vcmask $0x2B28;
	vm11 =	vcmask $0x2F2C;
	s9 =	simm.s32 $0x4000;
	s30 =	sadd.s32 $0x600, s1;
	[dreg:$0xb] =	wrdreg s0  }
0x10: {  	vm12 =	vcmask $0x3330;
	vm13 =	vcmask $0x3734;
	vm14 =	vcmask $0x3B38;
	s5 =	simm.s32 $0x1;
	s1 =	simm.s32 $0x0;
	[dreg:$0xc] =	wrdreg s30  }
.LBB2_1:
0x11: {  	[dreg:$0xe] =	wrdreg s1  }
0x12: {  	s0 =	rddreg [dreg:$0x1]  }
0x13: {  	[tilespmem:s6], [sflag:$0x1] =	stream.linear.gather [hbm4b:s0+s6], $0x4000, $0x38;
	[tilespmem:$0x14080] =	vst v63  }
0x14: {  	_ =	swait.ge [sflag:s5], $0x4000  }
0x15: {  	[sflag:s5] =	ssyncset.done $0x0  }
0x16: {  	s24 =	rddreg [dreg:$0x4];
	[sflag:s5] =	ssyncadd.s32 $0xFFFFC000  }
0x17: {  	[tilespmem:s9], [sflag:$0x1] =	stream.strided.gather [hbm4b:s24+s7], $0x10000, s8, s7, $0x38;
	[tilespmem:$0x14080] =	vst v63  }
0x18: {  	_ =	swait.ge [sflag:s5], $0x10000  }
0x19: {  	s25 =	sand.u32 $0x70, s6;
	[sflag:s5] =	ssyncset.done $0x0  }
0x1a: {  	s26 =	simm.s32 $0x0;
	s2 =	sand.u32 $0xFE00, s6;
	[sflag:s5] =	ssyncadd.s32 $0xFFFF0000  }
0x1b: {  	s0 =	sor.u32 s25, s2;
	v6 =	vld [tilespmem:s26+$0x0]  }
0x1c: {  	v1 =	vld [tilespmem:s0+$0x4180]  }
0x1d: {  	v2 =	vld [tilespmem:s0+$0x4000]  }
0x1e: {  	v5 =	vld [tilespmem:s0+$0x4080]  }
0x1f: {  	v9 =	vld [tilespmem:s0+$0x4100]  }
0x20: {  	s28 =	simm.s32 $0x10;
	s29 =	simm.s32 $0x40  }
0x21: {  	s31 =	simm.s32 $0x10;
	s30 =	sand.u32 $0x70, s28;
	s2 =	sand.u32 $0xFE00, s29  }
0x22: {  	v0 =	vld [tilespmem:s31+$0x0];
	s0 =	sor.u32 s30, s2  }
0x23: {  	v7 =	vld [tilespmem:s0+$0x4180];
	v1 =	vmul.f32 v1, v6;
	v2 =	vmul.f32 v2, v6  }
0x24: {  	v3 =	vimm.f32 $0.0e+00;
	v4 =	vld [tilespmem:s0+$0x4000];
	v8 =	vmul.f32 v5, v6;
	v9 =	vmul.f32 v9, v6  }
0x25: {  	s1 =	simm.s32 $0x20;
	s2 =	simm.s32 $0x80;
	v5 =	vld [tilespmem:s0+$0x4080];
	v6 =	vimm.f32 $0.0e+00;
	v1 =	vadd.f32 v1, v3;
	v2 =	vadd.f32 v2, v3  }
.LBB2_2:
0x26: {  	s3 =	sand.u32 $0x70, s1;
	s4 =	sshra.s32 s2, $0x2;
	v10 =	vld [tilespmem:s0+$0x4100];
	v3 =	vadd.f32 v8, v3;
	p0 =	sne.s32 s1, $0x3FF0  }
.Ltmp0:
0x27: {  	s0 =	sand.u32 $0xFE00, s2;
	s1 =	sadd.s32 $0x10, s1;
	v6 =	vadd.f32 v9, v6;
	(pc) =	sbr.rel @p0 .LBB2_2-.Ltmp0, $4  }
0x28: {  	s0 =	sor.u32 s3, s0;
	v11 =	vmov v0;
	v9 =	vmul.f32 v7, v0;
	v0 =	vld [tilespmem:s4+$0x0]  }
0x29: {  	v7 =	vld [tilespmem:s0+$0x4180];
	v12 =	vmul.f32 v4, v11  }
0x2a: {  	v4 =	vld [tilespmem:s0+$0x4000];
	v8 =	vmul.f32 v5, v11;
	v1 =	vadd.f32 v9, v1  }
0x2b: {  	s2 =	sadd.s32 $0x40, s2;
	v5 =	vld [tilespmem:s0+$0x4080];
	v2 =	vadd.f32 v12, v2;
	v9 =	vmul.f32 v10, v11  }
0x2c: {  	s25 =	rddreg [dreg:$0x5]  }
0x2d: {  	v10 =	vld [tilespmem:s0+$0x4100];
	[tilespmem:s9], [sflag:$0x1] =	stream.strided.gather [hbm4b:s25+s7], $0x10000, s8, s7, $0x38  }
0x2e: {  	_ =	swait.ge [sflag:s5], $0x10000  }
0x2f: {  	s26 =	simm.s32 $0x0;
	s2 =	simm.s32 $0x0;
	[sflag:s5] =	ssyncset.done $0x0  }
0x30: {  	s1 =	sand.u32 $0x70, s26;
	s0 =	sand.u32 $0xFE00, s26;
	[sflag:s5] =	ssyncadd.s32 $0xFFFF0000  }
0x31: {  	s0 =	sor.u32 s1, s0;
	v11 =	vld [tilespmem:s2+$0x0]  }
0x32: {  	v12 =	vld [tilespmem:s0+$0x4180]  }
0x33: {  	v13 =	vld [tilespmem:s0+$0x4000]  }
0x34: {  	v7 =	vmul.f32 v7, v0;
	v14 =	vld [tilespmem:s0+$0x4080]  }
0x35: {  	v3 =	vadd.f32 v8, v3;
	s28 =	simm.s32 $0x10;
	s29 =	simm.s32 $0x40;
	v4 =	vmul.f32 v4, v0;
	v5 =	vmul.f32 v5, v0;
	v15 =	vld [tilespmem:s0+$0x4100]  }
0x36: {  	s31 =	simm.s32 $0x10;
	v6 =	vadd.f32 v9, v6;
	s30 =	sand.u32 $0x70, s28;
	v18 =	vadd.f32 v7, v1;
	s2 =	sand.u32 $0xFE00, s29  }
0x37: {  	v22 =	vadd.f32 v4, v2;
	v1 =	vmul.f32 v10, v0;
	v0 =	vld [tilespmem:s31+$0x0];
	s0 =	sor.u32 s30, s2;
	v21 =	vadd.f32 v5, v3  }
0x38: {  	v3 =	vimm.f32 $0.0e+00;
	v7 =	vld [tilespmem:s0+$0x4180];
	v2 =	vmul.f32 v12, v11;
	v9 =	vmul.f32 v13, v11  }
0x39: {  	v20 =	vadd.f32 v1, v6;
	v4 =	vld [tilespmem:s0+$0x4000];
	v6 =	vimm.f32 $0.0e+00;
	v8 =	vmul.f32 v14, v11  }
0x3a: {  	s1 =	simm.s32 $0x20;
	s2 =	simm.s32 $0x80;
	v5 =	vld [tilespmem:s0+$0x4080];
	v1 =	vadd.f32 v2, v3;
	v2 =	vadd.f32 v9, v3;
	v9 =	vmul.f32 v15, v11  }
.LBB2_4:
0x3b: {  	s3 =	sand.u32 $0x70, s1;
	s4 =	sshra.s32 s2, $0x2;
	v10 =	vld [tilespmem:s0+$0x4100];
	v3 =	vadd.f32 v8, v3;
	p0 =	sne.s32 s1, $0x3FF0  }
.Ltmp1:
0x3c: {  	s0 =	sand.u32 $0xFE00, s2;
	s1 =	sadd.s32 $0x10, s1;
	v6 =	vadd.f32 v9, v6;
	(pc) =	sbr.rel @p0 .LBB2_4-.Ltmp1, $4  }
0x3d: {  	s0 =	sor.u32 s3, s0;
	v11 =	vmov v0;
	v9 =	vmul.f32 v7, v0;
	v0 =	vld [tilespmem:s4+$0x0]  }
0x3e: {  	v7 =	vld [tilespmem:s0+$0x4180];
	v12 =	vmul.f32 v4, v11  }
0x3f: {  	v4 =	vld [tilespmem:s0+$0x4000];
	v8 =	vmul.f32 v5, v11;
	v1 =	vadd.f32 v9, v1  }
0x40: {  	s2 =	sadd.s32 $0x40, s2;
	v5 =	vld [tilespmem:s0+$0x4080];
	v2 =	vadd.f32 v12, v2;
	v9 =	vmul.f32 v10, v11  }
0x41: {  	s25 =	rddreg [dreg:$0x6]  }
0x42: {  	v10 =	vld [tilespmem:s0+$0x4100];
	[tilespmem:s9], [sflag:$0x1] =	stream.strided.gather [hbm4b:s25+s7], $0x10000, s8, s7, $0x38  }
0x43: {  	_ =	swait.ge [sflag:s5], $0x10000  }
0x44: {  	s26 =	simm.s32 $0x0;
	s2 =	simm.s32 $0x0;
	[sflag:s5] =	ssyncset.done $0x0  }
0x45: {  	s1 =	sand.u32 $0x70, s26;
	s0 =	sand.u32 $0xFE00, s26;
	[sflag:s5] =	ssyncadd.s32 $0xFFFF0000  }
0x46: {  	s0 =	sor.u32 s1, s0;
	v11 =	vld [tilespmem:s2+$0x0]  }
0x47: {  	v12 =	vld [tilespmem:s0+$0x4180]  }
0x48: {  	v13 =	vld [tilespmem:s0+$0x4000]  }
0x49: {  	v7 =	vmul.f32 v7, v0;
	v15 =	vld [tilespmem:s0+$0x4080]  }
0x4a: {  	v3 =	vadd.f32 v8, v3;
	s28 =	simm.s32 $0x10;
	s29 =	simm.s32 $0x40;
	v4 =	vmul.f32 v4, v0;
	v5 =	vmul.f32 v5, v0;
	v23 =	vld [tilespmem:s0+$0x4100]  }
0x4b: {  	s31 =	simm.s32 $0x10;
	v6 =	vadd.f32 v9, v6;
	s30 =	sand.u32 $0x70, s28;
	v14 =	vadd.f32 v7, v1;
	s2 =	sand.u32 $0xFE00, s29  }
0x4c: {  	v19 =	vadd.f32 v4, v2;
	v1 =	vmul.f32 v10, v0;
	v0 =	vld [tilespmem:s31+$0x0];
	s0 =	sor.u32 s30, s2;
	v17 =	vadd.f32 v5, v3  }
0x4d: {  	v3 =	vimm.f32 $0.0e+00;
	v7 =	vld [tilespmem:s0+$0x4180];
	v2 =	vmul.f32 v12, v11;
	v9 =	vmul.f32 v13, v11  }
0x4e: {  	v16 =	vadd.f32 v1, v6;
	v4 =	vld [tilespmem:s0+$0x4000];
	v6 =	vimm.f32 $0.0e+00;
	v8 =	vmul.f32 v15, v11  }
0x4f: {  	s1 =	simm.s32 $0x20;
	s2 =	simm.s32 $0x80;
	v5 =	vld [tilespmem:s0+$0x4080];
	v1 =	vadd.f32 v2, v3;
	v2 =	vadd.f32 v9, v3;
	v9 =	vmul.f32 v23, v11  }
.LBB2_6:
0x50: {  	s3 =	sand.u32 $0x70, s1;
	s4 =	sshra.s32 s2, $0x2;
	v10 =	vld [tilespmem:s0+$0x4100];
	v3 =	vadd.f32 v8, v3;
	p0 =	sne.s32 s1, $0x3FF0  }
.Ltmp2:
0x51: {  	s0 =	sand.u32 $0xFE00, s2;
	s1 =	sadd.s32 $0x10, s1;
	v6 =	vadd.f32 v9, v6;
	(pc) =	sbr.rel @p0 .LBB2_6-.Ltmp2, $4  }
0x52: {  	s0 =	sor.u32 s3, s0;
	v11 =	vmov v0;
	v9 =	vmul.f32 v7, v0;
	v0 =	vld [tilespmem:s4+$0x0]  }
0x53: {  	v7 =	vld [tilespmem:s0+$0x4180];
	v12 =	vmul.f32 v4, v11  }
0x54: {  	v4 =	vld [tilespmem:s0+$0x4000];
	v8 =	vmul.f32 v5, v11;
	v1 =	vadd.f32 v9, v1  }
0x55: {  	s2 =	sadd.s32 $0x40, s2;
	v5 =	vld [tilespmem:s0+$0x4080];
	v2 =	vadd.f32 v12, v2;
	v9 =	vmul.f32 v10, v11  }
0x56: {  	s25 =	rddreg [dreg:$0x7]  }
0x57: {  	v10 =	vld [tilespmem:s0+$0x4100];
	[tilespmem:s9], [sflag:$0x1] =	stream.strided.gather [hbm4b:s25+s7], $0x10000, s8, s7, $0x38  }
0x58: {  	_ =	swait.ge [sflag:s5], $0x10000  }
0x59: {  	s26 =	simm.s32 $0x0;
	s2 =	simm.s32 $0x0;
	[sflag:s5] =	ssyncset.done $0x0  }
0x5a: {  	s1 =	sand.u32 $0x70, s26;
	s0 =	sand.u32 $0xFE00, s26;
	[sflag:s5] =	ssyncadd.s32 $0xFFFF0000  }
0x5b: {  	s0 =	sor.u32 s1, s0;
	v23 =	vld [tilespmem:s2+$0x0]  }
0x5c: {  	v11 =	vld [tilespmem:s0+$0x4180]  }
0x5d: {  	v12 =	vld [tilespmem:s0+$0x4000]  }
0x5e: {  	v7 =	vmul.f32 v7, v0;
	v24 =	vld [tilespmem:s0+$0x4080]  }
0x5f: {  	v3 =	vadd.f32 v8, v3;
	s28 =	simm.s32 $0x10;
	s29 =	simm.s32 $0x40;
	v4 =	vmul.f32 v4, v0;
	v25 =	vld [tilespmem:s0+$0x4100]  }
0x60: {  	s31 =	simm.s32 $0x10;
	v6 =	vadd.f32 v9, v6;
	s30 =	sand.u32 $0x70, s28;
	v5 =	vmul.f32 v5, v0;
	v9 =	vadd.f32 v7, v1;
	s2 =	sand.u32 $0xFE00, s29  }
0x61: {  	v15 =	vadd.f32 v4, v2;
	v1 =	vmul.f32 v10, v0;
	v0 =	vld [tilespmem:s31+$0x0];
	s4 =	sor.u32 s30, s2;
	v4 =	vmul.f32 v11, v23  }
0x62: {  	v13 =	vadd.f32 v5, v3;
	v5 =	vimm.f32 $0.0e+00;
	v2 =	vld [tilespmem:s4+$0x4180];
	v3 =	vmul.f32 v12, v23  }
0x63: {  	v12 =	vadd.f32 v1, v6;
	v11 =	vld [tilespmem:s4+$0x4000];
	v8 =	vmul.f32 v24, v23;
	v1 =	vadd.f32 v4, v5  }
0x64: {  	s1 =	simm.s32 $0x80;
	s0 =	simm.s32 $0x20;
	v6 =	vld [tilespmem:s4+$0x4080];
	v10 =	vadd.f32 v3, v5;
	v4 =	vmul.f32 v25, v23;
	v3 =	vimm.f32 $0.0e+00  }
.LBB2_8:
0x65: {  	s2 =	sand.u32 $0x70, s0;
	s3 =	sshra.s32 s1, $0x2;
	v7 =	vld [tilespmem:s4+$0x4100];
	v5 =	vadd.f32 v8, v5;
	p0 =	sne.s32 s0, $0x3FF0  }
.Ltmp3:
0x66: {  	s4 =	sand.u32 $0xFE00, s1;
	s0 =	sadd.s32 $0x10, s0;
	v3 =	vadd.f32 v4, v3;
	(pc) =	sbr.rel @p0 .LBB2_8-.Ltmp3, $4  }
0x67: {  	s4 =	sor.u32 s2, s4;
	v23 =	vmov v0;
	v4 =	vmul.f32 v2, v0;
	v0 =	vld [tilespmem:s3+$0x0]  }
0x68: {  	v2 =	vld [tilespmem:s4+$0x4180];
	v24 =	vmul.f32 v11, v23  }
0x69: {  	v11 =	vld [tilespmem:s4+$0x4000];
	v8 =	vmul.f32 v6, v23;
	v1 =	vadd.f32 v4, v1  }
0x6a: {  	s1 =	sadd.s32 $0x40, s1;
	v6 =	vld [tilespmem:s4+$0x4080];
	v10 =	vadd.f32 v24, v10;
	v4 =	vmul.f32 v7, v23  }
0x6b: {  	(v2sf) =	vpush v22, $0x0  }
0x6c: {  	(v2sf) =	vpush v22, $0x1  }
0x6d: {  	(v2sf) =	vpush v22, $0x2  }
0x6e: {  	(v2sf) =	vpush v22, $0x3  }
0x6f: {  	(v2sf) =	vpush v22, $0x4  }
0x70: {  	(v2sf) =	vpush v22, $0x5  }
0x71: {  	(v2sf) =	vpush v22, $0x6  }
0x72: {  	(v2sf) =	vpush v22, $0x7  }
0x73: {  	(v2sf) =	vpush v22, $0x8  }
0x74: {  	(v2sf) =	vpush v22, $0x9  }
0x75: {  	(v2sf) =	vpush v22, $0xA  }
0x76: {  	(v2sf) =	vpush v22, $0xB  }
0x77: {  	(v2sf) =	vpush v22, $0xC;
	_ =	sdelay $0x2  }
0x78: {  	s1 =	spop (v2sf)  }
0x79: {  	s2 =	spop (v2sf);
	(v2sf) =	vpush v22, $0xD  }
0x7a: {  	s0 =	spop (v2sf);
	(v2sf) =	vpush v22, $0xE  }
0x7b: {  	s11 =	spop (v2sf);
	(v2sf) =	vpush v22, $0xF  }
0x7c: {  	s3 =	spop (v2sf);
	(v2sf) =	vpush v21, $0x0  }
0x7d: {  	s10 =	spop (v2sf);
	(v2sf) =	vpush v21, $0x1  }
0x7e: {  	s18 =	spop (v2sf);
	(v2sf) =	vpush v21, $0x2  }
0x7f: {  	s20 =	spop (v2sf);
	(v2sf) =	vpush v21, $0x3  }
0x80: {  	s6 =	spop (v2sf);
	(v2sf) =	vpush v21, $0x4  }
0x81: {  	s12 =	spop (v2sf);
	(v2sf) =	vpush v21, $0x5  }
0x82: {  	s30 =	spop (v2sf);
	(v2sf) =	vpush v21, $0x6  }
0x83: {  	s23 =	spop (v2sf);
	(v2sf) =	vpush v21, $0x7  }
0x84: {  	s21 =	spop (v2sf);
	(v2sf) =	vpush v21, $0x8  }
0x85: {  	(v2sf) =	vpush v21, $0x9  }
0x86: {  	(v2sf) =	vpush v21, $0xA;
	_ =	sdelay $0x1  }
0x87: {  	(v2sf) =	vpush v21, $0xB;
	s13 =	spop (v2sf)  }
0x88: {  	v7 =	vld [tilespmem:s4+$0x4100];
	(v2sf) =	vpush v21, $0xC;
	s4 =	spop (v2sf)  }
0x89: {  	(v2sf) =	vpush v21, $0xD;
	s5 =	spop (v2sf)  }
0x8a: {  	(v2sf) =	vpush v21, $0xE;
	s29 =	spop (v2sf)  }
0x8b: {  	(v2sf) =	vpush v21, $0xF;
	s9 =	spop (v2sf)  }
0x8c: {  	(v2sf) =	vpush v20, $0x0;
	s8 =	spop (v2sf)  }
0x8d: {  	(v2sf) =	vpush v20, $0x1;
	s22 =	spop (v2sf)  }
0x8e: {  	(v2sf) =	vpush v20, $0x2;
	s25 =	spop (v2sf)  }
0x8f: {  	(v2sf) =	vpush v20, $0x3;
	s26 =	spop (v2sf)  }
0x90: {  	(v2sf) =	vpush v20, $0x4;
	s7 =	spop (v2sf)  }
0x91: {  	(v2sf) =	vpush v20, $0x5;
	s24 =	spop (v2sf)  }
0x92: {  	(v2sf) =	vpush v20, $0x6;
	s28 =	spop (v2sf)  }
0x93: {  	(v2sf) =	vpush v20, $0x7;
	s31 =	spop (v2sf)  }
0x94: {  	s1 =	sadd.f32 s2, s1;
	(v2sf) =	vpush v20, $0x8;
	s14 =	spop (v2sf)  }
0x95: {  	(v2sf) =	vpush v20, $0x9;
	[smem:$0x7B4] =	sst s14  }
0x96: {  	(v2sf) =	vpush v20, $0xA;
	s15 =	spop (v2sf);
	s14 =	sadd.f32 s1, s0  }
0x97: {  	[smem:$0x7B0] =	sst s7;
	(v2sf) =	vpush v20, $0xB;
	s16 =	spop (v2sf)  }
0x98: {  	(v2sf) =	vpush v20, $0xC;
	s17 =	spop (v2sf);
	s11 =	sadd.f32 s14, s11  }
0x99: {  	[smem:$0x7B1] =	sst s24;
	(v2sf) =	vpush v20, $0xD;
	s19 =	spop (v2sf)  }
0x9a: {  	(v2sf) =	vpush v20, $0xE;
	s24 =	spop (v2sf);
	s11 =	sadd.f32 s11, s3  }
0x9b: {  	[smem:$0x7B2] =	sst s28;
	(v2sf) =	vpush v20, $0xF;
	s7 =	spop (v2sf)  }
0x9c: {  	(v2sf) =	vpush v18, $0x0;
	s2 =	spop (v2sf);
	s10 =	sadd.f32 s11, s10  }
0x9d: {  	[smem:$0x7B7] =	sst s17;
	(v2sf) =	vpush v18, $0x1;
	s0 =	spop (v2sf)  }
0x9e: {  	(v2sf) =	vpush v18, $0x2;
	s1 =	spop (v2sf);
	s10 =	sadd.f32 s10, s18  }
0x9f: {  	[smem:$0x7B8] =	sst s19;
	(v2sf) =	vpush v18, $0x3;
	s17 =	spop (v2sf)  }
0xa0: {  	(v2sf) =	vpush v18, $0x4;
	s19 =	spop (v2sf);
	s10 =	sadd.f32 s10, s20  }
0xa1: {  	[smem:$0x7B5] =	sst s15;
	s3 =	spop (v2sf)  }
0xa2: {  	(v2sf) =	vpush v18, $0x5;
	s14 =	spop (v2sf);
	s10 =	sadd.f32 s10, s6  }
0xa3: {  	[smem:$0x7B6] =	sst s16;
	(v2sf) =	vpush v18, $0x6;
	s15 =	spop (v2sf)  }
0xa4: {  	s16 =	spop (v2sf);
	s10 =	sadd.f32 s10, s12  }
0xa5: {  	[smem:$0x7B3] =	sst s31;
	(v2sf) =	vpush v18, $0x7;
	s18 =	spop (v2sf)  }
0xa6: {  	(v2sf) =	vpush v18, $0x8;
	s11 =	spop (v2sf);
	s10 =	sadd.f32 s10, s30  }
0xa7: {  	[smem:$0x7B9] =	sst s24;
	(v2sf) =	vpush v18, $0x9;
	s20 =	spop (v2sf)  }
0xa8: {  	s24 =	spop (v2sf);
	s10 =	sadd.f32 s10, s23  }
0xa9: {  	s2 =	sadd.f32 s2, s7;
	(v2sf) =	vpush v18, $0xA;
	s6 =	spop (v2sf)  }
0xaa: {  	s31 =	spop (v2sf);
	s10 =	sadd.f32 s10, s21  }
0xab: {  	s2 =	sadd.f32 s2, s0;
	(v2sf) =	vpush v18, $0xB;
	s28 =	spop (v2sf)  }
0xac: {  	s12 =	spop (v2sf);
	s10 =	sadd.f32 s10, s13  }
0xad: {  	[smem:$0x7BA] =	sst s28;
	s30 =	spop (v2sf)  }
0xae: {  	(v2sf) =	vpush v18, $0xC;
	s28 =	spop (v2sf);
	s4 =	sadd.f32 s10, s4  }
0xaf: {  	[smem:$0x7BB] =	sst s28;
	s28 =	spop (v2sf)  }
0xb0: {  	(v2sf) =	vpush v18, $0xD;
	[smem:$0x7BC] =	sst s28  }
0xb1: {  	s28 =	spop (v2sf);
	s4 =	sadd.f32 s4, s5  }
0xb2: {  	[smem:$0x7BD] =	sst s28;
	s23 =	spop (v2sf)  }
0xb3: {  	(v2sf) =	vpush v18, $0xE;
	[smem:$0x7BE] =	sst s23  }
0xb4: {  	s28 =	spop (v2sf);
	[dreg:$0xf] =	wrdreg s4  }
0xb5: {  	(v2sf) =	vpush v18, $0xF;
	[smem:$0x7BF] =	sst s28;
	s23 =	spop (v2sf)  }
0xb6: {  	[smem:$0x7C0] =	sst s23;
	s28 =	spop (v2sf)  }
0xb7: {  	[smem:$0x7C1] =	sst s28  }
0xb8: {  	s13 =	spop (v2sf);
	s28 =	sadd.f32 s9, s29  }
0xb9: {  	(v2sf) =	vpush v19, $0x0;
	[smem:$0x7C2] =	sst s13  }
0xba: {  	(v2sf) =	vpush v19, $0x1;
	s21 =	spop (v2sf);
	s13 =	sadd.f32 s2, s1  }
0xbb: {  	(v2sf) =	vpush v19, $0x2;
	[smem:$0x7C3] =	sst s21  }
0xbc: {  	(v2sf) =	vpush v19, $0x3;
	s9 =	sadd.f32 s28, s8  }
0xbd: {  	(v2sf) =	vpush v19, $0x4;
	s23 =	spop (v2sf);
	s28 =	sld [smem:$0x7B2]  }
0xbe: {  	(v2sf) =	vpush v19, $0x5;
	[smem:$0x7C4] =	sst s23  }
0xbf: {  	(v2sf) =	vpush v19, $0x6;
	s29 =	spop (v2sf);
	s23 =	sld [smem:$0x7B0]  }
0xc0: {  	(v2sf) =	vpush v19, $0x7;
	[smem:$0x7C5] =	sst s29  }
0xc1: {  	(v2sf) =	vpush v19, $0x8;
	s5 =	sadd.f32 s9, s22  }
0xc2: {  	(v2sf) =	vpush v19, $0x9;
	s7 =	spop (v2sf);
	s29 =	sld [smem:$0x7B3]  }
0xc3: {  	(v2sf) =	vpush v19, $0xA;
	[smem:$0x7C6] =	sst s7  }
0xc4: {  	(v2sf) =	vpush v19, $0xB;
	s10 =	spop (v2sf);
	s7 =	sadd.f32 s13, s17  }
0xc5: {  	(v2sf) =	vpush v19, $0xC;
	[smem:$0x7C7] =	sst s10  }
0xc6: {  	(v2sf) =	vpush v19, $0xD;
	s5 =	sadd.f32 s5, s25  }
0xc7: {  	(v2sf) =	vpush v19, $0xE;
	s25 =	sld [smem:$0x7B1]  }
0xc8: {  	(v2sf) =	vpush v19, $0xF;
	s4 =	spop (v2sf);
	s22 =	sadd.f32 s7, s19  }
0xc9: {  	(v2sf) =	vpush v17, $0x0;
	s0 =	spop (v2sf);
	s21 =	sadd.f32 s5, s26  }
0xca: {  	(v2sf) =	vpush v17, $0x1;
	s1 =	spop (v2sf);
	s0 =	sadd.f32 s0, s4  }
0xcb: {  	(v2sf) =	vpush v17, $0x2;
	s2 =	spop (v2sf);
	s3 =	sadd.f32 s22, s3  }
0xcc: {  	(v2sf) =	vpush v17, $0x3;
	s13 =	spop (v2sf);
	s9 =	sadd.f32 s21, s23  }
0xcd: {  	s0 =	sadd.f32 s0, s1;
	(v2sf) =	vpush v17, $0x4;
	s8 =	spop (v2sf)  }
0xce: {  	s3 =	sadd.f32 s3, s14;
	(v2sf) =	vpush v17, $0x5;
	s5 =	spop (v2sf)  }
0xcf: {  	s9 =	sadd.f32 s9, s25;
	(v2sf) =	vpush v17, $0x6;
	s7 =	spop (v2sf)  }
0xd0: {  	s3 =	sadd.f32 s3, s15;
	(v2sf) =	vpush v17, $0x7;
	s26 =	spop (v2sf)  }
0xd1: {  	s0 =	sadd.f32 s0, s2;
	(v2sf) =	vpush v17, $0x8;
	s17 =	spop (v2sf)  }
0xd2: {  	s3 =	sadd.f32 s3, s16;
	(v2sf) =	vpush v17, $0x9;
	s22 =	spop (v2sf)  }
0xd3: {  	s9 =	sadd.f32 s9, s28;
	(v2sf) =	vpush v17, $0xA;
	s14 =	spop (v2sf)  }
0xd4: {  	s3 =	sadd.f32 s3, s18;
	(v2sf) =	vpush v17, $0xB;
	s15 =	spop (v2sf)  }
0xd5: {  	s9 =	sadd.f32 s9, s29;
	(v2sf) =	vpush v17, $0xC;
	s25 =	spop (v2sf)  }
0xd6: {  	s3 =	sadd.f32 s3, s11;
	(v2sf) =	vpush v17, $0xD  }
0xd7: {  	s19 =	sld [smem:$0x7B4]  }
0xd8: {  	s21 =	sld [smem:$0x7B5]  }
0xd9: {  	s23 =	sld [smem:$0x7B6]  }
0xda: {  	s3 =	sadd.f32 s3, s20  }
0xdb: {  	s4 =	sld [smem:$0x7BD]  }
0xdc: {  	s3 =	sadd.f32 s3, s24  }
0xdd: {  	s9 =	sadd.f32 s9, s19  }
0xde: {  	s3 =	sadd.f32 s3, s6  }
0xdf: {  	s16 =	spop (v2sf);
	s9 =	sadd.f32 s9, s21  }
0xe0: {  	s19 =	spop (v2sf);
	s21 =	sld [smem:$0x7B7]  }
0xe1: {  	s29 =	spop (v2sf);
	s3 =	sadd.f32 s3, s31  }
0xe2: {  	s18 =	spop (v2sf);
	s31 =	sadd.f32 s0, s13  }
0xe3: {  	s11 =	spop (v2sf);
	s18 =	sadd.f32 s18, s29  }
0xe4: {  	s9 =	sadd.f32 s9, s23;
	s28 =	spop (v2sf)  }
0xe5: {  	[smem:$0x7C8] =	sst s28  }
0xe6: {  	s28 =	sld [smem:$0x7B8]  }
0xe7: {  	s20 =	spop (v2sf);
	[dreg:$0x13] =	wrdreg s3  }
0xe8: {  	s9 =	sadd.f32 s9, s21;
	s23 =	spop (v2sf)  }
0xe9: {  	[smem:$0x7C9] =	sst s23;
	s24 =	spop (v2sf)  }
0xea: {  	[smem:$0x7CA] =	sst s24  }
0xeb: {  	s9 =	sadd.f32 s9, s28  }
0xec: {  	s21 =	spop (v2sf);
	s24 =	sld [smem:$0x7B9]  }
0xed: {  	[smem:$0x7CB] =	sst s21;
	s23 =	spop (v2sf)  }
0xee: {  	(v2sf) =	vpush v17, $0xE;
	[smem:$0x7CC] =	sst s23  }
0xef: {  	s28 =	spop (v2sf);
	s6 =	sadd.f32 s9, s24  }
0xf0: {  	[smem:$0x7CD] =	sst s28  }
0xf1: {  	s9 =	sld [smem:$0x7BA]  }
0xf2: {  	(v2sf) =	vpush v17, $0xF;
	s24 =	sld [smem:$0x7BB]  }
0xf3: {  	[dreg:$0x11] =	wrdreg s6;
	s6 =	spop (v2sf)  }
0xf4: {  	[smem:$0x7CE] =	sst s6  }
0xf5: {  	(v2sf) =	vpush v16, $0x0;
	s3 =	sadd.f32 s12, s9  }
0xf6: {  	(v2sf) =	vpush v16, $0x1;
	s10 =	spop (v2sf);
	s6 =	sld [smem:$0x7BE]  }
0xf7: {  	[smem:$0x7CF] =	sst s10  }
0xf8: {  	s12 =	spop (v2sf);
	s10 =	sld [smem:$0x7BF]  }
0xf9: {  	(v2sf) =	vpush v16, $0x2;
	[smem:$0x7D0] =	sst s12  }
0xfa: {  	s3 =	sadd.f32 s3, s30  }
0xfb: {  	s30 =	sld [smem:$0x7BC]  }
0xfc: {  	s21 =	spop (v2sf);
	s12 =	sld [smem:$0x7C0]  }
0xfd: {  	[smem:$0x7D1] =	sst s21;
	s23 =	spop (v2sf)  }
0xfe: {  	(v2sf) =	vpush v16, $0x3;
	[smem:$0x7D2] =	sst s23  }
0xff: {  	(v2sf) =	vpush v16, $0x4;
	s1 =	sadd.f32 s3, s24  }
0x100: {  	(v2sf) =	vpush v16, $0x5;
	s3 =	sadd.f32 s31, s8  }
0x101: {  	(v2sf) =	vpush v16, $0x6;
	s28 =	spop (v2sf);
	s23 =	sld [smem:$0x7C1]  }
0x102: {  	(v2sf) =	vpush v16, $0x7;
	[smem:$0x7D3] =	sst s28  }
0x103: {  	(v2sf) =	vpush v16, $0x8;
	s28 =	sld [smem:$0x7C3]  }
0x104: {  	(v2sf) =	vpush v16, $0x9;
	s24 =	spop (v2sf);
	s1 =	sadd.f32 s1, s30  }
0x105: {  	(v2sf) =	vpush v16, $0xA;
	s9 =	spop (v2sf);
	s8 =	sadd.f32 s3, s5  }
0x106: {  	(v2sf) =	vpush v16, $0xB;
	s9 =	sadd.f32 s9, s24  }
0x107: {  	(v2sf) =	vpush v16, $0xC;
	s1 =	sadd.f32 s1, s4  }
0x108: {  	(v2sf) =	vpush v16, $0xD;
	s0 =	spop (v2sf);
	s7 =	sadd.f32 s8, s7  }
0x109: {  	(v2sf) =	vpush v16, $0xE;
	s0 =	sadd.f32 s9, s0  }
0x10a: {  	(v2sf) =	vpush v16, $0xF;
	s9 =	sld [smem:$0x7C8]  }
0x10b: {  	(v2sf) =	vpush v14, $0x0;
	s1 =	sadd.f32 s1, s6  }
0x10c: {  	(v2sf) =	vpush v14, $0x1;
	s21 =	sadd.f32 s7, s26  }
0x10d: {  	(v2sf) =	vpush v14, $0x2;
	s2 =	spop (v2sf);
	s26 =	sld [smem:$0x7C2]  }
0x10e: {  	(v2sf) =	vpush v14, $0x3;
	s31 =	spop (v2sf);
	s0 =	sadd.f32 s0, s2  }
0x10f: {  	s6 =	spop (v2sf);
	s1 =	sadd.f32 s1, s10  }
0x110: {  	s13 =	spop (v2sf);
	s17 =	sadd.f32 s21, s17  }
0x111: {  	(v2sf) =	vpush v14, $0x4;
	s3 =	spop (v2sf);
	s1 =	sadd.f32 s1, s12  }
0x112: {  	(v2sf) =	vpush v14, $0x5;
	s4 =	spop (v2sf);
	s17 =	sadd.f32 s17, s22  }
0x113: {  	(v2sf) =	vpush v14, $0x6;
	s5 =	spop (v2sf);
	s1 =	sadd.f32 s1, s23  }
0x114: {  	s10 =	spop (v2sf);
	s30 =	sadd.f32 s17, s14  }
0x115: {  	(v2sf) =	vpush v14, $0x7;
	s12 =	spop (v2sf);
	s1 =	sadd.f32 s1, s26  }
0x116: {  	s14 =	sld [smem:$0x7C4];
	s8 =	spop (v2sf)  }
0x117: {  	s23 =	spop (v2sf);
	s1 =	sadd.f32 s1, s28  }
0x118: {  	(v2sf) =	vpush v14, $0x8;
	s17 =	sld [smem:$0x7C5];
	s22 =	spop (v2sf)  }
0x119: {  	s26 =	spop (v2sf);
	s1 =	sadd.f32 s1, s14  }
0x11a: {  	s15 =	sadd.f32 s30, s15;
	s28 =	spop (v2sf)  }
0x11b: {  	s14 =	spop (v2sf);
	s1 =	sadd.f32 s1, s17  }
0x11c: {  	(v2sf) =	vpush v14, $0x9;
	s21 =	spop (v2sf);
	s17 =	sadd.f32 s15, s25  }
0x11d: {  	(v2sf) =	vpush v14, $0xA;
	s30 =	spop (v2sf);
	s15 =	sld [smem:$0x7C6]  }
0x11e: {  	[smem:$0x7D4] =	sst s30  }
0x11f: {  	s30 =	sld [smem:$0x7C7]  }
0x120: {  	(v2sf) =	vpush v14, $0xB;
	s25 =	spop (v2sf);
	s16 =	sadd.f32 s17, s16  }
0x121: {  	s1 =	sadd.f32 s1, s15;
	s15 =	spop (v2sf)  }
0x122: {  	(v2sf) =	vpush v14, $0xC;
	s17 =	spop (v2sf);
	s16 =	sadd.f32 s16, s19  }
0x123: {  	[smem:$0x7D5] =	sst s17  }
0x124: {  	s1 =	sadd.f32 s1, s30;
	s7 =	spop (v2sf)  }
0x125: {  	[smem:$0x7D6] =	sst s7  }
0x126: {  	[dreg:$0x17] =	wrdreg s16  }
0x127: {  	(v2sf) =	vpush v14, $0xD;
	s17 =	spop (v2sf);
	[dreg:$0x15] =	wrdreg s1  }
0x128: {  	(v2sf) =	vpush v14, $0xE;
	[smem:$0x7D7] =	sst s17  }
0x129: {  	s1 =	sadd.f32 s18, s11  }
0x12a: {  	s18 =	sadd.f32 s0, s31  }
0x12b: {  	(v2sf) =	vpush v14, $0xF;
	s19 =	spop (v2sf);
	s31 =	sld [smem:$0x7CC]  }
0x12c: {  	[smem:$0x7D8] =	sst s19;
	s24 =	spop (v2sf)  }
0x12d: {  	[smem:$0x7D9] =	sst s24  }
0x12e: {  	s1 =	sadd.f32 s1, s9  }
0x12f: {  	(v2sf) =	vpush v15, $0x0;
	s29 =	spop (v2sf);
	s2 =	sadd.f32 s18, s6  }
0x130: {  	(v2sf) =	vpush v15, $0x1;
	[smem:$0x7DA] =	sst s29  }
0x131: {  	s30 =	spop (v2sf);
	s29 =	sld [smem:$0x7CA]  }
0x132: {  	[smem:$0x7DB] =	sst s30  }
0x133: {  	s1 =	sadd.f32 s1, s20  }
0x134: {  	(v2sf) =	vpush v15, $0x2;
	s20 =	sld [smem:$0x7C9]  }
0x135: {  	s2 =	sadd.f32 s2, s13  }
0x136: {  	s11 =	spop (v2sf);
	s30 =	sld [smem:$0x7CB]  }
0x137: {  	[smem:$0x7DC] =	sst s11;
	s16 =	spop (v2sf)  }
0x138: {  	(v2sf) =	vpush v15, $0x3;
	[smem:$0x7DD] =	sst s16  }
0x139: {  	s3 =	sadd.f32 s2, s3  }
0x13a: {  	s17 =	spop (v2sf);
	s16 =	sld [smem:$0x7CD]  }
0x13b: {  	[smem:$0x7DE] =	sst s17  }
0x13c: {  	(v2sf) =	vpush v15, $0x4;
	s24 =	sadd.f32 s1, s20  }
0x13d: {  	(v2sf) =	vpush v15, $0x5;
	s17 =	sld [smem:$0x7CE]  }
0x13e: {  	(v2sf) =	vpush v15, $0x6;
	s0 =	spop (v2sf);
	s7 =	sadd.f32 s3, s4  }
0x13f: {  	(v2sf) =	vpush v15, $0x7;
	s19 =	spop (v2sf);
	s6 =	sadd.f32 s24, s29  }
0x140: {  	(v2sf) =	vpush v15, $0x8;
	s0 =	sadd.f32 s19, s0  }
0x141: {  	(v2sf) =	vpush v15, $0x9;
	s11 =	sadd.f32 s7, s5  }
0x142: {  	(v2sf) =	vpush v15, $0xA;
	s6 =	sadd.f32 s6, s30  }
0x143: {  	(v2sf) =	vpush v15, $0xB;
	s1 =	spop (v2sf);
	s30 =	sld [smem:$0x7CF]  }
0x144: {  	(v2sf) =	vpush v15, $0xC;
	s0 =	sadd.f32 s0, s1  }
0x145: {  	(v2sf) =	vpush v15, $0xD;
	s20 =	sadd.f32 s11, s10  }
0x146: {  	(v2sf) =	vpush v15, $0xE;
	s6 =	sadd.f32 s6, s31  }
0x147: {  	(v2sf) =	vpush v15, $0xF;
	s24 =	spop (v2sf);
	s31 =	sld [smem:$0x7D0]  }
0x148: {  	(v2sf) =	vpush v13, $0x0;
	s0 =	sadd.f32 s0, s24  }
0x149: {  	(v2sf) =	vpush v13, $0x1;
	s24 =	sld [smem:$0x7D7]  }
0x14a: {  	(v2sf) =	vpush v13, $0x2;
	s20 =	sadd.f32 s20, s12  }
0x14b: {  	(v2sf) =	vpush v13, $0x3;
	s13 =	spop (v2sf);
	s6 =	sadd.f32 s6, s16  }
0x14c: {  	s29 =	spop (v2sf);
	s0 =	sadd.f32 s0, s13  }
0x14d: {  	s9 =	spop (v2sf);
	s8 =	sadd.f32 s20, s8  }
0x14e: {  	(v2sf) =	vpush v13, $0x4;
	s2 =	spop (v2sf);
	s20 =	sld [smem:$0x7D1]  }
0x14f: {  	(v2sf) =	vpush v13, $0x5;
	s3 =	spop (v2sf);
	s18 =	sadd.f32 s6, s17  }
0x150: {  	(v2sf) =	vpush v13, $0x6;
	s4 =	spop (v2sf);
	s8 =	sadd.f32 s8, s23  }
0x151: {  	s7 =	spop (v2sf);
	s23 =	sld [smem:$0x7D2]  }
0x152: {  	s6 =	spop (v2sf);
	s16 =	sadd.f32 s18, s30  }
0x153: {  	(v2sf) =	vpush v13, $0x7;
	s11 =	spop (v2sf);
	s8 =	sadd.f32 s8, s22  }
0x154: {  	(v2sf) =	vpush v13, $0x8;
	s17 =	spop (v2sf);
	s10 =	sadd.f32 s16, s31  }
0x155: {  	s12 =	spop (v2sf);
	s26 =	sadd.f32 s8, s26  }
0x156: {  	s18 =	spop (v2sf);
	s30 =	sadd.f32 s10, s20  }
0x157: {  	(v2sf) =	vpush v13, $0x9;
	s16 =	spop (v2sf);
	[dreg:$0x1b] =	wrdreg s26  }
0x158: {  	s20 =	spop (v2sf);
	s26 =	sld [smem:$0x7D4]  }
0x159: {  	(v2sf) =	vpush v13, $0xA;
	s31 =	spop (v2sf);
	s30 =	sadd.f32 s30, s23  }
0x15a: {  	s23 =	sld [smem:$0x7D3];
	s10 =	spop (v2sf)  }
0x15b: {  	[smem:$0x7DF] =	sst s10  }
0x15c: {  	s10 =	sadd.f32 s14, s28  }
0x15d: {  	(v2sf) =	vpush v13, $0xB;
	s22 =	spop (v2sf);
	s5 =	sadd.f32 s30, s23  }
0x15e: {  	[smem:$0x7E0] =	sst s22;
	s30 =	spop (v2sf)  }
0x15f: {  	(v2sf) =	vpush v13, $0xC;
	s8 =	spop (v2sf);
	[dreg:$0x19] =	wrdreg s5  }
0x160: {  	[smem:$0x7E1] =	sst s8  }
0x161: {  	s8 =	sadd.f32 s10, s21  }
0x162: {  	(v2sf) =	vpush v13, $0xD;
	s14 =	spop (v2sf);
	s21 =	sadd.f32 s0, s29  }
0x163: {  	(v2sf) =	vpush v13, $0xE;
	[smem:$0x7E2] =	sst s14;
	s19 =	spop (v2sf)  }
0x164: {  	[smem:$0x7E3] =	sst s19  }
0x165: {  	s1 =	sadd.f32 s8, s26  }
0x166: {  	s22 =	spop (v2sf);
	s26 =	sld [smem:$0x7D9]  }
0x167: {  	(v2sf) =	vpush v13, $0xF;
	[smem:$0x7E4] =	sst s22  }
0x168: {  	s23 =	spop (v2sf);
	s22 =	sld [smem:$0x7D5]  }
0x169: {  	[smem:$0x7E5] =	sst s23  }
0x16a: {  	(v2sf) =	vpush v12, $0x0;
	s1 =	sadd.f32 s1, s25  }
0x16b: {  	(v2sf) =	vpush v12, $0x1;
	s23 =	sld [smem:$0x7D6]  }
0x16c: {  	s28 =	spop (v2sf);
	s25 =	sld [smem:$0x7D8]  }
0x16d: {  	[smem:$0x7E6] =	sst s28  }
0x16e: {  	(v2sf) =	vpush v12, $0x2;
	s8 =	spop (v2sf);
	s28 =	sld [smem:$0x7DA]  }
0x16f: {  	[smem:$0x7E7] =	sst s8  }
0x170: {  	s1 =	sadd.f32 s1, s15  }
0x171: {  	s10 =	spop (v2sf);
	s8 =	sadd.f32 s21, s9  }
0x172: {  	(v2sf) =	vpush v12, $0x3;
	[smem:$0x7E8] =	sst s10;
	s14 =	spop (v2sf)  }
0x173: {  	[smem:$0x7E9] =	sst s14  }
0x174: {  	s1 =	sadd.f32 s1, s22  }
0x175: {  	s2 =	sadd.f32 s8, s2  }
0x176: {  	(v2sf) =	vpush v12, $0x4;
	s19 =	spop (v2sf);
	s22 =	sld [smem:$0x7DE]  }
0x177: {  	[smem:$0x7EA] =	sst s19  }
0x178: {  	s19 =	sld [smem:$0x7DD]  }
0x179: {  	s14 =	spop (v2sf);
	s1 =	sadd.f32 s1, s23  }
0x17a: {  	(v2sf) =	vpush v12, $0x5;
	s0 =	spop (v2sf);
	s2 =	sadd.f32 s2, s3  }
0x17b: {  	s0 =	sadd.f32 s0, s14  }
0x17c: {  	s1 =	sadd.f32 s1, s24  }
0x17d: {  	s29 =	spop (v2sf);
	s2 =	sadd.f32 s2, s4  }
0x17e: {  	s0 =	sadd.f32 s0, s29  }
0x17f: {  	(v2sf) =	vpush v12, $0x6;
	s1 =	sadd.f32 s1, s25  }
0x180: {  	(v2sf) =	vpush v12, $0x7;
	s4 =	sadd.f32 s2, s7  }
0x181: {  	(v2sf) =	vpush v12, $0x8;
	s13 =	spop (v2sf);
	s7 =	sld [smem:$0x7DB]  }
0x182: {  	(v2sf) =	vpush v12, $0x9;
	s0 =	sadd.f32 s0, s13  }
0x183: {  	(v2sf) =	vpush v12, $0xA;
	s13 =	sld [smem:$0x7E6]  }
0x184: {  	(v2sf) =	vpush v12, $0xB;
	s3 =	sadd.f32 s1, s26  }
0x185: {  	(v2sf) =	vpush v12, $0xC;
	s23 =	spop (v2sf);
	s4 =	sadd.f32 s4, s6  }
0x186: {  	(v2sf) =	vpush v12, $0xD;
	s0 =	sadd.f32 s0, s23  }
0x187: {  	(v2sf) =	vpush v12, $0xE;
	s1 =	sadd.f32 s3, s28  }
0x188: {  	(v2sf) =	vpush v12, $0xF;
	s4 =	sadd.f32 s4, s11  }
0x189: {  	(v2sf) =	vpush v9, $0x0;
	s9 =	spop (v2sf);
	s11 =	sld [smem:$0x7DC]  }
0x18a: {  	(v2sf) =	vpush v9, $0x1;
	s0 =	sadd.f32 s0, s9  }
0x18b: {  	(v2sf) =	vpush v9, $0x2;
	s9 =	sld [smem:$0x7E4]  }
0x18c: {  	(v2sf) =	vpush v9, $0x3;
	s8 =	sadd.f32 s1, s7  }
0x18d: {  	(v2sf) =	vpush v9, $0x4;
	s4 =	sadd.f32 s4, s17  }
0x18e: {  	s15 =	spop (v2sf);
	s17 =	sadd.f32 s20, s16  }
0x18f: {  	(v2sf) =	vpush v9, $0x5;
	s21 =	spop (v2sf);
	s0 =	sadd.f32 s0, s15  }
0x190: {  	s25 =	spop (v2sf);
	s6 =	sadd.f32 s8, s11  }
0x191: {  	(v2sf) =	vpush v9, $0x6;
	s5 =	spop (v2sf);
	s4 =	sadd.f32 s4, s12  }
0x192: {  	(v2sf) =	vpush v9, $0x7;
	s2 =	spop (v2sf);
	s0 =	sadd.f32 s0, s21  }
0x193: {  	s3 =	spop (v2sf);
	s6 =	sadd.f32 s6, s19  }
0x194: {  	s10 =	spop (v2sf);
	s7 =	sadd.f32 s4, s18  }
0x195: {  	s24 =	spop (v2sf);
	s4 =	sadd.f32 s17, s31  }
0x196: {  	s26 =	spop (v2sf);
	s17 =	sld [smem:$0x7E0]  }
0x197: {  	s11 =	spop (v2sf);
	s0 =	sadd.f32 s0, s25  }
0x198: {  	(v2sf) =	vpush v9, $0x8;
	s8 =	spop (v2sf);
	s1 =	sadd.f32 s6, s22  }
0x199: {  	s28 =	spop (v2sf);
	[dreg:$0x1f] =	wrdreg s7  }
0x19a: {  	(v2sf) =	vpush v9, $0x9;
	s19 =	spop (v2sf);
	s5 =	sadd.f32 s0, s5  }
0x19b: {  	[dreg:$0x1d] =	wrdreg s1;
	s22 =	spop (v2sf)  }
0x19c: {  	s12 =	spop (v2sf);
	s5 =	sadd.f32 s5, s2  }
0x19d: {  	[smem:$0x7EB] =	sst s12  }
0x19e: {  	s18 =	spop (v2sf);
	s12 =	sld [smem:$0x7DF]  }
0x19f: {  	(v2sf) =	vpush v9, $0xA;
	[smem:$0x7EC] =	sst s18  }
0x1a0: {  	(v2sf) =	vpush v9, $0xB;
	s20 =	spop (v2sf);
	s3 =	sadd.f32 s5, s3  }
0x1a1: {  	[smem:$0x7ED] =	sst s20;
	s6 =	spop (v2sf)  }
0x1a2: {  	[smem:$0x7EE] =	sst s6  }
0x1a3: {  	s4 =	sadd.f32 s4, s12  }
0x1a4: {  	(v2sf) =	vpush v9, $0xC;
	s6 =	sld [smem:$0x7E2]  }
0x1a5: {  	s12 =	sld [smem:$0x7E5]  }
0x1a6: {  	(v2sf) =	vpush v9, $0xD;
	s3 =	sadd.f32 s3, s10  }
0x1a7: {  	s7 =	spop (v2sf);
	s10 =	sld [smem:$0x7EC]  }
0x1a8: {  	[smem:$0x7EF] =	sst s7  }
0x1a9: {  	v11 =	vmul.f32 v11, v0;
	(v2sf) =	vpush v9, $0xE;
	s14 =	spop (v2sf);
	s7 =	sld [smem:$0x7E3]  }
0x1aa: {  	[smem:$0x7F0] =	sst s14  }
0x1ab: {  	v10 =	vadd.f32 v11, v10;
	(v2sf) =	vpush v9, $0xF;
	s4 =	sadd.f32 s4, s17  }
0x1ac: {  	s14 =	sld [smem:$0x7E7]  }
0x1ad: {  	(v2sf) =	vpush v10, $0x0;
	s3 =	sadd.f32 s3, s24  }
0x1ae: {  	(v2sf) =	vpush v10, $0x1;
	s16 =	spop (v2sf);
	s24 =	sld [smem:$0x7EA]  }
0x1af: {  	[smem:$0x7F1] =	sst s16;
	s18 =	spop (v2sf)  }
0x1b0: {  	(v2sf) =	vpush v10, $0x2;
	[smem:$0x7F2] =	sst s18  }
0x1b1: {  	(v2sf) =	vpush v10, $0x3;
	s4 =	sadd.f32 s4, s30  }
0x1b2: {  	(v2sf) =	vpush v10, $0x4;
	s30 =	sld [smem:$0x7E1]  }
0x1b3: {  	(v2sf) =	vpush v10, $0x5;
	s20 =	spop (v2sf);
	s3 =	sadd.f32 s3, s26  }
0x1b4: {  	(v2sf) =	vpush v10, $0x6;
	[smem:$0x7F3] =	sst s20  }
0x1b5: {  	(v2sf) =	vpush v10, $0x7;
	s23 =	spop (v2sf);
	s20 =	sld [smem:$0x7E8]  }
0x1b6: {  	(v2sf) =	vpush v10, $0x8;
	[smem:$0x7F4] =	sst s23  }
0x1b7: {  	(v2sf) =	vpush v10, $0x9;
	s23 =	sld [smem:$0x7E9]  }
0x1b8: {  	(v2sf) =	vpush v10, $0xA;
	s29 =	spop (v2sf);
	s25 =	sadd.f32 s3, s11  }
0x1b9: {  	(v2sf) =	vpush v10, $0xB;
	[smem:$0x7F5] =	sst s29  }
0x1ba: {  	v5 =	vadd.f32 v8, v5;
	v6 =	vmul.f32 v6, v0;
	(v2sf) =	vpush v10, $0xC;
	s4 =	sadd.f32 s4, s30;
	s31 =	spop (v2sf)  }
0x1bb: {  	(v2sf) =	vpush v10, $0xD;
	[smem:$0x7F6] =	sst s31  }
0x1bc: {  	v5 =	vadd.f32 v6, v5;
	(v2sf) =	vpush v10, $0xE;
	s15 =	spop (v2sf);
	[smem:$0x7FC] =	sst s25  }
0x1bd: {  	(v2sf) =	vpush v10, $0xF;
	s4 =	sadd.f32 s4, s6;
	s1 =	spop (v2sf)  }
0x1be: {  	(v2sf) =	vpush v5, $0x0;
	s1 =	sadd.f32 s1, s15  }
0x1bf: {  	(v2sf) =	vpush v5, $0x1;
	s21 =	spop (v2sf);
	s4 =	sadd.f32 s4, s7  }
0x1c0: {  	s18 =	spop (v2sf);
	s1 =	sadd.f32 s1, s21  }
0x1c1: {  	s30 =	spop (v2sf);
	s6 =	sadd.f32 s4, s9  }
0x1c2: {  	(v2sf) =	vpush v5, $0x2;
	s4 =	spop (v2sf);
	s1 =	sadd.f32 s1, s18  }
0x1c3: {  	s16 =	spop (v2sf);
	s6 =	sadd.f32 s6, s12  }
0x1c4: {  	(v2sf) =	vpush v5, $0x3;
	s0 =	spop (v2sf);
	s1 =	sadd.f32 s1, s30  }
0x1c5: {  	(v2sf) =	vpush v5, $0x4;
	s7 =	spop (v2sf);
	s6 =	sadd.f32 s6, s13  }
0x1c6: {  	(v2sf) =	vpush v5, $0x5;
	s29 =	spop (v2sf);
	s1 =	sadd.f32 s1, s4  }
0x1c7: {  	(v2sf) =	vpush v5, $0x6;
	s31 =	spop (v2sf);
	s17 =	sadd.f32 s6, s14  }
0x1c8: {  	(v2sf) =	vpush v5, $0x7;
	s4 =	sld [smem:$0x7EE];
	s6 =	spop (v2sf)  }
0x1c9: {  	(v2sf) =	vpush v5, $0x8;
	s13 =	spop (v2sf);
	s5 =	sadd.f32 s17, s20  }
0x1ca: {  	(v2sf) =	vpush v5, $0x9;
	s1 =	sadd.f32 s1, s16;
	s9 =	spop (v2sf)  }
0x1cb: {  	(v2sf) =	vpush v5, $0xA;
	s17 =	spop (v2sf);
	s5 =	sadd.f32 s5, s23  }
0x1cc: {  	s1 =	sadd.f32 s1, s0;
	s23 =	spop (v2sf)  }
0x1cd: {  	s26 =	spop (v2sf);
	s2 =	sadd.f32 s5, s24  }
0x1ce: {  	(v2sf) =	vpush v5, $0xB;
	s12 =	spop (v2sf);
	s5 =	sld [smem:$0x7EB]  }
0x1cf: {  	s12 =	sadd.f32 s12, s26  }
0x1d0: {  	[smem:$0x7FB] =	sst s2  }
0x1d1: {  	(v2sf) =	vpush v5, $0xC;
	s14 =	spop (v2sf);
	s2 =	sadd.f32 s28, s8  }
0x1d2: {  	s12 =	sadd.f32 s12, s14  }
0x1d3: {  	s24 =	spop (v2sf);
	s14 =	rddreg [dreg:$0x19]  }
0x1d4: {  	(v2sf) =	vpush v5, $0xD;
	s25 =	spop (v2sf);
	s3 =	sadd.f32 s2, s19  }
0x1d5: {  	s15 =	spop (v2sf);
	s12 =	sadd.f32 s12, s24  }
0x1d6: {  	s21 =	spop (v2sf);
	s3 =	sadd.f32 s3, s22  }
0x1d7: {  	s20 =	spop (v2sf);
	s22 =	sld [smem:$0x7ED]  }
0x1d8: {  	s18 =	spop (v2sf);
	s12 =	sadd.f32 s12, s25  }
0x1d9: {  	v3 =	vadd.f32 v4, v3;
	v4 =	vmul.f32 v7, v0;
	(v2sf) =	vpush v5, $0xE;
	s3 =	sadd.f32 s3, s5;
	s28 =	spop (v2sf)  }
0x1da: {  	(v2sf) =	vpush v5, $0xF;
	s8 =	spop (v2sf);
	s12 =	sadd.f32 s12, s15  }
0x1db: {  	v3 =	vadd.f32 v4, v3;
	[smem:$0x7F7] =	sst s8  }
0x1dc: {  	s3 =	sadd.f32 s3, s10  }
0x1dd: {  	(v2sf) =	vpush v3, $0x0;
	s11 =	spop (v2sf);
	s8 =	sld [smem:$0x7EF]  }
0x1de: {  	(v2sf) =	vpush v3, $0x1;
	[smem:$0x7F8] =	sst s11  }
0x1df: {  	s11 =	sadd.f32 s1, s7  }
0x1e0: {  	s19 =	spop (v2sf);
	s12 =	sadd.f32 s12, s21  }
0x1e1: {  	[smem:$0x7F9] =	sst s19  }
0x1e2: {  	s3 =	sadd.f32 s3, s22  }
0x1e3: {  	s30 =	spop (v2sf);
	s19 =	sld [smem:$0x7F0]  }
0x1e4: {  	[smem:$0x7FA] =	sst s30  }
0x1e5: {  	s30 =	sld [smem:$0x7F1]  }
0x1e6: {  	(v2sf) =	vpush v3, $0x2;
	s12 =	sadd.f32 s12, s20  }
0x1e7: {  	(v2sf) =	vpush v3, $0x3;
	s3 =	sadd.f32 s3, s4  }
0x1e8: {  	(v2sf) =	vpush v3, $0x4;
	s16 =	spop (v2sf);
	s4 =	sadd.f32 s11, s29  }
0x1e9: {  	(v2sf) =	vpush v3, $0x5;
	s5 =	spop (v2sf);
	s29 =	sld [smem:$0x7F3]  }
0x1ea: {  	(v2sf) =	vpush v3, $0x6;
	[smem:$0x7FD] =	sst s5  }
0x1eb: {  	(v2sf) =	vpush v3, $0x7;
	s12 =	sadd.f32 s12, s18  }
0x1ec: {  	(v2sf) =	vpush v3, $0x8;
	s10 =	spop (v2sf);
	s3 =	sadd.f32 s3, s8  }
0x1ed: {  	(v2sf) =	vpush v3, $0x9;
	s2 =	spop (v2sf);
	s7 =	sadd.f32 s4, s31  }
0x1ee: {  	(v2sf) =	vpush v3, $0xA;
	s2 =	sadd.f32 s2, s10  }
0x1ef: {  	(v2sf) =	vpush v3, $0xB;
	s28 =	sadd.f32 s12, s28  }
0x1f0: {  	v0 =	vmul.f32 v2, v0;
	(v2sf) =	vpush v3, $0xC;
	s10 =	rddreg [dreg:$0x15]  }
0x1f1: {  	(v2sf) =	vpush v3, $0xD;
	s22 =	sadd.f32 s3, s19  }
0x1f2: {  	v0 =	vadd.f32 v0, v1;
	(v2sf) =	vpush v3, $0xE;
	s12 =	rddreg [dreg:$0x17]  }
0x1f3: {  	(v2sf) =	vpush v3, $0xF;
	s0 =	sadd.f32 s22, s30  }
0x1f4: {  	(v2sf) =	vpush v0, $0x0;
	s22 =	sld [smem:$0x7F2]  }
0x1f5: {  	(v2sf) =	vpush v0, $0x1;
	s1 =	spop (v2sf);
	s6 =	sadd.f32 s7, s6  }
0x1f6: {  	s8 =	spop (v2sf);
	s7 =	sld [smem:$0x7F4]  }
0x1f7: {  	(v2sf) =	vpush v0, $0x2;
	s3 =	spop (v2sf);
	s11 =	sadd.f32 s0, s22  }
0x1f8: {  	s1 =	sadd.f32 s2, s1;
	s5 =	spop (v2sf)  }
0x1f9: {  	(v2sf) =	vpush v0, $0x3;
	s4 =	spop (v2sf);
	s11 =	sadd.f32 s11, s29  }
0x1fa: {  	s6 =	sadd.f32 s6, s13;
	s30 =	spop (v2sf)  }
0x1fb: {  	(v2sf) =	vpush v0, $0x4;
	s31 =	spop (v2sf);
	s11 =	sadd.f32 s11, s7  }
0x1fc: {  	s29 =	spop (v2sf);
	s7 =	sadd.f32 s6, s9  }
0x1fd: {  	(v2sf) =	vpush v0, $0x5;
	s22 =	spop (v2sf);
	s9 =	sld [smem:$0x7F5]  }
0x1fe: {  	s13 =	spop (v2sf);
	s0 =	sadd.f32 s7, s17  }
0x1ff: {  	(v2sf) =	vpush v0, $0x6;
	s6 =	spop (v2sf);
	s17 =	sld [smem:$0x7F6]  }
0x200: {  	s19 =	spop (v2sf);
	s11 =	sadd.f32 s11, s9  }
0x201: {  	s1 =	sadd.f32 s1, s8;
	(v2sf) =	vpush v0, $0x7;
	s7 =	spop (v2sf)  }
0x202: {  	s9 =	sadd.f32 s11, s17;
	s11 =	spop (v2sf)  }
0x203: {  	s8 =	sld [smem:$0x7F8];
	(v2sf) =	vpush v0, $0x8;
	s17 =	spop (v2sf)  }
0x204: {  	s23 =	sadd.f32 s0, s23;
	s26 =	spop (v2sf)  }
0x205: {  	(v2sf) =	vpush v0, $0x9;
	s0 =	sadd.f32 s26, s17  }
0x206: {  	s1 =	sadd.f32 s1, s3;
	s17 =	spop (v2sf)  }
0x207: {  	(v2sf) =	vpush v0, $0xA;
	s0 =	sadd.f32 s0, s17  }
0x208: {  	s3 =	sld [smem:$0x7F7];
	s26 =	spop (v2sf)  }
0x209: {  	(v2sf) =	vpush v0, $0xB;
	s0 =	sadd.f32 s0, s26  }
0x20a: {  	s1 =	sadd.f32 s1, s5;
	s17 =	spop (v2sf)  }
0x20b: {  	(v2sf) =	vpush v0, $0xC;
	s0 =	sadd.f32 s0, s17  }
0x20c: {  	s5 =	rddreg [dreg:$0x13];
	s24 =	spop (v2sf)  }
0x20d: {  	(v2sf) =	vpush v0, $0xD;
	s0 =	sadd.f32 s0, s24  }
0x20e: {  	s1 =	sadd.f32 s1, s4;
	s25 =	spop (v2sf)  }
0x20f: {  	(v2sf) =	vpush v0, $0xE;
	s0 =	sadd.f32 s0, s25  }
0x210: {  	s4 =	rddreg [dreg:$0x11];
	s26 =	spop (v2sf)  }
0x211: {  	(v2sf) =	vpush v0, $0xF;
	s0 =	sadd.f32 s0, s26  }
0x212: {  	s1 =	sadd.f32 s1, s30;
	s15 =	spop (v2sf)  }
0x213: {  	s0 =	sadd.f32 s0, s15  }
0x214: {  	s1 =	sadd.f32 s1, s31;
	s17 =	spop (v2sf)  }
0x215: {  	s0 =	sadd.f32 s0, s17  }
0x216: {  	s31 =	rddreg [dreg:$0xf];
	s18 =	spop (v2sf)  }
0x217: {  	s0 =	sadd.f32 s0, s18  }
0x218: {  	s30 =	sadd.f32 s1, s29;
	s20 =	spop (v2sf)  }
0x219: {  	s0 =	sadd.f32 s0, s20  }
0x21a: {  	s1 =	sadd.f32 s28, s3;
	s21 =	spop (v2sf)  }
0x21b: {  	s0 =	sadd.f32 s0, s21  }
0x21c: {  	s1 =	sadd.f32 s1, s8;
	s24 =	spop (v2sf)  }
0x21d: {  	s0 =	sadd.f32 s0, s24  }
0x21e: {  	s15 =	rddreg [dreg:$0x1b];
	s25 =	spop (v2sf)  }
0x21f: {  	s0 =	sadd.f32 s0, s25  }
0x220: {  	s17 =	sld [smem:$0x7FA];
	s26 =	spop (v2sf)  }
0x221: {  	s0 =	sadd.f32 s0, s26  }
0x222: {  	s18 =	rddreg [dreg:$0x1d]  }
0x223: {  	v0 =	vmov s0;
	s0 =	sadd.f32 s30, s22  }
0x224: {  	s20 =	sld [smem:$0x7FB]  }
0x225: {  	v0 =	vsel vm0, s31, v0;
	s0 =	sadd.f32 s0, s13  }
0x226: {  	v0 =	vsel vm1, s4, v0;
	s13 =	sld [smem:$0x7F9]  }
0x227: {  	s21 =	sld [smem:$0x7FC];
	v0 =	vsel vm2, s5, v0  }
0x228: {  	v0 =	vsel vm3, s10, v0;
	s0 =	sadd.f32 s0, s6  }
0x229: {  	v0 =	vsel vm4, s12, v0;
	s1 =	sadd.f32 s1, s13  }
0x22a: {  	v0 =	vsel vm5, s14, v0;
	s0 =	sadd.f32 s0, s19  }
0x22b: {  	s19 =	rddreg [dreg:$0x1f];
	v0 =	vsel vm6, s15, v0  }
0x22c: {  	s1 =	sadd.f32 s1, s17;
	v0 =	vsel vm7, s18, v0  }
0x22d: {  	s22 =	sld [smem:$0x7FD];
	v0 =	vsel vm8, s19, v0  }
0x22e: {  	s1 =	sadd.f32 s1, s16;
	v0 =	vsel vm9, s20, v0  }
0x22f: {  	s0 =	sadd.f32 s0, s7;
	v0 =	vsel vm10, s21, v0  }
0x230: {  	s1 =	sadd.f32 s1, s22;
	v0 =	vsel vm11, s9, v0  }
0x231: {  	s0 =	sadd.f32 s0, s11;
	v0 =	vsel vm12, s23, v0  }
0x232: {  	v0 =	vsel vm13, s1, v0  }
0x233: {  	v0 =	vsel vm14, s0, v0  }
0x234: {  	v0 =	vadd.f32 $0.0e+00, v0  }
0x235: {  	s8 =	simm.s32 $0x4000;
	s5 =	simm.s32 $0x1  }
0x236: {  	s6 =	simm.s32 $0x200;
	s7 =	simm.s32 $0x400;
	s23 =	rddreg [dreg:$0x8];
	[tilespmem:$0x14000] =	vst v0  }
0x237: {  	[tilespmem:s8], [sflag:$0x1] =	stream.strided.gather [hbm4b:s23+s6], $0x10000, s7, s6, $0x38;
	[tilespmem:$0x14080] =	vst v63  }
0x238: {  	s24 =	simm.s32 $0x0;
	_ =	swait.ge [sflag:s5], $0x10000  }
0x239: {  	s25 =	sand.u32 $0x70, s24;
	[sflag:s5] =	ssyncset.done $0x0  }
0x23a: {  	s26 =	simm.s32 $0x0;
	s0 =	sand.u32 $0xFE00, s24;
	[sflag:s5] =	ssyncadd.s32 $0xFFFF0000  }
0x23b: {  	s0 =	sor.u32 s25, s0;
	v6 =	vld [tilespmem:s26+$0x0]  }
0x23c: {  	v1 =	vld [tilespmem:s0+$0x4180]  }
0x23d: {  	v2 =	vld [tilespmem:s0+$0x4000]  }
0x23e: {  	v5 =	vld [tilespmem:s0+$0x4080]  }
0x23f: {  	v9 =	vld [tilespmem:s0+$0x4100]  }
0x240: {  	s28 =	simm.s32 $0x10;
	s29 =	simm.s32 $0x40  }
0x241: {  	s2 =	sand.u32 $0xFE00, s29;
	s30 =	sand.u32 $0x70, s28;
	s31 =	simm.s32 $0x10  }
0x242: {  	v0 =	vld [tilespmem:s31+$0x0];
	s0 =	sor.u32 s30, s2  }
0x243: {  	v7 =	vld [tilespmem:s0+$0x4180];
	v1 =	vmul.f32 v1, v6;
	v2 =	vmul.f32 v2, v6  }
0x244: {  	v3 =	vimm.f32 $0.0e+00;
	v4 =	vld [tilespmem:s0+$0x4000];
	v8 =	vmul.f32 v5, v6;
	v9 =	vmul.f32 v9, v6  }
0x245: {  	s1 =	simm.s32 $0x20;
	s2 =	simm.s32 $0x80;
	v5 =	vld [tilespmem:s0+$0x4080];
	v6 =	vimm.f32 $0.0e+00;
	v1 =	vadd.f32 v1, v3;
	v2 =	vadd.f32 v2, v3  }
.LBB2_10:
0x246: {  	s3 =	sand.u32 $0x70, s1;
	s4 =	sshra.s32 s2, $0x2;
	v10 =	vld [tilespmem:s0+$0x4100];
	v3 =	vadd.f32 v8, v3;
	p0 =	sne.s32 s1, $0x3FF0  }
.Ltmp4:
0x247: {  	s0 =	sand.u32 $0xFE00, s2;
	s1 =	sadd.s32 $0x10, s1;
	v6 =	vadd.f32 v9, v6;
	(pc) =	sbr.rel @p0 .LBB2_10-.Ltmp4, $4  }
0x248: {  	s0 =	sor.u32 s3, s0;
	v11 =	vmov v0;
	v9 =	vmul.f32 v7, v0;
	v0 =	vld [tilespmem:s4+$0x0]  }
0x249: {  	v7 =	vld [tilespmem:s0+$0x4180];
	v12 =	vmul.f32 v4, v11  }
0x24a: {  	v4 =	vld [tilespmem:s0+$0x4000];
	v8 =	vmul.f32 v5, v11;
	v1 =	vadd.f32 v9, v1  }
0x24b: {  	s2 =	sadd.s32 $0x40, s2;
	v5 =	vld [tilespmem:s0+$0x4080];
	v2 =	vadd.f32 v12, v2;
	v9 =	vmul.f32 v10, v11  }
0x24c: {  	s25 =	rddreg [dreg:$0x9]  }
0x24d: {  	v10 =	vld [tilespmem:s0+$0x4100];
	[tilespmem:s8], [sflag:$0x1] =	stream.strided.gather [hbm4b:s25+s6], $0x10000, s7, s6, $0x38  }
0x24e: {  	_ =	swait.ge [sflag:s5], $0x10000  }
0x24f: {  	s26 =	simm.s32 $0x0;
	s2 =	simm.s32 $0x0;
	[sflag:s5] =	ssyncset.done $0x0  }
0x250: {  	s1 =	sand.u32 $0x70, s26;
	s0 =	sand.u32 $0xFE00, s26;
	[sflag:s5] =	ssyncadd.s32 $0xFFFF0000  }
0x251: {  	s0 =	sor.u32 s1, s0;
	v11 =	vld [tilespmem:s2+$0x0]  }
0x252: {  	v12 =	vld [tilespmem:s0+$0x4180]  }
0x253: {  	v13 =	vld [tilespmem:s0+$0x4000]  }
0x254: {  	v7 =	vmul.f32 v7, v0;
	v14 =	vld [tilespmem:s0+$0x4080]  }
0x255: {  	v3 =	vadd.f32 v8, v3;
	s28 =	simm.s32 $0x10;
	s29 =	simm.s32 $0x40;
	v4 =	vmul.f32 v4, v0;
	v5 =	vmul.f32 v5, v0;
	v15 =	vld [tilespmem:s0+$0x4100]  }
0x256: {  	s31 =	simm.s32 $0x10;
	v6 =	vadd.f32 v9, v6;
	s30 =	sand.u32 $0x70, s28;
	v18 =	vadd.f32 v7, v1;
	s2 =	sand.u32 $0xFE00, s29  }
0x257: {  	v22 =	vadd.f32 v4, v2;
	v1 =	vmul.f32 v10, v0;
	v0 =	vld [tilespmem:s31+$0x0];
	s0 =	sor.u32 s30, s2;
	v21 =	vadd.f32 v5, v3  }
0x258: {  	v3 =	vimm.f32 $0.0e+00;
	v7 =	vld [tilespmem:s0+$0x4180];
	v2 =	vmul.f32 v12, v11;
	v9 =	vmul.f32 v13, v11  }
0x259: {  	v20 =	vadd.f32 v1, v6;
	v4 =	vld [tilespmem:s0+$0x4000];
	v6 =	vimm.f32 $0.0e+00;
	v8 =	vmul.f32 v14, v11  }
0x25a: {  	s1 =	simm.s32 $0x20;
	s2 =	simm.s32 $0x80;
	v5 =	vld [tilespmem:s0+$0x4080];
	v1 =	vadd.f32 v2, v3;
	v2 =	vadd.f32 v9, v3;
	v9 =	vmul.f32 v15, v11  }
.LBB2_12:
0x25b: {  	s3 =	sand.u32 $0x70, s1;
	s4 =	sshra.s32 s2, $0x2;
	v10 =	vld [tilespmem:s0+$0x4100];
	v3 =	vadd.f32 v8, v3;
	p0 =	sne.s32 s1, $0x3FF0  }
.Ltmp5:
0x25c: {  	s0 =	sand.u32 $0xFE00, s2;
	s1 =	sadd.s32 $0x10, s1;
	v6 =	vadd.f32 v9, v6;
	(pc) =	sbr.rel @p0 .LBB2_12-.Ltmp5, $4  }
0x25d: {  	s0 =	sor.u32 s3, s0;
	v11 =	vmov v0;
	v9 =	vmul.f32 v7, v0;
	v0 =	vld [tilespmem:s4+$0x0]  }
0x25e: {  	v7 =	vld [tilespmem:s0+$0x4180];
	v12 =	vmul.f32 v4, v11  }
0x25f: {  	v4 =	vld [tilespmem:s0+$0x4000];
	v8 =	vmul.f32 v5, v11;
	v1 =	vadd.f32 v9, v1  }
0x260: {  	s2 =	sadd.s32 $0x40, s2;
	v5 =	vld [tilespmem:s0+$0x4080];
	v2 =	vadd.f32 v12, v2;
	v9 =	vmul.f32 v10, v11  }
0x261: {  	s25 =	rddreg [dreg:$0xa]  }
0x262: {  	v10 =	vld [tilespmem:s0+$0x4100];
	[tilespmem:s8], [sflag:$0x1] =	stream.strided.gather [hbm4b:s25+s6], $0x10000, s7, s6, $0x38  }
0x263: {  	_ =	swait.ge [sflag:s5], $0x10000  }
0x264: {  	s26 =	simm.s32 $0x0;
	s2 =	simm.s32 $0x0;
	[sflag:s5] =	ssyncset.done $0x0  }
0x265: {  	s1 =	sand.u32 $0x70, s26;
	s0 =	sand.u32 $0xFE00, s26;
	[sflag:s5] =	ssyncadd.s32 $0xFFFF0000  }
0x266: {  	s0 =	sor.u32 s1, s0;
	v11 =	vld [tilespmem:s2+$0x0]  }
0x267: {  	v12 =	vld [tilespmem:s0+$0x4180]  }
0x268: {  	v13 =	vld [tilespmem:s0+$0x4000]  }
0x269: {  	v7 =	vmul.f32 v7, v0;
	v15 =	vld [tilespmem:s0+$0x4080]  }
0x26a: {  	v3 =	vadd.f32 v8, v3;
	s28 =	simm.s32 $0x10;
	s29 =	simm.s32 $0x40;
	v4 =	vmul.f32 v4, v0;
	v5 =	vmul.f32 v5, v0;
	v23 =	vld [tilespmem:s0+$0x4100]  }
0x26b: {  	s31 =	simm.s32 $0x10;
	v6 =	vadd.f32 v9, v6;
	s30 =	sand.u32 $0x70, s28;
	v14 =	vadd.f32 v7, v1;
	s2 =	sand.u32 $0xFE00, s29  }
0x26c: {  	v19 =	vadd.f32 v4, v2;
	v1 =	vmul.f32 v10, v0;
	v0 =	vld [tilespmem:s31+$0x0];
	s0 =	sor.u32 s30, s2;
	v17 =	vadd.f32 v5, v3  }
0x26d: {  	v3 =	vimm.f32 $0.0e+00;
	v7 =	vld [tilespmem:s0+$0x4180];
	v2 =	vmul.f32 v12, v11;
	v9 =	vmul.f32 v13, v11  }
0x26e: {  	v16 =	vadd.f32 v1, v6;
	v4 =	vld [tilespmem:s0+$0x4000];
	v6 =	vimm.f32 $0.0e+00;
	v8 =	vmul.f32 v15, v11  }
0x26f: {  	s1 =	simm.s32 $0x20;
	s2 =	simm.s32 $0x80;
	v5 =	vld [tilespmem:s0+$0x4080];
	v1 =	vadd.f32 v2, v3;
	v2 =	vadd.f32 v9, v3;
	v9 =	vmul.f32 v23, v11  }
.LBB2_14:
0x270: {  	s3 =	sand.u32 $0x70, s1;
	s4 =	sshra.s32 s2, $0x2;
	v10 =	vld [tilespmem:s0+$0x4100];
	v3 =	vadd.f32 v8, v3;
	p0 =	sne.s32 s1, $0x3FF0  }
.Ltmp6:
0x271: {  	s0 =	sand.u32 $0xFE00, s2;
	s1 =	sadd.s32 $0x10, s1;
	v6 =	vadd.f32 v9, v6;
	(pc) =	sbr.rel @p0 .LBB2_14-.Ltmp6, $4  }
0x272: {  	s0 =	sor.u32 s3, s0;
	v11 =	vmov v0;
	v9 =	vmul.f32 v7, v0;
	v0 =	vld [tilespmem:s4+$0x0]  }
0x273: {  	v7 =	vld [tilespmem:s0+$0x4180];
	v12 =	vmul.f32 v4, v11  }
0x274: {  	v4 =	vld [tilespmem:s0+$0x4000];
	v8 =	vmul.f32 v5, v11;
	v1 =	vadd.f32 v9, v1  }
0x275: {  	s2 =	sadd.s32 $0x40, s2;
	v5 =	vld [tilespmem:s0+$0x4080];
	v2 =	vadd.f32 v12, v2;
	v9 =	vmul.f32 v10, v11  }
0x276: {  	s25 =	rddreg [dreg:$0xb]  }
0x277: {  	v10 =	vld [tilespmem:s0+$0x4100];
	[tilespmem:s8], [sflag:$0x1] =	stream.strided.gather [hbm4b:s25+s6], $0x10000, s7, s6, $0x38  }
0x278: {  	_ =	swait.ge [sflag:s5], $0x10000  }
0x279: {  	s26 =	simm.s32 $0x0;
	s2 =	simm.s32 $0x0;
	[sflag:s5] =	ssyncset.done $0x0  }
0x27a: {  	s1 =	sand.u32 $0x70, s26;
	s0 =	sand.u32 $0xFE00, s26;
	[sflag:s5] =	ssyncadd.s32 $0xFFFF0000  }
0x27b: {  	s0 =	sor.u32 s1, s0;
	v23 =	vld [tilespmem:s2+$0x0]  }
0x27c: {  	v11 =	vld [tilespmem:s0+$0x4180]  }
0x27d: {  	v12 =	vld [tilespmem:s0+$0x4000]  }
0x27e: {  	v7 =	vmul.f32 v7, v0;
	v24 =	vld [tilespmem:s0+$0x4080]  }
0x27f: {  	v3 =	vadd.f32 v8, v3;
	s28 =	simm.s32 $0x10;
	s29 =	simm.s32 $0x40;
	v4 =	vmul.f32 v4, v0;
	v25 =	vld [tilespmem:s0+$0x4100]  }
0x280: {  	s31 =	simm.s32 $0x10;
	v6 =	vadd.f32 v9, v6;
	s30 =	sand.u32 $0x70, s28;
	v5 =	vmul.f32 v5, v0;
	v9 =	vadd.f32 v7, v1;
	s2 =	sand.u32 $0xFE00, s29  }
0x281: {  	v15 =	vadd.f32 v4, v2;
	v1 =	vmul.f32 v10, v0;
	v0 =	vld [tilespmem:s31+$0x0];
	s1 =	sor.u32 s30, s2;
	v4 =	vmul.f32 v11, v23  }
0x282: {  	v13 =	vadd.f32 v5, v3;
	v5 =	vimm.f32 $0.0e+00;
	v2 =	vld [tilespmem:s1+$0x4180];
	v3 =	vmul.f32 v12, v23  }
0x283: {  	v12 =	vadd.f32 v1, v6;
	v11 =	vld [tilespmem:s1+$0x4000];
	v8 =	vmul.f32 v24, v23;
	v1 =	vadd.f32 v4, v5  }
0x284: {  	s0 =	simm.s32 $0x20;
	s2 =	simm.s32 $0x80;
	v7 =	vld [tilespmem:s1+$0x4080];
	v10 =	vadd.f32 v3, v5;
	v4 =	vmul.f32 v25, v23;
	v3 =	vimm.f32 $0.0e+00  }
.LBB2_16:
0x285: {  	s3 =	sand.u32 $0x70, s0;
	s4 =	sshra.s32 s2, $0x2;
	v6 =	vld [tilespmem:s1+$0x4100];
	v5 =	vadd.f32 v8, v5;
	p0 =	sne.s32 s0, $0x3FF0  }
.Ltmp7:
0x286: {  	s1 =	sand.u32 $0xFE00, s2;
	s0 =	sadd.s32 $0x10, s0;
	v3 =	vadd.f32 v4, v3;
	(pc) =	sbr.rel @p0 .LBB2_16-.Ltmp7, $4  }
0x287: {  	s1 =	sor.u32 s3, s1;
	v23 =	vmov v0;
	v4 =	vmul.f32 v2, v0;
	v0 =	vld [tilespmem:s4+$0x0]  }
0x288: {  	v2 =	vld [tilespmem:s1+$0x4180];
	v24 =	vmul.f32 v11, v23  }
0x289: {  	v11 =	vld [tilespmem:s1+$0x4000];
	v8 =	vmul.f32 v7, v23;
	v1 =	vadd.f32 v4, v1  }
0x28a: {  	s2 =	sadd.s32 $0x40, s2;
	v7 =	vld [tilespmem:s1+$0x4080];
	v10 =	vadd.f32 v24, v10;
	v4 =	vmul.f32 v6, v23  }
0x28b: {  	(v2sf) =	vpush v22, $0x0  }
0x28c: {  	(v2sf) =	vpush v22, $0x1  }
0x28d: {  	(v2sf) =	vpush v22, $0x2;
	_ =	sdelay $0x1  }
0x28e: {  	(v2sf) =	vpush v22, $0x3  }
0x28f: {  	(v2sf) =	vpush v22, $0x4  }
0x290: {  	(v2sf) =	vpush v22, $0x5  }
0x291: {  	(v2sf) =	vpush v22, $0x6  }
0x292: {  	(v2sf) =	vpush v22, $0x7;
	_ =	sdelay $0x6  }
0x293: {  	s4 =	spop (v2sf)  }
0x294: {  	s2 =	spop (v2sf);
	(v2sf) =	vpush v22, $0x8  }
0x295: {  	s0 =	spop (v2sf);
	(v2sf) =	vpush v22, $0x9  }
0x296: {  	(v2sf) =	vpush v22, $0xA  }
0x297: {  	s3 =	spop (v2sf);
	(v2sf) =	vpush v22, $0xB  }
0x298: {  	s20 =	spop (v2sf);
	(v2sf) =	vpush v22, $0xC  }
0x299: {  	s16 =	spop (v2sf);
	(v2sf) =	vpush v22, $0xD  }
0x29a: {  	s14 =	spop (v2sf);
	(v2sf) =	vpush v22, $0xE  }
0x29b: {  	s21 =	spop (v2sf);
	(v2sf) =	vpush v22, $0xF  }
0x29c: {  	(v2sf) =	vpush v21, $0x0  }
0x29d: {  	(v2sf) =	vpush v21, $0x1  }
0x29e: {  	(v2sf) =	vpush v21, $0x2  }
0x29f: {  	(v2sf) =	vpush v21, $0x3  }
0x2a0: {  	(v2sf) =	vpush v21, $0x4  }
0x2a1: {  	(v2sf) =	vpush v21, $0x5  }
0x2a2: {  	(v2sf) =	vpush v21, $0x6  }
0x2a3: {  	s17 =	spop (v2sf);
	(v2sf) =	vpush v21, $0x7  }
0x2a4: {  	s12 =	spop (v2sf);
	(v2sf) =	vpush v21, $0x8  }
0x2a5: {  	s19 =	spop (v2sf);
	(v2sf) =	vpush v21, $0x9  }
0x2a6: {  	s22 =	spop (v2sf);
	(v2sf) =	vpush v21, $0xA  }
0x2a7: {  	s25 =	spop (v2sf);
	(v2sf) =	vpush v21, $0xB  }
0x2a8: {  	v6 =	vld [tilespmem:s1+$0x4100];
	s1 =	spop (v2sf);
	(v2sf) =	vpush v21, $0xC  }
0x2a9: {  	s10 =	spop (v2sf);
	(v2sf) =	vpush v21, $0xD  }
0x2aa: {  	s30 =	spop (v2sf);
	(v2sf) =	vpush v21, $0xE  }
0x2ab: {  	s8 =	spop (v2sf);
	(v2sf) =	vpush v21, $0xF  }
0x2ac: {  	s5 =	spop (v2sf);
	(v2sf) =	vpush v20, $0x0  }
0x2ad: {  	s7 =	spop (v2sf);
	(v2sf) =	vpush v20, $0x1  }
0x2ae: {  	s13 =	spop (v2sf);
	(v2sf) =	vpush v20, $0x2  }
0x2af: {  	s15 =	spop (v2sf);
	(v2sf) =	vpush v20, $0x3  }
0x2b0: {  	s4 =	sadd.f32 s2, s4;
	s18 =	spop (v2sf);
	(v2sf) =	vpush v20, $0x4  }
0x2b1: {  	s6 =	spop (v2sf);
	(v2sf) =	vpush v20, $0x5  }
0x2b2: {  	s4 =	sadd.f32 s4, s0;
	s28 =	spop (v2sf);
	(v2sf) =	vpush v20, $0x6  }
0x2b3: {  	s29 =	spop (v2sf);
	(v2sf) =	vpush v20, $0x7  }
0x2b4: {  	s4 =	sadd.f32 s4, s3;
	s31 =	spop (v2sf);
	(v2sf) =	vpush v20, $0x8  }
0x2b5: {  	(v2sf) =	vpush v20, $0x9;
	s9 =	spop (v2sf)  }
0x2b6: {  	s20 =	sadd.f32 s4, s20;
	(v2sf) =	vpush v20, $0xA;
	s11 =	spop (v2sf)  }
0x2b7: {  	[smem:$0x76A] =	sst s6;
	(v2sf) =	vpush v20, $0xB;
	s23 =	spop (v2sf)  }
0x2b8: {  	[smem:$0x76B] =	sst s28;
	(v2sf) =	vpush v20, $0xC;
	s24 =	spop (v2sf)  }
0x2b9: {  	[smem:$0x771] =	sst s24;
	(v2sf) =	vpush v20, $0xD;
	s26 =	spop (v2sf)  }
0x2ba: {  	s24 =	sadd.f32 s20, s16;
	(v2sf) =	vpush v20, $0xE;
	s28 =	spop (v2sf)  }
0x2bb: {  	[smem:$0x76E] =	sst s9;
	(v2sf) =	vpush v20, $0xF;
	s6 =	spop (v2sf)  }
0x2bc: {  	s24 =	sadd.f32 s24, s14;
	(v2sf) =	vpush v18, $0x0;
	s2 =	spop (v2sf)  }
0x2bd: {  	[smem:$0x772] =	sst s26;
	(v2sf) =	vpush v18, $0x1;
	s9 =	spop (v2sf)  }
0x2be: {  	s26 =	sadd.f32 s24, s21;
	(v2sf) =	vpush v18, $0x2;
	s0 =	spop (v2sf)  }
0x2bf: {  	[smem:$0x76F] =	sst s11;
	(v2sf) =	vpush v18, $0x3;
	s3 =	spop (v2sf)  }
0x2c0: {  	s17 =	sadd.f32 s26, s17;
	s11 =	spop (v2sf)  }
0x2c1: {  	[smem:$0x770] =	sst s23;
	(v2sf) =	vpush v18, $0x4;
	s23 =	spop (v2sf)  }
0x2c2: {  	(v2sf) =	vpush v18, $0x5;
	s17 =	sadd.f32 s17, s12;
	s4 =	spop (v2sf)  }
0x2c3: {  	[smem:$0x76C] =	sst s29;
	(v2sf) =	vpush v18, $0x6;
	s16 =	spop (v2sf)  }
0x2c4: {  	(v2sf) =	vpush v18, $0x7;
	s17 =	sadd.f32 s17, s19;
	s20 =	spop (v2sf)  }
0x2c5: {  	[smem:$0x773] =	sst s28;
	(v2sf) =	vpush v18, $0x8;
	s14 =	spop (v2sf)  }
0x2c6: {  	(v2sf) =	vpush v18, $0x9;
	s17 =	sadd.f32 s17, s22;
	s28 =	spop (v2sf)  }
0x2c7: {  	[smem:$0x76D] =	sst s31;
	s21 =	spop (v2sf)  }
0x2c8: {  	(v2sf) =	vpush v18, $0xA;
	s17 =	sadd.f32 s17, s25;
	s24 =	spop (v2sf)  }
0x2c9: {  	s2 =	sadd.f32 s2, s6;
	(v2sf) =	vpush v18, $0xB;
	s31 =	spop (v2sf)  }
0x2ca: {  	s1 =	sadd.f32 s17, s1;
	s26 =	spop (v2sf)  }
0x2cb: {  	s2 =	sadd.f32 s2, s9;
	(v2sf) =	vpush v18, $0xC;
	s29 =	spop (v2sf)  }
0x2cc: {  	(v2sf) =	vpush v18, $0xD;
	s1 =	sadd.f32 s1, s10;
	s12 =	spop (v2sf)  }
0x2cd: {  	[smem:$0x774] =	sst s29;
	s19 =	spop (v2sf)  }
0x2ce: {  	s1 =	sadd.f32 s1, s30;
	s29 =	spop (v2sf)  }
0x2cf: {  	(v2sf) =	vpush v18, $0xE;
	[smem:$0x775] =	sst s29  }
0x2d0: {  	(v2sf) =	vpush v18, $0xF;
	s29 =	spop (v2sf);
	[dreg:$0x10] =	wrdreg s1  }
0x2d1: {  	[smem:$0x776] =	sst s29;
	s29 =	spop (v2sf)  }
0x2d2: {  	[smem:$0x777] =	sst s29;
	s29 =	spop (v2sf)  }
0x2d3: {  	[smem:$0x778] =	sst s29;
	s22 =	spop (v2sf)  }
0x2d4: {  	(v2sf) =	vpush v19, $0x0;
	[smem:$0x779] =	sst s22;
	s25 =	spop (v2sf)  }
0x2d5: {  	(v2sf) =	vpush v19, $0x1;
	[smem:$0x77A] =	sst s25;
	s29 =	spop (v2sf)  }
0x2d6: {  	(v2sf) =	vpush v19, $0x2;
	[smem:$0x77B] =	sst s29  }
0x2d7: {  	(v2sf) =	vpush v19, $0x3;
	s17 =	spop (v2sf);
	s29 =	sadd.f32 s5, s8  }
0x2d8: {  	(v2sf) =	vpush v19, $0x4;
	[smem:$0x77C] =	sst s17;
	s22 =	spop (v2sf)  }
0x2d9: {  	(v2sf) =	vpush v19, $0x5;
	[smem:$0x77D] =	sst s22  }
0x2da: {  	(v2sf) =	vpush v19, $0x6;
	s25 =	spop (v2sf);
	s1 =	sadd.f32 s29, s7  }
0x2db: {  	(v2sf) =	vpush v19, $0x7;
	[smem:$0x77E] =	sst s25;
	s30 =	spop (v2sf)  }
0x2dc: {  	(v2sf) =	vpush v19, $0x8;
	[smem:$0x77F] =	sst s30  }
0x2dd: {  	(v2sf) =	vpush v19, $0x9;
	s9 =	sadd.f32 s1, s13  }
0x2de: {  	(v2sf) =	vpush v19, $0xA;
	s6 =	spop (v2sf);
	s13 =	sadd.f32 s2, s0  }
0x2df: {  	(v2sf) =	vpush v19, $0xB;
	[smem:$0x780] =	sst s6;
	s8 =	spop (v2sf)  }
0x2e0: {  	(v2sf) =	vpush v19, $0xC;
	[smem:$0x781] =	sst s8  }
0x2e1: {  	(v2sf) =	vpush v19, $0xD;
	s5 =	sadd.f32 s9, s15  }
0x2e2: {  	(v2sf) =	vpush v19, $0xE;
	s3 =	sadd.f32 s13, s3  }
0x2e3: {  	(v2sf) =	vpush v19, $0xF;
	s10 =	spop (v2sf);
	s5 =	sadd.f32 s5, s18  }
0x2e4: {  	(v2sf) =	vpush v17, $0x0;
	s1 =	spop (v2sf);
	s6 =	sadd.f32 s3, s11  }
0x2e5: {  	(v2sf) =	vpush v17, $0x1;
	s1 =	sadd.f32 s1, s10  }
0x2e6: {  	s0 =	spop (v2sf);
	(v2sf) =	vpush v17, $0x2;
	s18 =	sadd.f32 s6, s23  }
0x2e7: {  	s2 =	spop (v2sf);
	s0 =	sadd.f32 s1, s0  }
0x2e8: {  	s17 =	sld [smem:$0x76A]  }
0x2e9: {  	s22 =	sld [smem:$0x76B]  }
0x2ea: {  	s23 =	sld [smem:$0x76C]  }
0x2eb: {  	s25 =	sld [smem:$0x76D]  }
0x2ec: {  	s29 =	sld [smem:$0x76E]  }
0x2ed: {  	s4 =	sadd.f32 s18, s4  }
0x2ee: {  	s0 =	sadd.f32 s0, s2  }
0x2ef: {  	s7 =	sadd.f32 s5, s17  }
0x2f0: {  	s30 =	spop (v2sf);
	s4 =	sadd.f32 s4, s16  }
0x2f1: {  	s0 =	sadd.f32 s0, s30  }
0x2f2: {  	s30 =	sld [smem:$0x778]  }
0x2f3: {  	s8 =	spop (v2sf);
	s11 =	sadd.f32 s7, s22  }
0x2f4: {  	s3 =	spop (v2sf);
	s4 =	sadd.f32 s4, s20  }
0x2f5: {  	(v2sf) =	vpush v17, $0x3;
	s5 =	spop (v2sf);
	s20 =	sld [smem:$0x76F]  }
0x2f6: {  	(v2sf) =	vpush v17, $0x4;
	s6 =	spop (v2sf);
	s22 =	sld [smem:$0x770]  }
0x2f7: {  	(v2sf) =	vpush v17, $0x5;
	s7 =	spop (v2sf);
	s11 =	sadd.f32 s11, s23  }
0x2f8: {  	s13 =	spop (v2sf);
	s4 =	sadd.f32 s4, s14  }
0x2f9: {  	(v2sf) =	vpush v17, $0x6;
	s9 =	spop (v2sf);
	s14 =	sld [smem:$0x775]  }
0x2fa: {  	s15 =	spop (v2sf);
	s11 =	sadd.f32 s11, s25  }
0x2fb: {  	s17 =	spop (v2sf);
	s4 =	sadd.f32 s4, s28  }
0x2fc: {  	(v2sf) =	vpush v17, $0x7;
	s25 =	sld [smem:$0x771];
	s18 =	spop (v2sf)  }
0x2fd: {  	s11 =	sadd.f32 s11, s29;
	s29 =	spop (v2sf)  }
0x2fe: {  	(v2sf) =	vpush v17, $0x8;
	s4 =	sadd.f32 s4, s21;
	s16 =	spop (v2sf)  }
0x2ff: {  	[smem:$0x782] =	sst s16  }
0x300: {  	(v2sf) =	vpush v17, $0x9;
	s11 =	sadd.f32 s11, s20  }
0x301: {  	s4 =	sadd.f32 s4, s24  }
0x302: {  	s20 =	spop (v2sf);
	s24 =	sld [smem:$0x772]  }
0x303: {  	(v2sf) =	vpush v17, $0xA;
	s23 =	spop (v2sf);
	s11 =	sadd.f32 s11, s22  }
0x304: {  	s28 =	spop (v2sf);
	s4 =	sadd.f32 s4, s31  }
0x305: {  	s21 =	spop (v2sf);
	s11 =	sadd.f32 s11, s25  }
0x306: {  	(v2sf) =	vpush v17, $0xB;
	s16 =	spop (v2sf);
	s4 =	sadd.f32 s4, s26  }
0x307: {  	[smem:$0x783] =	sst s16  }
0x308: {  	s22 =	spop (v2sf);
	s16 =	sld [smem:$0x773]  }
0x309: {  	[smem:$0x784] =	sst s22  }
0x30a: {  	(v2sf) =	vpush v17, $0xC;
	s11 =	sadd.f32 s11, s24  }
0x30b: {  	(v2sf) =	vpush v17, $0xD;
	s25 =	spop (v2sf);
	[dreg:$0x14] =	wrdreg s4  }
0x30c: {  	[smem:$0x785] =	sst s25  }
0x30d: {  	(v2sf) =	vpush v17, $0xE;
	s31 =	spop (v2sf);
	s25 =	sld [smem:$0x774]  }
0x30e: {  	[smem:$0x786] =	sst s31  }
0x30f: {  	s11 =	sadd.f32 s11, s16;
	s22 =	spop (v2sf)  }
0x310: {  	[smem:$0x787] =	sst s22  }
0x311: {  	s22 =	sld [smem:$0x777]  }
0x312: {  	(v2sf) =	vpush v17, $0xF;
	s24 =	spop (v2sf);
	[dreg:$0x12] =	wrdreg s11  }
0x313: {  	[smem:$0x788] =	sst s24  }
0x314: {  	s4 =	sadd.f32 s12, s25  }
0x315: {  	(v2sf) =	vpush v16, $0x0;
	s26 =	spop (v2sf);
	s25 =	sadd.f32 s0, s8  }
0x316: {  	(v2sf) =	vpush v16, $0x1;
	[smem:$0x789] =	sst s26  }
0x317: {  	s4 =	sadd.f32 s4, s19  }
0x318: {  	s19 =	sld [smem:$0x776]  }
0x319: {  	(v2sf) =	vpush v16, $0x2;
	s11 =	spop (v2sf);
	s2 =	sadd.f32 s25, s3  }
0x31a: {  	s31 =	spop (v2sf);
	s25 =	sld [smem:$0x77D]  }
0x31b: {  	[smem:$0x78A] =	sst s31  }
0x31c: {  	(v2sf) =	vpush v16, $0x3;
	s12 =	spop (v2sf);
	s31 =	sld [smem:$0x779]  }
0x31d: {  	(v2sf) =	vpush v16, $0x4;
	[smem:$0x78B] =	sst s12  }
0x31e: {  	(v2sf) =	vpush v16, $0x5;
	s1 =	sadd.f32 s4, s14  }
0x31f: {  	(v2sf) =	vpush v16, $0x6;
	s2 =	sadd.f32 s2, s5  }
0x320: {  	(v2sf) =	vpush v16, $0x7;
	s12 =	sld [smem:$0x77A]  }
0x321: {  	(v2sf) =	vpush v16, $0x8;
	s16 =	spop (v2sf);
	s14 =	sld [smem:$0x77B]  }
0x322: {  	(v2sf) =	vpush v16, $0x9;
	[smem:$0x78C] =	sst s16  }
0x323: {  	(v2sf) =	vpush v16, $0xA;
	s16 =	sld [smem:$0x77C]  }
0x324: {  	(v2sf) =	vpush v16, $0xB;
	s24 =	spop (v2sf);
	s1 =	sadd.f32 s1, s19  }
0x325: {  	(v2sf) =	vpush v16, $0xC;
	s4 =	spop (v2sf);
	s2 =	sadd.f32 s2, s6  }
0x326: {  	(v2sf) =	vpush v16, $0xD;
	s4 =	sadd.f32 s4, s24  }
0x327: {  	(v2sf) =	vpush v16, $0xE;
	s1 =	sadd.f32 s1, s22  }
0x328: {  	(v2sf) =	vpush v16, $0xF;
	s10 =	spop (v2sf);
	s2 =	sadd.f32 s2, s7  }
0x329: {  	(v2sf) =	vpush v14, $0x0;
	s4 =	sadd.f32 s4, s10  }
0x32a: {  	(v2sf) =	vpush v14, $0x1;
	s10 =	sld [smem:$0x784]  }
0x32b: {  	(v2sf) =	vpush v14, $0x2;
	s26 =	spop (v2sf);
	s8 =	sadd.f32 s1, s30  }
0x32c: {  	(v2sf) =	vpush v14, $0x3;
	s0 =	spop (v2sf);
	s2 =	sadd.f32 s2, s13  }
0x32d: {  	(v2sf) =	vpush v14, $0x4;
	s1 =	spop (v2sf);
	s4 =	sadd.f32 s4, s26  }
0x32e: {  	s19 =	spop (v2sf);
	s8 =	sadd.f32 s8, s31  }
0x32f: {  	s22 =	spop (v2sf);
	s2 =	sadd.f32 s2, s9  }
0x330: {  	s3 =	spop (v2sf);
	s4 =	sadd.f32 s4, s0  }
0x331: {  	s5 =	sadd.f32 s8, s12;
	s12 =	spop (v2sf)  }
0x332: {  	(v2sf) =	vpush v14, $0x5;
	s2 =	sadd.f32 s2, s15;
	s6 =	spop (v2sf)  }
0x333: {  	s5 =	sadd.f32 s5, s14;
	s31 =	spop (v2sf)  }
0x334: {  	(v2sf) =	vpush v14, $0x6;
	s15 =	sld [smem:$0x77F];
	s7 =	spop (v2sf)  }
0x335: {  	(v2sf) =	vpush v14, $0x7;
	s5 =	sadd.f32 s5, s16;
	s30 =	spop (v2sf)  }
0x336: {  	s14 =	sld [smem:$0x77E];
	s13 =	spop (v2sf)  }
0x337: {  	(v2sf) =	vpush v14, $0x8;
	s5 =	sadd.f32 s5, s25;
	s16 =	spop (v2sf)  }
0x338: {  	s2 =	sadd.f32 s2, s17;
	s25 =	spop (v2sf)  }
0x339: {  	s5 =	sadd.f32 s5, s14;
	s8 =	spop (v2sf)  }
0x33a: {  	(v2sf) =	vpush v14, $0x9;
	s2 =	sadd.f32 s2, s18;
	s14 =	spop (v2sf)  }
0x33b: {  	(v2sf) =	vpush v14, $0xA;
	s5 =	sadd.f32 s5, s15;
	s15 =	spop (v2sf)  }
0x33c: {  	s2 =	sadd.f32 s2, s29;
	s17 =	spop (v2sf)  }
0x33d: {  	[smem:$0x78D] =	sst s17  }
0x33e: {  	s17 =	sld [smem:$0x780]  }
0x33f: {  	[dreg:$0x18] =	wrdreg s2  }
0x340: {  	(v2sf) =	vpush v14, $0xB;
	s25 =	sadd.f32 s8, s25  }
0x341: {  	s5 =	sadd.f32 s5, s17;
	s17 =	spop (v2sf)  }
0x342: {  	[smem:$0x78E] =	sst s17  }
0x343: {  	(v2sf) =	vpush v14, $0xC;
	s18 =	spop (v2sf);
	s17 =	sld [smem:$0x781]  }
0x344: {  	[smem:$0x78F] =	sst s18;
	s18 =	spop (v2sf)  }
0x345: {  	[smem:$0x790] =	sst s18  }
0x346: {  	(v2sf) =	vpush v14, $0xD;
	s9 =	spop (v2sf);
	s5 =	sadd.f32 s5, s17  }
0x347: {  	(v2sf) =	vpush v14, $0xE;
	[smem:$0x791] =	sst s9  }
0x348: {  	s17 =	sld [smem:$0x782]  }
0x349: {  	s29 =	spop (v2sf);
	s9 =	sadd.f32 s4, s1  }
0x34a: {  	(v2sf) =	vpush v14, $0xF;
	s18 =	spop (v2sf);
	[dreg:$0x16] =	wrdreg s5  }
0x34b: {  	[smem:$0x792] =	sst s18  }
0x34c: {  	s5 =	sadd.f32 s9, s19  }
0x34d: {  	s18 =	sld [smem:$0x785]  }
0x34e: {  	(v2sf) =	vpush v15, $0x0;
	s19 =	sld [smem:$0x786]  }
0x34f: {  	(v2sf) =	vpush v15, $0x1;
	s2 =	sadd.f32 s20, s17;
	s20 =	spop (v2sf)  }
0x350: {  	[smem:$0x793] =	sst s20  }
0x351: {  	s5 =	sadd.f32 s5, s22  }
0x352: {  	(v2sf) =	vpush v15, $0x2;
	s2 =	sadd.f32 s2, s23;
	s23 =	spop (v2sf)  }
0x353: {  	[smem:$0x794] =	sst s23  }
0x354: {  	s5 =	sadd.f32 s5, s3  }
0x355: {  	s20 =	spop (v2sf);
	s2 =	sadd.f32 s2, s28  }
0x356: {  	(v2sf) =	vpush v15, $0x3;
	s24 =	spop (v2sf);
	s28 =	sld [smem:$0x783]  }
0x357: {  	[smem:$0x795] =	sst s24  }
0x358: {  	s23 =	sadd.f32 s5, s12  }
0x359: {  	s26 =	spop (v2sf);
	s2 =	sadd.f32 s2, s21  }
0x35a: {  	(v2sf) =	vpush v15, $0x4;
	[smem:$0x796] =	sst s26  }
0x35b: {  	s21 =	sld [smem:$0x787]  }
0x35c: {  	s6 =	sadd.f32 s23, s6  }
0x35d: {  	s0 =	spop (v2sf);
	s2 =	sadd.f32 s2, s28  }
0x35e: {  	s17 =	spop (v2sf);
	s28 =	sld [smem:$0x788]  }
0x35f: {  	(v2sf) =	vpush v15, $0x5;
	s0 =	sadd.f32 s17, s0  }
0x360: {  	s6 =	sadd.f32 s6, s31  }
0x361: {  	s1 =	spop (v2sf);
	s2 =	sadd.f32 s2, s10  }
0x362: {  	s0 =	sadd.f32 s0, s1  }
0x363: {  	s6 =	sadd.f32 s6, s7  }
0x364: {  	(v2sf) =	vpush v15, $0x6;
	s9 =	sadd.f32 s2, s18  }
0x365: {  	s4 =	spop (v2sf);
	s18 =	sld [smem:$0x789]  }
0x366: {  	s0 =	sadd.f32 s0, s4  }
0x367: {  	s6 =	sadd.f32 s6, s30  }
0x368: {  	(v2sf) =	vpush v15, $0x7;
	s30 =	sld [smem:$0x78B]  }
0x369: {  	s24 =	spop (v2sf);
	s9 =	sadd.f32 s9, s19  }
0x36a: {  	s0 =	sadd.f32 s0, s24  }
0x36b: {  	s24 =	sld [smem:$0x78E]  }
0x36c: {  	(v2sf) =	vpush v15, $0x8;
	s6 =	sadd.f32 s6, s13  }
0x36d: {  	(v2sf) =	vpush v15, $0x9;
	s13 =	sld [smem:$0x78C]  }
0x36e: {  	(v2sf) =	vpush v15, $0xA;
	s26 =	spop (v2sf);
	s9 =	sadd.f32 s9, s21  }
0x36f: {  	(v2sf) =	vpush v15, $0xB;
	s0 =	sadd.f32 s0, s26  }
0x370: {  	(v2sf) =	vpush v15, $0xC;
	s26 =	sld [smem:$0x78F]  }
0x371: {  	(v2sf) =	vpush v15, $0xD;
	s6 =	sadd.f32 s6, s16  }
0x372: {  	(v2sf) =	vpush v15, $0xE;
	s9 =	sadd.f32 s9, s28  }
0x373: {  	(v2sf) =	vpush v15, $0xF;
	s2 =	spop (v2sf);
	s28 =	sld [smem:$0x78A]  }
0x374: {  	(v2sf) =	vpush v13, $0x0;
	s0 =	sadd.f32 s0, s2  }
0x375: {  	(v2sf) =	vpush v13, $0x1;
	[dreg:$0x1c] =	wrdreg s6  }
0x376: {  	(v2sf) =	vpush v13, $0x2;
	s6 =	sadd.f32 s25, s14  }
0x377: {  	(v2sf) =	vpush v13, $0x3;
	s22 =	spop (v2sf);
	s9 =	sadd.f32 s9, s18  }
0x378: {  	(v2sf) =	vpush v13, $0x4;
	s0 =	sadd.f32 s0, s22  }
0x379: {  	(v2sf) =	vpush v13, $0x5;
	s22 =	sld [smem:$0x794]  }
0x37a: {  	(v2sf) =	vpush v13, $0x6;
	s8 =	sadd.f32 s6, s15  }
0x37b: {  	s3 =	spop (v2sf);
	s15 =	sld [smem:$0x78D]  }
0x37c: {  	(v2sf) =	vpush v13, $0x7;
	s19 =	spop (v2sf);
	s6 =	sld [smem:$0x790]  }
0x37d: {  	(v2sf) =	vpush v13, $0x8;
	s5 =	spop (v2sf);
	s10 =	sadd.f32 s9, s11  }
0x37e: {  	s21 =	spop (v2sf);
	s3 =	sadd.f32 s0, s3  }
0x37f: {  	(v2sf) =	vpush v13, $0x9;
	s23 =	spop (v2sf);
	s7 =	sadd.f32 s10, s28  }
0x380: {  	(v2sf) =	vpush v13, $0xA;
	s12 =	spop (v2sf);
	s1 =	sadd.f32 s8, s15  }
0x381: {  	(v2sf) =	vpush v13, $0xB;
	s18 =	spop (v2sf);
	s8 =	sld [smem:$0x791]  }
0x382: {  	s9 =	spop (v2sf);
	s3 =	sadd.f32 s3, s19  }
0x383: {  	(v2sf) =	vpush v13, $0xC;
	s11 =	spop (v2sf);
	s19 =	sld [smem:$0x793]  }
0x384: {  	s28 =	spop (v2sf);
	s7 =	sadd.f32 s7, s30  }
0x385: {  	(v2sf) =	vpush v13, $0xD;
	s31 =	spop (v2sf);
	s1 =	sadd.f32 s1, s24  }
0x386: {  	(v2sf) =	vpush v13, $0xE;
	s30 =	spop (v2sf);
	s7 =	sadd.f32 s7, s13  }
0x387: {  	s10 =	spop (v2sf);
	s4 =	sadd.f32 s1, s26  }
0x388: {  	[dreg:$0x1a] =	wrdreg s7;
	s7 =	spop (v2sf)  }
0x389: {  	(v2sf) =	vpush v13, $0xF;
	s2 =	sadd.f32 s4, s6;
	s16 =	spop (v2sf)  }
0x38a: {  	[smem:$0x797] =	sst s16  }
0x38b: {  	s13 =	spop (v2sf);
	s2 =	sadd.f32 s2, s8  }
0x38c: {  	(v2sf) =	vpush v12, $0x0;
	[smem:$0x798] =	sst s13;
	s16 =	spop (v2sf)  }
0x38d: {  	(v2sf) =	vpush v12, $0x1;
	[smem:$0x799] =	sst s16  }
0x38e: {  	s17 =	spop (v2sf);
	s2 =	sadd.f32 s2, s29  }
0x38f: {  	[smem:$0x79A] =	sst s17;
	s25 =	spop (v2sf)  }
0x390: {  	[smem:$0x79B] =	sst s25;
	s13 =	spop (v2sf)  }
0x391: {  	(v2sf) =	vpush v12, $0x2;
	[smem:$0x79C] =	sst s13  }
0x392: {  	s14 =	spop (v2sf);
	s13 =	sld [smem:$0x792]  }
0x393: {  	[smem:$0x79D] =	sst s14  }
0x394: {  	s16 =	spop (v2sf);
	s14 =	sadd.f32 s3, s5  }
0x395: {  	(v2sf) =	vpush v12, $0x3;
	[smem:$0x79E] =	sst s16;
	s17 =	spop (v2sf)  }
0x396: {  	[smem:$0x79F] =	sst s17  }
0x397: {  	(v2sf) =	vpush v12, $0x4;
	s6 =	sadd.f32 s2, s13  }
0x398: {  	(v2sf) =	vpush v12, $0x5;
	s25 =	spop (v2sf);
	s21 =	sadd.f32 s14, s21  }
0x399: {  	(v2sf) =	vpush v12, $0x6;
	[smem:$0x7A0] =	sst s25  }
0x39a: {  	(v2sf) =	vpush v12, $0x7;
	s6 =	sadd.f32 s6, s19  }
0x39b: {  	(v2sf) =	vpush v12, $0x8;
	s17 =	spop (v2sf);
	s19 =	sadd.f32 s21, s23  }
0x39c: {  	(v2sf) =	vpush v12, $0x9;
	s1 =	spop (v2sf);
	s23 =	sld [smem:$0x795]  }
0x39d: {  	(v2sf) =	vpush v12, $0xA;
	s1 =	sadd.f32 s1, s17  }
0x39e: {  	(v2sf) =	vpush v12, $0xB;
	s6 =	sadd.f32 s6, s22  }
0x39f: {  	(v2sf) =	vpush v12, $0xC;
	s12 =	sadd.f32 s19, s12  }
0x3a0: {  	(v2sf) =	vpush v12, $0xD;
	s26 =	spop (v2sf);
	s19 =	sld [smem:$0x796]  }
0x3a1: {  	(v2sf) =	vpush v12, $0xE;
	s1 =	sadd.f32 s1, s26  }
0x3a2: {  	(v2sf) =	vpush v12, $0xF;
	s20 =	sadd.f32 s6, s20  }
0x3a3: {  	(v2sf) =	vpush v9, $0x0;
	s12 =	sadd.f32 s12, s18  }
0x3a4: {  	(v2sf) =	vpush v9, $0x1;
	s4 =	spop (v2sf);
	s18 =	sadd.f32 s28, s11  }
0x3a5: {  	(v2sf) =	vpush v9, $0x2;
	s1 =	sadd.f32 s1, s4  }
0x3a6: {  	(v2sf) =	vpush v9, $0x3;
	s16 =	spop (v2sf);
	s8 =	sadd.f32 s20, s23  }
0x3a7: {  	(v2sf) =	vpush v9, $0x4;
	s15 =	spop (v2sf);
	s12 =	sadd.f32 s12, s9  }
0x3a8: {  	(v2sf) =	vpush v9, $0x5;
	s24 =	spop (v2sf);
	s9 =	sadd.f32 s18, s31  }
0x3a9: {  	(v2sf) =	vpush v9, $0x6;
	s0 =	spop (v2sf);
	s18 =	sld [smem:$0x797]  }
0x3aa: {  	(v2sf) =	vpush v9, $0x7;
	s29 =	spop (v2sf);
	s1 =	sadd.f32 s1, s16  }
0x3ab: {  	(v2sf) =	vpush v9, $0x8;
	s2 =	spop (v2sf);
	s8 =	sadd.f32 s8, s19  }
0x3ac: {  	(v2sf) =	vpush v9, $0x9;
	[smem:$0x7AB] =	sst s12;
	s3 =	spop (v2sf)  }
0x3ad: {  	s9 =	sadd.f32 s9, s30;
	(v2sf) =	vpush v9, $0xA;
	s5 =	spop (v2sf)  }
0x3ae: {  	s1 =	sadd.f32 s1, s15;
	s13 =	spop (v2sf)  }
0x3af: {  	(v2sf) =	vpush v9, $0xB;
	[dreg:$0x1e] =	wrdreg s8;
	s14 =	spop (v2sf)  }
0x3b0: {  	s9 =	sadd.f32 s9, s10;
	s25 =	spop (v2sf)  }
0x3b1: {  	s1 =	sadd.f32 s1, s24;
	s6 =	spop (v2sf)  }
0x3b2: {  	s24 =	sld [smem:$0x79D];
	s22 =	spop (v2sf)  }
0x3b3: {  	(v2sf) =	vpush v9, $0xC;
	s4 =	sadd.f32 s9, s7;
	s23 =	spop (v2sf)  }
0x3b4: {  	s9 =	sld [smem:$0x79A];
	s20 =	spop (v2sf)  }
0x3b5: {  	(v2sf) =	vpush v9, $0xD;
	s1 =	sadd.f32 s1, s0;
	s21 =	spop (v2sf)  }
0x3b6: {  	s4 =	sadd.f32 s4, s18;
	s12 =	spop (v2sf)  }
0x3b7: {  	(v2sf) =	vpush v9, $0xE;
	s18 =	sld [smem:$0x79C];
	s28 =	spop (v2sf)  }
0x3b8: {  	(v2sf) =	vpush v9, $0xF;
	s1 =	sadd.f32 s1, s29;
	s19 =	spop (v2sf)  }
0x3b9: {  	s22 =	sadd.f32 s23, s22;
	s31 =	spop (v2sf)  }
0x3ba: {  	[smem:$0x7A1] =	sst s19;
	s26 =	spop (v2sf)  }
0x3bb: {  	[smem:$0x7A2] =	sst s26;
	s30 =	spop (v2sf)  }
0x3bc: {  	s26 =	sld [smem:$0x798];
	s8 =	spop (v2sf)  }
0x3bd: {  	[smem:$0x7A3] =	sst s8  }
0x3be: {  	s10 =	spop (v2sf);
	s8 =	sld [smem:$0x799]  }
0x3bf: {  	v11 =	vmul.f32 v11, v0;
	[smem:$0x7A4] =	sst s10  }
0x3c0: {  	s4 =	sadd.f32 s4, s26  }
0x3c1: {  	v10 =	vadd.f32 v11, v10;
	s10 =	sadd.f32 s1, s2  }
0x3c2: {  	s11 =	spop (v2sf);
	s26 =	sld [smem:$0x79E]  }
0x3c3: {  	(v2sf) =	vpush v10, $0x0;
	[smem:$0x7A5] =	sst s11  }
0x3c4: {  	(v2sf) =	vpush v10, $0x1;
	s16 =	spop (v2sf);
	s11 =	sld [smem:$0x79B]  }
0x3c5: {  	(v2sf) =	vpush v10, $0x2;
	[smem:$0x7A6] =	sst s16  }
0x3c6: {  	(v2sf) =	vpush v10, $0x3;
	s17 =	spop (v2sf);
	s4 =	sadd.f32 s4, s8  }
0x3c7: {  	(v2sf) =	vpush v10, $0x4;
	[smem:$0x7A7] =	sst s17;
	s19 =	spop (v2sf)  }
0x3c8: {  	(v2sf) =	vpush v10, $0x5;
	[smem:$0x7A8] =	sst s19  }
0x3c9: {  	(v2sf) =	vpush v10, $0x6;
	s4 =	sadd.f32 s4, s9  }
0x3ca: {  	(v2sf) =	vpush v10, $0x7;
	s9 =	sadd.f32 s10, s3  }
0x3cb: {  	(v2sf) =	vpush v10, $0x8;
	s4 =	sadd.f32 s4, s11  }
0x3cc: {  	(v2sf) =	vpush v10, $0x9;
	s5 =	sadd.f32 s9, s5  }
0x3cd: {  	(v2sf) =	vpush v10, $0xA;
	s19 =	sadd.f32 s4, s18  }
0x3ce: {  	(v2sf) =	vpush v10, $0xB;
	s5 =	sadd.f32 s5, s13  }
0x3cf: {  	v5 =	vadd.f32 v8, v5;
	v7 =	vmul.f32 v7, v0;
	(v2sf) =	vpush v10, $0xC;
	s10 =	sadd.f32 s19, s24  }
0x3d0: {  	(v2sf) =	vpush v10, $0xD;
	s5 =	sadd.f32 s5, s14  }
0x3d1: {  	v5 =	vadd.f32 v7, v5;
	(v2sf) =	vpush v10, $0xE;
	s24 =	sld [smem:$0x79F]  }
0x3d2: {  	(v2sf) =	vpush v10, $0xF;
	s15 =	spop (v2sf);
	s4 =	sadd.f32 s10, s26  }
0x3d3: {  	(v2sf) =	vpush v5, $0x0;
	s16 =	spop (v2sf);
	s5 =	sadd.f32 s5, s25  }
0x3d4: {  	(v2sf) =	vpush v5, $0x1;
	s17 =	spop (v2sf);
	s26 =	sld [smem:$0x7A0]  }
0x3d5: {  	s0 =	spop (v2sf);
	s13 =	sadd.f32 s4, s24  }
0x3d6: {  	s7 =	spop (v2sf);
	s14 =	sadd.f32 s5, s6  }
0x3d7: {  	s29 =	spop (v2sf);
	s5 =	sadd.f32 s22, s20  }
0x3d8: {  	(v2sf) =	vpush v5, $0x2;
	s1 =	spop (v2sf);
	s4 =	sadd.f32 s13, s26  }
0x3d9: {  	s2 =	spop (v2sf);
	[smem:$0x7AE] =	sst s14  }
0x3da: {  	s3 =	spop (v2sf);
	s5 =	sadd.f32 s5, s21  }
0x3db: {  	(v2sf) =	vpush v5, $0x3;
	s18 =	spop (v2sf);
	[smem:$0x7AD] =	sst s4  }
0x3dc: {  	(v2sf) =	vpush v5, $0x4;
	s8 =	spop (v2sf);
	s4 =	sadd.f32 s16, s15  }
0x3dd: {  	(v2sf) =	vpush v5, $0x5;
	s9 =	spop (v2sf);
	s5 =	sadd.f32 s5, s12  }
0x3de: {  	(v2sf) =	vpush v5, $0x6;
	s11 =	spop (v2sf);
	s12 =	sld [smem:$0x7A1]  }
0x3df: {  	(v2sf) =	vpush v5, $0x7;
	s10 =	spop (v2sf);
	s6 =	sadd.f32 s4, s17  }
0x3e0: {  	(v2sf) =	vpush v5, $0x8;
	s19 =	spop (v2sf);
	s5 =	sadd.f32 s5, s28  }
0x3e1: {  	(v2sf) =	vpush v5, $0x9;
	s24 =	spop (v2sf);
	s0 =	sadd.f32 s6, s0  }
0x3e2: {  	(v2sf) =	vpush v5, $0xA;
	s25 =	spop (v2sf);
	s5 =	sadd.f32 s5, s12  }
0x3e3: {  	(v2sf) =	vpush v5, $0xB;
	s13 =	spop (v2sf);
	s12 =	sld [smem:$0x7A2]  }
0x3e4: {  	(v2sf) =	vpush v5, $0xC;
	s13 =	sadd.f32 s13, s25  }
0x3e5: {  	(v2sf) =	vpush v5, $0xD;
	s0 =	sadd.f32 s0, s7  }
0x3e6: {  	s5 =	sadd.f32 s5, s31  }
0x3e7: {  	s14 =	spop (v2sf);
	s31 =	sld [smem:$0x7A4]  }
0x3e8: {  	s13 =	sadd.f32 s13, s14  }
0x3e9: {  	(v2sf) =	vpush v5, $0xE;
	s14 =	rddreg [dreg:$0x16]  }
0x3ea: {  	(v2sf) =	vpush v5, $0xF;
	s26 =	spop (v2sf);
	s0 =	sadd.f32 s0, s29  }
0x3eb: {  	s23 =	spop (v2sf);
	s5 =	sadd.f32 s5, s12  }
0x3ec: {  	v3 =	vadd.f32 v4, v3;
	v61 =	vmul.f32 v6, v0;
	s15 =	spop (v2sf);
	s13 =	sadd.f32 s13, s26  }
0x3ed: {  	s16 =	spop (v2sf);
	s0 =	sadd.f32 s0, s1  }
0x3ee: {  	v3 =	vadd.f32 v61, v3;
	s17 =	spop (v2sf);
	s5 =	sadd.f32 s5, s30  }
0x3ef: {  	s20 =	spop (v2sf);
	s13 =	sadd.f32 s13, s23  }
0x3f0: {  	(v2sf) =	vpush v3, $0x0;
	s21 =	spop (v2sf);
	s2 =	sadd.f32 s0, s2  }
0x3f1: {  	(v2sf) =	vpush v3, $0x1;
	s7 =	spop (v2sf);
	s13 =	sadd.f32 s13, s15  }
0x3f2: {  	[smem:$0x7A9] =	sst s7;
	s28 =	spop (v2sf)  }
0x3f3: {  	s29 =	spop (v2sf);
	s3 =	sadd.f32 s2, s3  }
0x3f4: {  	(v2sf) =	vpush v3, $0x2;
	s13 =	sadd.f32 s13, s16;
	s22 =	spop (v2sf)  }
0x3f5: {  	(v2sf) =	vpush v3, $0x3;
	[smem:$0x7AA] =	sst s22  }
0x3f6: {  	(v2sf) =	vpush v3, $0x4;
	s18 =	sadd.f32 s3, s18  }
0x3f7: {  	(v2sf) =	vpush v3, $0x5;
	s22 =	sld [smem:$0x7A3]  }
0x3f8: {  	(v2sf) =	vpush v3, $0x6;
	s4 =	spop (v2sf);
	s13 =	sadd.f32 s13, s17  }
0x3f9: {  	(v2sf) =	vpush v3, $0x7;
	[smem:$0x7AC] =	sst s4;
	s7 =	spop (v2sf)  }
0x3fa: {  	(v2sf) =	vpush v3, $0x8;
	[smem:$0x7AF] =	sst s7  }
0x3fb: {  	(v2sf) =	vpush v3, $0x9;
	s7 =	sadd.f32 s18, s8  }
0x3fc: {  	(v2sf) =	vpush v3, $0xA;
	s18 =	sld [smem:$0x7A6]  }
0x3fd: {  	(v2sf) =	vpush v3, $0xB;
	s13 =	sadd.f32 s13, s20  }
0x3fe: {  	v62 =	vmul.f32 v2, v0;
	(v2sf) =	vpush v3, $0xC;
	s30 =	sadd.f32 s5, s22  }
0x3ff: {  	(v2sf) =	vpush v3, $0xD;
	s6 =	spop (v2sf);
	s9 =	sadd.f32 s7, s9  }
0x400: {  	v0 =	vadd.f32 v62, v1;
	(v2sf) =	vpush v3, $0xE;
	s4 =	spop (v2sf);
	s7 =	sld [smem:$0x7A5]  }
0x401: {  	(v2sf) =	vpush v3, $0xF;
	s4 =	sadd.f32 s4, s6  }
0x402: {  	(v2sf) =	vpush v0, $0x0;
	s12 =	sadd.f32 s30, s31  }
0x403: {  	(v2sf) =	vpush v0, $0x1;
	s1 =	spop (v2sf);
	s6 =	rddreg [dreg:$0x10]  }
0x404: {  	s2 =	spop (v2sf);
	s12 =	sadd.f32 s12, s7  }
0x405: {  	(v2sf) =	vpush v0, $0x2;
	s3 =	spop (v2sf);
	s9 =	sadd.f32 s9, s11  }
0x406: {  	s5 =	spop (v2sf);
	s0 =	sadd.f32 s12, s18  }
0x407: {  	(v2sf) =	vpush v0, $0x3;
	s8 =	spop (v2sf);
	s12 =	sadd.f32 s9, s10  }
0x408: {  	s30 =	spop (v2sf);
	s9 =	sld [smem:$0x7A7]  }
0x409: {  	s1 =	sadd.f32 s4, s1;
	(v2sf) =	vpush v0, $0x4;
	s31 =	spop (v2sf)  }
0x40a: {  	s4 =	sadd.f32 s13, s21;
	s7 =	spop (v2sf)  }
0x40b: {  	(v2sf) =	vpush v0, $0x5;
	s22 =	spop (v2sf);
	s11 =	sadd.f32 s0, s9  }
0x40c: {  	s0 =	sadd.f32 s12, s19;
	s18 =	spop (v2sf)  }
0x40d: {  	(v2sf) =	vpush v0, $0x6;
	s12 =	sld [smem:$0x7A8];
	s10 =	spop (v2sf)  }
0x40e: {  	s13 =	rddreg [dreg:$0x14];
	s9 =	spop (v2sf)  }
0x40f: {  	s21 =	sld [smem:$0x7AB];
	(v2sf) =	vpush v0, $0x7;
	s19 =	spop (v2sf)  }
0x410: {  	s12 =	sadd.f32 s11, s12;
	s11 =	spop (v2sf)  }
0x411: {  	(v2sf) =	vpush v0, $0x8;
	s24 =	sadd.f32 s0, s24;
	s0 =	spop (v2sf)  }
0x412: {  	s1 =	sadd.f32 s1, s2;
	s25 =	spop (v2sf)  }
0x413: {  	(v2sf) =	vpush v0, $0x9;
	s0 =	sadd.f32 s25, s0  }
0x414: {  	s1 =	sadd.f32 s1, s3;
	s25 =	spop (v2sf)  }
0x415: {  	(v2sf) =	vpush v0, $0xA;
	s0 =	sadd.f32 s0, s25  }
0x416: {  	s1 =	sadd.f32 s1, s5;
	s25 =	spop (v2sf)  }
0x417: {  	(v2sf) =	vpush v0, $0xB;
	s0 =	sadd.f32 s0, s25  }
0x418: {  	s1 =	sadd.f32 s1, s8;
	s26 =	spop (v2sf)  }
0x419: {  	(v2sf) =	vpush v0, $0xC;
	s0 =	sadd.f32 s0, s26  }
0x41a: {  	s1 =	sadd.f32 s1, s30;
	s23 =	spop (v2sf)  }
0x41b: {  	(v2sf) =	vpush v0, $0xD;
	s0 =	sadd.f32 s0, s23  }
0x41c: {  	s1 =	sadd.f32 s1, s31;
	s25 =	spop (v2sf)  }
0x41d: {  	(v2sf) =	vpush v0, $0xE;
	s0 =	sadd.f32 s0, s25  }
0x41e: {  	s5 =	sadd.f32 s1, s7;
	s26 =	spop (v2sf)  }
0x41f: {  	(v2sf) =	vpush v0, $0xF;
	s0 =	sadd.f32 s0, s26  }
0x420: {  	s7 =	sld [smem:$0x7A9];
	s15 =	spop (v2sf)  }
0x421: {  	s0 =	sadd.f32 s0, s15  }
0x422: {  	s8 =	rddreg [dreg:$0x12];
	s16 =	spop (v2sf)  }
0x423: {  	s0 =	sadd.f32 s0, s16  }
0x424: {  	s1 =	sadd.f32 s4, s7;
	s17 =	spop (v2sf)  }
0x425: {  	s0 =	sadd.f32 s0, s17  }
0x426: {  	s1 =	sadd.f32 s1, s28;
	s20 =	spop (v2sf)  }
0x427: {  	s0 =	sadd.f32 s0, s20  }
0x428: {  	s1 =	sadd.f32 s1, s29;
	s23 =	spop (v2sf)  }
0x429: {  	s0 =	sadd.f32 s0, s23  }
0x42a: {  	s15 =	rddreg [dreg:$0x18];
	s25 =	spop (v2sf)  }
0x42b: {  	s0 =	sadd.f32 s0, s25  }
0x42c: {  	s16 =	rddreg [dreg:$0x1a];
	s26 =	spop (v2sf)  }
0x42d: {  	s0 =	sadd.f32 s0, s26  }
0x42e: {  	s17 =	rddreg [dreg:$0x1c];
	s3 =	spop (v2sf)  }
0x42f: {  	s0 =	sadd.f32 s0, s3  }
0x430: {  	s20 =	rddreg [dreg:$0x1e]  }
0x431: {  	s23 =	sld [smem:$0x7AD];
	v63 =	vmov s0  }
0x432: {  	s25 =	sld [smem:$0x7AE];
	v0 =	vsel vm0, s6, v63  }
0x433: {  	s0 =	sadd.f32 s5, s22;
	v0 =	vsel vm1, s8, v0  }
0x434: {  	s26 =	sld [smem:$0x7AF];
	v0 =	vsel vm2, s13, v0  }
0x435: {  	s0 =	sadd.f32 s0, s18;
	v0 =	vsel vm3, s14, v0  }
0x436: {  	s18 =	sld [smem:$0x7AA];
	v0 =	vsel vm4, s15, v0  }
0x437: {  	s22 =	sld [smem:$0x7AC];
	v0 =	vsel vm5, s16, v0  }
0x438: {  	s0 =	sadd.f32 s0, s10;
	v0 =	vsel vm6, s17, v0  }
0x439: {  	s1 =	sadd.f32 s1, s18;
	v0 =	vsel vm7, s20, v0  }
0x43a: {  	s0 =	sadd.f32 s0, s9;
	v0 =	vsel vm8, s21, v0  }
0x43b: {  	s1 =	sadd.f32 s1, s22;
	v0 =	vsel vm9, s23, v0  }
0x43c: {  	s0 =	sadd.f32 s0, s19;
	v0 =	vsel vm10, s25, v0  }
0x43d: {  	s1 =	sadd.f32 s1, s26;
	v0 =	vsel vm11, s12, v0  }
0x43e: {  	s0 =	sadd.f32 s0, s11;
	v0 =	vsel vm12, s24, v0  }
0x43f: {  	v0 =	vsel vm13, s1, v0  }
0x440: {  	v0 =	vsel vm14, s0, v0  }
0x441: {  	v0 =	vadd.f32 $0.0e+00, v0  }
0x442: {  	s28 =	rddreg [dreg:$0xc]  }
0x443: {  	s29 =	simm.s32 $0x14000;
	s5 =	simm.s32 $0x1;
	s6 =	simm.s32 $0x0;
	[tilespmem:$0x14010] =	vst v0  }
0x444: {  	[hbm4b:s28+s6] =	stream.linear.scatter [tilespmem:s29], [sflag:$0x1], $0x20, $0x38;
	[tilespmem:$0x14080] =	vst v63  }
0x445: {  	_ =	swait.ge [sflag:s5], $0x20  }
0x446: {  	s30 =	rddreg [dreg:$0xe]  }
0x447: {  	s31 =	rddreg [dreg:$0xd];
	s1 =	sadd.s32 $0x1, s30  }
0x448: {  	p0 =	sne.s32 s1, s31  }
.Ltmp8:
0x449: {  	_ = 	snop;
	(pc) =	sbr.rel @p0 .LBB2_1-.Ltmp8, $3  }
0x44a: {  	_ =	sdelay $0x1  }
0x44b: {  	s7 =	simm.s32 $0x200;
	[sflag:s5] =	ssyncset.done $0x0  }
0x44c: {  	s8 =	simm.s32 $0x400;
	s9 =	simm.s32 $0x4000;
	[sflag:s5] =	ssyncadd.s32 $0xFFFFFFE0  }
0x44d: {  	_ =	sfence.sel $0x180000  }
0x44e: {  	[bflag:$0x0] =	sbarrier.arrive $0xFFFF  }
0x44f: {  	_ =	strace $0x90000047  }
0x450: {  	s0 =	stileid.u32;
	[bflag:$0x2] =	sbarrier.arrive $0xFFFF  }
0x451: {  	p0 =	sne.s32 s0, $0x0;
	s0 =	rddreg [dreg:$0x3]  }
0x452: {  	s0 =	sadd.s32 @!p0 $0x100000, s0  }
0x453: {  	[sflag:s0] =	ssyncadd.tile.s32 @!p0 $0x1;
	_ =	shalt  }
.Lfunc_end2:
_tile_overlayer_lowered:
.L_overlay_start_2:
0x454: {  	(tag) =	ssettag $0x2  }
0x455: {  	s0 =	rddreg [dreg:$0x0];
	s2 =	stileid.u32  }
0x456: {  	s1 =	rddreg [dreg:$0x1];
	p0 =	sne.s32 s2, $0x0  }
0x457: {  	s3 =	rddreg [dreg:$0x2];
	[bflag:$0x3] =	sbarrier.arrive $0xFFFF;
	s2 =	simm.s32 @!p0 $0x1C01  }
0x458: {  	[timem:s3], [sflag:s2] =	dma.local @!p0 [hbm:s0], s1  }
0x459: {  	s0 =	simm.s32 @!p0 $0x1  }
0x45a: {  	_ =	swait.ge @!p0 [sflag:s0], s1  }
0x45b: {  	s1 =	ssub.s32 @!p0 $0x0, s1;
	[sflag:s0] =	ssyncset.done @!p0 $0x0  }
0x45c: {  	[sflag:s0] =	ssyncadd.s32 @!p0 s1  }
0x45d: {  	[bflag:$0x3] =	sbarrier.arrive $0xFFFF  }
0x45e: {  	_ =	shalt  }

</sc_bundles>
